<compile_context>
chip_gen: v7x
topology: tpu7x:2x2x1
jax: 0.10.2.dev20260603
libtpu: 0.0.44.dev20260713+nightly
codegen_flags: <defaults>
</compile_context>

<pallas_src>
import jax
import jax.numpy as jnp
from jax import lax
from jax.experimental import pallas as pl
from jax.experimental.pallas import tpu as pltpu
from jax.experimental.pallas import tpu_sc as plsc

SR = 16000
FULL_LEN = 160000
N_NOI = 20
NB = 1024
RS = 7
CS = 54321
NR = 6
NC, NS = 2, 16
NW = NC * NS
E = NB // NW
G = E // 8
CW = 640
NCH = SR // CW
NU = G * NCH
VCH = CW // 16


def _prep_body(noi_ref, scale_ref, tab_ref):
    x = noi_ref[...]
    m = jnp.max(x, axis=1, keepdims=True)
    s = scale_ref[0, 0] * 0.2
    tab_ref[...] = x[:, CS:CS + SR] * (s / m)


def _prep(noises, scale_raw):
    noi = lax.slice(noises, (RS, 0), (RS + NR, FULL_LEN))
    return pl.pallas_call(
        _prep_body,
        out_shape=jax.ShapeDtypeStruct((NR, SR), jnp.float32),
    )(noi, scale_raw.reshape(1, 1))


def _sc_body(wave_ref, tab_ref, z_ref, ps_ref, out_ref,
             tab_v, sp_tab, zv, pv, zsm, psm, wb0, wb1, wb2,
             si0, si1, si2, so0, so1, so2):
    wid = lax.axis_index("c") * NS + lax.axis_index("s")
    base = wid * E
    wbs = (wb0, wb1, wb2)
    sin = (si0, si1, si2)
    sout = (so0, so1, so2)

    def unit_rc(u):
        row0 = base + (u & (G - 1)) * 8
        col0 = (u >> 2) * CW
        return row0, col0

    def issue_in(u, b):
        row0, col0 = unit_rc(u)
        return pltpu.async_copy(
            wave_ref.at[pl.ds(row0, 8), pl.ds(col0, CW)], wbs[b], sin[b])

    def issue_out(u, b):
        row0, col0 = unit_rc(u)
        return pltpu.async_copy(
            wbs[b], out_ref.at[pl.ds(row0, 8), pl.ds(col0, CW)], sout[b])

    def wait_in(b):
        pltpu.make_async_copy(
            wave_ref.at[pl.ds(0, 8), pl.ds(0, CW)], wbs[b], sin[b]).wait()

    def wait_out(b):
        pltpu.make_async_copy(
            wbs[b], out_ref.at[pl.ds(0, 8), pl.ds(0, CW)], sout[b]).wait()

    def compute(u, b):
        _, col0 = unit_rc(u)
        wb = wbs[b]
        for r in range(8):
            jl = (u & (G - 1)) * 8 + r
            zj = zsm[jl]
            pj = psm[jl]
            off = zj * SR + col0

            @pl.when(pj < 0.8)
            def _():
                @plsc.parallel_loop(0, VCH, unroll=8)
                def _(v):
                    plsc.addupdate(wb.at[r, pl.ds(v * 16, 16)],
                                   tab_v[pl.ds(off + v * 16, 16)])

    issue_in(0, 0)
    issue_in(1, 1)
    sid = lax.axis_index("s")

    @pl.when(sid == 0)
    def _():
        pltpu.async_copy(tab_ref, sp_tab, si2)
    pltpu.sync_copy(z_ref.at[pl.ds(base, E)], zv)
    pltpu.sync_copy(ps_ref.at[pl.ds(base, E)], pv)
    for c in range(E // 16):
        zvec = zv[pl.ds(c * 16, 16)]
        pvec = pv[pl.ds(c * 16, 16)]
        for l in range(16):
            zsm[c * 16 + l] = zvec[l]
            psm[c * 16 + l] = pvec[l]
    @pl.when(sid == 0)
    def _():
        pltpu.make_async_copy(tab_ref, sp_tab, si2).wait()
    plsc.subcore_barrier()
    pltpu.sync_copy(sp_tab, tab_v)

    def do_step(u, b, b1, wout):
        if wout:
            wait_out(b1)
        issue_in(u + 1, b1)
        wait_in(b)
        compute(u, b)
        issue_out(u, b)

    wait_in(0)
    compute(0, 0)
    issue_out(0, 0)
    do_step(1, 1, 2, wout=False)

    @pl.loop(0, (NU - 4) // 3)
    def _(g):
        u = 3 * g + 2
        do_step(u, 2, 0, wout=True)
        do_step(u + 1, 0, 1, wout=True)
        do_step(u + 2, 1, 2, wout=True)

    do_step(98, 2, 0, wout=True)
    wait_in(0)
    compute(99, 0)
    issue_out(99, 0)
    wait_out(1)
    wait_out(2)
    wait_out(0)


def _sc_call(waveforms, tab_flat, z, ps_raw):
    mesh = plsc.VectorSubcoreMesh(core_axis_name="c", subcore_axis_name="s")
    return pl.kernel(
        _sc_body,
        out_type=jax.ShapeDtypeStruct((NB, SR), jnp.float32),
        mesh=mesh,
        scratch_types=[
            pltpu.VMEM((NR * SR,), jnp.float32),
            pltpu.VMEM_SHARED((NR * SR,), jnp.float32),
            pltpu.VMEM((E,), jnp.int32),
            pltpu.VMEM((E,), jnp.float32),
            pltpu.SMEM((E,), jnp.int32),
            pltpu.SMEM((E,), jnp.float32),
            pltpu.VMEM((8, CW), jnp.float32),
            pltpu.VMEM((8, CW), jnp.float32),
            pltpu.VMEM((8, CW), jnp.float32),
            pltpu.SemaphoreType.DMA,
            pltpu.SemaphoreType.DMA,
            pltpu.SemaphoreType.DMA,
            pltpu.SemaphoreType.DMA,
            pltpu.SemaphoreType.DMA,
            pltpu.SemaphoreType.DMA,
        ],
    )(waveforms, tab_flat, z, ps_raw)


def kernel(waveforms, noises, z, ps_raw, scale_raw):
    tab = _prep(noises, scale_raw).reshape(-1)
    return _sc_call(waveforms, tab, z, ps_raw)

# --- scband reference (transcript-rebuilt; emitter-appended) ---
"""Pipeline reference for scband-random-noise-augment-28724741275943 (READ-ONLY COPY).

The authoritative reference and input builder live on the scoring server;
editing this copy changes nothing except your own understanding.
"""

import jax, jax.numpy as jnp
import numpy as np

SAMPLE_RATE = 16000
N_NOISES = 20
NOISE_LEN = 160000
BATCH = 1024
ROW_START = 7
COL_START = 54321


def setup_inputs(seed: int = 0) -> dict:
    key = jax.random.key(seed)
    k1, k2, k3, k4, k5 = jax.random.split(key, 5)
    waveforms = jax.random.normal(k1, (BATCH, SAMPLE_RATE), dtype=jnp.float32)
    noises = jax.random.uniform(k2, (N_NOISES, NOISE_LEN), dtype=jnp.float32)
    z = jax.random.randint(k3, (BATCH,), 0, 6, dtype=jnp.int32)
    ps_raw = jax.random.uniform(k4, (BATCH,), dtype=jnp.float32)
    scale_raw = jax.random.uniform(k5, (1,), dtype=jnp.float32)
    return {"waveforms": waveforms, "noises": noises, "z": z, "ps_raw": ps_raw, "scale_raw": scale_raw}


def reference(waveforms, noises, z, ps_raw, scale_raw):
    # Normalize each noise clip by its per-clip max (as in __init__)
    row_max = jnp.max(noises, axis=1, keepdims=True)
    noises_norm = noises / row_max
    # tf.image.random_crop(noises, size=(6, sample_rate)) -> fixed deterministic crop offsets
    crop = jax.lax.dynamic_slice(noises_norm, (ROW_START, COL_START), (6, SAMPLE_RATE))
    # tf.vectorized_map(lambda i: noises[i], z) -> gather
    noises_batch = jnp.take(crop, z, axis=0)
    # Bernoulli(0.8) keep mask from precomputed uniforms
    ps = (ps_raw < 0.8).astype(jnp.float32)[:, None]
    # random uniform scalar in [0, 0.2)
    scale = scale_raw[0] * 0.2
    noises_batch = ps * noises_batch * scale
    return waveforms + noises_batch

if __name__ == "__main__":
    import jax
    _d = setup_inputs()
    print(jax.jit(kernel)(*tuple(_d.values())))

</pallas_src>

<mosaic_0001>
#map = affine_map<(d0, d1) -> (0, 0)>
#map1 = affine_map<(d0, d1) -> (0)>
module attributes {stable_mosaic.version = 14 : i64} {
  func.func @_sc_body(%arg0: i32, %arg1: i32, %arg2: memref<1024x16000xf32, #tpu.memory_space<hbm>>, %arg3: memref<96000xf32, #tpu.memory_space<hbm>>, %arg4: memref<1024xi32, #tpu.memory_space<hbm>>, %arg5: memref<1024xf32, #tpu.memory_space<hbm>>, %arg6: memref<1024x16000xf32, #tpu.memory_space<hbm>>, %arg7: memref<96000xf32, #tpu.memory_space<vmem>>, %arg8: memref<96000xf32, #tpu.memory_space<vmem_shared>>, %arg9: memref<32xi32, #tpu.memory_space<vmem>>, %arg10: memref<32xf32, #tpu.memory_space<vmem>>, %arg11: memref<32xi32, #tpu.memory_space<smem>>, %arg12: memref<32xf32, #tpu.memory_space<smem>>, %arg13: memref<8x640xf32, #tpu.memory_space<vmem>>, %arg14: memref<8x640xf32, #tpu.memory_space<vmem>>, %arg15: memref<8x640xf32, #tpu.memory_space<vmem>>, %arg16: memref<!tpu.dma_semaphore, #tpu.memory_space<semaphore_mem>>, %arg17: memref<!tpu.dma_semaphore, #tpu.memory_space<semaphore_mem>>, %arg18: memref<!tpu.dma_semaphore, #tpu.memory_space<semaphore_mem>>, %arg19: memref<!tpu.dma_semaphore, #tpu.memory_space<semaphore_mem>>, %arg20: memref<!tpu.dma_semaphore, #tpu.memory_space<semaphore_mem>>, %arg21: memref<!tpu.dma_semaphore, #tpu.memory_space<semaphore_mem>>) attributes {dimension_semantics = [#tpu.dimension_semantics<core_parallel>, #tpu.dimension_semantics<subcore_parallel>], iteration_bounds = array<i64: 2, 16>, scalar_prefetch = 0 : i64, scratch_operands = 15 : i64, tpu.core_type = #tpu.core_type<sc_vector_subcore>, window_params = [{transform_indices = #map}, {transform_indices = #map1}, {transform_indices = #map1}, {transform_indices = #map1}, {transform_indices = #map}]} {
    %mul3A = arith.constant 16 : i32
    %mul3A_0 = arith.muli %arg0, %mul3A : i32
    %add3A = arith.addi %mul3A_0, %arg1 : i32
    %mul3A_1 = arith.constant 32 : i32
    %mul3A_2 = arith.muli %add3A, %mul3A_1 : i32
    %add3A_3 = arith.constant 0 : i32
    %add3A_4 = arith.addi %mul3A_2, %add3A_3 : i32
    %dma_start3A = arith.constant 0 : i32
    %dma_start3A_5 = tpu.memref_slice %arg2[%add3A_4, %dma_start3A] : memref<1024x16000xf32, #tpu.memory_space<hbm>> -> memref<8x640xf32, #tpu.memory_space<hbm>>
    %dma_start3A_6 = arith.constant 0 : i32
    %dma_start3A_7 = tpu.memref_slice %arg2[%add3A_4, %dma_start3A_6] : memref<1024x16000xf32, #tpu.memory_space<hbm>> -> memref<8x640xf32, #tpu.memory_space<hbm>>
    tpu.enqueue_dma source(%dma_start3A_7 : memref<8x640xf32, #tpu.memory_space<hbm>>) target(%arg13 : memref<8x640xf32, #tpu.memory_space<vmem>>) target_semaphore(%arg16 : memref<!tpu.dma_semaphore, #tpu.memory_space<semaphore_mem>>)
    %add3A_8 = arith.constant 8 : i32
    %add3A_9 = arith.addi %mul3A_2, %add3A_8 : i32
    %dma_start3A_10 = arith.constant 0 : i32
    %dma_start3A_11 = tpu.memref_slice %arg2[%add3A_9, %dma_start3A_10] : memref<1024x16000xf32, #tpu.memory_space<hbm>> -> memref<8x640xf32, #tpu.memory_space<hbm>>
    %dma_start3A_12 = arith.constant 0 : i32
    %dma_start3A_13 = tpu.memref_slice %arg2[%add3A_9, %dma_start3A_12] : memref<1024x16000xf32, #tpu.memory_space<hbm>> -> memref<8x640xf32, #tpu.memory_space<hbm>>
    tpu.enqueue_dma source(%dma_start3A_13 : memref<8x640xf32, #tpu.memory_space<hbm>>) target(%arg14 : memref<8x640xf32, #tpu.memory_space<vmem>>) target_semaphore(%arg17 : memref<!tpu.dma_semaphore, #tpu.memory_space<semaphore_mem>>)
    %eq3A = arith.constant 0 : i32
    %eq3A_14 = arith.cmpi eq, %arg1, %eq3A : i32
    %convert_element_type3A = arith.extui %eq3A_14 : i1 to i32
    %cond3A = arith.constant 0 : i32
    %cond3A_15 = arith.cmpi ne, %convert_element_type3A, %cond3A : i32
    scf.if %cond3A_15 {
      tpu.enqueue_dma source(%arg3 : memref<96000xf32, #tpu.memory_space<hbm>>) target(%arg8 : memref<96000xf32, #tpu.memory_space<vmem_shared>>) target_semaphore(%arg18 : memref<!tpu.dma_semaphore, #tpu.memory_space<semaphore_mem>>)
    } else {
    }
    "tpu.region"() ({
      %run_scoped3A = tpu.sem_alloc : memref<!tpu.dma_semaphore, #tpu.memory_space<semaphore_mem>>
      %dma_start3A_923 = tpu.memref_slice %arg4[%mul3A_2] : memref<1024xi32, #tpu.memory_space<hbm>> -> memref<32xi32, #tpu.memory_space<hbm>>
      %dma_start3A_924 = tpu.memref_slice %arg4[%mul3A_2] : memref<1024xi32, #tpu.memory_space<hbm>> -> memref<32xi32, #tpu.memory_space<hbm>>
      tpu.enqueue_dma source(%dma_start3A_924 : memref<32xi32, #tpu.memory_space<hbm>>) target(%arg9 : memref<32xi32, #tpu.memory_space<vmem>>) target_semaphore(%run_scoped3A : memref<!tpu.dma_semaphore, #tpu.memory_space<semaphore_mem>>)
      %dma_wait3A_925 = tpu.memref_slice %arg4[%mul3A_2] : memref<1024xi32, #tpu.memory_space<hbm>> -> memref<32xi32, #tpu.memory_space<hbm>>
      %dma_wait3A_926 = tpu.memref_slice %arg4[%mul3A_2] : memref<1024xi32, #tpu.memory_space<hbm>> -> memref<32xi32, #tpu.memory_space<hbm>>
      tpu.wait_dma2 semaphore(%run_scoped3A : memref<!tpu.dma_semaphore, #tpu.memory_space<semaphore_mem>>) src(%dma_wait3A_926 : memref<32xi32, #tpu.memory_space<hbm>>) dst(%arg9 : memref<32xi32, #tpu.memory_space<vmem>>)
      tpu.yield
    }) : () -> ()
    "tpu.region"() ({
      %run_scoped3A = tpu.sem_alloc : memref<!tpu.dma_semaphore, #tpu.memory_space<semaphore_mem>>
      %dma_start3A_923 = tpu.memref_slice %arg5[%mul3A_2] : memref<1024xf32, #tpu.memory_space<hbm>> -> memref<32xf32, #tpu.memory_space<hbm>>
      %dma_start3A_924 = tpu.memref_slice %arg5[%mul3A_2] : memref<1024xf32, #tpu.memory_space<hbm>> -> memref<32xf32, #tpu.memory_space<hbm>>
      tpu.enqueue_dma source(%dma_start3A_924 : memref<32xf32, #tpu.memory_space<hbm>>) target(%arg10 : memref<32xf32, #tpu.memory_space<vmem>>) target_semaphore(%run_scoped3A : memref<!tpu.dma_semaphore, #tpu.memory_space<semaphore_mem>>)
      %dma_wait3A_925 = tpu.memref_slice %arg5[%mul3A_2] : memref<1024xf32, #tpu.memory_space<hbm>> -> memref<32xf32, #tpu.memory_space<hbm>>
      %dma_wait3A_926 = tpu.memref_slice %arg5[%mul3A_2] : memref<1024xf32, #tpu.memory_space<hbm>> -> memref<32xf32, #tpu.memory_space<hbm>>
      tpu.wait_dma2 semaphore(%run_scoped3A : memref<!tpu.dma_semaphore, #tpu.memory_space<semaphore_mem>>) src(%dma_wait3A_926 : memref<32xf32, #tpu.memory_space<hbm>>) dst(%arg10 : memref<32xf32, #tpu.memory_space<vmem>>)
      tpu.yield
    }) : () -> ()
    %get3A = arith.constant 0 : index
    %get3A_16 = tpu.vector_load %arg9[%get3A] {strides = array<i32>} : memref<32xi32, #tpu.memory_space<vmem>>, vector<16xi32>,
    %get3A_17 = vector.shape_cast %get3A_16 : vector<16xi32> to vector<16xi32>
    %get3A_18 = arith.constant 0 : index
    %get3A_19 = tpu.vector_load %arg10[%get3A_18] {strides = array<i32>} : memref<32xf32, #tpu.memory_space<vmem>>, vector<16xf32>,
    %get3A_20 = vector.shape_cast %get3A_19 : vector<16xf32> to vector<16xf32>
    %slice3A = vector.extract_strided_slice %get3A_17 {offsets = [0], sizes = [1], strides = [1]} : vector<16xi32> to vector<1xi32>
    %squeeze3A = vector.extract %slice3A[0] : i32 from vector<1xi32>
    %swap3A = arith.constant 0 : i32
    %swap3A_21 = arith.index_cast %swap3A : i32 to index
    %swap3A_22 = memref.load %arg11[%swap3A_21] : memref<32xi32, #tpu.memory_space<smem>>
    memref.store %squeeze3A, %arg11[%swap3A_21] : memref<32xi32, #tpu.memory_space<smem>>
    %slice3A_23 = vector.extract_strided_slice %get3A_20 {offsets = [0], sizes = [1], strides = [1]} : vector<16xf32> to vector<1xf32>
    %squeeze3A_24 = vector.extract %slice3A_23[0] : f32 from vector<1xf32>
    %swap3A_25 = arith.constant 0 : i32
    %swap3A_26 = arith.index_cast %swap3A_25 : i32 to index
    %swap3A_27 = memref.load %arg12[%swap3A_26] : memref<32xf32, #tpu.memory_space<smem>>
    memref.store %squeeze3A_24, %arg12[%swap3A_26] : memref<32xf32, #tpu.memory_space<smem>>
    %slice3A_28 = vector.extract_strided_slice %get3A_17 {offsets = [1], sizes = [1], strides = [1]} : vector<16xi32> to vector<1xi32>
    %squeeze3A_29 = vector.extract %slice3A_28[0] : i32 from vector<1xi32>
    %swap3A_30 = arith.constant 1 : i32
    %swap3A_31 = arith.index_cast %swap3A_30 : i32 to index
    %swap3A_32 = memref.load %arg11[%swap3A_31] : memref<32xi32, #tpu.memory_space<smem>>
    memref.store %squeeze3A_29, %arg11[%swap3A_31] : memref<32xi32, #tpu.memory_space<smem>>
    %slice3A_33 = vector.extract_strided_slice %get3A_20 {offsets = [1], sizes = [1], strides = [1]} : vector<16xf32> to vector<1xf32>
    %squeeze3A_34 = vector.extract %slice3A_33[0] : f32 from vector<1xf32>
    %swap3A_35 = arith.constant 1 : i32
    %swap3A_36 = arith.index_cast %swap3A_35 : i32 to index
    %swap3A_37 = memref.load %arg12[%swap3A_36] : memref<32xf32, #tpu.memory_space<smem>>
    memref.store %squeeze3A_34, %arg12[%swap3A_36] : memref<32xf32, #tpu.memory_space<smem>>
    %slice3A_38 = vector.extract_strided_slice %get3A_17 {offsets = [2], sizes = [1], strides = [1]} : vector<16xi32> to vector<1xi32>
    %squeeze3A_39 = vector.extract %slice3A_38[0] : i32 from vector<1xi32>
    %swap3A_40 = arith.constant 2 : i32
    %swap3A_41 = arith.index_cast %swap3A_40 : i32 to index
    %swap3A_42 = memref.load %arg11[%swap3A_41] : memref<32xi32, #tpu.memory_space<smem>>
    memref.store %squeeze3A_39, %arg11[%swap3A_41] : memref<32xi32, #tpu.memory_space<smem>>
    %slice3A_43 = vector.extract_strided_slice %get3A_20 {offsets = [2], sizes = [1], strides = [1]} : vector<16xf32> to vector<1xf32>
    %squeeze3A_44 = vector.extract %slice3A_43[0] : f32 from vector<1xf32>
    %swap3A_45 = arith.constant 2 : i32
    %swap3A_46 = arith.index_cast %swap3A_45 : i32 to index
    %swap3A_47 = memref.load %arg12[%swap3A_46] : memref<32xf32, #tpu.memory_space<smem>>
    memref.store %squeeze3A_44, %arg12[%swap3A_46] : memref<32xf32, #tpu.memory_space<smem>>
    %slice3A_48 = vector.extract_strided_slice %get3A_17 {offsets = [3], sizes = [1], strides = [1]} : vector<16xi32> to vector<1xi32>
    %squeeze3A_49 = vector.extract %slice3A_48[0] : i32 from vector<1xi32>
    %swap3A_50 = arith.constant 3 : i32
    %swap3A_51 = arith.index_cast %swap3A_50 : i32 to index
    %swap3A_52 = memref.load %arg11[%swap3A_51] : memref<32xi32, #tpu.memory_space<smem>>
    memref.store %squeeze3A_49, %arg11[%swap3A_51] : memref<32xi32, #tpu.memory_space<smem>>
    %slice3A_53 = vector.extract_strided_slice %get3A_20 {offsets = [3], sizes = [1], strides = [1]} : vector<16xf32> to vector<1xf32>
    %squeeze3A_54 = vector.extract %slice3A_53[0] : f32 from vector<1xf32>
    %swap3A_55 = arith.constant 3 : i32
    %swap3A_56 = arith.index_cast %swap3A_55 : i32 to index
    %swap3A_57 = memref.load %arg12[%swap3A_56] : memref<32xf32, #tpu.memory_space<smem>>
    memref.store %squeeze3A_54, %arg12[%swap3A_56] : memref<32xf32, #tpu.memory_space<smem>>
    %slice3A_58 = vector.extract_strided_slice %get3A_17 {offsets = [4], sizes = [1], strides = [1]} : vector<16xi32> to vector<1xi32>
    %squeeze3A_59 = vector.extract %slice3A_58[0] : i32 from vector<1xi32>
    %swap3A_60 = arith.constant 4 : i32
    %swap3A_61 = arith.index_cast %swap3A_60 : i32 to index
    %swap3A_62 = memref.load %arg11[%swap3A_61] : memref<32xi32, #tpu.memory_space<smem>>
    memref.store %squeeze3A_59, %arg11[%swap3A_61] : memref<32xi32, #tpu.memory_space<smem>>
    %slice3A_63 = vector.extract_strided_slice %get3A_20 {offsets = [4], sizes = [1], strides = [1]} : vector<16xf32> to vector<1xf32>
    %squeeze3A_64 = vector.extract %slice3A_63[0] : f32 from vector<1xf32>
    %swap3A_65 = arith.constant 4 : i32
    %swap3A_66 = arith.index_cast %swap3A_65 : i32 to index
    %swap3A_67 = memref.load %arg12[%swap3A_66] : memref<32xf32, #tpu.memory_space<smem>>
    memref.store %squeeze3A_64, %arg12[%swap3A_66] : memref<32xf32, #tpu.memory_space<smem>>
    %slice3A_68 = vector.extract_strided_slice %get3A_17 {offsets = [5], sizes = [1], strides = [1]} : vector<16xi32> to vector<1xi32>
    %squeeze3A_69 = vector.extract %slice3A_68[0] : i32 from vector<1xi32>
    %swap3A_70 = arith.constant 5 : i32
    %swap3A_71 = arith.index_cast %swap3A_70 : i32 to index
    %swap3A_72 = memref.load %arg11[%swap3A_71] : memref<32xi32, #tpu.memory_space<smem>>
    memref.store %squeeze3A_69, %arg11[%swap3A_71] : memref<32xi32, #tpu.memory_space<smem>>
    %slice3A_73 = vector.extract_strided_slice %get3A_20 {offsets = [5], sizes = [1], strides = [1]} : vector<16xf32> to vector<1xf32>
    %squeeze3A_74 = vector.extract %slice3A_73[0] : f32 from vector<1xf32>
    %swap3A_75 = arith.constant 5 : i32
    %swap3A_76 = arith.index_cast %swap3A_75 : i32 to index
    %swap3A_77 = memref.load %arg12[%swap3A_76] : memref<32xf32, #tpu.memory_space<smem>>
    memref.store %squeeze3A_74, %arg12[%swap3A_76] : memref<32xf32, #tpu.memory_space<smem>>
    %slice3A_78 = vector.extract_strided_slice %get3A_17 {offsets = [6], sizes = [1], strides = [1]} : vector<16xi32> to vector<1xi32>
    %squeeze3A_79 = vector.extract %slice3A_78[0] : i32 from vector<1xi32>
    %swap3A_80 = arith.constant 6 : i32
    %swap3A_81 = arith.index_cast %swap3A_80 : i32 to index
    %swap3A_82 = memref.load %arg11[%swap3A_81] : memref<32xi32, #tpu.memory_space<smem>>
    memref.store %squeeze3A_79, %arg11[%swap3A_81] : memref<32xi32, #tpu.memory_space<smem>>
    %slice3A_83 = vector.extract_strided_slice %get3A_20 {offsets = [6], sizes = [1], strides = [1]} : vector<16xf32> to vector<1xf32>
    %squeeze3A_84 = vector.extract %slice3A_83[0] : f32 from vector<1xf32>
    %swap3A_85 = arith.constant 6 : i32
    %swap3A_86 = arith.index_cast %swap3A_85 : i32 to index
    %swap3A_87 = memref.load %arg12[%swap3A_86] : memref<32xf32, #tpu.memory_space<smem>>
    memref.store %squeeze3A_84, %arg12[%swap3A_86] : memref<32xf32, #tpu.memory_space<smem>>
    %slice3A_88 = vector.extract_strided_slice %get3A_17 {offsets = [7], sizes = [1], strides = [1]} : vector<16xi32> to vector<1xi32>
    %squeeze3A_89 = vector.extract %slice3A_88[0] : i32 from vector<1xi32>
    %swap3A_90 = arith.constant 7 : i32
    %swap3A_91 = arith.index_cast %swap3A_90 : i32 to index
    %swap3A_92 = memref.load %arg11[%swap3A_91] : memref<32xi32, #tpu.memory_space<smem>>
    memref.store %squeeze3A_89, %arg11[%swap3A_91] : memref<32xi32, #tpu.memory_space<smem>>
    %slice3A_93 = vector.extract_strided_slice %get3A_20 {offsets = [7], sizes = [1], strides = [1]} : vector<16xf32> to vector<1xf32>
    %squeeze3A_94 = vector.extract %slice3A_93[0] : f32 from vector<1xf32>
    %swap3A_95 = arith.constant 7 : i32
    %swap3A_96 = arith.index_cast %swap3A_95 : i32 to index
    %swap3A_97 = memref.load %arg12[%swap3A_96] : memref<32xf32, #tpu.memory_space<smem>>
    memref.store %squeeze3A_94, %arg12[%swap3A_96] : memref<32xf32, #tpu.memory_space<smem>>
    %slice3A_98 = vector.extract_strided_slice %get3A_17 {offsets = [8], sizes = [1], strides = [1]} : vector<16xi32> to vector<1xi32>
    %squeeze3A_99 = vector.extract %slice3A_98[0] : i32 from vector<1xi32>
    %swap3A_100 = arith.constant 8 : i32
    %swap3A_101 = arith.index_cast %swap3A_100 : i32 to index
    %swap3A_102 = memref.load %arg11[%swap3A_101] : memref<32xi32, #tpu.memory_space<smem>>
    memref.store %squeeze3A_99, %arg11[%swap3A_101] : memref<32xi32, #tpu.memory_space<smem>>
    %slice3A_103 = vector.extract_strided_slice %get3A_20 {offsets = [8], sizes = [1], strides = [1]} : vector<16xf32> to vector<1xf32>
    %squeeze3A_104 = vector.extract %slice3A_103[0] : f32 from vector<1xf32>
    %swap3A_105 = arith.constant 8 : i32
    %swap3A_106 = arith.index_cast %swap3A_105 : i32 to index
    %swap3A_107 = memref.load %arg12[%swap3A_106] : memref<32xf32, #tpu.memory_space<smem>>
    memref.store %squeeze3A_104, %arg12[%swap3A_106] : memref<32xf32, #tpu.memory_space<smem>>
    %slice3A_108 = vector.extract_strided_slice %get3A_17 {offsets = [9], sizes = [1], strides = [1]} : vector<16xi32> to vector<1xi32>
    %squeeze3A_109 = vector.extract %slice3A_108[0] : i32 from vector<1xi32>
    %swap3A_110 = arith.constant 9 : i32
    %swap3A_111 = arith.index_cast %swap3A_110 : i32 to index
    %swap3A_112 = memref.load %arg11[%swap3A_111] : memref<32xi32, #tpu.memory_space<smem>>
    memref.store %squeeze3A_109, %arg11[%swap3A_111] : memref<32xi32, #tpu.memory_space<smem>>
    %slice3A_113 = vector.extract_strided_slice %get3A_20 {offsets = [9], sizes = [1], strides = [1]} : vector<16xf32> to vector<1xf32>
    %squeeze3A_114 = vector.extract %slice3A_113[0] : f32 from vector<1xf32>
    %swap3A_115 = arith.constant 9 : i32
    %swap3A_116 = arith.index_cast %swap3A_115 : i32 to index
    %swap3A_117 = memref.load %arg12[%swap3A_116] : memref<32xf32, #tpu.memory_space<smem>>
    memref.store %squeeze3A_114, %arg12[%swap3A_116] : memref<32xf32, #tpu.memory_space<smem>>
    %slice3A_118 = vector.extract_strided_slice %get3A_17 {offsets = [10], sizes = [1], strides = [1]} : vector<16xi32> to vector<1xi32>
    %squeeze3A_119 = vector.extract %slice3A_118[0] : i32 from vector<1xi32>
    %swap3A_120 = arith.constant 10 : i32
    %swap3A_121 = arith.index_cast %swap3A_120 : i32 to index
    %swap3A_122 = memref.load %arg11[%swap3A_121] : memref<32xi32, #tpu.memory_space<smem>>
    memref.store %squeeze3A_119, %arg11[%swap3A_121] : memref<32xi32, #tpu.memory_space<smem>>
    %slice3A_123 = vector.extract_strided_slice %get3A_20 {offsets = [10], sizes = [1], strides = [1]} : vector<16xf32> to vector<1xf32>
    %squeeze3A_124 = vector.extract %slice3A_123[0] : f32 from vector<1xf32>
    %swap3A_125 = arith.constant 10 : i32
    %swap3A_126 = arith.index_cast %swap3A_125 : i32 to index
    %swap3A_127 = memref.load %arg12[%swap3A_126] : memref<32xf32, #tpu.memory_space<smem>>
    memref.store %squeeze3A_124, %arg12[%swap3A_126] : memref<32xf32, #tpu.memory_space<smem>>
    %slice3A_128 = vector.extract_strided_slice %get3A_17 {offsets = [11], sizes = [1], strides = [1]} : vector<16xi32> to vector<1xi32>
    %squeeze3A_129 = vector.extract %slice3A_128[0] : i32 from vector<1xi32>
    %swap3A_130 = arith.constant 11 : i32
    %swap3A_131 = arith.index_cast %swap3A_130 : i32 to index
    %swap3A_132 = memref.load %arg11[%swap3A_131] : memref<32xi32, #tpu.memory_space<smem>>
    memref.store %squeeze3A_129, %arg11[%swap3A_131] : memref<32xi32, #tpu.memory_space<smem>>
    %slice3A_133 = vector.extract_strided_slice %get3A_20 {offsets = [11], sizes = [1], strides = [1]} : vector<16xf32> to vector<1xf32>
    %squeeze3A_134 = vector.extract %slice3A_133[0] : f32 from vector<1xf32>
    %swap3A_135 = arith.constant 11 : i32
    %swap3A_136 = arith.index_cast %swap3A_135 : i32 to index
    %swap3A_137 = memref.load %arg12[%swap3A_136] : memref<32xf32, #tpu.memory_space<smem>>
    memref.store %squeeze3A_134, %arg12[%swap3A_136] : memref<32xf32, #tpu.memory_space<smem>>
    %slice3A_138 = vector.extract_strided_slice %get3A_17 {offsets = [12], sizes = [1], strides = [1]} : vector<16xi32> to vector<1xi32>
    %squeeze3A_139 = vector.extract %slice3A_138[0] : i32 from vector<1xi32>
    %swap3A_140 = arith.constant 12 : i32
    %swap3A_141 = arith.index_cast %swap3A_140 : i32 to index
    %swap3A_142 = memref.load %arg11[%swap3A_141] : memref<32xi32, #tpu.memory_space<smem>>
    memref.store %squeeze3A_139, %arg11[%swap3A_141] : memref<32xi32, #tpu.memory_space<smem>>
    %slice3A_143 = vector.extract_strided_slice %get3A_20 {offsets = [12], sizes = [1], strides = [1]} : vector<16xf32> to vector<1xf32>
    %squeeze3A_144 = vector.extract %slice3A_143[0] : f32 from vector<1xf32>
    %swap3A_145 = arith.constant 12 : i32
    %swap3A_146 = arith.index_cast %swap3A_145 : i32 to index
    %swap3A_147 = memref.load %arg12[%swap3A_146] : memref<32xf32, #tpu.memory_space<smem>>
    memref.store %squeeze3A_144, %arg12[%swap3A_146] : memref<32xf32, #tpu.memory_space<smem>>
    %slice3A_148 = vector.extract_strided_slice %get3A_17 {offsets = [13], sizes = [1], strides = [1]} : vector<16xi32> to vector<1xi32>
    %squeeze3A_149 = vector.extract %slice3A_148[0] : i32 from vector<1xi32>
    %swap3A_150 = arith.constant 13 : i32
    %swap3A_151 = arith.index_cast %swap3A_150 : i32 to index
    %swap3A_152 = memref.load %arg11[%swap3A_151] : memref<32xi32, #tpu.memory_space<smem>>
    memref.store %squeeze3A_149, %arg11[%swap3A_151] : memref<32xi32, #tpu.memory_space<smem>>
    %slice3A_153 = vector.extract_strided_slice %get3A_20 {offsets = [13], sizes = [1], strides = [1]} : vector<16xf32> to vector<1xf32>
    %squeeze3A_154 = vector.extract %slice3A_153[0] : f32 from vector<1xf32>
    %swap3A_155 = arith.constant 13 : i32
    %swap3A_156 = arith.index_cast %swap3A_155 : i32 to index
    %swap3A_157 = memref.load %arg12[%swap3A_156] : memref<32xf32, #tpu.memory_space<smem>>
    memref.store %squeeze3A_154, %arg12[%swap3A_156] : memref<32xf32, #tpu.memory_space<smem>>
    %slice3A_158 = vector.extract_strided_slice %get3A_17 {offsets = [14], sizes = [1], strides = [1]} : vector<16xi32> to vector<1xi32>
    %squeeze3A_159 = vector.extract %slice3A_158[0] : i32 from vector<1xi32>
    %swap3A_160 = arith.constant 14 : i32
    %swap3A_161 = arith.index_cast %swap3A_160 : i32 to index
    %swap3A_162 = memref.load %arg11[%swap3A_161] : memref<32xi32, #tpu.memory_space<smem>>
    memref.store %squeeze3A_159, %arg11[%swap3A_161] : memref<32xi32, #tpu.memory_space<smem>>
    %slice3A_163 = vector.extract_strided_slice %get3A_20 {offsets = [14], sizes = [1], strides = [1]} : vector<16xf32> to vector<1xf32>
    %squeeze3A_164 = vector.extract %slice3A_163[0] : f32 from vector<1xf32>
    %swap3A_165 = arith.constant 14 : i32
    %swap3A_166 = arith.index_cast %swap3A_165 : i32 to index
    %swap3A_167 = memref.load %arg12[%swap3A_166] : memref<32xf32, #tpu.memory_space<smem>>
    memref.store %squeeze3A_164, %arg12[%swap3A_166] : memref<32xf32, #tpu.memory_space<smem>>
    %slice3A_168 = vector.extract_strided_slice %get3A_17 {offsets = [15], sizes = [1], strides = [1]} : vector<16xi32> to vector<1xi32>
    %squeeze3A_169 = vector.extract %slice3A_168[0] : i32 from vector<1xi32>
    %swap3A_170 = arith.constant 15 : i32
    %swap3A_171 = arith.index_cast %swap3A_170 : i32 to index
    %swap3A_172 = memref.load %arg11[%swap3A_171] : memref<32xi32, #tpu.memory_space<smem>>
    memref.store %squeeze3A_169, %arg11[%swap3A_171] : memref<32xi32, #tpu.memory_space<smem>>
    %slice3A_173 = vector.extract_strided_slice %get3A_20 {offsets = [15], sizes = [1], strides = [1]} : vector<16xf32> to vector<1xf32>
    %squeeze3A_174 = vector.extract %slice3A_173[0] : f32 from vector<1xf32>
    %swap3A_175 = arith.constant 15 : i32
    %swap3A_176 = arith.index_cast %swap3A_175 : i32 to index
    %swap3A_177 = memref.load %arg12[%swap3A_176] : memref<32xf32, #tpu.memory_space<smem>>
    memref.store %squeeze3A_174, %arg12[%swap3A_176] : memref<32xf32, #tpu.memory_space<smem>>
    %get3A_178 = arith.constant 16 : index
    %get3A_179 = tpu.vector_load %arg9[%get3A_178] {strides = array<i32>} : memref<32xi32, #tpu.memory_space<vmem>>, vector<16xi32>,
    %get3A_180 = vector.shape_cast %get3A_179 : vector<16xi32> to vector<16xi32>
    %get3A_181 = arith.constant 16 : index
    %get3A_182 = tpu.vector_load %arg10[%get3A_181] {strides = array<i32>} : memref<32xf32, #tpu.memory_space<vmem>>, vector<16xf32>,
    %get3A_183 = vector.shape_cast %get3A_182 : vector<16xf32> to vector<16xf32>
    %slice3A_184 = vector.extract_strided_slice %get3A_180 {offsets = [0], sizes = [1], strides = [1]} : vector<16xi32> to vector<1xi32>
    %squeeze3A_185 = vector.extract %slice3A_184[0] : i32 from vector<1xi32>
    %swap3A_186 = arith.constant 16 : i32
    %swap3A_187 = arith.index_cast %swap3A_186 : i32 to index
    %swap3A_188 = memref.load %arg11[%swap3A_187] : memref<32xi32, #tpu.memory_space<smem>>
    memref.store %squeeze3A_185, %arg11[%swap3A_187] : memref<32xi32, #tpu.memory_space<smem>>
    %slice3A_189 = vector.extract_strided_slice %get3A_183 {offsets = [0], sizes = [1], strides = [1]} : vector<16xf32> to vector<1xf32>
    %squeeze3A_190 = vector.extract %slice3A_189[0] : f32 from vector<1xf32>
    %swap3A_191 = arith.constant 16 : i32
    %swap3A_192 = arith.index_cast %swap3A_191 : i32 to index
    %swap3A_193 = memref.load %arg12[%swap3A_192] : memref<32xf32, #tpu.memory_space<smem>>
    memref.store %squeeze3A_190, %arg12[%swap3A_192] : memref<32xf32, #tpu.memory_space<smem>>
    %slice3A_194 = vector.extract_strided_slice %get3A_180 {offsets = [1], sizes = [1], strides = [1]} : vector<16xi32> to vector<1xi32>
    %squeeze3A_195 = vector.extract %slice3A_194[0] : i32 from vector<1xi32>
    %swap3A_196 = arith.constant 17 : i32
    %swap3A_197 = arith.index_cast %swap3A_196 : i32 to index
    %swap3A_198 = memref.load %arg11[%swap3A_197] : memref<32xi32, #tpu.memory_space<smem>>
    memref.store %squeeze3A_195, %arg11[%swap3A_197] : memref<32xi32, #tpu.memory_space<smem>>
    %slice3A_199 = vector.extract_strided_slice %get3A_183 {offsets = [1], sizes = [1], strides = [1]} : vector<16xf32> to vector<1xf32>
    %squeeze3A_200 = vector.extract %slice3A_199[0] : f32 from vector<1xf32>
    %swap3A_201 = arith.constant 17 : i32
    %swap3A_202 = arith.index_cast %swap3A_201 : i32 to index
    %swap3A_203 = memref.load %arg12[%swap3A_202] : memref<32xf32, #tpu.memory_space<smem>>
    memref.store %squeeze3A_200, %arg12[%swap3A_202] : memref<32xf32, #tpu.memory_space<smem>>
    %slice3A_204 = vector.extract_strided_slice %get3A_180 {offsets = [2], sizes = [1], strides = [1]} : vector<16xi32> to vector<1xi32>
    %squeeze3A_205 = vector.extract %slice3A_204[0] : i32 from vector<1xi32>
    %swap3A_206 = arith.constant 18 : i32
    %swap3A_207 = arith.index_cast %swap3A_206 : i32 to index
    %swap3A_208 = memref.load %arg11[%swap3A_207] : memref<32xi32, #tpu.memory_space<smem>>
    memref.store %squeeze3A_205, %arg11[%swap3A_207] : memref<32xi32, #tpu.memory_space<smem>>
    %slice3A_209 = vector.extract_strided_slice %get3A_183 {offsets = [2], sizes = [1], strides = [1]} : vector<16xf32> to vector<1xf32>
    %squeeze3A_210 = vector.extract %slice3A_209[0] : f32 from vector<1xf32>
    %swap3A_211 = arith.constant 18 : i32
    %swap3A_212 = arith.index_cast %swap3A_211 : i32 to index
    %swap3A_213 = memref.load %arg12[%swap3A_212] : memref<32xf32, #tpu.memory_space<smem>>
    memref.store %squeeze3A_210, %arg12[%swap3A_212] : memref<32xf32, #tpu.memory_space<smem>>
    %slice3A_214 = vector.extract_strided_slice %get3A_180 {offsets = [3], sizes = [1], strides = [1]} : vector<16xi32> to vector<1xi32>
    %squeeze3A_215 = vector.extract %slice3A_214[0] : i32 from vector<1xi32>
    %swap3A_216 = arith.constant 19 : i32
    %swap3A_217 = arith.index_cast %swap3A_216 : i32 to index
    %swap3A_218 = memref.load %arg11[%swap3A_217] : memref<32xi32, #tpu.memory_space<smem>>
    memref.store %squeeze3A_215, %arg11[%swap3A_217] : memref<32xi32, #tpu.memory_space<smem>>
    %slice3A_219 = vector.extract_strided_slice %get3A_183 {offsets = [3], sizes = [1], strides = [1]} : vector<16xf32> to vector<1xf32>
    %squeeze3A_220 = vector.extract %slice3A_219[0] : f32 from vector<1xf32>
    %swap3A_221 = arith.constant 19 : i32
    %swap3A_222 = arith.index_cast %swap3A_221 : i32 to index
    %swap3A_223 = memref.load %arg12[%swap3A_222] : memref<32xf32, #tpu.memory_space<smem>>
    memref.store %squeeze3A_220, %arg12[%swap3A_222] : memref<32xf32, #tpu.memory_space<smem>>
    %slice3A_224 = vector.extract_strided_slice %get3A_180 {offsets = [4], sizes = [1], strides = [1]} : vector<16xi32> to vector<1xi32>
    %squeeze3A_225 = vector.extract %slice3A_224[0] : i32 from vector<1xi32>
    %swap3A_226 = arith.constant 20 : i32
    %swap3A_227 = arith.index_cast %swap3A_226 : i32 to index
    %swap3A_228 = memref.load %arg11[%swap3A_227] : memref<32xi32, #tpu.memory_space<smem>>
    memref.store %squeeze3A_225, %arg11[%swap3A_227] : memref<32xi32, #tpu.memory_space<smem>>
    %slice3A_229 = vector.extract_strided_slice %get3A_183 {offsets = [4], sizes = [1], strides = [1]} : vector<16xf32> to vector<1xf32>
    %squeeze3A_230 = vector.extract %slice3A_229[0] : f32 from vector<1xf32>
    %swap3A_231 = arith.constant 20 : i32
    %swap3A_232 = arith.index_cast %swap3A_231 : i32 to index
    %swap3A_233 = memref.load %arg12[%swap3A_232] : memref<32xf32, #tpu.memory_space<smem>>
    memref.store %squeeze3A_230, %arg12[%swap3A_232] : memref<32xf32, #tpu.memory_space<smem>>
    %slice3A_234 = vector.extract_strided_slice %get3A_180 {offsets = [5], sizes = [1], strides = [1]} : vector<16xi32> to vector<1xi32>
    %squeeze3A_235 = vector.extract %slice3A_234[0] : i32 from vector<1xi32>
    %swap3A_236 = arith.constant 21 : i32
    %swap3A_237 = arith.index_cast %swap3A_236 : i32 to index
    %swap3A_238 = memref.load %arg11[%swap3A_237] : memref<32xi32, #tpu.memory_space<smem>>
    memref.store %squeeze3A_235, %arg11[%swap3A_237] : memref<32xi32, #tpu.memory_space<smem>>
    %slice3A_239 = vector.extract_strided_slice %get3A_183 {offsets = [5], sizes = [1], strides = [1]} : vector<16xf32> to vector<1xf32>
    %squeeze3A_240 = vector.extract %slice3A_239[0] : f32 from vector<1xf32>
    %swap3A_241 = arith.constant 21 : i32
    %swap3A_242 = arith.index_cast %swap3A_241 : i32 to index
    %swap3A_243 = memref.load %arg12[%swap3A_242] : memref<32xf32, #tpu.memory_space<smem>>
    memref.store %squeeze3A_240, %arg12[%swap3A_242] : memref<32xf32, #tpu.memory_space<smem>>
    %slice3A_244 = vector.extract_strided_slice %get3A_180 {offsets = [6], sizes = [1], strides = [1]} : vector<16xi32> to vector<1xi32>
    %squeeze3A_245 = vector.extract %slice3A_244[0] : i32 from vector<1xi32>
    %swap3A_246 = arith.constant 22 : i32
    %swap3A_247 = arith.index_cast %swap3A_246 : i32 to index
    %swap3A_248 = memref.load %arg11[%swap3A_247] : memref<32xi32, #tpu.memory_space<smem>>
    memref.store %squeeze3A_245, %arg11[%swap3A_247] : memref<32xi32, #tpu.memory_space<smem>>
    %slice3A_249 = vector.extract_strided_slice %get3A_183 {offsets = [6], sizes = [1], strides = [1]} : vector<16xf32> to vector<1xf32>
    %squeeze3A_250 = vector.extract %slice3A_249[0] : f32 from vector<1xf32>
    %swap3A_251 = arith.constant 22 : i32
    %swap3A_252 = arith.index_cast %swap3A_251 : i32 to index
    %swap3A_253 = memref.load %arg12[%swap3A_252] : memref<32xf32, #tpu.memory_space<smem>>
    memref.store %squeeze3A_250, %arg12[%swap3A_252] : memref<32xf32, #tpu.memory_space<smem>>
    %slice3A_254 = vector.extract_strided_slice %get3A_180 {offsets = [7], sizes = [1], strides = [1]} : vector<16xi32> to vector<1xi32>
    %squeeze3A_255 = vector.extract %slice3A_254[0] : i32 from vector<1xi32>
    %swap3A_256 = arith.constant 23 : i32
    %swap3A_257 = arith.index_cast %swap3A_256 : i32 to index
    %swap3A_258 = memref.load %arg11[%swap3A_257] : memref<32xi32, #tpu.memory_space<smem>>
    memref.store %squeeze3A_255, %arg11[%swap3A_257] : memref<32xi32, #tpu.memory_space<smem>>
    %slice3A_259 = vector.extract_strided_slice %get3A_183 {offsets = [7], sizes = [1], strides = [1]} : vector<16xf32> to vector<1xf32>
    %squeeze3A_260 = vector.extract %slice3A_259[0] : f32 from vector<1xf32>
    %swap3A_261 = arith.constant 23 : i32
    %swap3A_262 = arith.index_cast %swap3A_261 : i32 to index
    %swap3A_263 = memref.load %arg12[%swap3A_262] : memref<32xf32, #tpu.memory_space<smem>>
    memref.store %squeeze3A_260, %arg12[%swap3A_262] : memref<32xf32, #tpu.memory_space<smem>>
    %slice3A_264 = vector.extract_strided_slice %get3A_180 {offsets = [8], sizes = [1], strides = [1]} : vector<16xi32> to vector<1xi32>
    %squeeze3A_265 = vector.extract %slice3A_264[0] : i32 from vector<1xi32>
    %swap3A_266 = arith.constant 24 : i32
    %swap3A_267 = arith.index_cast %swap3A_266 : i32 to index
    %swap3A_268 = memref.load %arg11[%swap3A_267] : memref<32xi32, #tpu.memory_space<smem>>
    memref.store %squeeze3A_265, %arg11[%swap3A_267] : memref<32xi32, #tpu.memory_space<smem>>
    %slice3A_269 = vector.extract_strided_slice %get3A_183 {offsets = [8], sizes = [1], strides = [1]} : vector<16xf32> to vector<1xf32>
    %squeeze3A_270 = vector.extract %slice3A_269[0] : f32 from vector<1xf32>
    %swap3A_271 = arith.constant 24 : i32
    %swap3A_272 = arith.index_cast %swap3A_271 : i32 to index
    %swap3A_273 = memref.load %arg12[%swap3A_272] : memref<32xf32, #tpu.memory_space<smem>>
    memref.store %squeeze3A_270, %arg12[%swap3A_272] : memref<32xf32, #tpu.memory_space<smem>>
    %slice3A_274 = vector.extract_strided_slice %get3A_180 {offsets = [9], sizes = [1], strides = [1]} : vector<16xi32> to vector<1xi32>
    %squeeze3A_275 = vector.extract %slice3A_274[0] : i32 from vector<1xi32>
    %swap3A_276 = arith.constant 25 : i32
    %swap3A_277 = arith.index_cast %swap3A_276 : i32 to index
    %swap3A_278 = memref.load %arg11[%swap3A_277] : memref<32xi32, #tpu.memory_space<smem>>
    memref.store %squeeze3A_275, %arg11[%swap3A_277] : memref<32xi32, #tpu.memory_space<smem>>
    %slice3A_279 = vector.extract_strided_slice %get3A_183 {offsets = [9], sizes = [1], strides = [1]} : vector<16xf32> to vector<1xf32>
    %squeeze3A_280 = vector.extract %slice3A_279[0] : f32 from vector<1xf32>
    %swap3A_281 = arith.constant 25 : i32
    %swap3A_282 = arith.index_cast %swap3A_281 : i32 to index
    %swap3A_283 = memref.load %arg12[%swap3A_282] : memref<32xf32, #tpu.memory_space<smem>>
    memref.store %squeeze3A_280, %arg12[%swap3A_282] : memref<32xf32, #tpu.memory_space<smem>>
    %slice3A_284 = vector.extract_strided_slice %get3A_180 {offsets = [10], sizes = [1], strides = [1]} : vector<16xi32> to vector<1xi32>
    %squeeze3A_285 = vector.extract %slice3A_284[0] : i32 from vector<1xi32>
    %swap3A_286 = arith.constant 26 : i32
    %swap3A_287 = arith.index_cast %swap3A_286 : i32 to index
    %swap3A_288 = memref.load %arg11[%swap3A_287] : memref<32xi32, #tpu.memory_space<smem>>
    memref.store %squeeze3A_285, %arg11[%swap3A_287] : memref<32xi32, #tpu.memory_space<smem>>
    %slice3A_289 = vector.extract_strided_slice %get3A_183 {offsets = [10], sizes = [1], strides = [1]} : vector<16xf32> to vector<1xf32>
    %squeeze3A_290 = vector.extract %slice3A_289[0] : f32 from vector<1xf32>
    %swap3A_291 = arith.constant 26 : i32
    %swap3A_292 = arith.index_cast %swap3A_291 : i32 to index
    %swap3A_293 = memref.load %arg12[%swap3A_292] : memref<32xf32, #tpu.memory_space<smem>>
    memref.store %squeeze3A_290, %arg12[%swap3A_292] : memref<32xf32, #tpu.memory_space<smem>>
    %slice3A_294 = vector.extract_strided_slice %get3A_180 {offsets = [11], sizes = [1], strides = [1]} : vector<16xi32> to vector<1xi32>
    %squeeze3A_295 = vector.extract %slice3A_294[0] : i32 from vector<1xi32>
    %swap3A_296 = arith.constant 27 : i32
    %swap3A_297 = arith.index_cast %swap3A_296 : i32 to index
    %swap3A_298 = memref.load %arg11[%swap3A_297] : memref<32xi32, #tpu.memory_space<smem>>
    memref.store %squeeze3A_295, %arg11[%swap3A_297] : memref<32xi32, #tpu.memory_space<smem>>
    %slice3A_299 = vector.extract_strided_slice %get3A_183 {offsets = [11], sizes = [1], strides = [1]} : vector<16xf32> to vector<1xf32>
    %squeeze3A_300 = vector.extract %slice3A_299[0] : f32 from vector<1xf32>
    %swap3A_301 = arith.constant 27 : i32
    %swap3A_302 = arith.index_cast %swap3A_301 : i32 to index
    %swap3A_303 = memref.load %arg12[%swap3A_302] : memref<32xf32, #tpu.memory_space<smem>>
    memref.store %squeeze3A_300, %arg12[%swap3A_302] : memref<32xf32, #tpu.memory_space<smem>>
    %slice3A_304 = vector.extract_strided_slice %get3A_180 {offsets = [12], sizes = [1], strides = [1]} : vector<16xi32> to vector<1xi32>
    %squeeze3A_305 = vector.extract %slice3A_304[0] : i32 from vector<1xi32>
    %swap3A_306 = arith.constant 28 : i32
    %swap3A_307 = arith.index_cast %swap3A_306 : i32 to index
    %swap3A_308 = memref.load %arg11[%swap3A_307] : memref<32xi32, #tpu.memory_space<smem>>
    memref.store %squeeze3A_305, %arg11[%swap3A_307] : memref<32xi32, #tpu.memory_space<smem>>
    %slice3A_309 = vector.extract_strided_slice %get3A_183 {offsets = [12], sizes = [1], strides = [1]} : vector<16xf32> to vector<1xf32>
    %squeeze3A_310 = vector.extract %slice3A_309[0] : f32 from vector<1xf32>
    %swap3A_311 = arith.constant 28 : i32
    %swap3A_312 = arith.index_cast %swap3A_311 : i32 to index
    %swap3A_313 = memref.load %arg12[%swap3A_312] : memref<32xf32, #tpu.memory_space<smem>>
    memref.store %squeeze3A_310, %arg12[%swap3A_312] : memref<32xf32, #tpu.memory_space<smem>>
    %slice3A_314 = vector.extract_strided_slice %get3A_180 {offsets = [13], sizes = [1], strides = [1]} : vector<16xi32> to vector<1xi32>
    %squeeze3A_315 = vector.extract %slice3A_314[0] : i32 from vector<1xi32>
    %swap3A_316 = arith.constant 29 : i32
    %swap3A_317 = arith.index_cast %swap3A_316 : i32 to index
    %swap3A_318 = memref.load %arg11[%swap3A_317] : memref<32xi32, #tpu.memory_space<smem>>
    memref.store %squeeze3A_315, %arg11[%swap3A_317] : memref<32xi32, #tpu.memory_space<smem>>
    %slice3A_319 = vector.extract_strided_slice %get3A_183 {offsets = [13], sizes = [1], strides = [1]} : vector<16xf32> to vector<1xf32>
    %squeeze3A_320 = vector.extract %slice3A_319[0] : f32 from vector<1xf32>
    %swap3A_321 = arith.constant 29 : i32
    %swap3A_322 = arith.index_cast %swap3A_321 : i32 to index
    %swap3A_323 = memref.load %arg12[%swap3A_322] : memref<32xf32, #tpu.memory_space<smem>>
    memref.store %squeeze3A_320, %arg12[%swap3A_322] : memref<32xf32, #tpu.memory_space<smem>>
    %slice3A_324 = vector.extract_strided_slice %get3A_180 {offsets = [14], sizes = [1], strides = [1]} : vector<16xi32> to vector<1xi32>
    %squeeze3A_325 = vector.extract %slice3A_324[0] : i32 from vector<1xi32>
    %swap3A_326 = arith.constant 30 : i32
    %swap3A_327 = arith.index_cast %swap3A_326 : i32 to index
    %swap3A_328 = memref.load %arg11[%swap3A_327] : memref<32xi32, #tpu.memory_space<smem>>
    memref.store %squeeze3A_325, %arg11[%swap3A_327] : memref<32xi32, #tpu.memory_space<smem>>
    %slice3A_329 = vector.extract_strided_slice %get3A_183 {offsets = [14], sizes = [1], strides = [1]} : vector<16xf32> to vector<1xf32>
    %squeeze3A_330 = vector.extract %slice3A_329[0] : f32 from vector<1xf32>
    %swap3A_331 = arith.constant 30 : i32
    %swap3A_332 = arith.index_cast %swap3A_331 : i32 to index
    %swap3A_333 = memref.load %arg12[%swap3A_332] : memref<32xf32, #tpu.memory_space<smem>>
    memref.store %squeeze3A_330, %arg12[%swap3A_332] : memref<32xf32, #tpu.memory_space<smem>>
    %slice3A_334 = vector.extract_strided_slice %get3A_180 {offsets = [15], sizes = [1], strides = [1]} : vector<16xi32> to vector<1xi32>
    %squeeze3A_335 = vector.extract %slice3A_334[0] : i32 from vector<1xi32>
    %swap3A_336 = arith.constant 31 : i32
    %swap3A_337 = arith.index_cast %swap3A_336 : i32 to index
    %swap3A_338 = memref.load %arg11[%swap3A_337] : memref<32xi32, #tpu.memory_space<smem>>
    memref.store %squeeze3A_335, %arg11[%swap3A_337] : memref<32xi32, #tpu.memory_space<smem>>
    %slice3A_339 = vector.extract_strided_slice %get3A_183 {offsets = [15], sizes = [1], strides = [1]} : vector<16xf32> to vector<1xf32>
    %squeeze3A_340 = vector.extract %slice3A_339[0] : f32 from vector<1xf32>
    %swap3A_341 = arith.constant 31 : i32
    %swap3A_342 = arith.index_cast %swap3A_341 : i32 to index
    %swap3A_343 = memref.load %arg12[%swap3A_342] : memref<32xf32, #tpu.memory_space<smem>>
    memref.store %squeeze3A_340, %arg12[%swap3A_342] : memref<32xf32, #tpu.memory_space<smem>>
    %eq3A_344 = arith.constant 0 : i32
    %eq3A_345 = arith.cmpi eq, %arg1, %eq3A_344 : i32
    %convert_element_type3A_346 = arith.extui %eq3A_345 : i1 to i32
    %cond3A_347 = arith.constant 0 : i32
    %cond3A_348 = arith.cmpi ne, %convert_element_type3A_346, %cond3A_347 : i32
    scf.if %cond3A_348 {
      tpu.wait_dma2 semaphore(%arg18 : memref<!tpu.dma_semaphore, #tpu.memory_space<semaphore_mem>>) src(%arg3 : memref<96000xf32, #tpu.memory_space<hbm>>) dst(%arg8 : memref<96000xf32, #tpu.memory_space<vmem_shared>>)
    } else {
    }
    %barrier3A = arith.constant 0 : index
    tpu.barrier barrier_id(%barrier3A)
    "tpu.region"() ({
      %run_scoped3A = tpu.sem_alloc : memref<!tpu.dma_semaphore, #tpu.memory_space<semaphore_mem>>
      tpu.enqueue_dma source(%arg8 : memref<96000xf32, #tpu.memory_space<vmem_shared>>) target(%arg7 : memref<96000xf32, #tpu.memory_space<vmem>>) target_semaphore(%run_scoped3A : memref<!tpu.dma_semaphore, #tpu.memory_space<semaphore_mem>>)
      tpu.wait_dma2 semaphore(%run_scoped3A : memref<!tpu.dma_semaphore, #tpu.memory_space<semaphore_mem>>) src(%arg8 : memref<96000xf32, #tpu.memory_space<vmem_shared>>) dst(%arg7 : memref<96000xf32, #tpu.memory_space<vmem>>)
      tpu.yield
    }) : () -> ()
    %dma_wait3A = arith.constant 0 : i32
    %dma_wait3A_349 = arith.constant 0 : i32
    %dma_wait3A_350 = tpu.memref_slice %arg2[%dma_wait3A, %dma_wait3A_349] : memref<1024x16000xf32, #tpu.memory_space<hbm>> -> memref<8x640xf32, #tpu.memory_space<hbm>>
    %dma_wait3A_351 = arith.constant 0 : i32
    %dma_wait3A_352 = arith.constant 0 : i32
    %dma_wait3A_353 = tpu.memref_slice %arg2[%dma_wait3A_351, %dma_wait3A_352] : memref<1024x16000xf32, #tpu.memory_space<hbm>> -> memref<8x640xf32, #tpu.memory_space<hbm>>
    tpu.wait_dma2 semaphore(%arg16 : memref<!tpu.dma_semaphore, #tpu.memory_space<semaphore_mem>>) src(%dma_wait3A_353 : memref<8x640xf32, #tpu.memory_space<hbm>>) dst(%arg13 : memref<8x640xf32, #tpu.memory_space<vmem>>)
    %add3A_354 = arith.constant 0 : i32
    %add3A_355 = arith.addi %mul3A_2, %add3A_354 : i32
    %get3A_356 = arith.constant 0 : i32
    %get3A_357 = arith.index_cast %get3A_356 : i32 to index
    %get3A_358 = memref.load %arg11[%get3A_357] : memref<32xi32, #tpu.memory_space<smem>>
    %get3A_359 = arith.constant 0 : i32
    %get3A_360 = arith.index_cast %get3A_359 : i32 to index
    %get3A_361 = memref.load %arg12[%get3A_360] : memref<32xf32, #tpu.memory_space<smem>>
    %mul3A_362 = arith.constant 16000 : i32
    %mul3A_363 = arith.muli %get3A_358, %mul3A_362 : i32
    %add3A_364 = arith.constant 0 : i32
    %add3A_365 = arith.addi %mul3A_363, %add3A_364 : i32
    %lt3A = arith.constant 8.000000e-01 : f32
    %lt3A_366 = arith.cmpf olt, %get3A_361, %lt3A : f32
    %convert_element_type3A_367 = arith.extui %lt3A_366 : i1 to i32
    %cond3A_368 = arith.constant 0 : i32
    %cond3A_369 = arith.cmpi ne, %convert_element_type3A_367, %cond3A_368 : i32
    scf.if %cond3A_369 {
      %parallel_loop3A = arith.constant 0 : i32
      %parallel_loop3A_923 = arith.constant 40 : i32
      %parallel_loop3A_924 = arith.constant 1 : i32
      scf.for %parallel_loop3A_925 = %parallel_loop3A to %parallel_loop3A_923 step %parallel_loop3A_924  : i32 {
        %parallel_loop3A_926 = arith.constant 16 : i32
        %parallel_loop3A_927 = arith.muli %parallel_loop3A_925, %parallel_loop3A_926 : i32
        %parallel_loop3A_928 = arith.constant 16 : i32
        %parallel_loop3A_929 = arith.muli %parallel_loop3A_925, %parallel_loop3A_928 : i32
        %parallel_loop3A_930 = arith.addi %add3A_365, %parallel_loop3A_929 : i32
        %parallel_loop3A_931 = arith.index_cast %parallel_loop3A_930 : i32 to index
        %parallel_loop3A_932 = tpu.vector_load %arg7[%parallel_loop3A_931] {strides = array<i32>} : memref<96000xf32, #tpu.memory_space<vmem>>, vector<16xf32>,
        %parallel_loop3A_933 = vector.shape_cast %parallel_loop3A_932 : vector<16xf32> to vector<16xf32>
        %parallel_loop3A_934 = arith.constant 0 : i32
        %parallel_loop3A_935 = arith.index_cast %parallel_loop3A_934 : i32 to index
        %parallel_loop3A_936 = arith.index_cast %parallel_loop3A_927 : i32 to index
        %parallel_loop3A_937 = tpu.vector_load %arg13[%parallel_loop3A_935, %parallel_loop3A_936] {strides = array<i32>} : memref<8x640xf32, #tpu.memory_space<vmem>>, vector<1x16xf32>,
        %parallel_loop3A_938 = vector.shape_cast %parallel_loop3A_937 : vector<1x16xf32> to vector<16xf32>
        %parallel_loop3A_939 = vector.shape_cast %parallel_loop3A_933 : vector<16xf32> to vector<1x16xf32>
        tpu.vector_store %arg13[%parallel_loop3A_935, %parallel_loop3A_936], %parallel_loop3A_939 {add = true, strides = array<i32>} : memref<8x640xf32, #tpu.memory_space<vmem>>, vector<1x16xf32>,
      } {sc.loop_unroll_factor = 8 : i64, sc.parallel_access}
    } else {
    }
    %get3A_370 = arith.constant 1 : i32
    %get3A_371 = arith.index_cast %get3A_370 : i32 to index
    %get3A_372 = memref.load %arg11[%get3A_371] : memref<32xi32, #tpu.memory_space<smem>>
    %get3A_373 = arith.constant 1 : i32
    %get3A_374 = arith.index_cast %get3A_373 : i32 to index
    %get3A_375 = memref.load %arg12[%get3A_374] : memref<32xf32, #tpu.memory_space<smem>>
    %mul3A_376 = arith.constant 16000 : i32
    %mul3A_377 = arith.muli %get3A_372, %mul3A_376 : i32
    %add3A_378 = arith.constant 0 : i32
    %add3A_379 = arith.addi %mul3A_377, %add3A_378 : i32
    %lt3A_380 = arith.constant 8.000000e-01 : f32
    %lt3A_381 = arith.cmpf olt, %get3A_375, %lt3A_380 : f32
    %convert_element_type3A_382 = arith.extui %lt3A_381 : i1 to i32
    %cond3A_383 = arith.constant 0 : i32
    %cond3A_384 = arith.cmpi ne, %convert_element_type3A_382, %cond3A_383 : i32
    scf.if %cond3A_384 {
      %parallel_loop3A = arith.constant 0 : i32
      %parallel_loop3A_923 = arith.constant 40 : i32
      %parallel_loop3A_924 = arith.constant 1 : i32
      scf.for %parallel_loop3A_925 = %parallel_loop3A to %parallel_loop3A_923 step %parallel_loop3A_924  : i32 {
        %parallel_loop3A_926 = arith.constant 16 : i32
        %parallel_loop3A_927 = arith.muli %parallel_loop3A_925, %parallel_loop3A_926 : i32
        %parallel_loop3A_928 = arith.constant 16 : i32
        %parallel_loop3A_929 = arith.muli %parallel_loop3A_925, %parallel_loop3A_928 : i32
        %parallel_loop3A_930 = arith.addi %add3A_379, %parallel_loop3A_929 : i32
        %parallel_loop3A_931 = arith.index_cast %parallel_loop3A_930 : i32 to index
        %parallel_loop3A_932 = tpu.vector_load %arg7[%parallel_loop3A_931] {strides = array<i32>} : memref<96000xf32, #tpu.memory_space<vmem>>, vector<16xf32>,
        %parallel_loop3A_933 = vector.shape_cast %parallel_loop3A_932 : vector<16xf32> to vector<16xf32>
        %parallel_loop3A_934 = arith.constant 1 : i32
        %parallel_loop3A_935 = arith.index_cast %parallel_loop3A_934 : i32 to index
        %parallel_loop3A_936 = arith.index_cast %parallel_loop3A_927 : i32 to index
        %parallel_loop3A_937 = tpu.vector_load %arg13[%parallel_loop3A_935, %parallel_loop3A_936] {strides = array<i32>} : memref<8x640xf32, #tpu.memory_space<vmem>>, vector<1x16xf32>,
        %parallel_loop3A_938 = vector.shape_cast %parallel_loop3A_937 : vector<1x16xf32> to vector<16xf32>
        %parallel_loop3A_939 = vector.shape_cast %parallel_loop3A_933 : vector<16xf32> to vector<1x16xf32>
        tpu.vector_store %arg13[%parallel_loop3A_935, %parallel_loop3A_936], %parallel_loop3A_939 {add = true, strides = array<i32>} : memref<8x640xf32, #tpu.memory_space<vmem>>, vector<1x16xf32>,
      } {sc.loop_unroll_factor = 8 : i64, sc.parallel_access}
    } else {
    }
    %get3A_385 = arith.constant 2 : i32
    %get3A_386 = arith.index_cast %get3A_385 : i32 to index
    %get3A_387 = memref.load %arg11[%get3A_386] : memref<32xi32, #tpu.memory_space<smem>>
    %get3A_388 = arith.constant 2 : i32
    %get3A_389 = arith.index_cast %get3A_388 : i32 to index
    %get3A_390 = memref.load %arg12[%get3A_389] : memref<32xf32, #tpu.memory_space<smem>>
    %mul3A_391 = arith.constant 16000 : i32
    %mul3A_392 = arith.muli %get3A_387, %mul3A_391 : i32
    %add3A_393 = arith.constant 0 : i32
    %add3A_394 = arith.addi %mul3A_392, %add3A_393 : i32
    %lt3A_395 = arith.constant 8.000000e-01 : f32
    %lt3A_396 = arith.cmpf olt, %get3A_390, %lt3A_395 : f32
    %convert_element_type3A_397 = arith.extui %lt3A_396 : i1 to i32
    %cond3A_398 = arith.constant 0 : i32
    %cond3A_399 = arith.cmpi ne, %convert_element_type3A_397, %cond3A_398 : i32
    scf.if %cond3A_399 {
      %parallel_loop3A = arith.constant 0 : i32
      %parallel_loop3A_923 = arith.constant 40 : i32
      %parallel_loop3A_924 = arith.constant 1 : i32
      scf.for %parallel_loop3A_925 = %parallel_loop3A to %parallel_loop3A_923 step %parallel_loop3A_924  : i32 {
        %parallel_loop3A_926 = arith.constant 16 : i32
        %parallel_loop3A_927 = arith.muli %parallel_loop3A_925, %parallel_loop3A_926 : i32
        %parallel_loop3A_928 = arith.constant 16 : i32
        %parallel_loop3A_929 = arith.muli %parallel_loop3A_925, %parallel_loop3A_928 : i32
        %parallel_loop3A_930 = arith.addi %add3A_394, %parallel_loop3A_929 : i32
        %parallel_loop3A_931 = arith.index_cast %parallel_loop3A_930 : i32 to index
        %parallel_loop3A_932 = tpu.vector_load %arg7[%parallel_loop3A_931] {strides = array<i32>} : memref<96000xf32, #tpu.memory_space<vmem>>, vector<16xf32>,
        %parallel_loop3A_933 = vector.shape_cast %parallel_loop3A_932 : vector<16xf32> to vector<16xf32>
        %parallel_loop3A_934 = arith.constant 2 : i32
        %parallel_loop3A_935 = arith.index_cast %parallel_loop3A_934 : i32 to index
        %parallel_loop3A_936 = arith.index_cast %parallel_loop3A_927 : i32 to index
        %parallel_loop3A_937 = tpu.vector_load %arg13[%parallel_loop3A_935, %parallel_loop3A_936] {strides = array<i32>} : memref<8x640xf32, #tpu.memory_space<vmem>>, vector<1x16xf32>,
        %parallel_loop3A_938 = vector.shape_cast %parallel_loop3A_937 : vector<1x16xf32> to vector<16xf32>
        %parallel_loop3A_939 = vector.shape_cast %parallel_loop3A_933 : vector<16xf32> to vector<1x16xf32>
        tpu.vector_store %arg13[%parallel_loop3A_935, %parallel_loop3A_936], %parallel_loop3A_939 {add = true, strides = array<i32>} : memref<8x640xf32, #tpu.memory_space<vmem>>, vector<1x16xf32>,
      } {sc.loop_unroll_factor = 8 : i64, sc.parallel_access}
    } else {
    }
    %get3A_400 = arith.constant 3 : i32
    %get3A_401 = arith.index_cast %get3A_400 : i32 to index
    %get3A_402 = memref.load %arg11[%get3A_401] : memref<32xi32, #tpu.memory_space<smem>>
    %get3A_403 = arith.constant 3 : i32
    %get3A_404 = arith.index_cast %get3A_403 : i32 to index
    %get3A_405 = memref.load %arg12[%get3A_404] : memref<32xf32, #tpu.memory_space<smem>>
    %mul3A_406 = arith.constant 16000 : i32
    %mul3A_407 = arith.muli %get3A_402, %mul3A_406 : i32
    %add3A_408 = arith.constant 0 : i32
    %add3A_409 = arith.addi %mul3A_407, %add3A_408 : i32
    %lt3A_410 = arith.constant 8.000000e-01 : f32
    %lt3A_411 = arith.cmpf olt, %get3A_405, %lt3A_410 : f32
    %convert_element_type3A_412 = arith.extui %lt3A_411 : i1 to i32
    %cond3A_413 = arith.constant 0 : i32
    %cond3A_414 = arith.cmpi ne, %convert_element_type3A_412, %cond3A_413 : i32
    scf.if %cond3A_414 {
      %parallel_loop3A = arith.constant 0 : i32
      %parallel_loop3A_923 = arith.constant 40 : i32
      %parallel_loop3A_924 = arith.constant 1 : i32
      scf.for %parallel_loop3A_925 = %parallel_loop3A to %parallel_loop3A_923 step %parallel_loop3A_924  : i32 {
        %parallel_loop3A_926 = arith.constant 16 : i32
        %parallel_loop3A_927 = arith.muli %parallel_loop3A_925, %parallel_loop3A_926 : i32
        %parallel_loop3A_928 = arith.constant 16 : i32
        %parallel_loop3A_929 = arith.muli %parallel_loop3A_925, %parallel_loop3A_928 : i32
        %parallel_loop3A_930 = arith.addi %add3A_409, %parallel_loop3A_929 : i32
        %parallel_loop3A_931 = arith.index_cast %parallel_loop3A_930 : i32 to index
        %parallel_loop3A_932 = tpu.vector_load %arg7[%parallel_loop3A_931] {strides = array<i32>} : memref<96000xf32, #tpu.memory_space<vmem>>, vector<16xf32>,
        %parallel_loop3A_933 = vector.shape_cast %parallel_loop3A_932 : vector<16xf32> to vector<16xf32>
        %parallel_loop3A_934 = arith.constant 3 : i32
        %parallel_loop3A_935 = arith.index_cast %parallel_loop3A_934 : i32 to index
        %parallel_loop3A_936 = arith.index_cast %parallel_loop3A_927 : i32 to index
        %parallel_loop3A_937 = tpu.vector_load %arg13[%parallel_loop3A_935, %parallel_loop3A_936] {strides = array<i32>} : memref<8x640xf32, #tpu.memory_space<vmem>>, vector<1x16xf32>,
        %parallel_loop3A_938 = vector.shape_cast %parallel_loop3A_937 : vector<1x16xf32> to vector<16xf32>
        %parallel_loop3A_939 = vector.shape_cast %parallel_loop3A_933 : vector<16xf32> to vector<1x16xf32>
        tpu.vector_store %arg13[%parallel_loop3A_935, %parallel_loop3A_936], %parallel_loop3A_939 {add = true, strides = array<i32>} : memref<8x640xf32, #tpu.memory_space<vmem>>, vector<1x16xf32>,
      } {sc.loop_unroll_factor = 8 : i64, sc.parallel_access}
    } else {
    }
    %get3A_415 = arith.constant 4 : i32
    %get3A_416 = arith.index_cast %get3A_415 : i32 to index
    %get3A_417 = memref.load %arg11[%get3A_416] : memref<32xi32, #tpu.memory_space<smem>>
    %get3A_418 = arith.constant 4 : i32
    %get3A_419 = arith.index_cast %get3A_418 : i32 to index
    %get3A_420 = memref.load %arg12[%get3A_419] : memref<32xf32, #tpu.memory_space<smem>>
    %mul3A_421 = arith.constant 16000 : i32
    %mul3A_422 = arith.muli %get3A_417, %mul3A_421 : i32
    %add3A_423 = arith.constant 0 : i32
    %add3A_424 = arith.addi %mul3A_422, %add3A_423 : i32
    %lt3A_425 = arith.constant 8.000000e-01 : f32
    %lt3A_426 = arith.cmpf olt, %get3A_420, %lt3A_425 : f32
    %convert_element_type3A_427 = arith.extui %lt3A_426 : i1 to i32
    %cond3A_428 = arith.constant 0 : i32
    %cond3A_429 = arith.cmpi ne, %convert_element_type3A_427, %cond3A_428 : i32
    scf.if %cond3A_429 {
      %parallel_loop3A = arith.constant 0 : i32
      %parallel_loop3A_923 = arith.constant 40 : i32
      %parallel_loop3A_924 = arith.constant 1 : i32
      scf.for %parallel_loop3A_925 = %parallel_loop3A to %parallel_loop3A_923 step %parallel_loop3A_924  : i32 {
        %parallel_loop3A_926 = arith.constant 16 : i32
        %parallel_loop3A_927 = arith.muli %parallel_loop3A_925, %parallel_loop3A_926 : i32
        %parallel_loop3A_928 = arith.constant 16 : i32
        %parallel_loop3A_929 = arith.muli %parallel_loop3A_925, %parallel_loop3A_928 : i32
        %parallel_loop3A_930 = arith.addi %add3A_424, %parallel_loop3A_929 : i32
        %parallel_loop3A_931 = arith.index_cast %parallel_loop3A_930 : i32 to index
        %parallel_loop3A_932 = tpu.vector_load %arg7[%parallel_loop3A_931] {strides = array<i32>} : memref<96000xf32, #tpu.memory_space<vmem>>, vector<16xf32>,
        %parallel_loop3A_933 = vector.shape_cast %parallel_loop3A_932 : vector<16xf32> to vector<16xf32>
        %parallel_loop3A_934 = arith.constant 4 : i32
        %parallel_loop3A_935 = arith.index_cast %parallel_loop3A_934 : i32 to index
        %parallel_loop3A_936 = arith.index_cast %parallel_loop3A_927 : i32 to index
        %parallel_loop3A_937 = tpu.vector_load %arg13[%parallel_loop3A_935, %parallel_loop3A_936] {strides = array<i32>} : memref<8x640xf32, #tpu.memory_space<vmem>>, vector<1x16xf32>,
        %parallel_loop3A_938 = vector.shape_cast %parallel_loop3A_937 : vector<1x16xf32> to vector<16xf32>
        %parallel_loop3A_939 = vector.shape_cast %parallel_loop3A_933 : vector<16xf32> to vector<1x16xf32>
        tpu.vector_store %arg13[%parallel_loop3A_935, %parallel_loop3A_936], %parallel_loop3A_939 {add = true, strides = array<i32>} : memref<8x640xf32, #tpu.memory_space<vmem>>, vector<1x16xf32>,
      } {sc.loop_unroll_factor = 8 : i64, sc.parallel_access}
    } else {
    }
    %get3A_430 = arith.constant 5 : i32
    %get3A_431 = arith.index_cast %get3A_430 : i32 to index
    %get3A_432 = memref.load %arg11[%get3A_431] : memref<32xi32, #tpu.memory_space<smem>>
    %get3A_433 = arith.constant 5 : i32
    %get3A_434 = arith.index_cast %get3A_433 : i32 to index
    %get3A_435 = memref.load %arg12[%get3A_434] : memref<32xf32, #tpu.memory_space<smem>>
    %mul3A_436 = arith.constant 16000 : i32
    %mul3A_437 = arith.muli %get3A_432, %mul3A_436 : i32
    %add3A_438 = arith.constant 0 : i32
    %add3A_439 = arith.addi %mul3A_437, %add3A_438 : i32
    %lt3A_440 = arith.constant 8.000000e-01 : f32
    %lt3A_441 = arith.cmpf olt, %get3A_435, %lt3A_440 : f32
    %convert_element_type3A_442 = arith.extui %lt3A_441 : i1 to i32
    %cond3A_443 = arith.constant 0 : i32
    %cond3A_444 = arith.cmpi ne, %convert_element_type3A_442, %cond3A_443 : i32
    scf.if %cond3A_444 {
      %parallel_loop3A = arith.constant 0 : i32
      %parallel_loop3A_923 = arith.constant 40 : i32
      %parallel_loop3A_924 = arith.constant 1 : i32
      scf.for %parallel_loop3A_925 = %parallel_loop3A to %parallel_loop3A_923 step %parallel_loop3A_924  : i32 {
        %parallel_loop3A_926 = arith.constant 16 : i32
        %parallel_loop3A_927 = arith.muli %parallel_loop3A_925, %parallel_loop3A_926 : i32
        %parallel_loop3A_928 = arith.constant 16 : i32
        %parallel_loop3A_929 = arith.muli %parallel_loop3A_925, %parallel_loop3A_928 : i32
        %parallel_loop3A_930 = arith.addi %add3A_439, %parallel_loop3A_929 : i32
        %parallel_loop3A_931 = arith.index_cast %parallel_loop3A_930 : i32 to index
        %parallel_loop3A_932 = tpu.vector_load %arg7[%parallel_loop3A_931] {strides = array<i32>} : memref<96000xf32, #tpu.memory_space<vmem>>, vector<16xf32>,
        %parallel_loop3A_933 = vector.shape_cast %parallel_loop3A_932 : vector<16xf32> to vector<16xf32>
        %parallel_loop3A_934 = arith.constant 5 : i32
        %parallel_loop3A_935 = arith.index_cast %parallel_loop3A_934 : i32 to index
        %parallel_loop3A_936 = arith.index_cast %parallel_loop3A_927 : i32 to index
        %parallel_loop3A_937 = tpu.vector_load %arg13[%parallel_loop3A_935, %parallel_loop3A_936] {strides = array<i32>} : memref<8x640xf32, #tpu.memory_space<vmem>>, vector<1x16xf32>,
        %parallel_loop3A_938 = vector.shape_cast %parallel_loop3A_937 : vector<1x16xf32> to vector<16xf32>
        %parallel_loop3A_939 = vector.shape_cast %parallel_loop3A_933 : vector<16xf32> to vector<1x16xf32>
        tpu.vector_store %arg13[%parallel_loop3A_935, %parallel_loop3A_936], %parallel_loop3A_939 {add = true, strides = array<i32>} : memref<8x640xf32, #tpu.memory_space<vmem>>, vector<1x16xf32>,
      } {sc.loop_unroll_factor = 8 : i64, sc.parallel_access}
    } else {
    }
    %get3A_445 = arith.constant 6 : i32
    %get3A_446 = arith.index_cast %get3A_445 : i32 to index
    %get3A_447 = memref.load %arg11[%get3A_446] : memref<32xi32, #tpu.memory_space<smem>>
    %get3A_448 = arith.constant 6 : i32
    %get3A_449 = arith.index_cast %get3A_448 : i32 to index
    %get3A_450 = memref.load %arg12[%get3A_449] : memref<32xf32, #tpu.memory_space<smem>>
    %mul3A_451 = arith.constant 16000 : i32
    %mul3A_452 = arith.muli %get3A_447, %mul3A_451 : i32
    %add3A_453 = arith.constant 0 : i32
    %add3A_454 = arith.addi %mul3A_452, %add3A_453 : i32
    %lt3A_455 = arith.constant 8.000000e-01 : f32
    %lt3A_456 = arith.cmpf olt, %get3A_450, %lt3A_455 : f32
    %convert_element_type3A_457 = arith.extui %lt3A_456 : i1 to i32
    %cond3A_458 = arith.constant 0 : i32
    %cond3A_459 = arith.cmpi ne, %convert_element_type3A_457, %cond3A_458 : i32
    scf.if %cond3A_459 {
      %parallel_loop3A = arith.constant 0 : i32
      %parallel_loop3A_923 = arith.constant 40 : i32
      %parallel_loop3A_924 = arith.constant 1 : i32
      scf.for %parallel_loop3A_925 = %parallel_loop3A to %parallel_loop3A_923 step %parallel_loop3A_924  : i32 {
        %parallel_loop3A_926 = arith.constant 16 : i32
        %parallel_loop3A_927 = arith.muli %parallel_loop3A_925, %parallel_loop3A_926 : i32
        %parallel_loop3A_928 = arith.constant 16 : i32
        %parallel_loop3A_929 = arith.muli %parallel_loop3A_925, %parallel_loop3A_928 : i32
        %parallel_loop3A_930 = arith.addi %add3A_454, %parallel_loop3A_929 : i32
        %parallel_loop3A_931 = arith.index_cast %parallel_loop3A_930 : i32 to index
        %parallel_loop3A_932 = tpu.vector_load %arg7[%parallel_loop3A_931] {strides = array<i32>} : memref<96000xf32, #tpu.memory_space<vmem>>, vector<16xf32>,
        %parallel_loop3A_933 = vector.shape_cast %parallel_loop3A_932 : vector<16xf32> to vector<16xf32>
        %parallel_loop3A_934 = arith.constant 6 : i32
        %parallel_loop3A_935 = arith.index_cast %parallel_loop3A_934 : i32 to index
        %parallel_loop3A_936 = arith.index_cast %parallel_loop3A_927 : i32 to index
        %parallel_loop3A_937 = tpu.vector_load %arg13[%parallel_loop3A_935, %parallel_loop3A_936] {strides = array<i32>} : memref<8x640xf32, #tpu.memory_space<vmem>>, vector<1x16xf32>,
        %parallel_loop3A_938 = vector.shape_cast %parallel_loop3A_937 : vector<1x16xf32> to vector<16xf32>
        %parallel_loop3A_939 = vector.shape_cast %parallel_loop3A_933 : vector<16xf32> to vector<1x16xf32>
        tpu.vector_store %arg13[%parallel_loop3A_935, %parallel_loop3A_936], %parallel_loop3A_939 {add = true, strides = array<i32>} : memref<8x640xf32, #tpu.memory_space<vmem>>, vector<1x16xf32>,
      } {sc.loop_unroll_factor = 8 : i64, sc.parallel_access}
    } else {
    }
    %get3A_460 = arith.constant 7 : i32
    %get3A_461 = arith.index_cast %get3A_460 : i32 to index
    %get3A_462 = memref.load %arg11[%get3A_461] : memref<32xi32, #tpu.memory_space<smem>>
    %get3A_463 = arith.constant 7 : i32
    %get3A_464 = arith.index_cast %get3A_463 : i32 to index
    %get3A_465 = memref.load %arg12[%get3A_464] : memref<32xf32, #tpu.memory_space<smem>>
    %mul3A_466 = arith.constant 16000 : i32
    %mul3A_467 = arith.muli %get3A_462, %mul3A_466 : i32
    %add3A_468 = arith.constant 0 : i32
    %add3A_469 = arith.addi %mul3A_467, %add3A_468 : i32
    %lt3A_470 = arith.constant 8.000000e-01 : f32
    %lt3A_471 = arith.cmpf olt, %get3A_465, %lt3A_470 : f32
    %convert_element_type3A_472 = arith.extui %lt3A_471 : i1 to i32
    %cond3A_473 = arith.constant 0 : i32
    %cond3A_474 = arith.cmpi ne, %convert_element_type3A_472, %cond3A_473 : i32
    scf.if %cond3A_474 {
      %parallel_loop3A = arith.constant 0 : i32
      %parallel_loop3A_923 = arith.constant 40 : i32
      %parallel_loop3A_924 = arith.constant 1 : i32
      scf.for %parallel_loop3A_925 = %parallel_loop3A to %parallel_loop3A_923 step %parallel_loop3A_924  : i32 {
        %parallel_loop3A_926 = arith.constant 16 : i32
        %parallel_loop3A_927 = arith.muli %parallel_loop3A_925, %parallel_loop3A_926 : i32
        %parallel_loop3A_928 = arith.constant 16 : i32
        %parallel_loop3A_929 = arith.muli %parallel_loop3A_925, %parallel_loop3A_928 : i32
        %parallel_loop3A_930 = arith.addi %add3A_469, %parallel_loop3A_929 : i32
        %parallel_loop3A_931 = arith.index_cast %parallel_loop3A_930 : i32 to index
        %parallel_loop3A_932 = tpu.vector_load %arg7[%parallel_loop3A_931] {strides = array<i32>} : memref<96000xf32, #tpu.memory_space<vmem>>, vector<16xf32>,
        %parallel_loop3A_933 = vector.shape_cast %parallel_loop3A_932 : vector<16xf32> to vector<16xf32>
        %parallel_loop3A_934 = arith.constant 7 : i32
        %parallel_loop3A_935 = arith.index_cast %parallel_loop3A_934 : i32 to index
        %parallel_loop3A_936 = arith.index_cast %parallel_loop3A_927 : i32 to index
        %parallel_loop3A_937 = tpu.vector_load %arg13[%parallel_loop3A_935, %parallel_loop3A_936] {strides = array<i32>} : memref<8x640xf32, #tpu.memory_space<vmem>>, vector<1x16xf32>,
        %parallel_loop3A_938 = vector.shape_cast %parallel_loop3A_937 : vector<1x16xf32> to vector<16xf32>
        %parallel_loop3A_939 = vector.shape_cast %parallel_loop3A_933 : vector<16xf32> to vector<1x16xf32>
        tpu.vector_store %arg13[%parallel_loop3A_935, %parallel_loop3A_936], %parallel_loop3A_939 {add = true, strides = array<i32>} : memref<8x640xf32, #tpu.memory_space<vmem>>, vector<1x16xf32>,
      } {sc.loop_unroll_factor = 8 : i64, sc.parallel_access}
    } else {
    }
    %add3A_475 = arith.constant 0 : i32
    %add3A_476 = arith.addi %mul3A_2, %add3A_475 : i32
    %dma_start3A_477 = arith.constant 0 : i32
    %dma_start3A_478 = tpu.memref_slice %arg6[%add3A_476, %dma_start3A_477] : memref<1024x16000xf32, #tpu.memory_space<hbm>> -> memref<8x640xf32, #tpu.memory_space<hbm>>
    %dma_start3A_479 = arith.constant 0 : i32
    %dma_start3A_480 = tpu.memref_slice %arg6[%add3A_476, %dma_start3A_479] : memref<1024x16000xf32, #tpu.memory_space<hbm>> -> memref<8x640xf32, #tpu.memory_space<hbm>>
    tpu.enqueue_dma source(%arg13 : memref<8x640xf32, #tpu.memory_space<vmem>>) target(%dma_start3A_480 : memref<8x640xf32, #tpu.memory_space<hbm>>) target_semaphore(%arg19 : memref<!tpu.dma_semaphore, #tpu.memory_space<semaphore_mem>>)
    %add3A_481 = arith.constant 16 : i32
    %add3A_482 = arith.addi %mul3A_2, %add3A_481 : i32
    %dma_start3A_483 = arith.constant 0 : i32
    %dma_start3A_484 = tpu.memref_slice %arg2[%add3A_482, %dma_start3A_483] : memref<1024x16000xf32, #tpu.memory_space<hbm>> -> memref<8x640xf32, #tpu.memory_space<hbm>>
    %dma_start3A_485 = arith.constant 0 : i32
    %dma_start3A_486 = tpu.memref_slice %arg2[%add3A_482, %dma_start3A_485] : memref<1024x16000xf32, #tpu.memory_space<hbm>> -> memref<8x640xf32, #tpu.memory_space<hbm>>
    tpu.enqueue_dma source(%dma_start3A_486 : memref<8x640xf32, #tpu.memory_space<hbm>>) target(%arg15 : memref<8x640xf32, #tpu.memory_space<vmem>>) target_semaphore(%arg18 : memref<!tpu.dma_semaphore, #tpu.memory_space<semaphore_mem>>)
    %dma_wait3A_487 = arith.constant 0 : i32
    %dma_wait3A_488 = arith.constant 0 : i32
    %dma_wait3A_489 = tpu.memref_slice %arg2[%dma_wait3A_487, %dma_wait3A_488] : memref<1024x16000xf32, #tpu.memory_space<hbm>> -> memref<8x640xf32, #tpu.memory_space<hbm>>
    %dma_wait3A_490 = arith.constant 0 : i32
    %dma_wait3A_491 = arith.constant 0 : i32
    %dma_wait3A_492 = tpu.memref_slice %arg2[%dma_wait3A_490, %dma_wait3A_491] : memref<1024x16000xf32, #tpu.memory_space<hbm>> -> memref<8x640xf32, #tpu.memory_space<hbm>>
    tpu.wait_dma2 semaphore(%arg17 : memref<!tpu.dma_semaphore, #tpu.memory_space<semaphore_mem>>) src(%dma_wait3A_492 : memref<8x640xf32, #tpu.memory_space<hbm>>) dst(%arg14 : memref<8x640xf32, #tpu.memory_space<vmem>>)
    %add3A_493 = arith.constant 8 : i32
    %add3A_494 = arith.addi %mul3A_2, %add3A_493 : i32
    %get3A_495 = arith.constant 8 : i32
    %get3A_496 = arith.index_cast %get3A_495 : i32 to index
    %get3A_497 = memref.load %arg11[%get3A_496] : memref<32xi32, #tpu.memory_space<smem>>
    %get3A_498 = arith.constant 8 : i32
    %get3A_499 = arith.index_cast %get3A_498 : i32 to index
    %get3A_500 = memref.load %arg12[%get3A_499] : memref<32xf32, #tpu.memory_space<smem>>
    %mul3A_501 = arith.constant 16000 : i32
    %mul3A_502 = arith.muli %get3A_497, %mul3A_501 : i32
    %add3A_503 = arith.constant 0 : i32
    %add3A_504 = arith.addi %mul3A_502, %add3A_503 : i32
    %lt3A_505 = arith.constant 8.000000e-01 : f32
    %lt3A_506 = arith.cmpf olt, %get3A_500, %lt3A_505 : f32
    %convert_element_type3A_507 = arith.extui %lt3A_506 : i1 to i32
    %cond3A_508 = arith.constant 0 : i32
    %cond3A_509 = arith.cmpi ne, %convert_element_type3A_507, %cond3A_508 : i32
    scf.if %cond3A_509 {
      %parallel_loop3A = arith.constant 0 : i32
      %parallel_loop3A_923 = arith.constant 40 : i32
      %parallel_loop3A_924 = arith.constant 1 : i32
      scf.for %parallel_loop3A_925 = %parallel_loop3A to %parallel_loop3A_923 step %parallel_loop3A_924  : i32 {
        %parallel_loop3A_926 = arith.constant 16 : i32
        %parallel_loop3A_927 = arith.muli %parallel_loop3A_925, %parallel_loop3A_926 : i32
        %parallel_loop3A_928 = arith.constant 16 : i32
        %parallel_loop3A_929 = arith.muli %parallel_loop3A_925, %parallel_loop3A_928 : i32
        %parallel_loop3A_930 = arith.addi %add3A_504, %parallel_loop3A_929 : i32
        %parallel_loop3A_931 = arith.index_cast %parallel_loop3A_930 : i32 to index
        %parallel_loop3A_932 = tpu.vector_load %arg7[%parallel_loop3A_931] {strides = array<i32>} : memref<96000xf32, #tpu.memory_space<vmem>>, vector<16xf32>,
        %parallel_loop3A_933 = vector.shape_cast %parallel_loop3A_932 : vector<16xf32> to vector<16xf32>
        %parallel_loop3A_934 = arith.constant 0 : i32
        %parallel_loop3A_935 = arith.index_cast %parallel_loop3A_934 : i32 to index
        %parallel_loop3A_936 = arith.index_cast %parallel_loop3A_927 : i32 to index
        %parallel_loop3A_937 = tpu.vector_load %arg14[%parallel_loop3A_935, %parallel_loop3A_936] {strides = array<i32>} : memref<8x640xf32, #tpu.memory_space<vmem>>, vector<1x16xf32>,
        %parallel_loop3A_938 = vector.shape_cast %parallel_loop3A_937 : vector<1x16xf32> to vector<16xf32>
        %parallel_loop3A_939 = vector.shape_cast %parallel_loop3A_933 : vector<16xf32> to vector<1x16xf32>
        tpu.vector_store %arg14[%parallel_loop3A_935, %parallel_loop3A_936], %parallel_loop3A_939 {add = true, strides = array<i32>} : memref<8x640xf32, #tpu.memory_space<vmem>>, vector<1x16xf32>,
      } {sc.loop_unroll_factor = 8 : i64, sc.parallel_access}
    } else {
    }
    %get3A_510 = arith.constant 9 : i32
    %get3A_511 = arith.index_cast %get3A_510 : i32 to index
    %get3A_512 = memref.load %arg11[%get3A_511] : memref<32xi32, #tpu.memory_space<smem>>
    %get3A_513 = arith.constant 9 : i32
    %get3A_514 = arith.index_cast %get3A_513 : i32 to index
    %get3A_515 = memref.load %arg12[%get3A_514] : memref<32xf32, #tpu.memory_space<smem>>
    %mul3A_516 = arith.constant 16000 : i32
    %mul3A_517 = arith.muli %get3A_512, %mul3A_516 : i32
    %add3A_518 = arith.constant 0 : i32
    %add3A_519 = arith.addi %mul3A_517, %add3A_518 : i32
    %lt3A_520 = arith.constant 8.000000e-01 : f32
    %lt3A_521 = arith.cmpf olt, %get3A_515, %lt3A_520 : f32
    %convert_element_type3A_522 = arith.extui %lt3A_521 : i1 to i32
    %cond3A_523 = arith.constant 0 : i32
    %cond3A_524 = arith.cmpi ne, %convert_element_type3A_522, %cond3A_523 : i32
    scf.if %cond3A_524 {
      %parallel_loop3A = arith.constant 0 : i32
      %parallel_loop3A_923 = arith.constant 40 : i32
      %parallel_loop3A_924 = arith.constant 1 : i32
      scf.for %parallel_loop3A_925 = %parallel_loop3A to %parallel_loop3A_923 step %parallel_loop3A_924  : i32 {
        %parallel_loop3A_926 = arith.constant 16 : i32
        %parallel_loop3A_927 = arith.muli %parallel_loop3A_925, %parallel_loop3A_926 : i32
        %parallel_loop3A_928 = arith.constant 16 : i32
        %parallel_loop3A_929 = arith.muli %parallel_loop3A_925, %parallel_loop3A_928 : i32
        %parallel_loop3A_930 = arith.addi %add3A_519, %parallel_loop3A_929 : i32
        %parallel_loop3A_931 = arith.index_cast %parallel_loop3A_930 : i32 to index
        %parallel_loop3A_932 = tpu.vector_load %arg7[%parallel_loop3A_931] {strides = array<i32>} : memref<96000xf32, #tpu.memory_space<vmem>>, vector<16xf32>,
        %parallel_loop3A_933 = vector.shape_cast %parallel_loop3A_932 : vector<16xf32> to vector<16xf32>
        %parallel_loop3A_934 = arith.constant 1 : i32
        %parallel_loop3A_935 = arith.index_cast %parallel_loop3A_934 : i32 to index
        %parallel_loop3A_936 = arith.index_cast %parallel_loop3A_927 : i32 to index
        %parallel_loop3A_937 = tpu.vector_load %arg14[%parallel_loop3A_935, %parallel_loop3A_936] {strides = array<i32>} : memref<8x640xf32, #tpu.memory_space<vmem>>, vector<1x16xf32>,
        %parallel_loop3A_938 = vector.shape_cast %parallel_loop3A_937 : vector<1x16xf32> to vector<16xf32>
        %parallel_loop3A_939 = vector.shape_cast %parallel_loop3A_933 : vector<16xf32> to vector<1x16xf32>
        tpu.vector_store %arg14[%parallel_loop3A_935, %parallel_loop3A_936], %parallel_loop3A_939 {add = true, strides = array<i32>} : memref<8x640xf32, #tpu.memory_space<vmem>>, vector<1x16xf32>,
      } {sc.loop_unroll_factor = 8 : i64, sc.parallel_access}
    } else {
    }
    %get3A_525 = arith.constant 10 : i32
    %get3A_526 = arith.index_cast %get3A_525 : i32 to index
    %get3A_527 = memref.load %arg11[%get3A_526] : memref<32xi32, #tpu.memory_space<smem>>
    %get3A_528 = arith.constant 10 : i32
    %get3A_529 = arith.index_cast %get3A_528 : i32 to index
    %get3A_530 = memref.load %arg12[%get3A_529] : memref<32xf32, #tpu.memory_space<smem>>
    %mul3A_531 = arith.constant 16000 : i32
    %mul3A_532 = arith.muli %get3A_527, %mul3A_531 : i32
    %add3A_533 = arith.constant 0 : i32
    %add3A_534 = arith.addi %mul3A_532, %add3A_533 : i32
    %lt3A_535 = arith.constant 8.000000e-01 : f32
    %lt3A_536 = arith.cmpf olt, %get3A_530, %lt3A_535 : f32
    %convert_element_type3A_537 = arith.extui %lt3A_536 : i1 to i32
    %cond3A_538 = arith.constant 0 : i32
    %cond3A_539 = arith.cmpi ne, %convert_element_type3A_537, %cond3A_538 : i32
    scf.if %cond3A_539 {
      %parallel_loop3A = arith.constant 0 : i32
      %parallel_loop3A_923 = arith.constant 40 : i32
      %parallel_loop3A_924 = arith.constant 1 : i32
      scf.for %parallel_loop3A_925 = %parallel_loop3A to %parallel_loop3A_923 step %parallel_loop3A_924  : i32 {
        %parallel_loop3A_926 = arith.constant 16 : i32
        %parallel_loop3A_927 = arith.muli %parallel_loop3A_925, %parallel_loop3A_926 : i32
        %parallel_loop3A_928 = arith.constant 16 : i32
        %parallel_loop3A_929 = arith.muli %parallel_loop3A_925, %parallel_loop3A_928 : i32
        %parallel_loop3A_930 = arith.addi %add3A_534, %parallel_loop3A_929 : i32
        %parallel_loop3A_931 = arith.index_cast %parallel_loop3A_930 : i32 to index
        %parallel_loop3A_932 = tpu.vector_load %arg7[%parallel_loop3A_931] {strides = array<i32>} : memref<96000xf32, #tpu.memory_space<vmem>>, vector<16xf32>,
        %parallel_loop3A_933 = vector.shape_cast %parallel_loop3A_932 : vector<16xf32> to vector<16xf32>
        %parallel_loop3A_934 = arith.constant 2 : i32
        %parallel_loop3A_935 = arith.index_cast %parallel_loop3A_934 : i32 to index
        %parallel_loop3A_936 = arith.index_cast %parallel_loop3A_927 : i32 to index
        %parallel_loop3A_937 = tpu.vector_load %arg14[%parallel_loop3A_935, %parallel_loop3A_936] {strides = array<i32>} : memref<8x640xf32, #tpu.memory_space<vmem>>, vector<1x16xf32>,
        %parallel_loop3A_938 = vector.shape_cast %parallel_loop3A_937 : vector<1x16xf32> to vector<16xf32>
        %parallel_loop3A_939 = vector.shape_cast %parallel_loop3A_933 : vector<16xf32> to vector<1x16xf32>
        tpu.vector_store %arg14[%parallel_loop3A_935, %parallel_loop3A_936], %parallel_loop3A_939 {add = true, strides = array<i32>} : memref<8x640xf32, #tpu.memory_space<vmem>>, vector<1x16xf32>,
      } {sc.loop_unroll_factor = 8 : i64, sc.parallel_access}
    } else {
    }
    %get3A_540 = arith.constant 11 : i32
    %get3A_541 = arith.index_cast %get3A_540 : i32 to index
    %get3A_542 = memref.load %arg11[%get3A_541] : memref<32xi32, #tpu.memory_space<smem>>
    %get3A_543 = arith.constant 11 : i32
    %get3A_544 = arith.index_cast %get3A_543 : i32 to index
    %get3A_545 = memref.load %arg12[%get3A_544] : memref<32xf32, #tpu.memory_space<smem>>
    %mul3A_546 = arith.constant 16000 : i32
    %mul3A_547 = arith.muli %get3A_542, %mul3A_546 : i32
    %add3A_548 = arith.constant 0 : i32
    %add3A_549 = arith.addi %mul3A_547, %add3A_548 : i32
    %lt3A_550 = arith.constant 8.000000e-01 : f32
    %lt3A_551 = arith.cmpf olt, %get3A_545, %lt3A_550 : f32
    %convert_element_type3A_552 = arith.extui %lt3A_551 : i1 to i32
    %cond3A_553 = arith.constant 0 : i32
    %cond3A_554 = arith.cmpi ne, %convert_element_type3A_552, %cond3A_553 : i32
    scf.if %cond3A_554 {
      %parallel_loop3A = arith.constant 0 : i32
      %parallel_loop3A_923 = arith.constant 40 : i32
      %parallel_loop3A_924 = arith.constant 1 : i32
      scf.for %parallel_loop3A_925 = %parallel_loop3A to %parallel_loop3A_923 step %parallel_loop3A_924  : i32 {
        %parallel_loop3A_926 = arith.constant 16 : i32
        %parallel_loop3A_927 = arith.muli %parallel_loop3A_925, %parallel_loop3A_926 : i32
        %parallel_loop3A_928 = arith.constant 16 : i32
        %parallel_loop3A_929 = arith.muli %parallel_loop3A_925, %parallel_loop3A_928 : i32
        %parallel_loop3A_930 = arith.addi %add3A_549, %parallel_loop3A_929 : i32
        %parallel_loop3A_931 = arith.index_cast %parallel_loop3A_930 : i32 to index
        %parallel_loop3A_932 = tpu.vector_load %arg7[%parallel_loop3A_931] {strides = array<i32>} : memref<96000xf32, #tpu.memory_space<vmem>>, vector<16xf32>,
        %parallel_loop3A_933 = vector.shape_cast %parallel_loop3A_932 : vector<16xf32> to vector<16xf32>
        %parallel_loop3A_934 = arith.constant 3 : i32
        %parallel_loop3A_935 = arith.index_cast %parallel_loop3A_934 : i32 to index
        %parallel_loop3A_936 = arith.index_cast %parallel_loop3A_927 : i32 to index
        %parallel_loop3A_937 = tpu.vector_load %arg14[%parallel_loop3A_935, %parallel_loop3A_936] {strides = array<i32>} : memref<8x640xf32, #tpu.memory_space<vmem>>, vector<1x16xf32>,
        %parallel_loop3A_938 = vector.shape_cast %parallel_loop3A_937 : vector<1x16xf32> to vector<16xf32>
        %parallel_loop3A_939 = vector.shape_cast %parallel_loop3A_933 : vector<16xf32> to vector<1x16xf32>
        tpu.vector_store %arg14[%parallel_loop3A_935, %parallel_loop3A_936], %parallel_loop3A_939 {add = true, strides = array<i32>} : memref<8x640xf32, #tpu.memory_space<vmem>>, vector<1x16xf32>,
      } {sc.loop_unroll_factor = 8 : i64, sc.parallel_access}
    } else {
    }
    %get3A_555 = arith.constant 12 : i32
    %get3A_556 = arith.index_cast %get3A_555 : i32 to index
    %get3A_557 = memref.load %arg11[%get3A_556] : memref<32xi32, #tpu.memory_space<smem>>
    %get3A_558 = arith.constant 12 : i32
    %get3A_559 = arith.index_cast %get3A_558 : i32 to index
    %get3A_560 = memref.load %arg12[%get3A_559] : memref<32xf32, #tpu.memory_space<smem>>
    %mul3A_561 = arith.constant 16000 : i32
    %mul3A_562 = arith.muli %get3A_557, %mul3A_561 : i32
    %add3A_563 = arith.constant 0 : i32
    %add3A_564 = arith.addi %mul3A_562, %add3A_563 : i32
    %lt3A_565 = arith.constant 8.000000e-01 : f32
    %lt3A_566 = arith.cmpf olt, %get3A_560, %lt3A_565 : f32
    %convert_element_type3A_567 = arith.extui %lt3A_566 : i1 to i32
    %cond3A_568 = arith.constant 0 : i32
    %cond3A_569 = arith.cmpi ne, %convert_element_type3A_567, %cond3A_568 : i32
    scf.if %cond3A_569 {
      %parallel_loop3A = arith.constant 0 : i32
      %parallel_loop3A_923 = arith.constant 40 : i32
      %parallel_loop3A_924 = arith.constant 1 : i32
      scf.for %parallel_loop3A_925 = %parallel_loop3A to %parallel_loop3A_923 step %parallel_loop3A_924  : i32 {
        %parallel_loop3A_926 = arith.constant 16 : i32
        %parallel_loop3A_927 = arith.muli %parallel_loop3A_925, %parallel_loop3A_926 : i32
        %parallel_loop3A_928 = arith.constant 16 : i32
        %parallel_loop3A_929 = arith.muli %parallel_loop3A_925, %parallel_loop3A_928 : i32
        %parallel_loop3A_930 = arith.addi %add3A_564, %parallel_loop3A_929 : i32
        %parallel_loop3A_931 = arith.index_cast %parallel_loop3A_930 : i32 to index
        %parallel_loop3A_932 = tpu.vector_load %arg7[%parallel_loop3A_931] {strides = array<i32>} : memref<96000xf32, #tpu.memory_space<vmem>>, vector<16xf32>,
        %parallel_loop3A_933 = vector.shape_cast %parallel_loop3A_932 : vector<16xf32> to vector<16xf32>
        %parallel_loop3A_934 = arith.constant 4 : i32
        %parallel_loop3A_935 = arith.index_cast %parallel_loop3A_934 : i32 to index
        %parallel_loop3A_936 = arith.index_cast %parallel_loop3A_927 : i32 to index
        %parallel_loop3A_937 = tpu.vector_load %arg14[%parallel_loop3A_935, %parallel_loop3A_936] {strides = array<i32>} : memref<8x640xf32, #tpu.memory_space<vmem>>, vector<1x16xf32>,
        %parallel_loop3A_938 = vector.shape_cast %parallel_loop3A_937 : vector<1x16xf32> to vector<16xf32>
        %parallel_loop3A_939 = vector.shape_cast %parallel_loop3A_933 : vector<16xf32> to vector<1x16xf32>
        tpu.vector_store %arg14[%parallel_loop3A_935, %parallel_loop3A_936], %parallel_loop3A_939 {add = true, strides = array<i32>} : memref<8x640xf32, #tpu.memory_space<vmem>>, vector<1x16xf32>,
      } {sc.loop_unroll_factor = 8 : i64, sc.parallel_access}
    } else {
    }
    %get3A_570 = arith.constant 13 : i32
    %get3A_571 = arith.index_cast %get3A_570 : i32 to index
    %get3A_572 = memref.load %arg11[%get3A_571] : memref<32xi32, #tpu.memory_space<smem>>
    %get3A_573 = arith.constant 13 : i32
    %get3A_574 = arith.index_cast %get3A_573 : i32 to index
    %get3A_575 = memref.load %arg12[%get3A_574] : memref<32xf32, #tpu.memory_space<smem>>
    %mul3A_576 = arith.constant 16000 : i32
    %mul3A_577 = arith.muli %get3A_572, %mul3A_576 : i32
    %add3A_578 = arith.constant 0 : i32
    %add3A_579 = arith.addi %mul3A_577, %add3A_578 : i32
    %lt3A_580 = arith.constant 8.000000e-01 : f32
    %lt3A_581 = arith.cmpf olt, %get3A_575, %lt3A_580 : f32
    %convert_element_type3A_582 = arith.extui %lt3A_581 : i1 to i32
    %cond3A_583 = arith.constant 0 : i32
    %cond3A_584 = arith.cmpi ne, %convert_element_type3A_582, %cond3A_583 : i32
    scf.if %cond3A_584 {
      %parallel_loop3A = arith.constant 0 : i32
      %parallel_loop3A_923 = arith.constant 40 : i32
      %parallel_loop3A_924 = arith.constant 1 : i32
      scf.for %parallel_loop3A_925 = %parallel_loop3A to %parallel_loop3A_923 step %parallel_loop3A_924  : i32 {
        %parallel_loop3A_926 = arith.constant 16 : i32
        %parallel_loop3A_927 = arith.muli %parallel_loop3A_925, %parallel_loop3A_926 : i32
        %parallel_loop3A_928 = arith.constant 16 : i32
        %parallel_loop3A_929 = arith.muli %parallel_loop3A_925, %parallel_loop3A_928 : i32
        %parallel_loop3A_930 = arith.addi %add3A_579, %parallel_loop3A_929 : i32
        %parallel_loop3A_931 = arith.index_cast %parallel_loop3A_930 : i32 to index
        %parallel_loop3A_932 = tpu.vector_load %arg7[%parallel_loop3A_931] {strides = array<i32>} : memref<96000xf32, #tpu.memory_space<vmem>>, vector<16xf32>,
        %parallel_loop3A_933 = vector.shape_cast %parallel_loop3A_932 : vector<16xf32> to vector<16xf32>
        %parallel_loop3A_934 = arith.constant 5 : i32
        %parallel_loop3A_935 = arith.index_cast %parallel_loop3A_934 : i32 to index
        %parallel_loop3A_936 = arith.index_cast %parallel_loop3A_927 : i32 to index
        %parallel_loop3A_937 = tpu.vector_load %arg14[%parallel_loop3A_935, %parallel_loop3A_936] {strides = array<i32>} : memref<8x640xf32, #tpu.memory_space<vmem>>, vector<1x16xf32>,
        %parallel_loop3A_938 = vector.shape_cast %parallel_loop3A_937 : vector<1x16xf32> to vector<16xf32>
        %parallel_loop3A_939 = vector.shape_cast %parallel_loop3A_933 : vector<16xf32> to vector<1x16xf32>
        tpu.vector_store %arg14[%parallel_loop3A_935, %parallel_loop3A_936], %parallel_loop3A_939 {add = true, strides = array<i32>} : memref<8x640xf32, #tpu.memory_space<vmem>>, vector<1x16xf32>,
      } {sc.loop_unroll_factor = 8 : i64, sc.parallel_access}
    } else {
    }
    %get3A_585 = arith.constant 14 : i32
    %get3A_586 = arith.index_cast %get3A_585 : i32 to index
    %get3A_587 = memref.load %arg11[%get3A_586] : memref<32xi32, #tpu.memory_space<smem>>
    %get3A_588 = arith.constant 14 : i32
    %get3A_589 = arith.index_cast %get3A_588 : i32 to index
    %get3A_590 = memref.load %arg12[%get3A_589] : memref<32xf32, #tpu.memory_space<smem>>
    %mul3A_591 = arith.constant 16000 : i32
    %mul3A_592 = arith.muli %get3A_587, %mul3A_591 : i32
    %add3A_593 = arith.constant 0 : i32
    %add3A_594 = arith.addi %mul3A_592, %add3A_593 : i32
    %lt3A_595 = arith.constant 8.000000e-01 : f32
    %lt3A_596 = arith.cmpf olt, %get3A_590, %lt3A_595 : f32
    %convert_element_type3A_597 = arith.extui %lt3A_596 : i1 to i32
    %cond3A_598 = arith.constant 0 : i32
    %cond3A_599 = arith.cmpi ne, %convert_element_type3A_597, %cond3A_598 : i32
    scf.if %cond3A_599 {
      %parallel_loop3A = arith.constant 0 : i32
      %parallel_loop3A_923 = arith.constant 40 : i32
      %parallel_loop3A_924 = arith.constant 1 : i32
      scf.for %parallel_loop3A_925 = %parallel_loop3A to %parallel_loop3A_923 step %parallel_loop3A_924  : i32 {
        %parallel_loop3A_926 = arith.constant 16 : i32
        %parallel_loop3A_927 = arith.muli %parallel_loop3A_925, %parallel_loop3A_926 : i32
        %parallel_loop3A_928 = arith.constant 16 : i32
        %parallel_loop3A_929 = arith.muli %parallel_loop3A_925, %parallel_loop3A_928 : i32
        %parallel_loop3A_930 = arith.addi %add3A_594, %parallel_loop3A_929 : i32
        %parallel_loop3A_931 = arith.index_cast %parallel_loop3A_930 : i32 to index
        %parallel_loop3A_932 = tpu.vector_load %arg7[%parallel_loop3A_931] {strides = array<i32>} : memref<96000xf32, #tpu.memory_space<vmem>>, vector<16xf32>,
        %parallel_loop3A_933 = vector.shape_cast %parallel_loop3A_932 : vector<16xf32> to vector<16xf32>
        %parallel_loop3A_934 = arith.constant 6 : i32
        %parallel_loop3A_935 = arith.index_cast %parallel_loop3A_934 : i32 to index
        %parallel_loop3A_936 = arith.index_cast %parallel_loop3A_927 : i32 to index
        %parallel_loop3A_937 = tpu.vector_load %arg14[%parallel_loop3A_935, %parallel_loop3A_936] {strides = array<i32>} : memref<8x640xf32, #tpu.memory_space<vmem>>, vector<1x16xf32>,
        %parallel_loop3A_938 = vector.shape_cast %parallel_loop3A_937 : vector<1x16xf32> to vector<16xf32>
        %parallel_loop3A_939 = vector.shape_cast %parallel_loop3A_933 : vector<16xf32> to vector<1x16xf32>
        tpu.vector_store %arg14[%parallel_loop3A_935, %parallel_loop3A_936], %parallel_loop3A_939 {add = true, strides = array<i32>} : memref<8x640xf32, #tpu.memory_space<vmem>>, vector<1x16xf32>,
      } {sc.loop_unroll_factor = 8 : i64, sc.parallel_access}
    } else {
    }
    %get3A_600 = arith.constant 15 : i32
    %get3A_601 = arith.index_cast %get3A_600 : i32 to index
    %get3A_602 = memref.load %arg11[%get3A_601] : memref<32xi32, #tpu.memory_space<smem>>
    %get3A_603 = arith.constant 15 : i32
    %get3A_604 = arith.index_cast %get3A_603 : i32 to index
    %get3A_605 = memref.load %arg12[%get3A_604] : memref<32xf32, #tpu.memory_space<smem>>
    %mul3A_606 = arith.constant 16000 : i32
    %mul3A_607 = arith.muli %get3A_602, %mul3A_606 : i32
    %add3A_608 = arith.constant 0 : i32
    %add3A_609 = arith.addi %mul3A_607, %add3A_608 : i32
    %lt3A_610 = arith.constant 8.000000e-01 : f32
    %lt3A_611 = arith.cmpf olt, %get3A_605, %lt3A_610 : f32
    %convert_element_type3A_612 = arith.extui %lt3A_611 : i1 to i32
    %cond3A_613 = arith.constant 0 : i32
    %cond3A_614 = arith.cmpi ne, %convert_element_type3A_612, %cond3A_613 : i32
    scf.if %cond3A_614 {
      %parallel_loop3A = arith.constant 0 : i32
      %parallel_loop3A_923 = arith.constant 40 : i32
      %parallel_loop3A_924 = arith.constant 1 : i32
      scf.for %parallel_loop3A_925 = %parallel_loop3A to %parallel_loop3A_923 step %parallel_loop3A_924  : i32 {
        %parallel_loop3A_926 = arith.constant 16 : i32
        %parallel_loop3A_927 = arith.muli %parallel_loop3A_925, %parallel_loop3A_926 : i32
        %parallel_loop3A_928 = arith.constant 16 : i32
        %parallel_loop3A_929 = arith.muli %parallel_loop3A_925, %parallel_loop3A_928 : i32
        %parallel_loop3A_930 = arith.addi %add3A_609, %parallel_loop3A_929 : i32
        %parallel_loop3A_931 = arith.index_cast %parallel_loop3A_930 : i32 to index
        %parallel_loop3A_932 = tpu.vector_load %arg7[%parallel_loop3A_931] {strides = array<i32>} : memref<96000xf32, #tpu.memory_space<vmem>>, vector<16xf32>,
        %parallel_loop3A_933 = vector.shape_cast %parallel_loop3A_932 : vector<16xf32> to vector<16xf32>
        %parallel_loop3A_934 = arith.constant 7 : i32
        %parallel_loop3A_935 = arith.index_cast %parallel_loop3A_934 : i32 to index
        %parallel_loop3A_936 = arith.index_cast %parallel_loop3A_927 : i32 to index
        %parallel_loop3A_937 = tpu.vector_load %arg14[%parallel_loop3A_935, %parallel_loop3A_936] {strides = array<i32>} : memref<8x640xf32, #tpu.memory_space<vmem>>, vector<1x16xf32>,
        %parallel_loop3A_938 = vector.shape_cast %parallel_loop3A_937 : vector<1x16xf32> to vector<16xf32>
        %parallel_loop3A_939 = vector.shape_cast %parallel_loop3A_933 : vector<16xf32> to vector<1x16xf32>
        tpu.vector_store %arg14[%parallel_loop3A_935, %parallel_loop3A_936], %parallel_loop3A_939 {add = true, strides = array<i32>} : memref<8x640xf32, #tpu.memory_space<vmem>>, vector<1x16xf32>,
      } {sc.loop_unroll_factor = 8 : i64, sc.parallel_access}
    } else {
    }
    %add3A_615 = arith.constant 8 : i32
    %add3A_616 = arith.addi %mul3A_2, %add3A_615 : i32
    %dma_start3A_617 = arith.constant 0 : i32
    %dma_start3A_618 = tpu.memref_slice %arg6[%add3A_616, %dma_start3A_617] : memref<1024x16000xf32, #tpu.memory_space<hbm>> -> memref<8x640xf32, #tpu.memory_space<hbm>>
    %dma_start3A_619 = arith.constant 0 : i32
    %dma_start3A_620 = tpu.memref_slice %arg6[%add3A_616, %dma_start3A_619] : memref<1024x16000xf32, #tpu.memory_space<hbm>> -> memref<8x640xf32, #tpu.memory_space<hbm>>
    tpu.enqueue_dma source(%arg14 : memref<8x640xf32, #tpu.memory_space<vmem>>) target(%dma_start3A_620 : memref<8x640xf32, #tpu.memory_space<hbm>>) target_semaphore(%arg20 : memref<!tpu.dma_semaphore, #tpu.memory_space<semaphore_mem>>)
    %scan3A = arith.constant 0 : i32
    %scan3A_621 = arith.constant 32 : i32
    %scan3A_622 = arith.addi %scan3A, %scan3A_621 : i32
    %scan3A_623 = arith.constant 1 : i32
    scf.for %scan3A_923 = %scan3A to %scan3A_622 step %scan3A_623  : i32 {
      %mul3A_924 = arith.constant 1 : i32
      %mul3A_925 = arith.muli %scan3A_923, %mul3A_924 : i32
      %add3A_926 = arith.constant 0 : i32
      %add3A_927 = arith.addi %add3A_926, %mul3A_925 : i32
      %mul3A_928 = arith.constant 3 : i32
      %mul3A_929 = arith.muli %mul3A_928, %add3A_927 : i32
      %add3A_930 = arith.constant 2 : i32
      %add3A_931 = arith.addi %mul3A_929, %add3A_930 : i32
      %dma_wait3A_932 = arith.constant 0 : i32
      %dma_wait3A_933 = arith.constant 0 : i32
      %dma_wait3A_934 = tpu.memref_slice %arg6[%dma_wait3A_932, %dma_wait3A_933] : memref<1024x16000xf32, #tpu.memory_space<hbm>> -> memref<8x640xf32, #tpu.memory_space<hbm>>
      %dma_wait3A_935 = arith.constant 0 : i32
      %dma_wait3A_936 = arith.constant 0 : i32
      %dma_wait3A_937 = tpu.memref_slice %arg6[%dma_wait3A_935, %dma_wait3A_936] : memref<1024x16000xf32, #tpu.memory_space<hbm>> -> memref<8x640xf32, #tpu.memory_space<hbm>>
      tpu.wait_dma2 semaphore(%arg19 : memref<!tpu.dma_semaphore, #tpu.memory_space<semaphore_mem>>) src(%arg13 : memref<8x640xf32, #tpu.memory_space<vmem>>) dst(%dma_wait3A_937 : memref<8x640xf32, #tpu.memory_space<hbm>>)
      %add3A_938 = arith.constant 1 : i32
      %add3A_939 = arith.addi %add3A_931, %add3A_938 : i32
      %and3A = arith.constant 3 : i32
      %and3A_940 = arith.andi %add3A_939, %and3A : i32
      %mul3A_941 = arith.constant 8 : i32
      %mul3A_942 = arith.muli %and3A_940, %mul3A_941 : i32
      %add3A_943 = arith.addi %mul3A_2, %mul3A_942 : i32
      %shift_right_arithmetic3A = arith.constant 2 : i32
      %shift_right_arithmetic3A_944 = arith.shrsi %add3A_939, %shift_right_arithmetic3A : i32
      %mul3A_945 = arith.constant 640 : i32
      %mul3A_946 = arith.muli %shift_right_arithmetic3A_944, %mul3A_945 : i32
      %dma_start3A_947 = tpu.memref_slice %arg2[%add3A_943, %mul3A_946] : memref<1024x16000xf32, #tpu.memory_space<hbm>> -> memref<8x640xf32, #tpu.memory_space<hbm>>
      %dma_start3A_948 = tpu.memref_slice %arg2[%add3A_943, %mul3A_946] : memref<1024x16000xf32, #tpu.memory_space<hbm>> -> memref<8x640xf32, #tpu.memory_space<hbm>>
      tpu.enqueue_dma source(%dma_start3A_948 : memref<8x640xf32, #tpu.memory_space<hbm>>) target(%arg13 : memref<8x640xf32, #tpu.memory_space<vmem>>) target_semaphore(%arg16 : memref<!tpu.dma_semaphore, #tpu.memory_space<semaphore_mem>>)
      %dma_wait3A_949 = arith.constant 0 : i32
      %dma_wait3A_950 = arith.constant 0 : i32
      %dma_wait3A_951 = tpu.memref_slice %arg2[%dma_wait3A_949, %dma_wait3A_950] : memref<1024x16000xf32, #tpu.memory_space<hbm>> -> memref<8x640xf32, #tpu.memory_space<hbm>>
      %dma_wait3A_952 = arith.constant 0 : i32
      %dma_wait3A_953 = arith.constant 0 : i32
      %dma_wait3A_954 = tpu.memref_slice %arg2[%dma_wait3A_952, %dma_wait3A_953] : memref<1024x16000xf32, #tpu.memory_space<hbm>> -> memref<8x640xf32, #tpu.memory_space<hbm>>
      tpu.wait_dma2 semaphore(%arg18 : memref<!tpu.dma_semaphore, #tpu.memory_space<semaphore_mem>>) src(%dma_wait3A_954 : memref<8x640xf32, #tpu.memory_space<hbm>>) dst(%arg15 : memref<8x640xf32, #tpu.memory_space<vmem>>)
      %and3A_955 = arith.constant 3 : i32
      %and3A_956 = arith.andi %add3A_931, %and3A_955 : i32
      %mul3A_957 = arith.constant 8 : i32
      %mul3A_958 = arith.muli %and3A_956, %mul3A_957 : i32
      %add3A_959 = arith.addi %mul3A_2, %mul3A_958 : i32
      %shift_right_arithmetic3A_960 = arith.constant 2 : i32
      %shift_right_arithmetic3A_961 = arith.shrsi %add3A_931, %shift_right_arithmetic3A_960 : i32
      %mul3A_962 = arith.constant 640 : i32
      %mul3A_963 = arith.muli %shift_right_arithmetic3A_961, %mul3A_962 : i32
      %and3A_964 = arith.constant 3 : i32
      %and3A_965 = arith.andi %add3A_931, %and3A_964 : i32
      %mul3A_966 = arith.constant 8 : i32
      %mul3A_967 = arith.muli %and3A_965, %mul3A_966 : i32
      %add3A_968 = arith.constant 0 : i32
      %add3A_969 = arith.addi %mul3A_967, %add3A_968 : i32
      %get3A_970 = arith.index_cast %add3A_969 : i32 to index
      %get3A_971 = memref.load %arg11[%get3A_970] : memref<32xi32, #tpu.memory_space<smem>>
      %get3A_972 = arith.index_cast %add3A_969 : i32 to index
      %get3A_973 = memref.load %arg12[%get3A_972] : memref<32xf32, #tpu.memory_space<smem>>
      %mul3A_974 = arith.constant 16000 : i32
      %mul3A_975 = arith.muli %get3A_971, %mul3A_974 : i32
      %add3A_976 = arith.addi %mul3A_975, %mul3A_963 : i32
      %lt3A_977 = arith.constant 8.000000e-01 : f32
      %lt3A_978 = arith.cmpf olt, %get3A_973, %lt3A_977 : f32
      %convert_element_type3A_979 = arith.extui %lt3A_978 : i1 to i32
      %cond3A_980 = arith.constant 0 : i32
      %cond3A_981 = arith.cmpi ne, %convert_element_type3A_979, %cond3A_980 : i32
      scf.if %cond3A_981 {
        %parallel_loop3A = arith.constant 0 : i32
        %parallel_loop3A_1501 = arith.constant 40 : i32
        %parallel_loop3A_1502 = arith.constant 1 : i32
        scf.for %parallel_loop3A_1503 = %parallel_loop3A to %parallel_loop3A_1501 step %parallel_loop3A_1502  : i32 {
          %parallel_loop3A_1504 = arith.constant 16 : i32
          %parallel_loop3A_1505 = arith.muli %parallel_loop3A_1503, %parallel_loop3A_1504 : i32
          %parallel_loop3A_1506 = arith.constant 16 : i32
          %parallel_loop3A_1507 = arith.muli %parallel_loop3A_1503, %parallel_loop3A_1506 : i32
          %parallel_loop3A_1508 = arith.addi %add3A_976, %parallel_loop3A_1507 : i32
          %parallel_loop3A_1509 = arith.index_cast %parallel_loop3A_1508 : i32 to index
          %parallel_loop3A_1510 = tpu.vector_load %arg7[%parallel_loop3A_1509] {strides = array<i32>} : memref<96000xf32, #tpu.memory_space<vmem>>, vector<16xf32>,
          %parallel_loop3A_1511 = vector.shape_cast %parallel_loop3A_1510 : vector<16xf32> to vector<16xf32>
          %parallel_loop3A_1512 = arith.constant 0 : i32
          %parallel_loop3A_1513 = arith.index_cast %parallel_loop3A_1512 : i32 to index
          %parallel_loop3A_1514 = arith.index_cast %parallel_loop3A_1505 : i32 to index
          %parallel_loop3A_1515 = tpu.vector_load %arg15[%parallel_loop3A_1513, %parallel_loop3A_1514] {strides = array<i32>} : memref<8x640xf32, #tpu.memory_space<vmem>>, vector<1x16xf32>,
          %parallel_loop3A_1516 = vector.shape_cast %parallel_loop3A_1515 : vector<1x16xf32> to vector<16xf32>
          %parallel_loop3A_1517 = vector.shape_cast %parallel_loop3A_1511 : vector<16xf32> to vector<1x16xf32>
          tpu.vector_store %arg15[%parallel_loop3A_1513, %parallel_loop3A_1514], %parallel_loop3A_1517 {add = true, strides = array<i32>} : memref<8x640xf32, #tpu.memory_space<vmem>>, vector<1x16xf32>,
        } {sc.loop_unroll_factor = 8 : i64, sc.parallel_access}
      } else {
      }
      %and3A_982 = arith.constant 3 : i32
      %and3A_983 = arith.andi %add3A_931, %and3A_982 : i32
      %mul3A_984 = arith.constant 8 : i32
      %mul3A_985 = arith.muli %and3A_983, %mul3A_984 : i32
      %add3A_986 = arith.constant 1 : i32
      %add3A_987 = arith.addi %mul3A_985, %add3A_986 : i32
      %get3A_988 = arith.index_cast %add3A_987 : i32 to index
      %get3A_989 = memref.load %arg11[%get3A_988] : memref<32xi32, #tpu.memory_space<smem>>
      %get3A_990 = arith.index_cast %add3A_987 : i32 to index
      %get3A_991 = memref.load %arg12[%get3A_990] : memref<32xf32, #tpu.memory_space<smem>>
      %mul3A_992 = arith.constant 16000 : i32
      %mul3A_993 = arith.muli %get3A_989, %mul3A_992 : i32
      %add3A_994 = arith.addi %mul3A_993, %mul3A_963 : i32
      %lt3A_995 = arith.constant 8.000000e-01 : f32
      %lt3A_996 = arith.cmpf olt, %get3A_991, %lt3A_995 : f32
      %convert_element_type3A_997 = arith.extui %lt3A_996 : i1 to i32
      %cond3A_998 = arith.constant 0 : i32
      %cond3A_999 = arith.cmpi ne, %convert_element_type3A_997, %cond3A_998 : i32
      scf.if %cond3A_999 {
        %parallel_loop3A = arith.constant 0 : i32
        %parallel_loop3A_1501 = arith.constant 40 : i32
        %parallel_loop3A_1502 = arith.constant 1 : i32
        scf.for %parallel_loop3A_1503 = %parallel_loop3A to %parallel_loop3A_1501 step %parallel_loop3A_1502  : i32 {
          %parallel_loop3A_1504 = arith.constant 16 : i32
          %parallel_loop3A_1505 = arith.muli %parallel_loop3A_1503, %parallel_loop3A_1504 : i32
          %parallel_loop3A_1506 = arith.constant 16 : i32
          %parallel_loop3A_1507 = arith.muli %parallel_loop3A_1503, %parallel_loop3A_1506 : i32
          %parallel_loop3A_1508 = arith.addi %add3A_994, %parallel_loop3A_1507 : i32
          %parallel_loop3A_1509 = arith.index_cast %parallel_loop3A_1508 : i32 to index
          %parallel_loop3A_1510 = tpu.vector_load %arg7[%parallel_loop3A_1509] {strides = array<i32>} : memref<96000xf32, #tpu.memory_space<vmem>>, vector<16xf32>,
          %parallel_loop3A_1511 = vector.shape_cast %parallel_loop3A_1510 : vector<16xf32> to vector<16xf32>
          %parallel_loop3A_1512 = arith.constant 1 : i32
          %parallel_loop3A_1513 = arith.index_cast %parallel_loop3A_1512 : i32 to index
          %parallel_loop3A_1514 = arith.index_cast %parallel_loop3A_1505 : i32 to index
          %parallel_loop3A_1515 = tpu.vector_load %arg15[%parallel_loop3A_1513, %parallel_loop3A_1514] {strides = array<i32>} : memref<8x640xf32, #tpu.memory_space<vmem>>, vector<1x16xf32>,
          %parallel_loop3A_1516 = vector.shape_cast %parallel_loop3A_1515 : vector<1x16xf32> to vector<16xf32>
          %parallel_loop3A_1517 = vector.shape_cast %parallel_loop3A_1511 : vector<16xf32> to vector<1x16xf32>
          tpu.vector_store %arg15[%parallel_loop3A_1513, %parallel_loop3A_1514], %parallel_loop3A_1517 {add = true, strides = array<i32>} : memref<8x640xf32, #tpu.memory_space<vmem>>, vector<1x16xf32>,
        } {sc.loop_unroll_factor = 8 : i64, sc.parallel_access}
      } else {
      }
      %and3A_1000 = arith.constant 3 : i32
      %and3A_1001 = arith.andi %add3A_931, %and3A_1000 : i32
      %mul3A_1002 = arith.constant 8 : i32
      %mul3A_1003 = arith.muli %and3A_1001, %mul3A_1002 : i32
      %add3A_1004 = arith.constant 2 : i32
      %add3A_1005 = arith.addi %mul3A_1003, %add3A_1004 : i32
      %get3A_1006 = arith.index_cast %add3A_1005 : i32 to index
      %get3A_1007 = memref.load %arg11[%get3A_1006] : memref<32xi32, #tpu.memory_space<smem>>
      %get3A_1008 = arith.index_cast %add3A_1005 : i32 to index
      %get3A_1009 = memref.load %arg12[%get3A_1008] : memref<32xf32, #tpu.memory_space<smem>>
      %mul3A_1010 = arith.constant 16000 : i32
      %mul3A_1011 = arith.muli %get3A_1007, %mul3A_1010 : i32
      %add3A_1012 = arith.addi %mul3A_1011, %mul3A_963 : i32
      %lt3A_1013 = arith.constant 8.000000e-01 : f32
      %lt3A_1014 = arith.cmpf olt, %get3A_1009, %lt3A_1013 : f32
      %convert_element_type3A_1015 = arith.extui %lt3A_1014 : i1 to i32
      %cond3A_1016 = arith.constant 0 : i32
      %cond3A_1017 = arith.cmpi ne, %convert_element_type3A_1015, %cond3A_1016 : i32
      scf.if %cond3A_1017 {
        %parallel_loop3A = arith.constant 0 : i32
        %parallel_loop3A_1501 = arith.constant 40 : i32
        %parallel_loop3A_1502 = arith.constant 1 : i32
        scf.for %parallel_loop3A_1503 = %parallel_loop3A to %parallel_loop3A_1501 step %parallel_loop3A_1502  : i32 {
          %parallel_loop3A_1504 = arith.constant 16 : i32
          %parallel_loop3A_1505 = arith.muli %parallel_loop3A_1503, %parallel_loop3A_1504 : i32
          %parallel_loop3A_1506 = arith.constant 16 : i32
          %parallel_loop3A_1507 = arith.muli %parallel_loop3A_1503, %parallel_loop3A_1506 : i32
          %parallel_loop3A_1508 = arith.addi %add3A_1012, %parallel_loop3A_1507 : i32
          %parallel_loop3A_1509 = arith.index_cast %parallel_loop3A_1508 : i32 to index
          %parallel_loop3A_1510 = tpu.vector_load %arg7[%parallel_loop3A_1509] {strides = array<i32>} : memref<96000xf32, #tpu.memory_space<vmem>>, vector<16xf32>,
          %parallel_loop3A_1511 = vector.shape_cast %parallel_loop3A_1510 : vector<16xf32> to vector<16xf32>
          %parallel_loop3A_1512 = arith.constant 2 : i32
          %parallel_loop3A_1513 = arith.index_cast %parallel_loop3A_1512 : i32 to index
          %parallel_loop3A_1514 = arith.index_cast %parallel_loop3A_1505 : i32 to index
          %parallel_loop3A_1515 = tpu.vector_load %arg15[%parallel_loop3A_1513, %parallel_loop3A_1514] {strides = array<i32>} : memref<8x640xf32, #tpu.memory_space<vmem>>, vector<1x16xf32>,
          %parallel_loop3A_1516 = vector.shape_cast %parallel_loop3A_1515 : vector<1x16xf32> to vector<16xf32>
          %parallel_loop3A_1517 = vector.shape_cast %parallel_loop3A_1511 : vector<16xf32> to vector<1x16xf32>
          tpu.vector_store %arg15[%parallel_loop3A_1513, %parallel_loop3A_1514], %parallel_loop3A_1517 {add = true, strides = array<i32>} : memref<8x640xf32, #tpu.memory_space<vmem>>, vector<1x16xf32>,
        } {sc.loop_unroll_factor = 8 : i64, sc.parallel_access}
      } else {
      }
      %and3A_1018 = arith.constant 3 : i32
      %and3A_1019 = arith.andi %add3A_931, %and3A_1018 : i32
      %mul3A_1020 = arith.constant 8 : i32
      %mul3A_1021 = arith.muli %and3A_1019, %mul3A_1020 : i32
      %add3A_1022 = arith.constant 3 : i32
      %add3A_1023 = arith.addi %mul3A_1021, %add3A_1022 : i32
      %get3A_1024 = arith.index_cast %add3A_1023 : i32 to index
      %get3A_1025 = memref.load %arg11[%get3A_1024] : memref<32xi32, #tpu.memory_space<smem>>
      %get3A_1026 = arith.index_cast %add3A_1023 : i32 to index
      %get3A_1027 = memref.load %arg12[%get3A_1026] : memref<32xf32, #tpu.memory_space<smem>>
      %mul3A_1028 = arith.constant 16000 : i32
      %mul3A_1029 = arith.muli %get3A_1025, %mul3A_1028 : i32
      %add3A_1030 = arith.addi %mul3A_1029, %mul3A_963 : i32
      %lt3A_1031 = arith.constant 8.000000e-01 : f32
      %lt3A_1032 = arith.cmpf olt, %get3A_1027, %lt3A_1031 : f32
      %convert_element_type3A_1033 = arith.extui %lt3A_1032 : i1 to i32
      %cond3A_1034 = arith.constant 0 : i32
      %cond3A_1035 = arith.cmpi ne, %convert_element_type3A_1033, %cond3A_1034 : i32
      scf.if %cond3A_1035 {
        %parallel_loop3A = arith.constant 0 : i32
        %parallel_loop3A_1501 = arith.constant 40 : i32
        %parallel_loop3A_1502 = arith.constant 1 : i32
        scf.for %parallel_loop3A_1503 = %parallel_loop3A to %parallel_loop3A_1501 step %parallel_loop3A_1502  : i32 {
          %parallel_loop3A_1504 = arith.constant 16 : i32
          %parallel_loop3A_1505 = arith.muli %parallel_loop3A_1503, %parallel_loop3A_1504 : i32
          %parallel_loop3A_1506 = arith.constant 16 : i32
          %parallel_loop3A_1507 = arith.muli %parallel_loop3A_1503, %parallel_loop3A_1506 : i32
          %parallel_loop3A_1508 = arith.addi %add3A_1030, %parallel_loop3A_1507 : i32
          %parallel_loop3A_1509 = arith.index_cast %parallel_loop3A_1508 : i32 to index
          %parallel_loop3A_1510 = tpu.vector_load %arg7[%parallel_loop3A_1509] {strides = array<i32>} : memref<96000xf32, #tpu.memory_space<vmem>>, vector<16xf32>,
          %parallel_loop3A_1511 = vector.shape_cast %parallel_loop3A_1510 : vector<16xf32> to vector<16xf32>
          %parallel_loop3A_1512 = arith.constant 3 : i32
          %parallel_loop3A_1513 = arith.index_cast %parallel_loop3A_1512 : i32 to index
          %parallel_loop3A_1514 = arith.index_cast %parallel_loop3A_1505 : i32 to index
          %parallel_loop3A_1515 = tpu.vector_load %arg15[%parallel_loop3A_1513, %parallel_loop3A_1514] {strides = array<i32>} : memref<8x640xf32, #tpu.memory_space<vmem>>, vector<1x16xf32>,
          %parallel_loop3A_1516 = vector.shape_cast %parallel_loop3A_1515 : vector<1x16xf32> to vector<16xf32>
          %parallel_loop3A_1517 = vector.shape_cast %parallel_loop3A_1511 : vector<16xf32> to vector<1x16xf32>
          tpu.vector_store %arg15[%parallel_loop3A_1513, %parallel_loop3A_1514], %parallel_loop3A_1517 {add = true, strides = array<i32>} : memref<8x640xf32, #tpu.memory_space<vmem>>, vector<1x16xf32>,
        } {sc.loop_unroll_factor = 8 : i64, sc.parallel_access}
      } else {
      }
      %and3A_1036 = arith.constant 3 : i32
      %and3A_1037 = arith.andi %add3A_931, %and3A_1036 : i32
      %mul3A_1038 = arith.constant 8 : i32
      %mul3A_1039 = arith.muli %and3A_1037, %mul3A_1038 : i32
      %add3A_1040 = arith.constant 4 : i32
      %add3A_1041 = arith.addi %mul3A_1039, %add3A_1040 : i32
      %get3A_1042 = arith.index_cast %add3A_1041 : i32 to index
      %get3A_1043 = memref.load %arg11[%get3A_1042] : memref<32xi32, #tpu.memory_space<smem>>
      %get3A_1044 = arith.index_cast %add3A_1041 : i32 to index
      %get3A_1045 = memref.load %arg12[%get3A_1044] : memref<32xf32, #tpu.memory_space<smem>>
      %mul3A_1046 = arith.constant 16000 : i32
      %mul3A_1047 = arith.muli %get3A_1043, %mul3A_1046 : i32
      %add3A_1048 = arith.addi %mul3A_1047, %mul3A_963 : i32
      %lt3A_1049 = arith.constant 8.000000e-01 : f32
      %lt3A_1050 = arith.cmpf olt, %get3A_1045, %lt3A_1049 : f32
      %convert_element_type3A_1051 = arith.extui %lt3A_1050 : i1 to i32
      %cond3A_1052 = arith.constant 0 : i32
      %cond3A_1053 = arith.cmpi ne, %convert_element_type3A_1051, %cond3A_1052 : i32
      scf.if %cond3A_1053 {
        %parallel_loop3A = arith.constant 0 : i32
        %parallel_loop3A_1501 = arith.constant 40 : i32
        %parallel_loop3A_1502 = arith.constant 1 : i32
        scf.for %parallel_loop3A_1503 = %parallel_loop3A to %parallel_loop3A_1501 step %parallel_loop3A_1502  : i32 {
          %parallel_loop3A_1504 = arith.constant 16 : i32
          %parallel_loop3A_1505 = arith.muli %parallel_loop3A_1503, %parallel_loop3A_1504 : i32
          %parallel_loop3A_1506 = arith.constant 16 : i32
          %parallel_loop3A_1507 = arith.muli %parallel_loop3A_1503, %parallel_loop3A_1506 : i32
          %parallel_loop3A_1508 = arith.addi %add3A_1048, %parallel_loop3A_1507 : i32
          %parallel_loop3A_1509 = arith.index_cast %parallel_loop3A_1508 : i32 to index
          %parallel_loop3A_1510 = tpu.vector_load %arg7[%parallel_loop3A_1509] {strides = array<i32>} : memref<96000xf32, #tpu.memory_space<vmem>>, vector<16xf32>,
          %parallel_loop3A_1511 = vector.shape_cast %parallel_loop3A_1510 : vector<16xf32> to vector<16xf32>
          %parallel_loop3A_1512 = arith.constant 4 : i32
          %parallel_loop3A_1513 = arith.index_cast %parallel_loop3A_1512 : i32 to index
          %parallel_loop3A_1514 = arith.index_cast %parallel_loop3A_1505 : i32 to index
          %parallel_loop3A_1515 = tpu.vector_load %arg15[%parallel_loop3A_1513, %parallel_loop3A_1514] {strides = array<i32>} : memref<8x640xf32, #tpu.memory_space<vmem>>, vector<1x16xf32>,
          %parallel_loop3A_1516 = vector.shape_cast %parallel_loop3A_1515 : vector<1x16xf32> to vector<16xf32>
          %parallel_loop3A_1517 = vector.shape_cast %parallel_loop3A_1511 : vector<16xf32> to vector<1x16xf32>
          tpu.vector_store %arg15[%parallel_loop3A_1513, %parallel_loop3A_1514], %parallel_loop3A_1517 {add = true, strides = array<i32>} : memref<8x640xf32, #tpu.memory_space<vmem>>, vector<1x16xf32>,
        } {sc.loop_unroll_factor = 8 : i64, sc.parallel_access}
      } else {
      }
      %and3A_1054 = arith.constant 3 : i32
      %and3A_1055 = arith.andi %add3A_931, %and3A_1054 : i32
      %mul3A_1056 = arith.constant 8 : i32
      %mul3A_1057 = arith.muli %and3A_1055, %mul3A_1056 : i32
      %add3A_1058 = arith.constant 5 : i32
      %add3A_1059 = arith.addi %mul3A_1057, %add3A_1058 : i32
      %get3A_1060 = arith.index_cast %add3A_1059 : i32 to index
      %get3A_1061 = memref.load %arg11[%get3A_1060] : memref<32xi32, #tpu.memory_space<smem>>
      %get3A_1062 = arith.index_cast %add3A_1059 : i32 to index
      %get3A_1063 = memref.load %arg12[%get3A_1062] : memref<32xf32, #tpu.memory_space<smem>>
      %mul3A_1064 = arith.constant 16000 : i32
      %mul3A_1065 = arith.muli %get3A_1061, %mul3A_1064 : i32
      %add3A_1066 = arith.addi %mul3A_1065, %mul3A_963 : i32
      %lt3A_1067 = arith.constant 8.000000e-01 : f32
      %lt3A_1068 = arith.cmpf olt, %get3A_1063, %lt3A_1067 : f32
      %convert_element_type3A_1069 = arith.extui %lt3A_1068 : i1 to i32
      %cond3A_1070 = arith.constant 0 : i32
      %cond3A_1071 = arith.cmpi ne, %convert_element_type3A_1069, %cond3A_1070 : i32
      scf.if %cond3A_1071 {
        %parallel_loop3A = arith.constant 0 : i32
        %parallel_loop3A_1501 = arith.constant 40 : i32
        %parallel_loop3A_1502 = arith.constant 1 : i32
        scf.for %parallel_loop3A_1503 = %parallel_loop3A to %parallel_loop3A_1501 step %parallel_loop3A_1502  : i32 {
          %parallel_loop3A_1504 = arith.constant 16 : i32
          %parallel_loop3A_1505 = arith.muli %parallel_loop3A_1503, %parallel_loop3A_1504 : i32
          %parallel_loop3A_1506 = arith.constant 16 : i32
          %parallel_loop3A_1507 = arith.muli %parallel_loop3A_1503, %parallel_loop3A_1506 : i32
          %parallel_loop3A_1508 = arith.addi %add3A_1066, %parallel_loop3A_1507 : i32
          %parallel_loop3A_1509 = arith.index_cast %parallel_loop3A_1508 : i32 to index
          %parallel_loop3A_1510 = tpu.vector_load %arg7[%parallel_loop3A_1509] {strides = array<i32>} : memref<96000xf32, #tpu.memory_space<vmem>>, vector<16xf32>,
          %parallel_loop3A_1511 = vector.shape_cast %parallel_loop3A_1510 : vector<16xf32> to vector<16xf32>
          %parallel_loop3A_1512 = arith.constant 5 : i32
          %parallel_loop3A_1513 = arith.index_cast %parallel_loop3A_1512 : i32 to index
          %parallel_loop3A_1514 = arith.index_cast %parallel_loop3A_1505 : i32 to index
          %parallel_loop3A_1515 = tpu.vector_load %arg15[%parallel_loop3A_1513, %parallel_loop3A_1514] {strides = array<i32>} : memref<8x640xf32, #tpu.memory_space<vmem>>, vector<1x16xf32>,
          %parallel_loop3A_1516 = vector.shape_cast %parallel_loop3A_1515 : vector<1x16xf32> to vector<16xf32>
          %parallel_loop3A_1517 = vector.shape_cast %parallel_loop3A_1511 : vector<16xf32> to vector<1x16xf32>
          tpu.vector_store %arg15[%parallel_loop3A_1513, %parallel_loop3A_1514], %parallel_loop3A_1517 {add = true, strides = array<i32>} : memref<8x640xf32, #tpu.memory_space<vmem>>, vector<1x16xf32>,
        } {sc.loop_unroll_factor = 8 : i64, sc.parallel_access}
      } else {
      }
      %and3A_1072 = arith.constant 3 : i32
      %and3A_1073 = arith.andi %add3A_931, %and3A_1072 : i32
      %mul3A_1074 = arith.constant 8 : i32
      %mul3A_1075 = arith.muli %and3A_1073, %mul3A_1074 : i32
      %add3A_1076 = arith.constant 6 : i32
      %add3A_1077 = arith.addi %mul3A_1075, %add3A_1076 : i32
      %get3A_1078 = arith.index_cast %add3A_1077 : i32 to index
      %get3A_1079 = memref.load %arg11[%get3A_1078] : memref<32xi32, #tpu.memory_space<smem>>
      %get3A_1080 = arith.index_cast %add3A_1077 : i32 to index
      %get3A_1081 = memref.load %arg12[%get3A_1080] : memref<32xf32, #tpu.memory_space<smem>>
      %mul3A_1082 = arith.constant 16000 : i32
      %mul3A_1083 = arith.muli %get3A_1079, %mul3A_1082 : i32
      %add3A_1084 = arith.addi %mul3A_1083, %mul3A_963 : i32
      %lt3A_1085 = arith.constant 8.000000e-01 : f32
      %lt3A_1086 = arith.cmpf olt, %get3A_1081, %lt3A_1085 : f32
      %convert_element_type3A_1087 = arith.extui %lt3A_1086 : i1 to i32
      %cond3A_1088 = arith.constant 0 : i32
      %cond3A_1089 = arith.cmpi ne, %convert_element_type3A_1087, %cond3A_1088 : i32
      scf.if %cond3A_1089 {
        %parallel_loop3A = arith.constant 0 : i32
        %parallel_loop3A_1501 = arith.constant 40 : i32
        %parallel_loop3A_1502 = arith.constant 1 : i32
        scf.for %parallel_loop3A_1503 = %parallel_loop3A to %parallel_loop3A_1501 step %parallel_loop3A_1502  : i32 {
          %parallel_loop3A_1504 = arith.constant 16 : i32
          %parallel_loop3A_1505 = arith.muli %parallel_loop3A_1503, %parallel_loop3A_1504 : i32
          %parallel_loop3A_1506 = arith.constant 16 : i32
          %parallel_loop3A_1507 = arith.muli %parallel_loop3A_1503, %parallel_loop3A_1506 : i32
          %parallel_loop3A_1508 = arith.addi %add3A_1084, %parallel_loop3A_1507 : i32
          %parallel_loop3A_1509 = arith.index_cast %parallel_loop3A_1508 : i32 to index
          %parallel_loop3A_1510 = tpu.vector_load %arg7[%parallel_loop3A_1509] {strides = array<i32>} : memref<96000xf32, #tpu.memory_space<vmem>>, vector<16xf32>,
          %parallel_loop3A_1511 = vector.shape_cast %parallel_loop3A_1510 : vector<16xf32> to vector<16xf32>
          %parallel_loop3A_1512 = arith.constant 6 : i32
          %parallel_loop3A_1513 = arith.index_cast %parallel_loop3A_1512 : i32 to index
          %parallel_loop3A_1514 = arith.index_cast %parallel_loop3A_1505 : i32 to index
          %parallel_loop3A_1515 = tpu.vector_load %arg15[%parallel_loop3A_1513, %parallel_loop3A_1514] {strides = array<i32>} : memref<8x640xf32, #tpu.memory_space<vmem>>, vector<1x16xf32>,
          %parallel_loop3A_1516 = vector.shape_cast %parallel_loop3A_1515 : vector<1x16xf32> to vector<16xf32>
          %parallel_loop3A_1517 = vector.shape_cast %parallel_loop3A_1511 : vector<16xf32> to vector<1x16xf32>
          tpu.vector_store %arg15[%parallel_loop3A_1513, %parallel_loop3A_1514], %parallel_loop3A_1517 {add = true, strides = array<i32>} : memref<8x640xf32, #tpu.memory_space<vmem>>, vector<1x16xf32>,
        } {sc.loop_unroll_factor = 8 : i64, sc.parallel_access}
      } else {
      }
      %and3A_1090 = arith.constant 3 : i32
      %and3A_1091 = arith.andi %add3A_931, %and3A_1090 : i32
      %mul3A_1092 = arith.constant 8 : i32
      %mul3A_1093 = arith.muli %and3A_1091, %mul3A_1092 : i32
      %add3A_1094 = arith.constant 7 : i32
      %add3A_1095 = arith.addi %mul3A_1093, %add3A_1094 : i32
      %get3A_1096 = arith.index_cast %add3A_1095 : i32 to index
      %get3A_1097 = memref.load %arg11[%get3A_1096] : memref<32xi32, #tpu.memory_space<smem>>
      %get3A_1098 = arith.index_cast %add3A_1095 : i32 to index
      %get3A_1099 = memref.load %arg12[%get3A_1098] : memref<32xf32, #tpu.memory_space<smem>>
      %mul3A_1100 = arith.constant 16000 : i32
      %mul3A_1101 = arith.muli %get3A_1097, %mul3A_1100 : i32
      %add3A_1102 = arith.addi %mul3A_1101, %mul3A_963 : i32
      %lt3A_1103 = arith.constant 8.000000e-01 : f32
      %lt3A_1104 = arith.cmpf olt, %get3A_1099, %lt3A_1103 : f32
      %convert_element_type3A_1105 = arith.extui %lt3A_1104 : i1 to i32
      %cond3A_1106 = arith.constant 0 : i32
      %cond3A_1107 = arith.cmpi ne, %convert_element_type3A_1105, %cond3A_1106 : i32
      scf.if %cond3A_1107 {
        %parallel_loop3A = arith.constant 0 : i32
        %parallel_loop3A_1501 = arith.constant 40 : i32
        %parallel_loop3A_1502 = arith.constant 1 : i32
        scf.for %parallel_loop3A_1503 = %parallel_loop3A to %parallel_loop3A_1501 step %parallel_loop3A_1502  : i32 {
          %parallel_loop3A_1504 = arith.constant 16 : i32
          %parallel_loop3A_1505 = arith.muli %parallel_loop3A_1503, %parallel_loop3A_1504 : i32
          %parallel_loop3A_1506 = arith.constant 16 : i32
          %parallel_loop3A_1507 = arith.muli %parallel_loop3A_1503, %parallel_loop3A_1506 : i32
          %parallel_loop3A_1508 = arith.addi %add3A_1102, %parallel_loop3A_1507 : i32
          %parallel_loop3A_1509 = arith.index_cast %parallel_loop3A_1508 : i32 to index
          %parallel_loop3A_1510 = tpu.vector_load %arg7[%parallel_loop3A_1509] {strides = array<i32>} : memref<96000xf32, #tpu.memory_space<vmem>>, vector<16xf32>,
          %parallel_loop3A_1511 = vector.shape_cast %parallel_loop3A_1510 : vector<16xf32> to vector<16xf32>
          %parallel_loop3A_1512 = arith.constant 7 : i32
          %parallel_loop3A_1513 = arith.index_cast %parallel_loop3A_1512 : i32 to index
          %parallel_loop3A_1514 = arith.index_cast %parallel_loop3A_1505 : i32 to index
          %parallel_loop3A_1515 = tpu.vector_load %arg15[%parallel_loop3A_1513, %parallel_loop3A_1514] {strides = array<i32>} : memref<8x640xf32, #tpu.memory_space<vmem>>, vector<1x16xf32>,
          %parallel_loop3A_1516 = vector.shape_cast %parallel_loop3A_1515 : vector<1x16xf32> to vector<16xf32>
          %parallel_loop3A_1517 = vector.shape_cast %parallel_loop3A_1511 : vector<16xf32> to vector<1x16xf32>
          tpu.vector_store %arg15[%parallel_loop3A_1513, %parallel_loop3A_1514], %parallel_loop3A_1517 {add = true, strides = array<i32>} : memref<8x640xf32, #tpu.memory_space<vmem>>, vector<1x16xf32>,
        } {sc.loop_unroll_factor = 8 : i64, sc.parallel_access}
      } else {
      }
      %and3A_1108 = arith.constant 3 : i32
      %and3A_1109 = arith.andi %add3A_931, %and3A_1108 : i32
      %mul3A_1110 = arith.constant 8 : i32
      %mul3A_1111 = arith.muli %and3A_1109, %mul3A_1110 : i32
      %add3A_1112 = arith.addi %mul3A_2, %mul3A_1111 : i32
      %shift_right_arithmetic3A_1113 = arith.constant 2 : i32
      %shift_right_arithmetic3A_1114 = arith.shrsi %add3A_931, %shift_right_arithmetic3A_1113 : i32
      %mul3A_1115 = arith.constant 640 : i32
      %mul3A_1116 = arith.muli %shift_right_arithmetic3A_1114, %mul3A_1115 : i32
      %dma_start3A_1117 = tpu.memref_slice %arg6[%add3A_1112, %mul3A_1116] : memref<1024x16000xf32, #tpu.memory_space<hbm>> -> memref<8x640xf32, #tpu.memory_space<hbm>>
      %dma_start3A_1118 = tpu.memref_slice %arg6[%add3A_1112, %mul3A_1116] : memref<1024x16000xf32, #tpu.memory_space<hbm>> -> memref<8x640xf32, #tpu.memory_space<hbm>>
      tpu.enqueue_dma source(%arg15 : memref<8x640xf32, #tpu.memory_space<vmem>>) target(%dma_start3A_1118 : memref<8x640xf32, #tpu.memory_space<hbm>>) target_semaphore(%arg21 : memref<!tpu.dma_semaphore, #tpu.memory_space<semaphore_mem>>)
      %add3A_1119 = arith.constant 1 : i32
      %add3A_1120 = arith.addi %add3A_931, %add3A_1119 : i32
      %dma_wait3A_1121 = arith.constant 0 : i32
      %dma_wait3A_1122 = arith.constant 0 : i32
      %dma_wait3A_1123 = tpu.memref_slice %arg6[%dma_wait3A_1121, %dma_wait3A_1122] : memref<1024x16000xf32, #tpu.memory_space<hbm>> -> memref<8x640xf32, #tpu.memory_space<hbm>>
      %dma_wait3A_1124 = arith.constant 0 : i32
      %dma_wait3A_1125 = arith.constant 0 : i32
      %dma_wait3A_1126 = tpu.memref_slice %arg6[%dma_wait3A_1124, %dma_wait3A_1125] : memref<1024x16000xf32, #tpu.memory_space<hbm>> -> memref<8x640xf32, #tpu.memory_space<hbm>>
      tpu.wait_dma2 semaphore(%arg20 : memref<!tpu.dma_semaphore, #tpu.memory_space<semaphore_mem>>) src(%arg14 : memref<8x640xf32, #tpu.memory_space<vmem>>) dst(%dma_wait3A_1126 : memref<8x640xf32, #tpu.memory_space<hbm>>)
      %add3A_1127 = arith.constant 1 : i32
      %add3A_1128 = arith.addi %add3A_1120, %add3A_1127 : i32
      %and3A_1129 = arith.constant 3 : i32
      %and3A_1130 = arith.andi %add3A_1128, %and3A_1129 : i32
      %mul3A_1131 = arith.constant 8 : i32
      %mul3A_1132 = arith.muli %and3A_1130, %mul3A_1131 : i32
      %add3A_1133 = arith.addi %mul3A_2, %mul3A_1132 : i32
      %shift_right_arithmetic3A_1134 = arith.constant 2 : i32
      %shift_right_arithmetic3A_1135 = arith.shrsi %add3A_1128, %shift_right_arithmetic3A_1134 : i32
      %mul3A_1136 = arith.constant 640 : i32
      %mul3A_1137 = arith.muli %shift_right_arithmetic3A_1135, %mul3A_1136 : i32
      %dma_start3A_1138 = tpu.memref_slice %arg2[%add3A_1133, %mul3A_1137] : memref<1024x16000xf32, #tpu.memory_space<hbm>> -> memref<8x640xf32, #tpu.memory_space<hbm>>
      %dma_start3A_1139 = tpu.memref_slice %arg2[%add3A_1133, %mul3A_1137] : memref<1024x16000xf32, #tpu.memory_space<hbm>> -> memref<8x640xf32, #tpu.memory_space<hbm>>
      tpu.enqueue_dma source(%dma_start3A_1139 : memref<8x640xf32, #tpu.memory_space<hbm>>) target(%arg14 : memref<8x640xf32, #tpu.memory_space<vmem>>) target_semaphore(%arg17 : memref<!tpu.dma_semaphore, #tpu.memory_space<semaphore_mem>>)
      %dma_wait3A_1140 = arith.constant 0 : i32
      %dma_wait3A_1141 = arith.constant 0 : i32
      %dma_wait3A_1142 = tpu.memref_slice %arg2[%dma_wait3A_1140, %dma_wait3A_1141] : memref<1024x16000xf32, #tpu.memory_space<hbm>> -> memref<8x640xf32, #tpu.memory_space<hbm>>
      %dma_wait3A_1143 = arith.constant 0 : i32
      %dma_wait3A_1144 = arith.constant 0 : i32
      %dma_wait3A_1145 = tpu.memref_slice %arg2[%dma_wait3A_1143, %dma_wait3A_1144] : memref<1024x16000xf32, #tpu.memory_space<hbm>> -> memref<8x640xf32, #tpu.memory_space<hbm>>
      tpu.wait_dma2 semaphore(%arg16 : memref<!tpu.dma_semaphore, #tpu.memory_space<semaphore_mem>>) src(%dma_wait3A_1145 : memref<8x640xf32, #tpu.memory_space<hbm>>) dst(%arg13 : memref<8x640xf32, #tpu.memory_space<vmem>>)
      %and3A_1146 = arith.constant 3 : i32
      %and3A_1147 = arith.andi %add3A_1120, %and3A_1146 : i32
      %mul3A_1148 = arith.constant 8 : i32
      %mul3A_1149 = arith.muli %and3A_1147, %mul3A_1148 : i32
      %add3A_1150 = arith.addi %mul3A_2, %mul3A_1149 : i32
      %shift_right_arithmetic3A_1151 = arith.constant 2 : i32
      %shift_right_arithmetic3A_1152 = arith.shrsi %add3A_1120, %shift_right_arithmetic3A_1151 : i32
      %mul3A_1153 = arith.constant 640 : i32
      %mul3A_1154 = arith.muli %shift_right_arithmetic3A_1152, %mul3A_1153 : i32
      %and3A_1155 = arith.constant 3 : i32
      %and3A_1156 = arith.andi %add3A_1120, %and3A_1155 : i32
      %mul3A_1157 = arith.constant 8 : i32
      %mul3A_1158 = arith.muli %and3A_1156, %mul3A_1157 : i32
      %add3A_1159 = arith.constant 0 : i32
      %add3A_1160 = arith.addi %mul3A_1158, %add3A_1159 : i32
      %get3A_1161 = arith.index_cast %add3A_1160 : i32 to index
      %get3A_1162 = memref.load %arg11[%get3A_1161] : memref<32xi32, #tpu.memory_space<smem>>
      %get3A_1163 = arith.index_cast %add3A_1160 : i32 to index
      %get3A_1164 = memref.load %arg12[%get3A_1163] : memref<32xf32, #tpu.memory_space<smem>>
      %mul3A_1165 = arith.constant 16000 : i32
      %mul3A_1166 = arith.muli %get3A_1162, %mul3A_1165 : i32
      %add3A_1167 = arith.addi %mul3A_1166, %mul3A_1154 : i32
      %lt3A_1168 = arith.constant 8.000000e-01 : f32
      %lt3A_1169 = arith.cmpf olt, %get3A_1164, %lt3A_1168 : f32
      %convert_element_type3A_1170 = arith.extui %lt3A_1169 : i1 to i32
      %cond3A_1171 = arith.constant 0 : i32
      %cond3A_1172 = arith.cmpi ne, %convert_element_type3A_1170, %cond3A_1171 : i32
      scf.if %cond3A_1172 {
        %parallel_loop3A = arith.constant 0 : i32
        %parallel_loop3A_1501 = arith.constant 40 : i32
        %parallel_loop3A_1502 = arith.constant 1 : i32
        scf.for %parallel_loop3A_1503 = %parallel_loop3A to %parallel_loop3A_1501 step %parallel_loop3A_1502  : i32 {
          %parallel_loop3A_1504 = arith.constant 16 : i32
          %parallel_loop3A_1505 = arith.muli %parallel_loop3A_1503, %parallel_loop3A_1504 : i32
          %parallel_loop3A_1506 = arith.constant 16 : i32
          %parallel_loop3A_1507 = arith.muli %parallel_loop3A_1503, %parallel_loop3A_1506 : i32
          %parallel_loop3A_1508 = arith.addi %add3A_1167, %parallel_loop3A_1507 : i32
          %parallel_loop3A_1509 = arith.index_cast %parallel_loop3A_1508 : i32 to index
          %parallel_loop3A_1510 = tpu.vector_load %arg7[%parallel_loop3A_1509] {strides = array<i32>} : memref<96000xf32, #tpu.memory_space<vmem>>, vector<16xf32>,
          %parallel_loop3A_1511 = vector.shape_cast %parallel_loop3A_1510 : vector<16xf32> to vector<16xf32>
          %parallel_loop3A_1512 = arith.constant 0 : i32
          %parallel_loop3A_1513 = arith.index_cast %parallel_loop3A_1512 : i32 to index
          %parallel_loop3A_1514 = arith.index_cast %parallel_loop3A_1505 : i32 to index
          %parallel_loop3A_1515 = tpu.vector_load %arg13[%parallel_loop3A_1513, %parallel_loop3A_1514] {strides = array<i32>} : memref<8x640xf32, #tpu.memory_space<vmem>>, vector<1x16xf32>,
          %parallel_loop3A_1516 = vector.shape_cast %parallel_loop3A_1515 : vector<1x16xf32> to vector<16xf32>
          %parallel_loop3A_1517 = vector.shape_cast %parallel_loop3A_1511 : vector<16xf32> to vector<1x16xf32>
          tpu.vector_store %arg13[%parallel_loop3A_1513, %parallel_loop3A_1514], %parallel_loop3A_1517 {add = true, strides = array<i32>} : memref<8x640xf32, #tpu.memory_space<vmem>>, vector<1x16xf32>,
        } {sc.loop_unroll_factor = 8 : i64, sc.parallel_access}
      } else {
      }
      %and3A_1173 = arith.constant 3 : i32
      %and3A_1174 = arith.andi %add3A_1120, %and3A_1173 : i32
      %mul3A_1175 = arith.constant 8 : i32
      %mul3A_1176 = arith.muli %and3A_1174, %mul3A_1175 : i32
      %add3A_1177 = arith.constant 1 : i32
      %add3A_1178 = arith.addi %mul3A_1176, %add3A_1177 : i32
      %get3A_1179 = arith.index_cast %add3A_1178 : i32 to index
      %get3A_1180 = memref.load %arg11[%get3A_1179] : memref<32xi32, #tpu.memory_space<smem>>
      %get3A_1181 = arith.index_cast %add3A_1178 : i32 to index
      %get3A_1182 = memref.load %arg12[%get3A_1181] : memref<32xf32, #tpu.memory_space<smem>>
      %mul3A_1183 = arith.constant 16000 : i32
      %mul3A_1184 = arith.muli %get3A_1180, %mul3A_1183 : i32
      %add3A_1185 = arith.addi %mul3A_1184, %mul3A_1154 : i32
      %lt3A_1186 = arith.constant 8.000000e-01 : f32
      %lt3A_1187 = arith.cmpf olt, %get3A_1182, %lt3A_1186 : f32
      %convert_element_type3A_1188 = arith.extui %lt3A_1187 : i1 to i32
      %cond3A_1189 = arith.constant 0 : i32
      %cond3A_1190 = arith.cmpi ne, %convert_element_type3A_1188, %cond3A_1189 : i32
      scf.if %cond3A_1190 {
        %parallel_loop3A = arith.constant 0 : i32
        %parallel_loop3A_1501 = arith.constant 40 : i32
        %parallel_loop3A_1502 = arith.constant 1 : i32
        scf.for %parallel_loop3A_1503 = %parallel_loop3A to %parallel_loop3A_1501 step %parallel_loop3A_1502  : i32 {
          %parallel_loop3A_1504 = arith.constant 16 : i32
          %parallel_loop3A_1505 = arith.muli %parallel_loop3A_1503, %parallel_loop3A_1504 : i32
          %parallel_loop3A_1506 = arith.constant 16 : i32
          %parallel_loop3A_1507 = arith.muli %parallel_loop3A_1503, %parallel_loop3A_1506 : i32
          %parallel_loop3A_1508 = arith.addi %add3A_1185, %parallel_loop3A_1507 : i32
          %parallel_loop3A_1509 = arith.index_cast %parallel_loop3A_1508 : i32 to index
          %parallel_loop3A_1510 = tpu.vector_load %arg7[%parallel_loop3A_1509] {strides = array<i32>} : memref<96000xf32, #tpu.memory_space<vmem>>, vector<16xf32>,
          %parallel_loop3A_1511 = vector.shape_cast %parallel_loop3A_1510 : vector<16xf32> to vector<16xf32>
          %parallel_loop3A_1512 = arith.constant 1 : i32
          %parallel_loop3A_1513 = arith.index_cast %parallel_loop3A_1512 : i32 to index
          %parallel_loop3A_1514 = arith.index_cast %parallel_loop3A_1505 : i32 to index
          %parallel_loop3A_1515 = tpu.vector_load %arg13[%parallel_loop3A_1513, %parallel_loop3A_1514] {strides = array<i32>} : memref<8x640xf32, #tpu.memory_space<vmem>>, vector<1x16xf32>,
          %parallel_loop3A_1516 = vector.shape_cast %parallel_loop3A_1515 : vector<1x16xf32> to vector<16xf32>
          %parallel_loop3A_1517 = vector.shape_cast %parallel_loop3A_1511 : vector<16xf32> to vector<1x16xf32>
          tpu.vector_store %arg13[%parallel_loop3A_1513, %parallel_loop3A_1514], %parallel_loop3A_1517 {add = true, strides = array<i32>} : memref<8x640xf32, #tpu.memory_space<vmem>>, vector<1x16xf32>,
        } {sc.loop_unroll_factor = 8 : i64, sc.parallel_access}
      } else {
      }
      %and3A_1191 = arith.constant 3 : i32
      %and3A_1192 = arith.andi %add3A_1120, %and3A_1191 : i32
      %mul3A_1193 = arith.constant 8 : i32
      %mul3A_1194 = arith.muli %and3A_1192, %mul3A_1193 : i32
      %add3A_1195 = arith.constant 2 : i32
      %add3A_1196 = arith.addi %mul3A_1194, %add3A_1195 : i32
      %get3A_1197 = arith.index_cast %add3A_1196 : i32 to index
      %get3A_1198 = memref.load %arg11[%get3A_1197] : memref<32xi32, #tpu.memory_space<smem>>
      %get3A_1199 = arith.index_cast %add3A_1196 : i32 to index
      %get3A_1200 = memref.load %arg12[%get3A_1199] : memref<32xf32, #tpu.memory_space<smem>>
      %mul3A_1201 = arith.constant 16000 : i32
      %mul3A_1202 = arith.muli %get3A_1198, %mul3A_1201 : i32
      %add3A_1203 = arith.addi %mul3A_1202, %mul3A_1154 : i32
      %lt3A_1204 = arith.constant 8.000000e-01 : f32
      %lt3A_1205 = arith.cmpf olt, %get3A_1200, %lt3A_1204 : f32
      %convert_element_type3A_1206 = arith.extui %lt3A_1205 : i1 to i32
      %cond3A_1207 = arith.constant 0 : i32
      %cond3A_1208 = arith.cmpi ne, %convert_element_type3A_1206, %cond3A_1207 : i32
      scf.if %cond3A_1208 {
        %parallel_loop3A = arith.constant 0 : i32
        %parallel_loop3A_1501 = arith.constant 40 : i32
        %parallel_loop3A_1502 = arith.constant 1 : i32
        scf.for %parallel_loop3A_1503 = %parallel_loop3A to %parallel_loop3A_1501 step %parallel_loop3A_1502  : i32 {
          %parallel_loop3A_1504 = arith.constant 16 : i32
          %parallel_loop3A_1505 = arith.muli %parallel_loop3A_1503, %parallel_loop3A_1504 : i32
          %parallel_loop3A_1506 = arith.constant 16 : i32
          %parallel_loop3A_1507 = arith.muli %parallel_loop3A_1503, %parallel_loop3A_1506 : i32
          %parallel_loop3A_1508 = arith.addi %add3A_1203, %parallel_loop3A_1507 : i32
          %parallel_loop3A_1509 = arith.index_cast %parallel_loop3A_1508 : i32 to index
          %parallel_loop3A_1510 = tpu.vector_load %arg7[%parallel_loop3A_1509] {strides = array<i32>} : memref<96000xf32, #tpu.memory_space<vmem>>, vector<16xf32>,
          %parallel_loop3A_1511 = vector.shape_cast %parallel_loop3A_1510 : vector<16xf32> to vector<16xf32>
          %parallel_loop3A_1512 = arith.constant 2 : i32
          %parallel_loop3A_1513 = arith.index_cast %parallel_loop3A_1512 : i32 to index
          %parallel_loop3A_1514 = arith.index_cast %parallel_loop3A_1505 : i32 to index
          %parallel_loop3A_1515 = tpu.vector_load %arg13[%parallel_loop3A_1513, %parallel_loop3A_1514] {strides = array<i32>} : memref<8x640xf32, #tpu.memory_space<vmem>>, vector<1x16xf32>,
          %parallel_loop3A_1516 = vector.shape_cast %parallel_loop3A_1515 : vector<1x16xf32> to vector<16xf32>
          %parallel_loop3A_1517 = vector.shape_cast %parallel_loop3A_1511 : vector<16xf32> to vector<1x16xf32>
          tpu.vector_store %arg13[%parallel_loop3A_1513, %parallel_loop3A_1514], %parallel_loop3A_1517 {add = true, strides = array<i32>} : memref<8x640xf32, #tpu.memory_space<vmem>>, vector<1x16xf32>,
        } {sc.loop_unroll_factor = 8 : i64, sc.parallel_access}
      } else {
      }
      %and3A_1209 = arith.constant 3 : i32
      %and3A_1210 = arith.andi %add3A_1120, %and3A_1209 : i32
      %mul3A_1211 = arith.constant 8 : i32
      %mul3A_1212 = arith.muli %and3A_1210, %mul3A_1211 : i32
      %add3A_1213 = arith.constant 3 : i32
      %add3A_1214 = arith.addi %mul3A_1212, %add3A_1213 : i32
      %get3A_1215 = arith.index_cast %add3A_1214 : i32 to index
      %get3A_1216 = memref.load %arg11[%get3A_1215] : memref<32xi32, #tpu.memory_space<smem>>
      %get3A_1217 = arith.index_cast %add3A_1214 : i32 to index
      %get3A_1218 = memref.load %arg12[%get3A_1217] : memref<32xf32, #tpu.memory_space<smem>>
      %mul3A_1219 = arith.constant 16000 : i32
      %mul3A_1220 = arith.muli %get3A_1216, %mul3A_1219 : i32
      %add3A_1221 = arith.addi %mul3A_1220, %mul3A_1154 : i32
      %lt3A_1222 = arith.constant 8.000000e-01 : f32
      %lt3A_1223 = arith.cmpf olt, %get3A_1218, %lt3A_1222 : f32
      %convert_element_type3A_1224 = arith.extui %lt3A_1223 : i1 to i32
      %cond3A_1225 = arith.constant 0 : i32
      %cond3A_1226 = arith.cmpi ne, %convert_element_type3A_1224, %cond3A_1225 : i32
      scf.if %cond3A_1226 {
        %parallel_loop3A = arith.constant 0 : i32
        %parallel_loop3A_1501 = arith.constant 40 : i32
        %parallel_loop3A_1502 = arith.constant 1 : i32
        scf.for %parallel_loop3A_1503 = %parallel_loop3A to %parallel_loop3A_1501 step %parallel_loop3A_1502  : i32 {
          %parallel_loop3A_1504 = arith.constant 16 : i32
          %parallel_loop3A_1505 = arith.muli %parallel_loop3A_1503, %parallel_loop3A_1504 : i32
          %parallel_loop3A_1506 = arith.constant 16 : i32
          %parallel_loop3A_1507 = arith.muli %parallel_loop3A_1503, %parallel_loop3A_1506 : i32
          %parallel_loop3A_1508 = arith.addi %add3A_1221, %parallel_loop3A_1507 : i32
          %parallel_loop3A_1509 = arith.index_cast %parallel_loop3A_1508 : i32 to index
          %parallel_loop3A_1510 = tpu.vector_load %arg7[%parallel_loop3A_1509] {strides = array<i32>} : memref<96000xf32, #tpu.memory_space<vmem>>, vector<16xf32>,
          %parallel_loop3A_1511 = vector.shape_cast %parallel_loop3A_1510 : vector<16xf32> to vector<16xf32>
          %parallel_loop3A_1512 = arith.constant 3 : i32
          %parallel_loop3A_1513 = arith.index_cast %parallel_loop3A_1512 : i32 to index
          %parallel_loop3A_1514 = arith.index_cast %parallel_loop3A_1505 : i32 to index
          %parallel_loop3A_1515 = tpu.vector_load %arg13[%parallel_loop3A_1513, %parallel_loop3A_1514] {strides = array<i32>} : memref<8x640xf32, #tpu.memory_space<vmem>>, vector<1x16xf32>,
          %parallel_loop3A_1516 = vector.shape_cast %parallel_loop3A_1515 : vector<1x16xf32> to vector<16xf32>
          %parallel_loop3A_1517 = vector.shape_cast %parallel_loop3A_1511 : vector<16xf32> to vector<1x16xf32>
          tpu.vector_store %arg13[%parallel_loop3A_1513, %parallel_loop3A_1514], %parallel_loop3A_1517 {add = true, strides = array<i32>} : memref<8x640xf32, #tpu.memory_space<vmem>>, vector<1x16xf32>,
        } {sc.loop_unroll_factor = 8 : i64, sc.parallel_access}
      } else {
      }
      %and3A_1227 = arith.constant 3 : i32
      %and3A_1228 = arith.andi %add3A_1120, %and3A_1227 : i32
      %mul3A_1229 = arith.constant 8 : i32
      %mul3A_1230 = arith.muli %and3A_1228, %mul3A_1229 : i32
      %add3A_1231 = arith.constant 4 : i32
      %add3A_1232 = arith.addi %mul3A_1230, %add3A_1231 : i32
      %get3A_1233 = arith.index_cast %add3A_1232 : i32 to index
      %get3A_1234 = memref.load %arg11[%get3A_1233] : memref<32xi32, #tpu.memory_space<smem>>
      %get3A_1235 = arith.index_cast %add3A_1232 : i32 to index
      %get3A_1236 = memref.load %arg12[%get3A_1235] : memref<32xf32, #tpu.memory_space<smem>>
      %mul3A_1237 = arith.constant 16000 : i32
      %mul3A_1238 = arith.muli %get3A_1234, %mul3A_1237 : i32
      %add3A_1239 = arith.addi %mul3A_1238, %mul3A_1154 : i32
      %lt3A_1240 = arith.constant 8.000000e-01 : f32
      %lt3A_1241 = arith.cmpf olt, %get3A_1236, %lt3A_1240 : f32
      %convert_element_type3A_1242 = arith.extui %lt3A_1241 : i1 to i32
      %cond3A_1243 = arith.constant 0 : i32
      %cond3A_1244 = arith.cmpi ne, %convert_element_type3A_1242, %cond3A_1243 : i32
      scf.if %cond3A_1244 {
        %parallel_loop3A = arith.constant 0 : i32
        %parallel_loop3A_1501 = arith.constant 40 : i32
        %parallel_loop3A_1502 = arith.constant 1 : i32
        scf.for %parallel_loop3A_1503 = %parallel_loop3A to %parallel_loop3A_1501 step %parallel_loop3A_1502  : i32 {
          %parallel_loop3A_1504 = arith.constant 16 : i32
          %parallel_loop3A_1505 = arith.muli %parallel_loop3A_1503, %parallel_loop3A_1504 : i32
          %parallel_loop3A_1506 = arith.constant 16 : i32
          %parallel_loop3A_1507 = arith.muli %parallel_loop3A_1503, %parallel_loop3A_1506 : i32
          %parallel_loop3A_1508 = arith.addi %add3A_1239, %parallel_loop3A_1507 : i32
          %parallel_loop3A_1509 = arith.index_cast %parallel_loop3A_1508 : i32 to index
          %parallel_loop3A_1510 = tpu.vector_load %arg7[%parallel_loop3A_1509] {strides = array<i32>} : memref<96000xf32, #tpu.memory_space<vmem>>, vector<16xf32>,
          %parallel_loop3A_1511 = vector.shape_cast %parallel_loop3A_1510 : vector<16xf32> to vector<16xf32>
          %parallel_loop3A_1512 = arith.constant 4 : i32
          %parallel_loop3A_1513 = arith.index_cast %parallel_loop3A_1512 : i32 to index
          %parallel_loop3A_1514 = arith.index_cast %parallel_loop3A_1505 : i32 to index
          %parallel_loop3A_1515 = tpu.vector_load %arg13[%parallel_loop3A_1513, %parallel_loop3A_1514] {strides = array<i32>} : memref<8x640xf32, #tpu.memory_space<vmem>>, vector<1x16xf32>,
          %parallel_loop3A_1516 = vector.shape_cast %parallel_loop3A_1515 : vector<1x16xf32> to vector<16xf32>
          %parallel_loop3A_1517 = vector.shape_cast %parallel_loop3A_1511 : vector<16xf32> to vector<1x16xf32>
          tpu.vector_store %arg13[%parallel_loop3A_1513, %parallel_loop3A_1514], %parallel_loop3A_1517 {add = true, strides = array<i32>} : memref<8x640xf32, #tpu.memory_space<vmem>>, vector<1x16xf32>,
        } {sc.loop_unroll_factor = 8 : i64, sc.parallel_access}
      } else {
      }
      %and3A_1245 = arith.constant 3 : i32
      %and3A_1246 = arith.andi %add3A_1120, %and3A_1245 : i32
      %mul3A_1247 = arith.constant 8 : i32
      %mul3A_1248 = arith.muli %and3A_1246, %mul3A_1247 : i32
      %add3A_1249 = arith.constant 5 : i32
      %add3A_1250 = arith.addi %mul3A_1248, %add3A_1249 : i32
      %get3A_1251 = arith.index_cast %add3A_1250 : i32 to index
      %get3A_1252 = memref.load %arg11[%get3A_1251] : memref<32xi32, #tpu.memory_space<smem>>
      %get3A_1253 = arith.index_cast %add3A_1250 : i32 to index
      %get3A_1254 = memref.load %arg12[%get3A_1253] : memref<32xf32, #tpu.memory_space<smem>>
      %mul3A_1255 = arith.constant 16000 : i32
      %mul3A_1256 = arith.muli %get3A_1252, %mul3A_1255 : i32
      %add3A_1257 = arith.addi %mul3A_1256, %mul3A_1154 : i32
      %lt3A_1258 = arith.constant 8.000000e-01 : f32
      %lt3A_1259 = arith.cmpf olt, %get3A_1254, %lt3A_1258 : f32
      %convert_element_type3A_1260 = arith.extui %lt3A_1259 : i1 to i32
      %cond3A_1261 = arith.constant 0 : i32
      %cond3A_1262 = arith.cmpi ne, %convert_element_type3A_1260, %cond3A_1261 : i32
      scf.if %cond3A_1262 {
        %parallel_loop3A = arith.constant 0 : i32
        %parallel_loop3A_1501 = arith.constant 40 : i32
        %parallel_loop3A_1502 = arith.constant 1 : i32
        scf.for %parallel_loop3A_1503 = %parallel_loop3A to %parallel_loop3A_1501 step %parallel_loop3A_1502  : i32 {
          %parallel_loop3A_1504 = arith.constant 16 : i32
          %parallel_loop3A_1505 = arith.muli %parallel_loop3A_1503, %parallel_loop3A_1504 : i32
          %parallel_loop3A_1506 = arith.constant 16 : i32
          %parallel_loop3A_1507 = arith.muli %parallel_loop3A_1503, %parallel_loop3A_1506 : i32
          %parallel_loop3A_1508 = arith.addi %add3A_1257, %parallel_loop3A_1507 : i32
          %parallel_loop3A_1509 = arith.index_cast %parallel_loop3A_1508 : i32 to index
          %parallel_loop3A_1510 = tpu.vector_load %arg7[%parallel_loop3A_1509] {strides = array<i32>} : memref<96000xf32, #tpu.memory_space<vmem>>, vector<16xf32>,
          %parallel_loop3A_1511 = vector.shape_cast %parallel_loop3A_1510 : vector<16xf32> to vector<16xf32>
          %parallel_loop3A_1512 = arith.constant 5 : i32
          %parallel_loop3A_1513 = arith.index_cast %parallel_loop3A_1512 : i32 to index
          %parallel_loop3A_1514 = arith.index_cast %parallel_loop3A_1505 : i32 to index
          %parallel_loop3A_1515 = tpu.vector_load %arg13[%parallel_loop3A_1513, %parallel_loop3A_1514] {strides = array<i32>} : memref<8x640xf32, #tpu.memory_space<vmem>>, vector<1x16xf32>,
          %parallel_loop3A_1516 = vector.shape_cast %parallel_loop3A_1515 : vector<1x16xf32> to vector<16xf32>
          %parallel_loop3A_1517 = vector.shape_cast %parallel_loop3A_1511 : vector<16xf32> to vector<1x16xf32>
          tpu.vector_store %arg13[%parallel_loop3A_1513, %parallel_loop3A_1514], %parallel_loop3A_1517 {add = true, strides = array<i32>} : memref<8x640xf32, #tpu.memory_space<vmem>>, vector<1x16xf32>,
        } {sc.loop_unroll_factor = 8 : i64, sc.parallel_access}
      } else {
      }
      %and3A_1263 = arith.constant 3 : i32
      %and3A_1264 = arith.andi %add3A_1120, %and3A_1263 : i32
      %mul3A_1265 = arith.constant 8 : i32
      %mul3A_1266 = arith.muli %and3A_1264, %mul3A_1265 : i32
      %add3A_1267 = arith.constant 6 : i32
      %add3A_1268 = arith.addi %mul3A_1266, %add3A_1267 : i32
      %get3A_1269 = arith.index_cast %add3A_1268 : i32 to index
      %get3A_1270 = memref.load %arg11[%get3A_1269] : memref<32xi32, #tpu.memory_space<smem>>
      %get3A_1271 = arith.index_cast %add3A_1268 : i32 to index
      %get3A_1272 = memref.load %arg12[%get3A_1271] : memref<32xf32, #tpu.memory_space<smem>>
      %mul3A_1273 = arith.constant 16000 : i32
      %mul3A_1274 = arith.muli %get3A_1270, %mul3A_1273 : i32
      %add3A_1275 = arith.addi %mul3A_1274, %mul3A_1154 : i32
      %lt3A_1276 = arith.constant 8.000000e-01 : f32
      %lt3A_1277 = arith.cmpf olt, %get3A_1272, %lt3A_1276 : f32
      %convert_element_type3A_1278 = arith.extui %lt3A_1277 : i1 to i32
      %cond3A_1279 = arith.constant 0 : i32
      %cond3A_1280 = arith.cmpi ne, %convert_element_type3A_1278, %cond3A_1279 : i32
      scf.if %cond3A_1280 {
        %parallel_loop3A = arith.constant 0 : i32
        %parallel_loop3A_1501 = arith.constant 40 : i32
        %parallel_loop3A_1502 = arith.constant 1 : i32
        scf.for %parallel_loop3A_1503 = %parallel_loop3A to %parallel_loop3A_1501 step %parallel_loop3A_1502  : i32 {
          %parallel_loop3A_1504 = arith.constant 16 : i32
          %parallel_loop3A_1505 = arith.muli %parallel_loop3A_1503, %parallel_loop3A_1504 : i32
          %parallel_loop3A_1506 = arith.constant 16 : i32
          %parallel_loop3A_1507 = arith.muli %parallel_loop3A_1503, %parallel_loop3A_1506 : i32
          %parallel_loop3A_1508 = arith.addi %add3A_1275, %parallel_loop3A_1507 : i32
          %parallel_loop3A_1509 = arith.index_cast %parallel_loop3A_1508 : i32 to index
          %parallel_loop3A_1510 = tpu.vector_load %arg7[%parallel_loop3A_1509] {strides = array<i32>} : memref<96000xf32, #tpu.memory_space<vmem>>, vector<16xf32>,
          %parallel_loop3A_1511 = vector.shape_cast %parallel_loop3A_1510 : vector<16xf32> to vector<16xf32>
          %parallel_loop3A_1512 = arith.constant 6 : i32
          %parallel_loop3A_1513 = arith.index_cast %parallel_loop3A_1512 : i32 to index
          %parallel_loop3A_1514 = arith.index_cast %parallel_loop3A_1505 : i32 to index
          %parallel_loop3A_1515 = tpu.vector_load %arg13[%parallel_loop3A_1513, %parallel_loop3A_1514] {strides = array<i32>} : memref<8x640xf32, #tpu.memory_space<vmem>>, vector<1x16xf32>,
          %parallel_loop3A_1516 = vector.shape_cast %parallel_loop3A_1515 : vector<1x16xf32> to vector<16xf32>
          %parallel_loop3A_1517 = vector.shape_cast %parallel_loop3A_1511 : vector<16xf32> to vector<1x16xf32>
          tpu.vector_store %arg13[%parallel_loop3A_1513, %parallel_loop3A_1514], %parallel_loop3A_1517 {add = true, strides = array<i32>} : memref<8x640xf32, #tpu.memory_space<vmem>>, vector<1x16xf32>,
        } {sc.loop_unroll_factor = 8 : i64, sc.parallel_access}
      } else {
      }
      %and3A_1281 = arith.constant 3 : i32
      %and3A_1282 = arith.andi %add3A_1120, %and3A_1281 : i32
      %mul3A_1283 = arith.constant 8 : i32
      %mul3A_1284 = arith.muli %and3A_1282, %mul3A_1283 : i32
      %add3A_1285 = arith.constant 7 : i32
      %add3A_1286 = arith.addi %mul3A_1284, %add3A_1285 : i32
      %get3A_1287 = arith.index_cast %add3A_1286 : i32 to index
      %get3A_1288 = memref.load %arg11[%get3A_1287] : memref<32xi32, #tpu.memory_space<smem>>
      %get3A_1289 = arith.index_cast %add3A_1286 : i32 to index
      %get3A_1290 = memref.load %arg12[%get3A_1289] : memref<32xf32, #tpu.memory_space<smem>>
      %mul3A_1291 = arith.constant 16000 : i32
      %mul3A_1292 = arith.muli %get3A_1288, %mul3A_1291 : i32
      %add3A_1293 = arith.addi %mul3A_1292, %mul3A_1154 : i32
      %lt3A_1294 = arith.constant 8.000000e-01 : f32
      %lt3A_1295 = arith.cmpf olt, %get3A_1290, %lt3A_1294 : f32
      %convert_element_type3A_1296 = arith.extui %lt3A_1295 : i1 to i32
      %cond3A_1297 = arith.constant 0 : i32
      %cond3A_1298 = arith.cmpi ne, %convert_element_type3A_1296, %cond3A_1297 : i32
      scf.if %cond3A_1298 {
        %parallel_loop3A = arith.constant 0 : i32
        %parallel_loop3A_1501 = arith.constant 40 : i32
        %parallel_loop3A_1502 = arith.constant 1 : i32
        scf.for %parallel_loop3A_1503 = %parallel_loop3A to %parallel_loop3A_1501 step %parallel_loop3A_1502  : i32 {
          %parallel_loop3A_1504 = arith.constant 16 : i32
          %parallel_loop3A_1505 = arith.muli %parallel_loop3A_1503, %parallel_loop3A_1504 : i32
          %parallel_loop3A_1506 = arith.constant 16 : i32
          %parallel_loop3A_1507 = arith.muli %parallel_loop3A_1503, %parallel_loop3A_1506 : i32
          %parallel_loop3A_1508 = arith.addi %add3A_1293, %parallel_loop3A_1507 : i32
          %parallel_loop3A_1509 = arith.index_cast %parallel_loop3A_1508 : i32 to index
          %parallel_loop3A_1510 = tpu.vector_load %arg7[%parallel_loop3A_1509] {strides = array<i32>} : memref<96000xf32, #tpu.memory_space<vmem>>, vector<16xf32>,
          %parallel_loop3A_1511 = vector.shape_cast %parallel_loop3A_1510 : vector<16xf32> to vector<16xf32>
          %parallel_loop3A_1512 = arith.constant 7 : i32
          %parallel_loop3A_1513 = arith.index_cast %parallel_loop3A_1512 : i32 to index
          %parallel_loop3A_1514 = arith.index_cast %parallel_loop3A_1505 : i32 to index
          %parallel_loop3A_1515 = tpu.vector_load %arg13[%parallel_loop3A_1513, %parallel_loop3A_1514] {strides = array<i32>} : memref<8x640xf32, #tpu.memory_space<vmem>>, vector<1x16xf32>,
          %parallel_loop3A_1516 = vector.shape_cast %parallel_loop3A_1515 : vector<1x16xf32> to vector<16xf32>
          %parallel_loop3A_1517 = vector.shape_cast %parallel_loop3A_1511 : vector<16xf32> to vector<1x16xf32>
          tpu.vector_store %arg13[%parallel_loop3A_1513, %parallel_loop3A_1514], %parallel_loop3A_1517 {add = true, strides = array<i32>} : memref<8x640xf32, #tpu.memory_space<vmem>>, vector<1x16xf32>,
        } {sc.loop_unroll_factor = 8 : i64, sc.parallel_access}
      } else {
      }
      %and3A_1299 = arith.constant 3 : i32
      %and3A_1300 = arith.andi %add3A_1120, %and3A_1299 : i32
      %mul3A_1301 = arith.constant 8 : i32
      %mul3A_1302 = arith.muli %and3A_1300, %mul3A_1301 : i32
      %add3A_1303 = arith.addi %mul3A_2, %mul3A_1302 : i32
      %shift_right_arithmetic3A_1304 = arith.constant 2 : i32
      %shift_right_arithmetic3A_1305 = arith.shrsi %add3A_1120, %shift_right_arithmetic3A_1304 : i32
      %mul3A_1306 = arith.constant 640 : i32
      %mul3A_1307 = arith.muli %shift_right_arithmetic3A_1305, %mul3A_1306 : i32
      %dma_start3A_1308 = tpu.memref_slice %arg6[%add3A_1303, %mul3A_1307] : memref<1024x16000xf32, #tpu.memory_space<hbm>> -> memref<8x640xf32, #tpu.memory_space<hbm>>
      %dma_start3A_1309 = tpu.memref_slice %arg6[%add3A_1303, %mul3A_1307] : memref<1024x16000xf32, #tpu.memory_space<hbm>> -> memref<8x640xf32, #tpu.memory_space<hbm>>
      tpu.enqueue_dma source(%arg13 : memref<8x640xf32, #tpu.memory_space<vmem>>) target(%dma_start3A_1309 : memref<8x640xf32, #tpu.memory_space<hbm>>) target_semaphore(%arg19 : memref<!tpu.dma_semaphore, #tpu.memory_space<semaphore_mem>>)
      %add3A_1310 = arith.constant 2 : i32
      %add3A_1311 = arith.addi %add3A_931, %add3A_1310 : i32
      %dma_wait3A_1312 = arith.constant 0 : i32
      %dma_wait3A_1313 = arith.constant 0 : i32
      %dma_wait3A_1314 = tpu.memref_slice %arg6[%dma_wait3A_1312, %dma_wait3A_1313] : memref<1024x16000xf32, #tpu.memory_space<hbm>> -> memref<8x640xf32, #tpu.memory_space<hbm>>
      %dma_wait3A_1315 = arith.constant 0 : i32
      %dma_wait3A_1316 = arith.constant 0 : i32
      %dma_wait3A_1317 = tpu.memref_slice %arg6[%dma_wait3A_1315, %dma_wait3A_1316] : memref<1024x16000xf32, #tpu.memory_space<hbm>> -> memref<8x640xf32, #tpu.memory_space<hbm>>
      tpu.wait_dma2 semaphore(%arg21 : memref<!tpu.dma_semaphore, #tpu.memory_space<semaphore_mem>>) src(%arg15 : memref<8x640xf32, #tpu.memory_space<vmem>>) dst(%dma_wait3A_1317 : memref<8x640xf32, #tpu.memory_space<hbm>>)
      %add3A_1318 = arith.constant 1 : i32
      %add3A_1319 = arith.addi %add3A_1311, %add3A_1318 : i32
      %and3A_1320 = arith.constant 3 : i32
      %and3A_1321 = arith.andi %add3A_1319, %and3A_1320 : i32
      %mul3A_1322 = arith.constant 8 : i32
      %mul3A_1323 = arith.muli %and3A_1321, %mul3A_1322 : i32
      %add3A_1324 = arith.addi %mul3A_2, %mul3A_1323 : i32
      %shift_right_arithmetic3A_1325 = arith.constant 2 : i32
      %shift_right_arithmetic3A_1326 = arith.shrsi %add3A_1319, %shift_right_arithmetic3A_1325 : i32
      %mul3A_1327 = arith.constant 640 : i32
      %mul3A_1328 = arith.muli %shift_right_arithmetic3A_1326, %mul3A_1327 : i32
      %dma_start3A_1329 = tpu.memref_slice %arg2[%add3A_1324, %mul3A_1328] : memref<1024x16000xf32, #tpu.memory_space<hbm>> -> memref<8x640xf32, #tpu.memory_space<hbm>>
      %dma_start3A_1330 = tpu.memref_slice %arg2[%add3A_1324, %mul3A_1328] : memref<1024x16000xf32, #tpu.memory_space<hbm>> -> memref<8x640xf32, #tpu.memory_space<hbm>>
      tpu.enqueue_dma source(%dma_start3A_1330 : memref<8x640xf32, #tpu.memory_space<hbm>>) target(%arg15 : memref<8x640xf32, #tpu.memory_space<vmem>>) target_semaphore(%arg18 : memref<!tpu.dma_semaphore, #tpu.memory_space<semaphore_mem>>)
      %dma_wait3A_1331 = arith.constant 0 : i32
      %dma_wait3A_1332 = arith.constant 0 : i32
      %dma_wait3A_1333 = tpu.memref_slice %arg2[%dma_wait3A_1331, %dma_wait3A_1332] : memref<1024x16000xf32, #tpu.memory_space<hbm>> -> memref<8x640xf32, #tpu.memory_space<hbm>>
      %dma_wait3A_1334 = arith.constant 0 : i32
      %dma_wait3A_1335 = arith.constant 0 : i32
      %dma_wait3A_1336 = tpu.memref_slice %arg2[%dma_wait3A_1334, %dma_wait3A_1335] : memref<1024x16000xf32, #tpu.memory_space<hbm>> -> memref<8x640xf32, #tpu.memory_space<hbm>>
      tpu.wait_dma2 semaphore(%arg17 : memref<!tpu.dma_semaphore, #tpu.memory_space<semaphore_mem>>) src(%dma_wait3A_1336 : memref<8x640xf32, #tpu.memory_space<hbm>>) dst(%arg14 : memref<8x640xf32, #tpu.memory_space<vmem>>)
      %and3A_1337 = arith.constant 3 : i32
      %and3A_1338 = arith.andi %add3A_1311, %and3A_1337 : i32
      %mul3A_1339 = arith.constant 8 : i32
      %mul3A_1340 = arith.muli %and3A_1338, %mul3A_1339 : i32
      %add3A_1341 = arith.addi %mul3A_2, %mul3A_1340 : i32
      %shift_right_arithmetic3A_1342 = arith.constant 2 : i32
      %shift_right_arithmetic3A_1343 = arith.shrsi %add3A_1311, %shift_right_arithmetic3A_1342 : i32
      %mul3A_1344 = arith.constant 640 : i32
      %mul3A_1345 = arith.muli %shift_right_arithmetic3A_1343, %mul3A_1344 : i32
      %and3A_1346 = arith.constant 3 : i32
      %and3A_1347 = arith.andi %add3A_1311, %and3A_1346 : i32
      %mul3A_1348 = arith.constant 8 : i32
      %mul3A_1349 = arith.muli %and3A_1347, %mul3A_1348 : i32
      %add3A_1350 = arith.constant 0 : i32
      %add3A_1351 = arith.addi %mul3A_1349, %add3A_1350 : i32
      %get3A_1352 = arith.index_cast %add3A_1351 : i32 to index
      %get3A_1353 = memref.load %arg11[%get3A_1352] : memref<32xi32, #tpu.memory_space<smem>>
      %get3A_1354 = arith.index_cast %add3A_1351 : i32 to index
      %get3A_1355 = memref.load %arg12[%get3A_1354] : memref<32xf32, #tpu.memory_space<smem>>
      %mul3A_1356 = arith.constant 16000 : i32
      %mul3A_1357 = arith.muli %get3A_1353, %mul3A_1356 : i32
      %add3A_1358 = arith.addi %mul3A_1357, %mul3A_1345 : i32
      %lt3A_1359 = arith.constant 8.000000e-01 : f32
      %lt3A_1360 = arith.cmpf olt, %get3A_1355, %lt3A_1359 : f32
      %convert_element_type3A_1361 = arith.extui %lt3A_1360 : i1 to i32
      %cond3A_1362 = arith.constant 0 : i32
      %cond3A_1363 = arith.cmpi ne, %convert_element_type3A_1361, %cond3A_1362 : i32
      scf.if %cond3A_1363 {
        %parallel_loop3A = arith.constant 0 : i32
        %parallel_loop3A_1501 = arith.constant 40 : i32
        %parallel_loop3A_1502 = arith.constant 1 : i32
        scf.for %parallel_loop3A_1503 = %parallel_loop3A to %parallel_loop3A_1501 step %parallel_loop3A_1502  : i32 {
          %parallel_loop3A_1504 = arith.constant 16 : i32
          %parallel_loop3A_1505 = arith.muli %parallel_loop3A_1503, %parallel_loop3A_1504 : i32
          %parallel_loop3A_1506 = arith.constant 16 : i32
          %parallel_loop3A_1507 = arith.muli %parallel_loop3A_1503, %parallel_loop3A_1506 : i32
          %parallel_loop3A_1508 = arith.addi %add3A_1358, %parallel_loop3A_1507 : i32
          %parallel_loop3A_1509 = arith.index_cast %parallel_loop3A_1508 : i32 to index
          %parallel_loop3A_1510 = tpu.vector_load %arg7[%parallel_loop3A_1509] {strides = array<i32>} : memref<96000xf32, #tpu.memory_space<vmem>>, vector<16xf32>,
          %parallel_loop3A_1511 = vector.shape_cast %parallel_loop3A_1510 : vector<16xf32> to vector<16xf32>
          %parallel_loop3A_1512 = arith.constant 0 : i32
          %parallel_loop3A_1513 = arith.index_cast %parallel_loop3A_1512 : i32 to index
          %parallel_loop3A_1514 = arith.index_cast %parallel_loop3A_1505 : i32 to index
          %parallel_loop3A_1515 = tpu.vector_load %arg14[%parallel_loop3A_1513, %parallel_loop3A_1514] {strides = array<i32>} : memref<8x640xf32, #tpu.memory_space<vmem>>, vector<1x16xf32>,
          %parallel_loop3A_1516 = vector.shape_cast %parallel_loop3A_1515 : vector<1x16xf32> to vector<16xf32>
          %parallel_loop3A_1517 = vector.shape_cast %parallel_loop3A_1511 : vector<16xf32> to vector<1x16xf32>
          tpu.vector_store %arg14[%parallel_loop3A_1513, %parallel_loop3A_1514], %parallel_loop3A_1517 {add = true, strides = array<i32>} : memref<8x640xf32, #tpu.memory_space<vmem>>, vector<1x16xf32>,
        } {sc.loop_unroll_factor = 8 : i64, sc.parallel_access}
      } else {
      }
      %and3A_1364 = arith.constant 3 : i32
      %and3A_1365 = arith.andi %add3A_1311, %and3A_1364 : i32
      %mul3A_1366 = arith.constant 8 : i32
      %mul3A_1367 = arith.muli %and3A_1365, %mul3A_1366 : i32
      %add3A_1368 = arith.constant 1 : i32
      %add3A_1369 = arith.addi %mul3A_1367, %add3A_1368 : i32
      %get3A_1370 = arith.index_cast %add3A_1369 : i32 to index
      %get3A_1371 = memref.load %arg11[%get3A_1370] : memref<32xi32, #tpu.memory_space<smem>>
      %get3A_1372 = arith.index_cast %add3A_1369 : i32 to index
      %get3A_1373 = memref.load %arg12[%get3A_1372] : memref<32xf32, #tpu.memory_space<smem>>
      %mul3A_1374 = arith.constant 16000 : i32
      %mul3A_1375 = arith.muli %get3A_1371, %mul3A_1374 : i32
      %add3A_1376 = arith.addi %mul3A_1375, %mul3A_1345 : i32
      %lt3A_1377 = arith.constant 8.000000e-01 : f32
      %lt3A_1378 = arith.cmpf olt, %get3A_1373, %lt3A_1377 : f32
      %convert_element_type3A_1379 = arith.extui %lt3A_1378 : i1 to i32
      %cond3A_1380 = arith.constant 0 : i32
      %cond3A_1381 = arith.cmpi ne, %convert_element_type3A_1379, %cond3A_1380 : i32
      scf.if %cond3A_1381 {
        %parallel_loop3A = arith.constant 0 : i32
        %parallel_loop3A_1501 = arith.constant 40 : i32
        %parallel_loop3A_1502 = arith.constant 1 : i32
        scf.for %parallel_loop3A_1503 = %parallel_loop3A to %parallel_loop3A_1501 step %parallel_loop3A_1502  : i32 {
          %parallel_loop3A_1504 = arith.constant 16 : i32
          %parallel_loop3A_1505 = arith.muli %parallel_loop3A_1503, %parallel_loop3A_1504 : i32
          %parallel_loop3A_1506 = arith.constant 16 : i32
          %parallel_loop3A_1507 = arith.muli %parallel_loop3A_1503, %parallel_loop3A_1506 : i32
          %parallel_loop3A_1508 = arith.addi %add3A_1376, %parallel_loop3A_1507 : i32
          %parallel_loop3A_1509 = arith.index_cast %parallel_loop3A_1508 : i32 to index
          %parallel_loop3A_1510 = tpu.vector_load %arg7[%parallel_loop3A_1509] {strides = array<i32>} : memref<96000xf32, #tpu.memory_space<vmem>>, vector<16xf32>,
          %parallel_loop3A_1511 = vector.shape_cast %parallel_loop3A_1510 : vector<16xf32> to vector<16xf32>
          %parallel_loop3A_1512 = arith.constant 1 : i32
          %parallel_loop3A_1513 = arith.index_cast %parallel_loop3A_1512 : i32 to index
          %parallel_loop3A_1514 = arith.index_cast %parallel_loop3A_1505 : i32 to index
          %parallel_loop3A_1515 = tpu.vector_load %arg14[%parallel_loop3A_1513, %parallel_loop3A_1514] {strides = array<i32>} : memref<8x640xf32, #tpu.memory_space<vmem>>, vector<1x16xf32>,
          %parallel_loop3A_1516 = vector.shape_cast %parallel_loop3A_1515 : vector<1x16xf32> to vector<16xf32>
          %parallel_loop3A_1517 = vector.shape_cast %parallel_loop3A_1511 : vector<16xf32> to vector<1x16xf32>
          tpu.vector_store %arg14[%parallel_loop3A_1513, %parallel_loop3A_1514], %parallel_loop3A_1517 {add = true, strides = array<i32>} : memref<8x640xf32, #tpu.memory_space<vmem>>, vector<1x16xf32>,
        } {sc.loop_unroll_factor = 8 : i64, sc.parallel_access}
      } else {
      }
      %and3A_1382 = arith.constant 3 : i32
      %and3A_1383 = arith.andi %add3A_1311, %and3A_1382 : i32
      %mul3A_1384 = arith.constant 8 : i32
      %mul3A_1385 = arith.muli %and3A_1383, %mul3A_1384 : i32
      %add3A_1386 = arith.constant 2 : i32
      %add3A_1387 = arith.addi %mul3A_1385, %add3A_1386 : i32
      %get3A_1388 = arith.index_cast %add3A_1387 : i32 to index
      %get3A_1389 = memref.load %arg11[%get3A_1388] : memref<32xi32, #tpu.memory_space<smem>>
      %get3A_1390 = arith.index_cast %add3A_1387 : i32 to index
      %get3A_1391 = memref.load %arg12[%get3A_1390] : memref<32xf32, #tpu.memory_space<smem>>
      %mul3A_1392 = arith.constant 16000 : i32
      %mul3A_1393 = arith.muli %get3A_1389, %mul3A_1392 : i32
      %add3A_1394 = arith.addi %mul3A_1393, %mul3A_1345 : i32
      %lt3A_1395 = arith.constant 8.000000e-01 : f32
      %lt3A_1396 = arith.cmpf olt, %get3A_1391, %lt3A_1395 : f32
      %convert_element_type3A_1397 = arith.extui %lt3A_1396 : i1 to i32
      %cond3A_1398 = arith.constant 0 : i32
      %cond3A_1399 = arith.cmpi ne, %convert_element_type3A_1397, %cond3A_1398 : i32
      scf.if %cond3A_1399 {
        %parallel_loop3A = arith.constant 0 : i32
        %parallel_loop3A_1501 = arith.constant 40 : i32
        %parallel_loop3A_1502 = arith.constant 1 : i32
        scf.for %parallel_loop3A_1503 = %parallel_loop3A to %parallel_loop3A_1501 step %parallel_loop3A_1502  : i32 {
          %parallel_loop3A_1504 = arith.constant 16 : i32
          %parallel_loop3A_1505 = arith.muli %parallel_loop3A_1503, %parallel_loop3A_1504 : i32
          %parallel_loop3A_1506 = arith.constant 16 : i32
          %parallel_loop3A_1507 = arith.muli %parallel_loop3A_1503, %parallel_loop3A_1506 : i32
          %parallel_loop3A_1508 = arith.addi %add3A_1394, %parallel_loop3A_1507 : i32
          %parallel_loop3A_1509 = arith.index_cast %parallel_loop3A_1508 : i32 to index
          %parallel_loop3A_1510 = tpu.vector_load %arg7[%parallel_loop3A_1509] {strides = array<i32>} : memref<96000xf32, #tpu.memory_space<vmem>>, vector<16xf32>,
          %parallel_loop3A_1511 = vector.shape_cast %parallel_loop3A_1510 : vector<16xf32> to vector<16xf32>
          %parallel_loop3A_1512 = arith.constant 2 : i32
          %parallel_loop3A_1513 = arith.index_cast %parallel_loop3A_1512 : i32 to index
          %parallel_loop3A_1514 = arith.index_cast %parallel_loop3A_1505 : i32 to index
          %parallel_loop3A_1515 = tpu.vector_load %arg14[%parallel_loop3A_1513, %parallel_loop3A_1514] {strides = array<i32>} : memref<8x640xf32, #tpu.memory_space<vmem>>, vector<1x16xf32>,
          %parallel_loop3A_1516 = vector.shape_cast %parallel_loop3A_1515 : vector<1x16xf32> to vector<16xf32>
          %parallel_loop3A_1517 = vector.shape_cast %parallel_loop3A_1511 : vector<16xf32> to vector<1x16xf32>
          tpu.vector_store %arg14[%parallel_loop3A_1513, %parallel_loop3A_1514], %parallel_loop3A_1517 {add = true, strides = array<i32>} : memref<8x640xf32, #tpu.memory_space<vmem>>, vector<1x16xf32>,
        } {sc.loop_unroll_factor = 8 : i64, sc.parallel_access}
      } else {
      }
      %and3A_1400 = arith.constant 3 : i32
      %and3A_1401 = arith.andi %add3A_1311, %and3A_1400 : i32
      %mul3A_1402 = arith.constant 8 : i32
      %mul3A_1403 = arith.muli %and3A_1401, %mul3A_1402 : i32
      %add3A_1404 = arith.constant 3 : i32
      %add3A_1405 = arith.addi %mul3A_1403, %add3A_1404 : i32
      %get3A_1406 = arith.index_cast %add3A_1405 : i32 to index
      %get3A_1407 = memref.load %arg11[%get3A_1406] : memref<32xi32, #tpu.memory_space<smem>>
      %get3A_1408 = arith.index_cast %add3A_1405 : i32 to index
      %get3A_1409 = memref.load %arg12[%get3A_1408] : memref<32xf32, #tpu.memory_space<smem>>
      %mul3A_1410 = arith.constant 16000 : i32
      %mul3A_1411 = arith.muli %get3A_1407, %mul3A_1410 : i32
      %add3A_1412 = arith.addi %mul3A_1411, %mul3A_1345 : i32
      %lt3A_1413 = arith.constant 8.000000e-01 : f32
      %lt3A_1414 = arith.cmpf olt, %get3A_1409, %lt3A_1413 : f32
      %convert_element_type3A_1415 = arith.extui %lt3A_1414 : i1 to i32
      %cond3A_1416 = arith.constant 0 : i32
      %cond3A_1417 = arith.cmpi ne, %convert_element_type3A_1415, %cond3A_1416 : i32
      scf.if %cond3A_1417 {
        %parallel_loop3A = arith.constant 0 : i32
        %parallel_loop3A_1501 = arith.constant 40 : i32
        %parallel_loop3A_1502 = arith.constant 1 : i32
        scf.for %parallel_loop3A_1503 = %parallel_loop3A to %parallel_loop3A_1501 step %parallel_loop3A_1502  : i32 {
          %parallel_loop3A_1504 = arith.constant 16 : i32
          %parallel_loop3A_1505 = arith.muli %parallel_loop3A_1503, %parallel_loop3A_1504 : i32
          %parallel_loop3A_1506 = arith.constant 16 : i32
          %parallel_loop3A_1507 = arith.muli %parallel_loop3A_1503, %parallel_loop3A_1506 : i32
          %parallel_loop3A_1508 = arith.addi %add3A_1412, %parallel_loop3A_1507 : i32
          %parallel_loop3A_1509 = arith.index_cast %parallel_loop3A_1508 : i32 to index
          %parallel_loop3A_1510 = tpu.vector_load %arg7[%parallel_loop3A_1509] {strides = array<i32>} : memref<96000xf32, #tpu.memory_space<vmem>>, vector<16xf32>,
          %parallel_loop3A_1511 = vector.shape_cast %parallel_loop3A_1510 : vector<16xf32> to vector<16xf32>
          %parallel_loop3A_1512 = arith.constant 3 : i32
          %parallel_loop3A_1513 = arith.index_cast %parallel_loop3A_1512 : i32 to index
          %parallel_loop3A_1514 = arith.index_cast %parallel_loop3A_1505 : i32 to index
          %parallel_loop3A_1515 = tpu.vector_load %arg14[%parallel_loop3A_1513, %parallel_loop3A_1514] {strides = array<i32>} : memref<8x640xf32, #tpu.memory_space<vmem>>, vector<1x16xf32>,
          %parallel_loop3A_1516 = vector.shape_cast %parallel_loop3A_1515 : vector<1x16xf32> to vector<16xf32>
          %parallel_loop3A_1517 = vector.shape_cast %parallel_loop3A_1511 : vector<16xf32> to vector<1x16xf32>
          tpu.vector_store %arg14[%parallel_loop3A_1513, %parallel_loop3A_1514], %parallel_loop3A_1517 {add = true, strides = array<i32>} : memref<8x640xf32, #tpu.memory_space<vmem>>, vector<1x16xf32>,
        } {sc.loop_unroll_factor = 8 : i64, sc.parallel_access}
      } else {
      }
      %and3A_1418 = arith.constant 3 : i32
      %and3A_1419 = arith.andi %add3A_1311, %and3A_1418 : i32
      %mul3A_1420 = arith.constant 8 : i32
      %mul3A_1421 = arith.muli %and3A_1419, %mul3A_1420 : i32
      %add3A_1422 = arith.constant 4 : i32
      %add3A_1423 = arith.addi %mul3A_1421, %add3A_1422 : i32
      %get3A_1424 = arith.index_cast %add3A_1423 : i32 to index
      %get3A_1425 = memref.load %arg11[%get3A_1424] : memref<32xi32, #tpu.memory_space<smem>>
      %get3A_1426 = arith.index_cast %add3A_1423 : i32 to index
      %get3A_1427 = memref.load %arg12[%get3A_1426] : memref<32xf32, #tpu.memory_space<smem>>
      %mul3A_1428 = arith.constant 16000 : i32
      %mul3A_1429 = arith.muli %get3A_1425, %mul3A_1428 : i32
      %add3A_1430 = arith.addi %mul3A_1429, %mul3A_1345 : i32
      %lt3A_1431 = arith.constant 8.000000e-01 : f32
      %lt3A_1432 = arith.cmpf olt, %get3A_1427, %lt3A_1431 : f32
      %convert_element_type3A_1433 = arith.extui %lt3A_1432 : i1 to i32
      %cond3A_1434 = arith.constant 0 : i32
      %cond3A_1435 = arith.cmpi ne, %convert_element_type3A_1433, %cond3A_1434 : i32
      scf.if %cond3A_1435 {
        %parallel_loop3A = arith.constant 0 : i32
        %parallel_loop3A_1501 = arith.constant 40 : i32
        %parallel_loop3A_1502 = arith.constant 1 : i32
        scf.for %parallel_loop3A_1503 = %parallel_loop3A to %parallel_loop3A_1501 step %parallel_loop3A_1502  : i32 {
          %parallel_loop3A_1504 = arith.constant 16 : i32
          %parallel_loop3A_1505 = arith.muli %parallel_loop3A_1503, %parallel_loop3A_1504 : i32
          %parallel_loop3A_1506 = arith.constant 16 : i32
          %parallel_loop3A_1507 = arith.muli %parallel_loop3A_1503, %parallel_loop3A_1506 : i32
          %parallel_loop3A_1508 = arith.addi %add3A_1430, %parallel_loop3A_1507 : i32
          %parallel_loop3A_1509 = arith.index_cast %parallel_loop3A_1508 : i32 to index
          %parallel_loop3A_1510 = tpu.vector_load %arg7[%parallel_loop3A_1509] {strides = array<i32>} : memref<96000xf32, #tpu.memory_space<vmem>>, vector<16xf32>,
          %parallel_loop3A_1511 = vector.shape_cast %parallel_loop3A_1510 : vector<16xf32> to vector<16xf32>
          %parallel_loop3A_1512 = arith.constant 4 : i32
          %parallel_loop3A_1513 = arith.index_cast %parallel_loop3A_1512 : i32 to index
          %parallel_loop3A_1514 = arith.index_cast %parallel_loop3A_1505 : i32 to index
          %parallel_loop3A_1515 = tpu.vector_load %arg14[%parallel_loop3A_1513, %parallel_loop3A_1514] {strides = array<i32>} : memref<8x640xf32, #tpu.memory_space<vmem>>, vector<1x16xf32>,
          %parallel_loop3A_1516 = vector.shape_cast %parallel_loop3A_1515 : vector<1x16xf32> to vector<16xf32>
          %parallel_loop3A_1517 = vector.shape_cast %parallel_loop3A_1511 : vector<16xf32> to vector<1x16xf32>
          tpu.vector_store %arg14[%parallel_loop3A_1513, %parallel_loop3A_1514], %parallel_loop3A_1517 {add = true, strides = array<i32>} : memref<8x640xf32, #tpu.memory_space<vmem>>, vector<1x16xf32>,
        } {sc.loop_unroll_factor = 8 : i64, sc.parallel_access}
      } else {
      }
      %and3A_1436 = arith.constant 3 : i32
      %and3A_1437 = arith.andi %add3A_1311, %and3A_1436 : i32
      %mul3A_1438 = arith.constant 8 : i32
      %mul3A_1439 = arith.muli %and3A_1437, %mul3A_1438 : i32
      %add3A_1440 = arith.constant 5 : i32
      %add3A_1441 = arith.addi %mul3A_1439, %add3A_1440 : i32
      %get3A_1442 = arith.index_cast %add3A_1441 : i32 to index
      %get3A_1443 = memref.load %arg11[%get3A_1442] : memref<32xi32, #tpu.memory_space<smem>>
      %get3A_1444 = arith.index_cast %add3A_1441 : i32 to index
      %get3A_1445 = memref.load %arg12[%get3A_1444] : memref<32xf32, #tpu.memory_space<smem>>
      %mul3A_1446 = arith.constant 16000 : i32
      %mul3A_1447 = arith.muli %get3A_1443, %mul3A_1446 : i32
      %add3A_1448 = arith.addi %mul3A_1447, %mul3A_1345 : i32
      %lt3A_1449 = arith.constant 8.000000e-01 : f32
      %lt3A_1450 = arith.cmpf olt, %get3A_1445, %lt3A_1449 : f32
      %convert_element_type3A_1451 = arith.extui %lt3A_1450 : i1 to i32
      %cond3A_1452 = arith.constant 0 : i32
      %cond3A_1453 = arith.cmpi ne, %convert_element_type3A_1451, %cond3A_1452 : i32
      scf.if %cond3A_1453 {
        %parallel_loop3A = arith.constant 0 : i32
        %parallel_loop3A_1501 = arith.constant 40 : i32
        %parallel_loop3A_1502 = arith.constant 1 : i32
        scf.for %parallel_loop3A_1503 = %parallel_loop3A to %parallel_loop3A_1501 step %parallel_loop3A_1502  : i32 {
          %parallel_loop3A_1504 = arith.constant 16 : i32
          %parallel_loop3A_1505 = arith.muli %parallel_loop3A_1503, %parallel_loop3A_1504 : i32
          %parallel_loop3A_1506 = arith.constant 16 : i32
          %parallel_loop3A_1507 = arith.muli %parallel_loop3A_1503, %parallel_loop3A_1506 : i32
          %parallel_loop3A_1508 = arith.addi %add3A_1448, %parallel_loop3A_1507 : i32
          %parallel_loop3A_1509 = arith.index_cast %parallel_loop3A_1508 : i32 to index
          %parallel_loop3A_1510 = tpu.vector_load %arg7[%parallel_loop3A_1509] {strides = array<i32>} : memref<96000xf32, #tpu.memory_space<vmem>>, vector<16xf32>,
          %parallel_loop3A_1511 = vector.shape_cast %parallel_loop3A_1510 : vector<16xf32> to vector<16xf32>
          %parallel_loop3A_1512 = arith.constant 5 : i32
          %parallel_loop3A_1513 = arith.index_cast %parallel_loop3A_1512 : i32 to index
          %parallel_loop3A_1514 = arith.index_cast %parallel_loop3A_1505 : i32 to index
          %parallel_loop3A_1515 = tpu.vector_load %arg14[%parallel_loop3A_1513, %parallel_loop3A_1514] {strides = array<i32>} : memref<8x640xf32, #tpu.memory_space<vmem>>, vector<1x16xf32>,
          %parallel_loop3A_1516 = vector.shape_cast %parallel_loop3A_1515 : vector<1x16xf32> to vector<16xf32>
          %parallel_loop3A_1517 = vector.shape_cast %parallel_loop3A_1511 : vector<16xf32> to vector<1x16xf32>
          tpu.vector_store %arg14[%parallel_loop3A_1513, %parallel_loop3A_1514], %parallel_loop3A_1517 {add = true, strides = array<i32>} : memref<8x640xf32, #tpu.memory_space<vmem>>, vector<1x16xf32>,
        } {sc.loop_unroll_factor = 8 : i64, sc.parallel_access}
      } else {
      }
      %and3A_1454 = arith.constant 3 : i32
      %and3A_1455 = arith.andi %add3A_1311, %and3A_1454 : i32
      %mul3A_1456 = arith.constant 8 : i32
      %mul3A_1457 = arith.muli %and3A_1455, %mul3A_1456 : i32
      %add3A_1458 = arith.constant 6 : i32
      %add3A_1459 = arith.addi %mul3A_1457, %add3A_1458 : i32
      %get3A_1460 = arith.index_cast %add3A_1459 : i32 to index
      %get3A_1461 = memref.load %arg11[%get3A_1460] : memref<32xi32, #tpu.memory_space<smem>>
      %get3A_1462 = arith.index_cast %add3A_1459 : i32 to index
      %get3A_1463 = memref.load %arg12[%get3A_1462] : memref<32xf32, #tpu.memory_space<smem>>
      %mul3A_1464 = arith.constant 16000 : i32
      %mul3A_1465 = arith.muli %get3A_1461, %mul3A_1464 : i32
      %add3A_1466 = arith.addi %mul3A_1465, %mul3A_1345 : i32
      %lt3A_1467 = arith.constant 8.000000e-01 : f32
      %lt3A_1468 = arith.cmpf olt, %get3A_1463, %lt3A_1467 : f32
      %convert_element_type3A_1469 = arith.extui %lt3A_1468 : i1 to i32
      %cond3A_1470 = arith.constant 0 : i32
      %cond3A_1471 = arith.cmpi ne, %convert_element_type3A_1469, %cond3A_1470 : i32
      scf.if %cond3A_1471 {
        %parallel_loop3A = arith.constant 0 : i32
        %parallel_loop3A_1501 = arith.constant 40 : i32
        %parallel_loop3A_1502 = arith.constant 1 : i32
        scf.for %parallel_loop3A_1503 = %parallel_loop3A to %parallel_loop3A_1501 step %parallel_loop3A_1502  : i32 {
          %parallel_loop3A_1504 = arith.constant 16 : i32
          %parallel_loop3A_1505 = arith.muli %parallel_loop3A_1503, %parallel_loop3A_1504 : i32
          %parallel_loop3A_1506 = arith.constant 16 : i32
          %parallel_loop3A_1507 = arith.muli %parallel_loop3A_1503, %parallel_loop3A_1506 : i32
          %parallel_loop3A_1508 = arith.addi %add3A_1466, %parallel_loop3A_1507 : i32
          %parallel_loop3A_1509 = arith.index_cast %parallel_loop3A_1508 : i32 to index
          %parallel_loop3A_1510 = tpu.vector_load %arg7[%parallel_loop3A_1509] {strides = array<i32>} : memref<96000xf32, #tpu.memory_space<vmem>>, vector<16xf32>,
          %parallel_loop3A_1511 = vector.shape_cast %parallel_loop3A_1510 : vector<16xf32> to vector<16xf32>
          %parallel_loop3A_1512 = arith.constant 6 : i32
          %parallel_loop3A_1513 = arith.index_cast %parallel_loop3A_1512 : i32 to index
          %parallel_loop3A_1514 = arith.index_cast %parallel_loop3A_1505 : i32 to index
          %parallel_loop3A_1515 = tpu.vector_load %arg14[%parallel_loop3A_1513, %parallel_loop3A_1514] {strides = array<i32>} : memref<8x640xf32, #tpu.memory_space<vmem>>, vector<1x16xf32>,
          %parallel_loop3A_1516 = vector.shape_cast %parallel_loop3A_1515 : vector<1x16xf32> to vector<16xf32>
          %parallel_loop3A_1517 = vector.shape_cast %parallel_loop3A_1511 : vector<16xf32> to vector<1x16xf32>
          tpu.vector_store %arg14[%parallel_loop3A_1513, %parallel_loop3A_1514], %parallel_loop3A_1517 {add = true, strides = array<i32>} : memref<8x640xf32, #tpu.memory_space<vmem>>, vector<1x16xf32>,
        } {sc.loop_unroll_factor = 8 : i64, sc.parallel_access}
      } else {
      }
      %and3A_1472 = arith.constant 3 : i32
      %and3A_1473 = arith.andi %add3A_1311, %and3A_1472 : i32
      %mul3A_1474 = arith.constant 8 : i32
      %mul3A_1475 = arith.muli %and3A_1473, %mul3A_1474 : i32
      %add3A_1476 = arith.constant 7 : i32
      %add3A_1477 = arith.addi %mul3A_1475, %add3A_1476 : i32
      %get3A_1478 = arith.index_cast %add3A_1477 : i32 to index
      %get3A_1479 = memref.load %arg11[%get3A_1478] : memref<32xi32, #tpu.memory_space<smem>>
      %get3A_1480 = arith.index_cast %add3A_1477 : i32 to index
      %get3A_1481 = memref.load %arg12[%get3A_1480] : memref<32xf32, #tpu.memory_space<smem>>
      %mul3A_1482 = arith.constant 16000 : i32
      %mul3A_1483 = arith.muli %get3A_1479, %mul3A_1482 : i32
      %add3A_1484 = arith.addi %mul3A_1483, %mul3A_1345 : i32
      %lt3A_1485 = arith.constant 8.000000e-01 : f32
      %lt3A_1486 = arith.cmpf olt, %get3A_1481, %lt3A_1485 : f32
      %convert_element_type3A_1487 = arith.extui %lt3A_1486 : i1 to i32
      %cond3A_1488 = arith.constant 0 : i32
      %cond3A_1489 = arith.cmpi ne, %convert_element_type3A_1487, %cond3A_1488 : i32
      scf.if %cond3A_1489 {
        %parallel_loop3A = arith.constant 0 : i32
        %parallel_loop3A_1501 = arith.constant 40 : i32
        %parallel_loop3A_1502 = arith.constant 1 : i32
        scf.for %parallel_loop3A_1503 = %parallel_loop3A to %parallel_loop3A_1501 step %parallel_loop3A_1502  : i32 {
          %parallel_loop3A_1504 = arith.constant 16 : i32
          %parallel_loop3A_1505 = arith.muli %parallel_loop3A_1503, %parallel_loop3A_1504 : i32
          %parallel_loop3A_1506 = arith.constant 16 : i32
          %parallel_loop3A_1507 = arith.muli %parallel_loop3A_1503, %parallel_loop3A_1506 : i32
          %parallel_loop3A_1508 = arith.addi %add3A_1484, %parallel_loop3A_1507 : i32
          %parallel_loop3A_1509 = arith.index_cast %parallel_loop3A_1508 : i32 to index
          %parallel_loop3A_1510 = tpu.vector_load %arg7[%parallel_loop3A_1509] {strides = array<i32>} : memref<96000xf32, #tpu.memory_space<vmem>>, vector<16xf32>,
          %parallel_loop3A_1511 = vector.shape_cast %parallel_loop3A_1510 : vector<16xf32> to vector<16xf32>
          %parallel_loop3A_1512 = arith.constant 7 : i32
          %parallel_loop3A_1513 = arith.index_cast %parallel_loop3A_1512 : i32 to index
          %parallel_loop3A_1514 = arith.index_cast %parallel_loop3A_1505 : i32 to index
          %parallel_loop3A_1515 = tpu.vector_load %arg14[%parallel_loop3A_1513, %parallel_loop3A_1514] {strides = array<i32>} : memref<8x640xf32, #tpu.memory_space<vmem>>, vector<1x16xf32>,
          %parallel_loop3A_1516 = vector.shape_cast %parallel_loop3A_1515 : vector<1x16xf32> to vector<16xf32>
          %parallel_loop3A_1517 = vector.shape_cast %parallel_loop3A_1511 : vector<16xf32> to vector<1x16xf32>
          tpu.vector_store %arg14[%parallel_loop3A_1513, %parallel_loop3A_1514], %parallel_loop3A_1517 {add = true, strides = array<i32>} : memref<8x640xf32, #tpu.memory_space<vmem>>, vector<1x16xf32>,
        } {sc.loop_unroll_factor = 8 : i64, sc.parallel_access}
      } else {
      }
      %and3A_1490 = arith.constant 3 : i32
      %and3A_1491 = arith.andi %add3A_1311, %and3A_1490 : i32
      %mul3A_1492 = arith.constant 8 : i32
      %mul3A_1493 = arith.muli %and3A_1491, %mul3A_1492 : i32
      %add3A_1494 = arith.addi %mul3A_2, %mul3A_1493 : i32
      %shift_right_arithmetic3A_1495 = arith.constant 2 : i32
      %shift_right_arithmetic3A_1496 = arith.shrsi %add3A_1311, %shift_right_arithmetic3A_1495 : i32
      %mul3A_1497 = arith.constant 640 : i32
      %mul3A_1498 = arith.muli %shift_right_arithmetic3A_1496, %mul3A_1497 : i32
      %dma_start3A_1499 = tpu.memref_slice %arg6[%add3A_1494, %mul3A_1498] : memref<1024x16000xf32, #tpu.memory_space<hbm>> -> memref<8x640xf32, #tpu.memory_space<hbm>>
      %dma_start3A_1500 = tpu.memref_slice %arg6[%add3A_1494, %mul3A_1498] : memref<1024x16000xf32, #tpu.memory_space<hbm>> -> memref<8x640xf32, #tpu.memory_space<hbm>>
      tpu.enqueue_dma source(%arg14 : memref<8x640xf32, #tpu.memory_space<vmem>>) target(%dma_start3A_1500 : memref<8x640xf32, #tpu.memory_space<hbm>>) target_semaphore(%arg20 : memref<!tpu.dma_semaphore, #tpu.memory_space<semaphore_mem>>)
    }
    %scan3A_624 = arith.constant 32 : i32
    %dma_wait3A_625 = arith.constant 0 : i32
    %dma_wait3A_626 = arith.constant 0 : i32
    %dma_wait3A_627 = tpu.memref_slice %arg6[%dma_wait3A_625, %dma_wait3A_626] : memref<1024x16000xf32, #tpu.memory_space<hbm>> -> memref<8x640xf32, #tpu.memory_space<hbm>>
    %dma_wait3A_628 = arith.constant 0 : i32
    %dma_wait3A_629 = arith.constant 0 : i32
    %dma_wait3A_630 = tpu.memref_slice %arg6[%dma_wait3A_628, %dma_wait3A_629] : memref<1024x16000xf32, #tpu.memory_space<hbm>> -> memref<8x640xf32, #tpu.memory_space<hbm>>
    tpu.wait_dma2 semaphore(%arg19 : memref<!tpu.dma_semaphore, #tpu.memory_space<semaphore_mem>>) src(%arg13 : memref<8x640xf32, #tpu.memory_space<vmem>>) dst(%dma_wait3A_630 : memref<8x640xf32, #tpu.memory_space<hbm>>)
    %add3A_631 = arith.constant 24 : i32
    %add3A_632 = arith.addi %mul3A_2, %add3A_631 : i32
    %dma_start3A_633 = arith.constant 15360 : i32
    %dma_start3A_634 = tpu.memref_slice %arg2[%add3A_632, %dma_start3A_633] : memref<1024x16000xf32, #tpu.memory_space<hbm>> -> memref<8x640xf32, #tpu.memory_space<hbm>>
    %dma_start3A_635 = arith.constant 15360 : i32
    %dma_start3A_636 = tpu.memref_slice %arg2[%add3A_632, %dma_start3A_635] : memref<1024x16000xf32, #tpu.memory_space<hbm>> -> memref<8x640xf32, #tpu.memory_space<hbm>>
    tpu.enqueue_dma source(%dma_start3A_636 : memref<8x640xf32, #tpu.memory_space<hbm>>) target(%arg13 : memref<8x640xf32, #tpu.memory_space<vmem>>) target_semaphore(%arg16 : memref<!tpu.dma_semaphore, #tpu.memory_space<semaphore_mem>>)
    %dma_wait3A_637 = arith.constant 0 : i32
    %dma_wait3A_638 = arith.constant 0 : i32
    %dma_wait3A_639 = tpu.memref_slice %arg2[%dma_wait3A_637, %dma_wait3A_638] : memref<1024x16000xf32, #tpu.memory_space<hbm>> -> memref<8x640xf32, #tpu.memory_space<hbm>>
    %dma_wait3A_640 = arith.constant 0 : i32
    %dma_wait3A_641 = arith.constant 0 : i32
    %dma_wait3A_642 = tpu.memref_slice %arg2[%dma_wait3A_640, %dma_wait3A_641] : memref<1024x16000xf32, #tpu.memory_space<hbm>> -> memref<8x640xf32, #tpu.memory_space<hbm>>
    tpu.wait_dma2 semaphore(%arg18 : memref<!tpu.dma_semaphore, #tpu.memory_space<semaphore_mem>>) src(%dma_wait3A_642 : memref<8x640xf32, #tpu.memory_space<hbm>>) dst(%arg15 : memref<8x640xf32, #tpu.memory_space<vmem>>)
    %add3A_643 = arith.constant 16 : i32
    %add3A_644 = arith.addi %mul3A_2, %add3A_643 : i32
    %get3A_645 = arith.constant 16 : i32
    %get3A_646 = arith.index_cast %get3A_645 : i32 to index
    %get3A_647 = memref.load %arg11[%get3A_646] : memref<32xi32, #tpu.memory_space<smem>>
    %get3A_648 = arith.constant 16 : i32
    %get3A_649 = arith.index_cast %get3A_648 : i32 to index
    %get3A_650 = memref.load %arg12[%get3A_649] : memref<32xf32, #tpu.memory_space<smem>>
    %mul3A_651 = arith.constant 16000 : i32
    %mul3A_652 = arith.muli %get3A_647, %mul3A_651 : i32
    %add3A_653 = arith.constant 15360 : i32
    %add3A_654 = arith.addi %mul3A_652, %add3A_653 : i32
    %lt3A_655 = arith.constant 8.000000e-01 : f32
    %lt3A_656 = arith.cmpf olt, %get3A_650, %lt3A_655 : f32
    %convert_element_type3A_657 = arith.extui %lt3A_656 : i1 to i32
    %cond3A_658 = arith.constant 0 : i32
    %cond3A_659 = arith.cmpi ne, %convert_element_type3A_657, %cond3A_658 : i32
    scf.if %cond3A_659 {
      %parallel_loop3A = arith.constant 0 : i32
      %parallel_loop3A_923 = arith.constant 40 : i32
      %parallel_loop3A_924 = arith.constant 1 : i32
      scf.for %parallel_loop3A_925 = %parallel_loop3A to %parallel_loop3A_923 step %parallel_loop3A_924  : i32 {
        %parallel_loop3A_926 = arith.constant 16 : i32
        %parallel_loop3A_927 = arith.muli %parallel_loop3A_925, %parallel_loop3A_926 : i32
        %parallel_loop3A_928 = arith.constant 16 : i32
        %parallel_loop3A_929 = arith.muli %parallel_loop3A_925, %parallel_loop3A_928 : i32
        %parallel_loop3A_930 = arith.addi %add3A_654, %parallel_loop3A_929 : i32
        %parallel_loop3A_931 = arith.index_cast %parallel_loop3A_930 : i32 to index
        %parallel_loop3A_932 = tpu.vector_load %arg7[%parallel_loop3A_931] {strides = array<i32>} : memref<96000xf32, #tpu.memory_space<vmem>>, vector<16xf32>,
        %parallel_loop3A_933 = vector.shape_cast %parallel_loop3A_932 : vector<16xf32> to vector<16xf32>
        %parallel_loop3A_934 = arith.constant 0 : i32
        %parallel_loop3A_935 = arith.index_cast %parallel_loop3A_934 : i32 to index
        %parallel_loop3A_936 = arith.index_cast %parallel_loop3A_927 : i32 to index
        %parallel_loop3A_937 = tpu.vector_load %arg15[%parallel_loop3A_935, %parallel_loop3A_936] {strides = array<i32>} : memref<8x640xf32, #tpu.memory_space<vmem>>, vector<1x16xf32>,
        %parallel_loop3A_938 = vector.shape_cast %parallel_loop3A_937 : vector<1x16xf32> to vector<16xf32>
        %parallel_loop3A_939 = vector.shape_cast %parallel_loop3A_933 : vector<16xf32> to vector<1x16xf32>
        tpu.vector_store %arg15[%parallel_loop3A_935, %parallel_loop3A_936], %parallel_loop3A_939 {add = true, strides = array<i32>} : memref<8x640xf32, #tpu.memory_space<vmem>>, vector<1x16xf32>,
      } {sc.loop_unroll_factor = 8 : i64, sc.parallel_access}
    } else {
    }
    %get3A_660 = arith.constant 17 : i32
    %get3A_661 = arith.index_cast %get3A_660 : i32 to index
    %get3A_662 = memref.load %arg11[%get3A_661] : memref<32xi32, #tpu.memory_space<smem>>
    %get3A_663 = arith.constant 17 : i32
    %get3A_664 = arith.index_cast %get3A_663 : i32 to index
    %get3A_665 = memref.load %arg12[%get3A_664] : memref<32xf32, #tpu.memory_space<smem>>
    %mul3A_666 = arith.constant 16000 : i32
    %mul3A_667 = arith.muli %get3A_662, %mul3A_666 : i32
    %add3A_668 = arith.constant 15360 : i32
    %add3A_669 = arith.addi %mul3A_667, %add3A_668 : i32
    %lt3A_670 = arith.constant 8.000000e-01 : f32
    %lt3A_671 = arith.cmpf olt, %get3A_665, %lt3A_670 : f32
    %convert_element_type3A_672 = arith.extui %lt3A_671 : i1 to i32
    %cond3A_673 = arith.constant 0 : i32
    %cond3A_674 = arith.cmpi ne, %convert_element_type3A_672, %cond3A_673 : i32
    scf.if %cond3A_674 {
      %parallel_loop3A = arith.constant 0 : i32
      %parallel_loop3A_923 = arith.constant 40 : i32
      %parallel_loop3A_924 = arith.constant 1 : i32
      scf.for %parallel_loop3A_925 = %parallel_loop3A to %parallel_loop3A_923 step %parallel_loop3A_924  : i32 {
        %parallel_loop3A_926 = arith.constant 16 : i32
        %parallel_loop3A_927 = arith.muli %parallel_loop3A_925, %parallel_loop3A_926 : i32
        %parallel_loop3A_928 = arith.constant 16 : i32
        %parallel_loop3A_929 = arith.muli %parallel_loop3A_925, %parallel_loop3A_928 : i32
        %parallel_loop3A_930 = arith.addi %add3A_669, %parallel_loop3A_929 : i32
        %parallel_loop3A_931 = arith.index_cast %parallel_loop3A_930 : i32 to index
        %parallel_loop3A_932 = tpu.vector_load %arg7[%parallel_loop3A_931] {strides = array<i32>} : memref<96000xf32, #tpu.memory_space<vmem>>, vector<16xf32>,
        %parallel_loop3A_933 = vector.shape_cast %parallel_loop3A_932 : vector<16xf32> to vector<16xf32>
        %parallel_loop3A_934 = arith.constant 1 : i32
        %parallel_loop3A_935 = arith.index_cast %parallel_loop3A_934 : i32 to index
        %parallel_loop3A_936 = arith.index_cast %parallel_loop3A_927 : i32 to index
        %parallel_loop3A_937 = tpu.vector_load %arg15[%parallel_loop3A_935, %parallel_loop3A_936] {strides = array<i32>} : memref<8x640xf32, #tpu.memory_space<vmem>>, vector<1x16xf32>,
        %parallel_loop3A_938 = vector.shape_cast %parallel_loop3A_937 : vector<1x16xf32> to vector<16xf32>
        %parallel_loop3A_939 = vector.shape_cast %parallel_loop3A_933 : vector<16xf32> to vector<1x16xf32>
        tpu.vector_store %arg15[%parallel_loop3A_935, %parallel_loop3A_936], %parallel_loop3A_939 {add = true, strides = array<i32>} : memref<8x640xf32, #tpu.memory_space<vmem>>, vector<1x16xf32>,
      } {sc.loop_unroll_factor = 8 : i64, sc.parallel_access}
    } else {
    }
    %get3A_675 = arith.constant 18 : i32
    %get3A_676 = arith.index_cast %get3A_675 : i32 to index
    %get3A_677 = memref.load %arg11[%get3A_676] : memref<32xi32, #tpu.memory_space<smem>>
    %get3A_678 = arith.constant 18 : i32
    %get3A_679 = arith.index_cast %get3A_678 : i32 to index
    %get3A_680 = memref.load %arg12[%get3A_679] : memref<32xf32, #tpu.memory_space<smem>>
    %mul3A_681 = arith.constant 16000 : i32
    %mul3A_682 = arith.muli %get3A_677, %mul3A_681 : i32
    %add3A_683 = arith.constant 15360 : i32
    %add3A_684 = arith.addi %mul3A_682, %add3A_683 : i32
    %lt3A_685 = arith.constant 8.000000e-01 : f32
    %lt3A_686 = arith.cmpf olt, %get3A_680, %lt3A_685 : f32
    %convert_element_type3A_687 = arith.extui %lt3A_686 : i1 to i32
    %cond3A_688 = arith.constant 0 : i32
    %cond3A_689 = arith.cmpi ne, %convert_element_type3A_687, %cond3A_688 : i32
    scf.if %cond3A_689 {
      %parallel_loop3A = arith.constant 0 : i32
      %parallel_loop3A_923 = arith.constant 40 : i32
      %parallel_loop3A_924 = arith.constant 1 : i32
      scf.for %parallel_loop3A_925 = %parallel_loop3A to %parallel_loop3A_923 step %parallel_loop3A_924  : i32 {
        %parallel_loop3A_926 = arith.constant 16 : i32
        %parallel_loop3A_927 = arith.muli %parallel_loop3A_925, %parallel_loop3A_926 : i32
        %parallel_loop3A_928 = arith.constant 16 : i32
        %parallel_loop3A_929 = arith.muli %parallel_loop3A_925, %parallel_loop3A_928 : i32
        %parallel_loop3A_930 = arith.addi %add3A_684, %parallel_loop3A_929 : i32
        %parallel_loop3A_931 = arith.index_cast %parallel_loop3A_930 : i32 to index
        %parallel_loop3A_932 = tpu.vector_load %arg7[%parallel_loop3A_931] {strides = array<i32>} : memref<96000xf32, #tpu.memory_space<vmem>>, vector<16xf32>,
        %parallel_loop3A_933 = vector.shape_cast %parallel_loop3A_932 : vector<16xf32> to vector<16xf32>
        %parallel_loop3A_934 = arith.constant 2 : i32
        %parallel_loop3A_935 = arith.index_cast %parallel_loop3A_934 : i32 to index
        %parallel_loop3A_936 = arith.index_cast %parallel_loop3A_927 : i32 to index
        %parallel_loop3A_937 = tpu.vector_load %arg15[%parallel_loop3A_935, %parallel_loop3A_936] {strides = array<i32>} : memref<8x640xf32, #tpu.memory_space<vmem>>, vector<1x16xf32>,
        %parallel_loop3A_938 = vector.shape_cast %parallel_loop3A_937 : vector<1x16xf32> to vector<16xf32>
        %parallel_loop3A_939 = vector.shape_cast %parallel_loop3A_933 : vector<16xf32> to vector<1x16xf32>
        tpu.vector_store %arg15[%parallel_loop3A_935, %parallel_loop3A_936], %parallel_loop3A_939 {add = true, strides = array<i32>} : memref<8x640xf32, #tpu.memory_space<vmem>>, vector<1x16xf32>,
      } {sc.loop_unroll_factor = 8 : i64, sc.parallel_access}
    } else {
    }
    %get3A_690 = arith.constant 19 : i32
    %get3A_691 = arith.index_cast %get3A_690 : i32 to index
    %get3A_692 = memref.load %arg11[%get3A_691] : memref<32xi32, #tpu.memory_space<smem>>
    %get3A_693 = arith.constant 19 : i32
    %get3A_694 = arith.index_cast %get3A_693 : i32 to index
    %get3A_695 = memref.load %arg12[%get3A_694] : memref<32xf32, #tpu.memory_space<smem>>
    %mul3A_696 = arith.constant 16000 : i32
    %mul3A_697 = arith.muli %get3A_692, %mul3A_696 : i32
    %add3A_698 = arith.constant 15360 : i32
    %add3A_699 = arith.addi %mul3A_697, %add3A_698 : i32
    %lt3A_700 = arith.constant 8.000000e-01 : f32
    %lt3A_701 = arith.cmpf olt, %get3A_695, %lt3A_700 : f32
    %convert_element_type3A_702 = arith.extui %lt3A_701 : i1 to i32
    %cond3A_703 = arith.constant 0 : i32
    %cond3A_704 = arith.cmpi ne, %convert_element_type3A_702, %cond3A_703 : i32
    scf.if %cond3A_704 {
      %parallel_loop3A = arith.constant 0 : i32
      %parallel_loop3A_923 = arith.constant 40 : i32
      %parallel_loop3A_924 = arith.constant 1 : i32
      scf.for %parallel_loop3A_925 = %parallel_loop3A to %parallel_loop3A_923 step %parallel_loop3A_924  : i32 {
        %parallel_loop3A_926 = arith.constant 16 : i32
        %parallel_loop3A_927 = arith.muli %parallel_loop3A_925, %parallel_loop3A_926 : i32
        %parallel_loop3A_928 = arith.constant 16 : i32
        %parallel_loop3A_929 = arith.muli %parallel_loop3A_925, %parallel_loop3A_928 : i32
        %parallel_loop3A_930 = arith.addi %add3A_699, %parallel_loop3A_929 : i32
        %parallel_loop3A_931 = arith.index_cast %parallel_loop3A_930 : i32 to index
        %parallel_loop3A_932 = tpu.vector_load %arg7[%parallel_loop3A_931] {strides = array<i32>} : memref<96000xf32, #tpu.memory_space<vmem>>, vector<16xf32>,
        %parallel_loop3A_933 = vector.shape_cast %parallel_loop3A_932 : vector<16xf32> to vector<16xf32>
        %parallel_loop3A_934 = arith.constant 3 : i32
        %parallel_loop3A_935 = arith.index_cast %parallel_loop3A_934 : i32 to index
        %parallel_loop3A_936 = arith.index_cast %parallel_loop3A_927 : i32 to index
        %parallel_loop3A_937 = tpu.vector_load %arg15[%parallel_loop3A_935, %parallel_loop3A_936] {strides = array<i32>} : memref<8x640xf32, #tpu.memory_space<vmem>>, vector<1x16xf32>,
        %parallel_loop3A_938 = vector.shape_cast %parallel_loop3A_937 : vector<1x16xf32> to vector<16xf32>
        %parallel_loop3A_939 = vector.shape_cast %parallel_loop3A_933 : vector<16xf32> to vector<1x16xf32>
        tpu.vector_store %arg15[%parallel_loop3A_935, %parallel_loop3A_936], %parallel_loop3A_939 {add = true, strides = array<i32>} : memref<8x640xf32, #tpu.memory_space<vmem>>, vector<1x16xf32>,
      } {sc.loop_unroll_factor = 8 : i64, sc.parallel_access}
    } else {
    }
    %get3A_705 = arith.constant 20 : i32
    %get3A_706 = arith.index_cast %get3A_705 : i32 to index
    %get3A_707 = memref.load %arg11[%get3A_706] : memref<32xi32, #tpu.memory_space<smem>>
    %get3A_708 = arith.constant 20 : i32
    %get3A_709 = arith.index_cast %get3A_708 : i32 to index
    %get3A_710 = memref.load %arg12[%get3A_709] : memref<32xf32, #tpu.memory_space<smem>>
    %mul3A_711 = arith.constant 16000 : i32
    %mul3A_712 = arith.muli %get3A_707, %mul3A_711 : i32
    %add3A_713 = arith.constant 15360 : i32
    %add3A_714 = arith.addi %mul3A_712, %add3A_713 : i32
    %lt3A_715 = arith.constant 8.000000e-01 : f32
    %lt3A_716 = arith.cmpf olt, %get3A_710, %lt3A_715 : f32
    %convert_element_type3A_717 = arith.extui %lt3A_716 : i1 to i32
    %cond3A_718 = arith.constant 0 : i32
    %cond3A_719 = arith.cmpi ne, %convert_element_type3A_717, %cond3A_718 : i32
    scf.if %cond3A_719 {
      %parallel_loop3A = arith.constant 0 : i32
      %parallel_loop3A_923 = arith.constant 40 : i32
      %parallel_loop3A_924 = arith.constant 1 : i32
      scf.for %parallel_loop3A_925 = %parallel_loop3A to %parallel_loop3A_923 step %parallel_loop3A_924  : i32 {
        %parallel_loop3A_926 = arith.constant 16 : i32
        %parallel_loop3A_927 = arith.muli %parallel_loop3A_925, %parallel_loop3A_926 : i32
        %parallel_loop3A_928 = arith.constant 16 : i32
        %parallel_loop3A_929 = arith.muli %parallel_loop3A_925, %parallel_loop3A_928 : i32
        %parallel_loop3A_930 = arith.addi %add3A_714, %parallel_loop3A_929 : i32
        %parallel_loop3A_931 = arith.index_cast %parallel_loop3A_930 : i32 to index
        %parallel_loop3A_932 = tpu.vector_load %arg7[%parallel_loop3A_931] {strides = array<i32>} : memref<96000xf32, #tpu.memory_space<vmem>>, vector<16xf32>,
        %parallel_loop3A_933 = vector.shape_cast %parallel_loop3A_932 : vector<16xf32> to vector<16xf32>
        %parallel_loop3A_934 = arith.constant 4 : i32
        %parallel_loop3A_935 = arith.index_cast %parallel_loop3A_934 : i32 to index
        %parallel_loop3A_936 = arith.index_cast %parallel_loop3A_927 : i32 to index
        %parallel_loop3A_937 = tpu.vector_load %arg15[%parallel_loop3A_935, %parallel_loop3A_936] {strides = array<i32>} : memref<8x640xf32, #tpu.memory_space<vmem>>, vector<1x16xf32>,
        %parallel_loop3A_938 = vector.shape_cast %parallel_loop3A_937 : vector<1x16xf32> to vector<16xf32>
        %parallel_loop3A_939 = vector.shape_cast %parallel_loop3A_933 : vector<16xf32> to vector<1x16xf32>
        tpu.vector_store %arg15[%parallel_loop3A_935, %parallel_loop3A_936], %parallel_loop3A_939 {add = true, strides = array<i32>} : memref<8x640xf32, #tpu.memory_space<vmem>>, vector<1x16xf32>,
      } {sc.loop_unroll_factor = 8 : i64, sc.parallel_access}
    } else {
    }
    %get3A_720 = arith.constant 21 : i32
    %get3A_721 = arith.index_cast %get3A_720 : i32 to index
    %get3A_722 = memref.load %arg11[%get3A_721] : memref<32xi32, #tpu.memory_space<smem>>
    %get3A_723 = arith.constant 21 : i32
    %get3A_724 = arith.index_cast %get3A_723 : i32 to index
    %get3A_725 = memref.load %arg12[%get3A_724] : memref<32xf32, #tpu.memory_space<smem>>
    %mul3A_726 = arith.constant 16000 : i32
    %mul3A_727 = arith.muli %get3A_722, %mul3A_726 : i32
    %add3A_728 = arith.constant 15360 : i32
    %add3A_729 = arith.addi %mul3A_727, %add3A_728 : i32
    %lt3A_730 = arith.constant 8.000000e-01 : f32
    %lt3A_731 = arith.cmpf olt, %get3A_725, %lt3A_730 : f32
    %convert_element_type3A_732 = arith.extui %lt3A_731 : i1 to i32
    %cond3A_733 = arith.constant 0 : i32
    %cond3A_734 = arith.cmpi ne, %convert_element_type3A_732, %cond3A_733 : i32
    scf.if %cond3A_734 {
      %parallel_loop3A = arith.constant 0 : i32
      %parallel_loop3A_923 = arith.constant 40 : i32
      %parallel_loop3A_924 = arith.constant 1 : i32
      scf.for %parallel_loop3A_925 = %parallel_loop3A to %parallel_loop3A_923 step %parallel_loop3A_924  : i32 {
        %parallel_loop3A_926 = arith.constant 16 : i32
        %parallel_loop3A_927 = arith.muli %parallel_loop3A_925, %parallel_loop3A_926 : i32
        %parallel_loop3A_928 = arith.constant 16 : i32
        %parallel_loop3A_929 = arith.muli %parallel_loop3A_925, %parallel_loop3A_928 : i32
        %parallel_loop3A_930 = arith.addi %add3A_729, %parallel_loop3A_929 : i32
        %parallel_loop3A_931 = arith.index_cast %parallel_loop3A_930 : i32 to index
        %parallel_loop3A_932 = tpu.vector_load %arg7[%parallel_loop3A_931] {strides = array<i32>} : memref<96000xf32, #tpu.memory_space<vmem>>, vector<16xf32>,
        %parallel_loop3A_933 = vector.shape_cast %parallel_loop3A_932 : vector<16xf32> to vector<16xf32>
        %parallel_loop3A_934 = arith.constant 5 : i32
        %parallel_loop3A_935 = arith.index_cast %parallel_loop3A_934 : i32 to index
        %parallel_loop3A_936 = arith.index_cast %parallel_loop3A_927 : i32 to index
        %parallel_loop3A_937 = tpu.vector_load %arg15[%parallel_loop3A_935, %parallel_loop3A_936] {strides = array<i32>} : memref<8x640xf32, #tpu.memory_space<vmem>>, vector<1x16xf32>,
        %parallel_loop3A_938 = vector.shape_cast %parallel_loop3A_937 : vector<1x16xf32> to vector<16xf32>
        %parallel_loop3A_939 = vector.shape_cast %parallel_loop3A_933 : vector<16xf32> to vector<1x16xf32>
        tpu.vector_store %arg15[%parallel_loop3A_935, %parallel_loop3A_936], %parallel_loop3A_939 {add = true, strides = array<i32>} : memref<8x640xf32, #tpu.memory_space<vmem>>, vector<1x16xf32>,
      } {sc.loop_unroll_factor = 8 : i64, sc.parallel_access}
    } else {
    }
    %get3A_735 = arith.constant 22 : i32
    %get3A_736 = arith.index_cast %get3A_735 : i32 to index
    %get3A_737 = memref.load %arg11[%get3A_736] : memref<32xi32, #tpu.memory_space<smem>>
    %get3A_738 = arith.constant 22 : i32
    %get3A_739 = arith.index_cast %get3A_738 : i32 to index
    %get3A_740 = memref.load %arg12[%get3A_739] : memref<32xf32, #tpu.memory_space<smem>>
    %mul3A_741 = arith.constant 16000 : i32
    %mul3A_742 = arith.muli %get3A_737, %mul3A_741 : i32
    %add3A_743 = arith.constant 15360 : i32
    %add3A_744 = arith.addi %mul3A_742, %add3A_743 : i32
    %lt3A_745 = arith.constant 8.000000e-01 : f32
    %lt3A_746 = arith.cmpf olt, %get3A_740, %lt3A_745 : f32
    %convert_element_type3A_747 = arith.extui %lt3A_746 : i1 to i32
    %cond3A_748 = arith.constant 0 : i32
    %cond3A_749 = arith.cmpi ne, %convert_element_type3A_747, %cond3A_748 : i32
    scf.if %cond3A_749 {
      %parallel_loop3A = arith.constant 0 : i32
      %parallel_loop3A_923 = arith.constant 40 : i32
      %parallel_loop3A_924 = arith.constant 1 : i32
      scf.for %parallel_loop3A_925 = %parallel_loop3A to %parallel_loop3A_923 step %parallel_loop3A_924  : i32 {
        %parallel_loop3A_926 = arith.constant 16 : i32
        %parallel_loop3A_927 = arith.muli %parallel_loop3A_925, %parallel_loop3A_926 : i32
        %parallel_loop3A_928 = arith.constant 16 : i32
        %parallel_loop3A_929 = arith.muli %parallel_loop3A_925, %parallel_loop3A_928 : i32
        %parallel_loop3A_930 = arith.addi %add3A_744, %parallel_loop3A_929 : i32
        %parallel_loop3A_931 = arith.index_cast %parallel_loop3A_930 : i32 to index
        %parallel_loop3A_932 = tpu.vector_load %arg7[%parallel_loop3A_931] {strides = array<i32>} : memref<96000xf32, #tpu.memory_space<vmem>>, vector<16xf32>,
        %parallel_loop3A_933 = vector.shape_cast %parallel_loop3A_932 : vector<16xf32> to vector<16xf32>
        %parallel_loop3A_934 = arith.constant 6 : i32
        %parallel_loop3A_935 = arith.index_cast %parallel_loop3A_934 : i32 to index
        %parallel_loop3A_936 = arith.index_cast %parallel_loop3A_927 : i32 to index
        %parallel_loop3A_937 = tpu.vector_load %arg15[%parallel_loop3A_935, %parallel_loop3A_936] {strides = array<i32>} : memref<8x640xf32, #tpu.memory_space<vmem>>, vector<1x16xf32>,
        %parallel_loop3A_938 = vector.shape_cast %parallel_loop3A_937 : vector<1x16xf32> to vector<16xf32>
        %parallel_loop3A_939 = vector.shape_cast %parallel_loop3A_933 : vector<16xf32> to vector<1x16xf32>
        tpu.vector_store %arg15[%parallel_loop3A_935, %parallel_loop3A_936], %parallel_loop3A_939 {add = true, strides = array<i32>} : memref<8x640xf32, #tpu.memory_space<vmem>>, vector<1x16xf32>,
      } {sc.loop_unroll_factor = 8 : i64, sc.parallel_access}
    } else {
    }
    %get3A_750 = arith.constant 23 : i32
    %get3A_751 = arith.index_cast %get3A_750 : i32 to index
    %get3A_752 = memref.load %arg11[%get3A_751] : memref<32xi32, #tpu.memory_space<smem>>
    %get3A_753 = arith.constant 23 : i32
    %get3A_754 = arith.index_cast %get3A_753 : i32 to index
    %get3A_755 = memref.load %arg12[%get3A_754] : memref<32xf32, #tpu.memory_space<smem>>
    %mul3A_756 = arith.constant 16000 : i32
    %mul3A_757 = arith.muli %get3A_752, %mul3A_756 : i32
    %add3A_758 = arith.constant 15360 : i32
    %add3A_759 = arith.addi %mul3A_757, %add3A_758 : i32
    %lt3A_760 = arith.constant 8.000000e-01 : f32
    %lt3A_761 = arith.cmpf olt, %get3A_755, %lt3A_760 : f32
    %convert_element_type3A_762 = arith.extui %lt3A_761 : i1 to i32
    %cond3A_763 = arith.constant 0 : i32
    %cond3A_764 = arith.cmpi ne, %convert_element_type3A_762, %cond3A_763 : i32
    scf.if %cond3A_764 {
      %parallel_loop3A = arith.constant 0 : i32
      %parallel_loop3A_923 = arith.constant 40 : i32
      %parallel_loop3A_924 = arith.constant 1 : i32
      scf.for %parallel_loop3A_925 = %parallel_loop3A to %parallel_loop3A_923 step %parallel_loop3A_924  : i32 {
        %parallel_loop3A_926 = arith.constant 16 : i32
        %parallel_loop3A_927 = arith.muli %parallel_loop3A_925, %parallel_loop3A_926 : i32
        %parallel_loop3A_928 = arith.constant 16 : i32
        %parallel_loop3A_929 = arith.muli %parallel_loop3A_925, %parallel_loop3A_928 : i32
        %parallel_loop3A_930 = arith.addi %add3A_759, %parallel_loop3A_929 : i32
        %parallel_loop3A_931 = arith.index_cast %parallel_loop3A_930 : i32 to index
        %parallel_loop3A_932 = tpu.vector_load %arg7[%parallel_loop3A_931] {strides = array<i32>} : memref<96000xf32, #tpu.memory_space<vmem>>, vector<16xf32>,
        %parallel_loop3A_933 = vector.shape_cast %parallel_loop3A_932 : vector<16xf32> to vector<16xf32>
        %parallel_loop3A_934 = arith.constant 7 : i32
        %parallel_loop3A_935 = arith.index_cast %parallel_loop3A_934 : i32 to index
        %parallel_loop3A_936 = arith.index_cast %parallel_loop3A_927 : i32 to index
        %parallel_loop3A_937 = tpu.vector_load %arg15[%parallel_loop3A_935, %parallel_loop3A_936] {strides = array<i32>} : memref<8x640xf32, #tpu.memory_space<vmem>>, vector<1x16xf32>,
        %parallel_loop3A_938 = vector.shape_cast %parallel_loop3A_937 : vector<1x16xf32> to vector<16xf32>
        %parallel_loop3A_939 = vector.shape_cast %parallel_loop3A_933 : vector<16xf32> to vector<1x16xf32>
        tpu.vector_store %arg15[%parallel_loop3A_935, %parallel_loop3A_936], %parallel_loop3A_939 {add = true, strides = array<i32>} : memref<8x640xf32, #tpu.memory_space<vmem>>, vector<1x16xf32>,
      } {sc.loop_unroll_factor = 8 : i64, sc.parallel_access}
    } else {
    }
    %add3A_765 = arith.constant 16 : i32
    %add3A_766 = arith.addi %mul3A_2, %add3A_765 : i32
    %dma_start3A_767 = arith.constant 15360 : i32
    %dma_start3A_768 = tpu.memref_slice %arg6[%add3A_766, %dma_start3A_767] : memref<1024x16000xf32, #tpu.memory_space<hbm>> -> memref<8x640xf32, #tpu.memory_space<hbm>>
    %dma_start3A_769 = arith.constant 15360 : i32
    %dma_start3A_770 = tpu.memref_slice %arg6[%add3A_766, %dma_start3A_769] : memref<1024x16000xf32, #tpu.memory_space<hbm>> -> memref<8x640xf32, #tpu.memory_space<hbm>>
    tpu.enqueue_dma source(%arg15 : memref<8x640xf32, #tpu.memory_space<vmem>>) target(%dma_start3A_770 : memref<8x640xf32, #tpu.memory_space<hbm>>) target_semaphore(%arg21 : memref<!tpu.dma_semaphore, #tpu.memory_space<semaphore_mem>>)
    %dma_wait3A_771 = arith.constant 0 : i32
    %dma_wait3A_772 = arith.constant 0 : i32
    %dma_wait3A_773 = tpu.memref_slice %arg2[%dma_wait3A_771, %dma_wait3A_772] : memref<1024x16000xf32, #tpu.memory_space<hbm>> -> memref<8x640xf32, #tpu.memory_space<hbm>>
    %dma_wait3A_774 = arith.constant 0 : i32
    %dma_wait3A_775 = arith.constant 0 : i32
    %dma_wait3A_776 = tpu.memref_slice %arg2[%dma_wait3A_774, %dma_wait3A_775] : memref<1024x16000xf32, #tpu.memory_space<hbm>> -> memref<8x640xf32, #tpu.memory_space<hbm>>
    tpu.wait_dma2 semaphore(%arg16 : memref<!tpu.dma_semaphore, #tpu.memory_space<semaphore_mem>>) src(%dma_wait3A_776 : memref<8x640xf32, #tpu.memory_space<hbm>>) dst(%arg13 : memref<8x640xf32, #tpu.memory_space<vmem>>)
    %add3A_777 = arith.constant 24 : i32
    %add3A_778 = arith.addi %mul3A_2, %add3A_777 : i32
    %get3A_779 = arith.constant 24 : i32
    %get3A_780 = arith.index_cast %get3A_779 : i32 to index
    %get3A_781 = memref.load %arg11[%get3A_780] : memref<32xi32, #tpu.memory_space<smem>>
    %get3A_782 = arith.constant 24 : i32
    %get3A_783 = arith.index_cast %get3A_782 : i32 to index
    %get3A_784 = memref.load %arg12[%get3A_783] : memref<32xf32, #tpu.memory_space<smem>>
    %mul3A_785 = arith.constant 16000 : i32
    %mul3A_786 = arith.muli %get3A_781, %mul3A_785 : i32
    %add3A_787 = arith.constant 15360 : i32
    %add3A_788 = arith.addi %mul3A_786, %add3A_787 : i32
    %lt3A_789 = arith.constant 8.000000e-01 : f32
    %lt3A_790 = arith.cmpf olt, %get3A_784, %lt3A_789 : f32
    %convert_element_type3A_791 = arith.extui %lt3A_790 : i1 to i32
    %cond3A_792 = arith.constant 0 : i32
    %cond3A_793 = arith.cmpi ne, %convert_element_type3A_791, %cond3A_792 : i32
    scf.if %cond3A_793 {
      %parallel_loop3A = arith.constant 0 : i32
      %parallel_loop3A_923 = arith.constant 40 : i32
      %parallel_loop3A_924 = arith.constant 1 : i32
      scf.for %parallel_loop3A_925 = %parallel_loop3A to %parallel_loop3A_923 step %parallel_loop3A_924  : i32 {
        %parallel_loop3A_926 = arith.constant 16 : i32
        %parallel_loop3A_927 = arith.muli %parallel_loop3A_925, %parallel_loop3A_926 : i32
        %parallel_loop3A_928 = arith.constant 16 : i32
        %parallel_loop3A_929 = arith.muli %parallel_loop3A_925, %parallel_loop3A_928 : i32
        %parallel_loop3A_930 = arith.addi %add3A_788, %parallel_loop3A_929 : i32
        %parallel_loop3A_931 = arith.index_cast %parallel_loop3A_930 : i32 to index
        %parallel_loop3A_932 = tpu.vector_load %arg7[%parallel_loop3A_931] {strides = array<i32>} : memref<96000xf32, #tpu.memory_space<vmem>>, vector<16xf32>,
        %parallel_loop3A_933 = vector.shape_cast %parallel_loop3A_932 : vector<16xf32> to vector<16xf32>
        %parallel_loop3A_934 = arith.constant 0 : i32
        %parallel_loop3A_935 = arith.index_cast %parallel_loop3A_934 : i32 to index
        %parallel_loop3A_936 = arith.index_cast %parallel_loop3A_927 : i32 to index
        %parallel_loop3A_937 = tpu.vector_load %arg13[%parallel_loop3A_935, %parallel_loop3A_936] {strides = array<i32>} : memref<8x640xf32, #tpu.memory_space<vmem>>, vector<1x16xf32>,
        %parallel_loop3A_938 = vector.shape_cast %parallel_loop3A_937 : vector<1x16xf32> to vector<16xf32>
        %parallel_loop3A_939 = vector.shape_cast %parallel_loop3A_933 : vector<16xf32> to vector<1x16xf32>
        tpu.vector_store %arg13[%parallel_loop3A_935, %parallel_loop3A_936], %parallel_loop3A_939 {add = true, strides = array<i32>} : memref<8x640xf32, #tpu.memory_space<vmem>>, vector<1x16xf32>,
      } {sc.loop_unroll_factor = 8 : i64, sc.parallel_access}
    } else {
    }
    %get3A_794 = arith.constant 25 : i32
    %get3A_795 = arith.index_cast %get3A_794 : i32 to index
    %get3A_796 = memref.load %arg11[%get3A_795] : memref<32xi32, #tpu.memory_space<smem>>
    %get3A_797 = arith.constant 25 : i32
    %get3A_798 = arith.index_cast %get3A_797 : i32 to index
    %get3A_799 = memref.load %arg12[%get3A_798] : memref<32xf32, #tpu.memory_space<smem>>
    %mul3A_800 = arith.constant 16000 : i32
    %mul3A_801 = arith.muli %get3A_796, %mul3A_800 : i32
    %add3A_802 = arith.constant 15360 : i32
    %add3A_803 = arith.addi %mul3A_801, %add3A_802 : i32
    %lt3A_804 = arith.constant 8.000000e-01 : f32
    %lt3A_805 = arith.cmpf olt, %get3A_799, %lt3A_804 : f32
    %convert_element_type3A_806 = arith.extui %lt3A_805 : i1 to i32
    %cond3A_807 = arith.constant 0 : i32
    %cond3A_808 = arith.cmpi ne, %convert_element_type3A_806, %cond3A_807 : i32
    scf.if %cond3A_808 {
      %parallel_loop3A = arith.constant 0 : i32
      %parallel_loop3A_923 = arith.constant 40 : i32
      %parallel_loop3A_924 = arith.constant 1 : i32
      scf.for %parallel_loop3A_925 = %parallel_loop3A to %parallel_loop3A_923 step %parallel_loop3A_924  : i32 {
        %parallel_loop3A_926 = arith.constant 16 : i32
        %parallel_loop3A_927 = arith.muli %parallel_loop3A_925, %parallel_loop3A_926 : i32
        %parallel_loop3A_928 = arith.constant 16 : i32
        %parallel_loop3A_929 = arith.muli %parallel_loop3A_925, %parallel_loop3A_928 : i32
        %parallel_loop3A_930 = arith.addi %add3A_803, %parallel_loop3A_929 : i32
        %parallel_loop3A_931 = arith.index_cast %parallel_loop3A_930 : i32 to index
        %parallel_loop3A_932 = tpu.vector_load %arg7[%parallel_loop3A_931] {strides = array<i32>} : memref<96000xf32, #tpu.memory_space<vmem>>, vector<16xf32>,
        %parallel_loop3A_933 = vector.shape_cast %parallel_loop3A_932 : vector<16xf32> to vector<16xf32>
        %parallel_loop3A_934 = arith.constant 1 : i32
        %parallel_loop3A_935 = arith.index_cast %parallel_loop3A_934 : i32 to index
        %parallel_loop3A_936 = arith.index_cast %parallel_loop3A_927 : i32 to index
        %parallel_loop3A_937 = tpu.vector_load %arg13[%parallel_loop3A_935, %parallel_loop3A_936] {strides = array<i32>} : memref<8x640xf32, #tpu.memory_space<vmem>>, vector<1x16xf32>,
        %parallel_loop3A_938 = vector.shape_cast %parallel_loop3A_937 : vector<1x16xf32> to vector<16xf32>
        %parallel_loop3A_939 = vector.shape_cast %parallel_loop3A_933 : vector<16xf32> to vector<1x16xf32>
        tpu.vector_store %arg13[%parallel_loop3A_935, %parallel_loop3A_936], %parallel_loop3A_939 {add = true, strides = array<i32>} : memref<8x640xf32, #tpu.memory_space<vmem>>, vector<1x16xf32>,
      } {sc.loop_unroll_factor = 8 : i64, sc.parallel_access}
    } else {
    }
    %get3A_809 = arith.constant 26 : i32
    %get3A_810 = arith.index_cast %get3A_809 : i32 to index
    %get3A_811 = memref.load %arg11[%get3A_810] : memref<32xi32, #tpu.memory_space<smem>>
    %get3A_812 = arith.constant 26 : i32
    %get3A_813 = arith.index_cast %get3A_812 : i32 to index
    %get3A_814 = memref.load %arg12[%get3A_813] : memref<32xf32, #tpu.memory_space<smem>>
    %mul3A_815 = arith.constant 16000 : i32
    %mul3A_816 = arith.muli %get3A_811, %mul3A_815 : i32
    %add3A_817 = arith.constant 15360 : i32
    %add3A_818 = arith.addi %mul3A_816, %add3A_817 : i32
    %lt3A_819 = arith.constant 8.000000e-01 : f32
    %lt3A_820 = arith.cmpf olt, %get3A_814, %lt3A_819 : f32
    %convert_element_type3A_821 = arith.extui %lt3A_820 : i1 to i32
    %cond3A_822 = arith.constant 0 : i32
    %cond3A_823 = arith.cmpi ne, %convert_element_type3A_821, %cond3A_822 : i32
    scf.if %cond3A_823 {
      %parallel_loop3A = arith.constant 0 : i32
      %parallel_loop3A_923 = arith.constant 40 : i32
      %parallel_loop3A_924 = arith.constant 1 : i32
      scf.for %parallel_loop3A_925 = %parallel_loop3A to %parallel_loop3A_923 step %parallel_loop3A_924  : i32 {
        %parallel_loop3A_926 = arith.constant 16 : i32
        %parallel_loop3A_927 = arith.muli %parallel_loop3A_925, %parallel_loop3A_926 : i32
        %parallel_loop3A_928 = arith.constant 16 : i32
        %parallel_loop3A_929 = arith.muli %parallel_loop3A_925, %parallel_loop3A_928 : i32
        %parallel_loop3A_930 = arith.addi %add3A_818, %parallel_loop3A_929 : i32
        %parallel_loop3A_931 = arith.index_cast %parallel_loop3A_930 : i32 to index
        %parallel_loop3A_932 = tpu.vector_load %arg7[%parallel_loop3A_931] {strides = array<i32>} : memref<96000xf32, #tpu.memory_space<vmem>>, vector<16xf32>,
        %parallel_loop3A_933 = vector.shape_cast %parallel_loop3A_932 : vector<16xf32> to vector<16xf32>
        %parallel_loop3A_934 = arith.constant 2 : i32
        %parallel_loop3A_935 = arith.index_cast %parallel_loop3A_934 : i32 to index
        %parallel_loop3A_936 = arith.index_cast %parallel_loop3A_927 : i32 to index
        %parallel_loop3A_937 = tpu.vector_load %arg13[%parallel_loop3A_935, %parallel_loop3A_936] {strides = array<i32>} : memref<8x640xf32, #tpu.memory_space<vmem>>, vector<1x16xf32>,
        %parallel_loop3A_938 = vector.shape_cast %parallel_loop3A_937 : vector<1x16xf32> to vector<16xf32>
        %parallel_loop3A_939 = vector.shape_cast %parallel_loop3A_933 : vector<16xf32> to vector<1x16xf32>
        tpu.vector_store %arg13[%parallel_loop3A_935, %parallel_loop3A_936], %parallel_loop3A_939 {add = true, strides = array<i32>} : memref<8x640xf32, #tpu.memory_space<vmem>>, vector<1x16xf32>,
      } {sc.loop_unroll_factor = 8 : i64, sc.parallel_access}
    } else {
    }
    %get3A_824 = arith.constant 27 : i32
    %get3A_825 = arith.index_cast %get3A_824 : i32 to index
    %get3A_826 = memref.load %arg11[%get3A_825] : memref<32xi32, #tpu.memory_space<smem>>
    %get3A_827 = arith.constant 27 : i32
    %get3A_828 = arith.index_cast %get3A_827 : i32 to index
    %get3A_829 = memref.load %arg12[%get3A_828] : memref<32xf32, #tpu.memory_space<smem>>
    %mul3A_830 = arith.constant 16000 : i32
    %mul3A_831 = arith.muli %get3A_826, %mul3A_830 : i32
    %add3A_832 = arith.constant 15360 : i32
    %add3A_833 = arith.addi %mul3A_831, %add3A_832 : i32
    %lt3A_834 = arith.constant 8.000000e-01 : f32
    %lt3A_835 = arith.cmpf olt, %get3A_829, %lt3A_834 : f32
    %convert_element_type3A_836 = arith.extui %lt3A_835 : i1 to i32
    %cond3A_837 = arith.constant 0 : i32
    %cond3A_838 = arith.cmpi ne, %convert_element_type3A_836, %cond3A_837 : i32
    scf.if %cond3A_838 {
      %parallel_loop3A = arith.constant 0 : i32
      %parallel_loop3A_923 = arith.constant 40 : i32
      %parallel_loop3A_924 = arith.constant 1 : i32
      scf.for %parallel_loop3A_925 = %parallel_loop3A to %parallel_loop3A_923 step %parallel_loop3A_924  : i32 {
        %parallel_loop3A_926 = arith.constant 16 : i32
        %parallel_loop3A_927 = arith.muli %parallel_loop3A_925, %parallel_loop3A_926 : i32
        %parallel_loop3A_928 = arith.constant 16 : i32
        %parallel_loop3A_929 = arith.muli %parallel_loop3A_925, %parallel_loop3A_928 : i32
        %parallel_loop3A_930 = arith.addi %add3A_833, %parallel_loop3A_929 : i32
        %parallel_loop3A_931 = arith.index_cast %parallel_loop3A_930 : i32 to index
        %parallel_loop3A_932 = tpu.vector_load %arg7[%parallel_loop3A_931] {strides = array<i32>} : memref<96000xf32, #tpu.memory_space<vmem>>, vector<16xf32>,
        %parallel_loop3A_933 = vector.shape_cast %parallel_loop3A_932 : vector<16xf32> to vector<16xf32>
        %parallel_loop3A_934 = arith.constant 3 : i32
        %parallel_loop3A_935 = arith.index_cast %parallel_loop3A_934 : i32 to index
        %parallel_loop3A_936 = arith.index_cast %parallel_loop3A_927 : i32 to index
        %parallel_loop3A_937 = tpu.vector_load %arg13[%parallel_loop3A_935, %parallel_loop3A_936] {strides = array<i32>} : memref<8x640xf32, #tpu.memory_space<vmem>>, vector<1x16xf32>,
        %parallel_loop3A_938 = vector.shape_cast %parallel_loop3A_937 : vector<1x16xf32> to vector<16xf32>
        %parallel_loop3A_939 = vector.shape_cast %parallel_loop3A_933 : vector<16xf32> to vector<1x16xf32>
        tpu.vector_store %arg13[%parallel_loop3A_935, %parallel_loop3A_936], %parallel_loop3A_939 {add = true, strides = array<i32>} : memref<8x640xf32, #tpu.memory_space<vmem>>, vector<1x16xf32>,
      } {sc.loop_unroll_factor = 8 : i64, sc.parallel_access}
    } else {
    }
    %get3A_839 = arith.constant 28 : i32
    %get3A_840 = arith.index_cast %get3A_839 : i32 to index
    %get3A_841 = memref.load %arg11[%get3A_840] : memref<32xi32, #tpu.memory_space<smem>>
    %get3A_842 = arith.constant 28 : i32
    %get3A_843 = arith.index_cast %get3A_842 : i32 to index
    %get3A_844 = memref.load %arg12[%get3A_843] : memref<32xf32, #tpu.memory_space<smem>>
    %mul3A_845 = arith.constant 16000 : i32
    %mul3A_846 = arith.muli %get3A_841, %mul3A_845 : i32
    %add3A_847 = arith.constant 15360 : i32
    %add3A_848 = arith.addi %mul3A_846, %add3A_847 : i32
    %lt3A_849 = arith.constant 8.000000e-01 : f32
    %lt3A_850 = arith.cmpf olt, %get3A_844, %lt3A_849 : f32
    %convert_element_type3A_851 = arith.extui %lt3A_850 : i1 to i32
    %cond3A_852 = arith.constant 0 : i32
    %cond3A_853 = arith.cmpi ne, %convert_element_type3A_851, %cond3A_852 : i32
    scf.if %cond3A_853 {
      %parallel_loop3A = arith.constant 0 : i32
      %parallel_loop3A_923 = arith.constant 40 : i32
      %parallel_loop3A_924 = arith.constant 1 : i32
      scf.for %parallel_loop3A_925 = %parallel_loop3A to %parallel_loop3A_923 step %parallel_loop3A_924  : i32 {
        %parallel_loop3A_926 = arith.constant 16 : i32
        %parallel_loop3A_927 = arith.muli %parallel_loop3A_925, %parallel_loop3A_926 : i32
        %parallel_loop3A_928 = arith.constant 16 : i32
        %parallel_loop3A_929 = arith.muli %parallel_loop3A_925, %parallel_loop3A_928 : i32
        %parallel_loop3A_930 = arith.addi %add3A_848, %parallel_loop3A_929 : i32
        %parallel_loop3A_931 = arith.index_cast %parallel_loop3A_930 : i32 to index
        %parallel_loop3A_932 = tpu.vector_load %arg7[%parallel_loop3A_931] {strides = array<i32>} : memref<96000xf32, #tpu.memory_space<vmem>>, vector<16xf32>,
        %parallel_loop3A_933 = vector.shape_cast %parallel_loop3A_932 : vector<16xf32> to vector<16xf32>
        %parallel_loop3A_934 = arith.constant 4 : i32
        %parallel_loop3A_935 = arith.index_cast %parallel_loop3A_934 : i32 to index
        %parallel_loop3A_936 = arith.index_cast %parallel_loop3A_927 : i32 to index
        %parallel_loop3A_937 = tpu.vector_load %arg13[%parallel_loop3A_935, %parallel_loop3A_936] {strides = array<i32>} : memref<8x640xf32, #tpu.memory_space<vmem>>, vector<1x16xf32>,
        %parallel_loop3A_938 = vector.shape_cast %parallel_loop3A_937 : vector<1x16xf32> to vector<16xf32>
        %parallel_loop3A_939 = vector.shape_cast %parallel_loop3A_933 : vector<16xf32> to vector<1x16xf32>
        tpu.vector_store %arg13[%parallel_loop3A_935, %parallel_loop3A_936], %parallel_loop3A_939 {add = true, strides = array<i32>} : memref<8x640xf32, #tpu.memory_space<vmem>>, vector<1x16xf32>,
      } {sc.loop_unroll_factor = 8 : i64, sc.parallel_access}
    } else {
    }
    %get3A_854 = arith.constant 29 : i32
    %get3A_855 = arith.index_cast %get3A_854 : i32 to index
    %get3A_856 = memref.load %arg11[%get3A_855] : memref<32xi32, #tpu.memory_space<smem>>
    %get3A_857 = arith.constant 29 : i32
    %get3A_858 = arith.index_cast %get3A_857 : i32 to index
    %get3A_859 = memref.load %arg12[%get3A_858] : memref<32xf32, #tpu.memory_space<smem>>
    %mul3A_860 = arith.constant 16000 : i32
    %mul3A_861 = arith.muli %get3A_856, %mul3A_860 : i32
    %add3A_862 = arith.constant 15360 : i32
    %add3A_863 = arith.addi %mul3A_861, %add3A_862 : i32
    %lt3A_864 = arith.constant 8.000000e-01 : f32
    %lt3A_865 = arith.cmpf olt, %get3A_859, %lt3A_864 : f32
    %convert_element_type3A_866 = arith.extui %lt3A_865 : i1 to i32
    %cond3A_867 = arith.constant 0 : i32
    %cond3A_868 = arith.cmpi ne, %convert_element_type3A_866, %cond3A_867 : i32
    scf.if %cond3A_868 {
      %parallel_loop3A = arith.constant 0 : i32
      %parallel_loop3A_923 = arith.constant 40 : i32
      %parallel_loop3A_924 = arith.constant 1 : i32
      scf.for %parallel_loop3A_925 = %parallel_loop3A to %parallel_loop3A_923 step %parallel_loop3A_924  : i32 {
        %parallel_loop3A_926 = arith.constant 16 : i32
        %parallel_loop3A_927 = arith.muli %parallel_loop3A_925, %parallel_loop3A_926 : i32
        %parallel_loop3A_928 = arith.constant 16 : i32
        %parallel_loop3A_929 = arith.muli %parallel_loop3A_925, %parallel_loop3A_928 : i32
        %parallel_loop3A_930 = arith.addi %add3A_863, %parallel_loop3A_929 : i32
        %parallel_loop3A_931 = arith.index_cast %parallel_loop3A_930 : i32 to index
        %parallel_loop3A_932 = tpu.vector_load %arg7[%parallel_loop3A_931] {strides = array<i32>} : memref<96000xf32, #tpu.memory_space<vmem>>, vector<16xf32>,
        %parallel_loop3A_933 = vector.shape_cast %parallel_loop3A_932 : vector<16xf32> to vector<16xf32>
        %parallel_loop3A_934 = arith.constant 5 : i32
        %parallel_loop3A_935 = arith.index_cast %parallel_loop3A_934 : i32 to index
        %parallel_loop3A_936 = arith.index_cast %parallel_loop3A_927 : i32 to index
        %parallel_loop3A_937 = tpu.vector_load %arg13[%parallel_loop3A_935, %parallel_loop3A_936] {strides = array<i32>} : memref<8x640xf32, #tpu.memory_space<vmem>>, vector<1x16xf32>,
        %parallel_loop3A_938 = vector.shape_cast %parallel_loop3A_937 : vector<1x16xf32> to vector<16xf32>
        %parallel_loop3A_939 = vector.shape_cast %parallel_loop3A_933 : vector<16xf32> to vector<1x16xf32>
        tpu.vector_store %arg13[%parallel_loop3A_935, %parallel_loop3A_936], %parallel_loop3A_939 {add = true, strides = array<i32>} : memref<8x640xf32, #tpu.memory_space<vmem>>, vector<1x16xf32>,
      } {sc.loop_unroll_factor = 8 : i64, sc.parallel_access}
    } else {
    }
    %get3A_869 = arith.constant 30 : i32
    %get3A_870 = arith.index_cast %get3A_869 : i32 to index
    %get3A_871 = memref.load %arg11[%get3A_870] : memref<32xi32, #tpu.memory_space<smem>>
    %get3A_872 = arith.constant 30 : i32
    %get3A_873 = arith.index_cast %get3A_872 : i32 to index
    %get3A_874 = memref.load %arg12[%get3A_873] : memref<32xf32, #tpu.memory_space<smem>>
    %mul3A_875 = arith.constant 16000 : i32
    %mul3A_876 = arith.muli %get3A_871, %mul3A_875 : i32
    %add3A_877 = arith.constant 15360 : i32
    %add3A_878 = arith.addi %mul3A_876, %add3A_877 : i32
    %lt3A_879 = arith.constant 8.000000e-01 : f32
    %lt3A_880 = arith.cmpf olt, %get3A_874, %lt3A_879 : f32
    %convert_element_type3A_881 = arith.extui %lt3A_880 : i1 to i32
    %cond3A_882 = arith.constant 0 : i32
    %cond3A_883 = arith.cmpi ne, %convert_element_type3A_881, %cond3A_882 : i32
    scf.if %cond3A_883 {
      %parallel_loop3A = arith.constant 0 : i32
      %parallel_loop3A_923 = arith.constant 40 : i32
      %parallel_loop3A_924 = arith.constant 1 : i32
      scf.for %parallel_loop3A_925 = %parallel_loop3A to %parallel_loop3A_923 step %parallel_loop3A_924  : i32 {
        %parallel_loop3A_926 = arith.constant 16 : i32
        %parallel_loop3A_927 = arith.muli %parallel_loop3A_925, %parallel_loop3A_926 : i32
        %parallel_loop3A_928 = arith.constant 16 : i32
        %parallel_loop3A_929 = arith.muli %parallel_loop3A_925, %parallel_loop3A_928 : i32
        %parallel_loop3A_930 = arith.addi %add3A_878, %parallel_loop3A_929 : i32
        %parallel_loop3A_931 = arith.index_cast %parallel_loop3A_930 : i32 to index
        %parallel_loop3A_932 = tpu.vector_load %arg7[%parallel_loop3A_931] {strides = array<i32>} : memref<96000xf32, #tpu.memory_space<vmem>>, vector<16xf32>,
        %parallel_loop3A_933 = vector.shape_cast %parallel_loop3A_932 : vector<16xf32> to vector<16xf32>
        %parallel_loop3A_934 = arith.constant 6 : i32
        %parallel_loop3A_935 = arith.index_cast %parallel_loop3A_934 : i32 to index
        %parallel_loop3A_936 = arith.index_cast %parallel_loop3A_927 : i32 to index
        %parallel_loop3A_937 = tpu.vector_load %arg13[%parallel_loop3A_935, %parallel_loop3A_936] {strides = array<i32>} : memref<8x640xf32, #tpu.memory_space<vmem>>, vector<1x16xf32>,
        %parallel_loop3A_938 = vector.shape_cast %parallel_loop3A_937 : vector<1x16xf32> to vector<16xf32>
        %parallel_loop3A_939 = vector.shape_cast %parallel_loop3A_933 : vector<16xf32> to vector<1x16xf32>
        tpu.vector_store %arg13[%parallel_loop3A_935, %parallel_loop3A_936], %parallel_loop3A_939 {add = true, strides = array<i32>} : memref<8x640xf32, #tpu.memory_space<vmem>>, vector<1x16xf32>,
      } {sc.loop_unroll_factor = 8 : i64, sc.parallel_access}
    } else {
    }
    %get3A_884 = arith.constant 31 : i32
    %get3A_885 = arith.index_cast %get3A_884 : i32 to index
    %get3A_886 = memref.load %arg11[%get3A_885] : memref<32xi32, #tpu.memory_space<smem>>
    %get3A_887 = arith.constant 31 : i32
    %get3A_888 = arith.index_cast %get3A_887 : i32 to index
    %get3A_889 = memref.load %arg12[%get3A_888] : memref<32xf32, #tpu.memory_space<smem>>
    %mul3A_890 = arith.constant 16000 : i32
    %mul3A_891 = arith.muli %get3A_886, %mul3A_890 : i32
    %add3A_892 = arith.constant 15360 : i32
    %add3A_893 = arith.addi %mul3A_891, %add3A_892 : i32
    %lt3A_894 = arith.constant 8.000000e-01 : f32
    %lt3A_895 = arith.cmpf olt, %get3A_889, %lt3A_894 : f32
    %convert_element_type3A_896 = arith.extui %lt3A_895 : i1 to i32
    %cond3A_897 = arith.constant 0 : i32
    %cond3A_898 = arith.cmpi ne, %convert_element_type3A_896, %cond3A_897 : i32
    scf.if %cond3A_898 {
      %parallel_loop3A = arith.constant 0 : i32
      %parallel_loop3A_923 = arith.constant 40 : i32
      %parallel_loop3A_924 = arith.constant 1 : i32
      scf.for %parallel_loop3A_925 = %parallel_loop3A to %parallel_loop3A_923 step %parallel_loop3A_924  : i32 {
        %parallel_loop3A_926 = arith.constant 16 : i32
        %parallel_loop3A_927 = arith.muli %parallel_loop3A_925, %parallel_loop3A_926 : i32
        %parallel_loop3A_928 = arith.constant 16 : i32
        %parallel_loop3A_929 = arith.muli %parallel_loop3A_925, %parallel_loop3A_928 : i32
        %parallel_loop3A_930 = arith.addi %add3A_893, %parallel_loop3A_929 : i32
        %parallel_loop3A_931 = arith.index_cast %parallel_loop3A_930 : i32 to index
        %parallel_loop3A_932 = tpu.vector_load %arg7[%parallel_loop3A_931] {strides = array<i32>} : memref<96000xf32, #tpu.memory_space<vmem>>, vector<16xf32>,
        %parallel_loop3A_933 = vector.shape_cast %parallel_loop3A_932 : vector<16xf32> to vector<16xf32>
        %parallel_loop3A_934 = arith.constant 7 : i32
        %parallel_loop3A_935 = arith.index_cast %parallel_loop3A_934 : i32 to index
        %parallel_loop3A_936 = arith.index_cast %parallel_loop3A_927 : i32 to index
        %parallel_loop3A_937 = tpu.vector_load %arg13[%parallel_loop3A_935, %parallel_loop3A_936] {strides = array<i32>} : memref<8x640xf32, #tpu.memory_space<vmem>>, vector<1x16xf32>,
        %parallel_loop3A_938 = vector.shape_cast %parallel_loop3A_937 : vector<1x16xf32> to vector<16xf32>
        %parallel_loop3A_939 = vector.shape_cast %parallel_loop3A_933 : vector<16xf32> to vector<1x16xf32>
        tpu.vector_store %arg13[%parallel_loop3A_935, %parallel_loop3A_936], %parallel_loop3A_939 {add = true, strides = array<i32>} : memref<8x640xf32, #tpu.memory_space<vmem>>, vector<1x16xf32>,
      } {sc.loop_unroll_factor = 8 : i64, sc.parallel_access}
    } else {
    }
    %add3A_899 = arith.constant 24 : i32
    %add3A_900 = arith.addi %mul3A_2, %add3A_899 : i32
    %dma_start3A_901 = arith.constant 15360 : i32
    %dma_start3A_902 = tpu.memref_slice %arg6[%add3A_900, %dma_start3A_901] : memref<1024x16000xf32, #tpu.memory_space<hbm>> -> memref<8x640xf32, #tpu.memory_space<hbm>>
    %dma_start3A_903 = arith.constant 15360 : i32
    %dma_start3A_904 = tpu.memref_slice %arg6[%add3A_900, %dma_start3A_903] : memref<1024x16000xf32, #tpu.memory_space<hbm>> -> memref<8x640xf32, #tpu.memory_space<hbm>>
    tpu.enqueue_dma source(%arg13 : memref<8x640xf32, #tpu.memory_space<vmem>>) target(%dma_start3A_904 : memref<8x640xf32, #tpu.memory_space<hbm>>) target_semaphore(%arg19 : memref<!tpu.dma_semaphore, #tpu.memory_space<semaphore_mem>>)
    %dma_wait3A_905 = arith.constant 0 : i32
    %dma_wait3A_906 = arith.constant 0 : i32
    %dma_wait3A_907 = tpu.memref_slice %arg6[%dma_wait3A_905, %dma_wait3A_906] : memref<1024x16000xf32, #tpu.memory_space<hbm>> -> memref<8x640xf32, #tpu.memory_space<hbm>>
    %dma_wait3A_908 = arith.constant 0 : i32
    %dma_wait3A_909 = arith.constant 0 : i32
    %dma_wait3A_910 = tpu.memref_slice %arg6[%dma_wait3A_908, %dma_wait3A_909] : memref<1024x16000xf32, #tpu.memory_space<hbm>> -> memref<8x640xf32, #tpu.memory_space<hbm>>
    tpu.wait_dma2 semaphore(%arg20 : memref<!tpu.dma_semaphore, #tpu.memory_space<semaphore_mem>>) src(%arg14 : memref<8x640xf32, #tpu.memory_space<vmem>>) dst(%dma_wait3A_910 : memref<8x640xf32, #tpu.memory_space<hbm>>)
    %dma_wait3A_911 = arith.constant 0 : i32
    %dma_wait3A_912 = arith.constant 0 : i32
    %dma_wait3A_913 = tpu.memref_slice %arg6[%dma_wait3A_911, %dma_wait3A_912] : memref<1024x16000xf32, #tpu.memory_space<hbm>> -> memref<8x640xf32, #tpu.memory_space<hbm>>
    %dma_wait3A_914 = arith.constant 0 : i32
    %dma_wait3A_915 = arith.constant 0 : i32
    %dma_wait3A_916 = tpu.memref_slice %arg6[%dma_wait3A_914, %dma_wait3A_915] : memref<1024x16000xf32, #tpu.memory_space<hbm>> -> memref<8x640xf32, #tpu.memory_space<hbm>>
    tpu.wait_dma2 semaphore(%arg21 : memref<!tpu.dma_semaphore, #tpu.memory_space<semaphore_mem>>) src(%arg15 : memref<8x640xf32, #tpu.memory_space<vmem>>) dst(%dma_wait3A_916 : memref<8x640xf32, #tpu.memory_space<hbm>>)
    %dma_wait3A_917 = arith.constant 0 : i32
    %dma_wait3A_918 = arith.constant 0 : i32
    %dma_wait3A_919 = tpu.memref_slice %arg6[%dma_wait3A_917, %dma_wait3A_918] : memref<1024x16000xf32, #tpu.memory_space<hbm>> -> memref<8x640xf32, #tpu.memory_space<hbm>>
    %dma_wait3A_920 = arith.constant 0 : i32
    %dma_wait3A_921 = arith.constant 0 : i32
    %dma_wait3A_922 = tpu.memref_slice %arg6[%dma_wait3A_920, %dma_wait3A_921] : memref<1024x16000xf32, #tpu.memory_space<hbm>> -> memref<8x640xf32, #tpu.memory_space<hbm>>
    tpu.wait_dma2 semaphore(%arg19 : memref<!tpu.dma_semaphore, #tpu.memory_space<semaphore_mem>>) src(%arg13 : memref<8x640xf32, #tpu.memory_space<vmem>>) dst(%dma_wait3A_922 : memref<8x640xf32, #tpu.memory_space<hbm>>)
    return
  }
}

module attributes {stable_mosaic.version = 14 : i64} {
  func.func @_prep_body(%arg0: memref<6x160000xf32, #tpu.memory_space<vmem>>, %arg1: memref<1x1xf32, #tpu.memory_space<vmem>>, %arg2: memref<6x16000xf32, #tpu.memory_space<vmem>>) attributes {dimension_semantics = [], scalar_prefetch = 0 : i64, scratch_operands = 0 : i64, tpu.core_type = #tpu.core_type<tc>} {
    %get3A = arith.constant 0 : index
    %get3A_0 = arith.constant 0 : index
    %get3A_1 = vector.load %arg0[%get3A, %get3A_0] : memref<6x160000xf32, #tpu.memory_space<vmem>>, vector<6x160000xf32>
    %reduce_max3A = arith.constant dense<0xFF800000> : vector<6xf32>
    %reduce_max3A_2 = vector.multi_reduction <maximumf>, %get3A_1, %reduce_max3A [1] : vector<6x160000xf32> to vector<6xf32>
    %broadcast_in_dim3A = vector.shape_cast %reduce_max3A_2 : vector<6xf32> to vector<6x1xf32>
    %get3A_3 = arith.constant 0 : index
    %get3A_4 = arith.constant 0 : index
    %get3A_5 = vector.load %arg1[%get3A_3, %get3A_4] : memref<1x1xf32, #tpu.memory_space<vmem>>, vector<1x1xf32>
    %get3A_6 = vector.extract %get3A_5[0, 0] : f32 from vector<1x1xf32>
    %mul3A = arith.constant 2.000000e-01 : f32
    %mul3A_7 = arith.mulf %get3A_6, %mul3A : f32
    %slice3A = vector.extract_strided_slice %get3A_1 {offsets = [0, 54321], sizes = [6, 16000], strides = [1, 1]} : vector<6x160000xf32> to vector<6x16000xf32>
    %div3A = vector.broadcast %mul3A_7 : f32 to vector<6x1xf32>
    %div3A_8 = arith.divf %div3A, %broadcast_in_dim3A : vector<6x1xf32>
    %mul3A_9 = vector.broadcast %div3A_8 : vector<6x1xf32> to vector<6x16000xf32>
    %mul3A_10 = arith.mulf %slice3A, %mul3A_9 : vector<6x16000xf32>
    %swap3A = arith.constant 0 : index
    %swap3A_11 = arith.constant 0 : index
    %swap3A_12 = vector.load %arg2[%swap3A, %swap3A_11] : memref<6x16000xf32, #tpu.memory_space<vmem>>, vector<6x16000xf32>
    tpu.vector_store %arg2[%swap3A, %swap3A_11], %mul3A_10 {strides = array<i32>} : memref<6x16000xf32, #tpu.memory_space<vmem>>, vector<6x16000xf32>,
    return
  }
}

</mosaic_0001>

<sc_bundles>
// kernel: kernel.4.cloned.1.call-start
scs
__scs_entry_jumppad:
0x0: {  	(pc) =	sbr.rel $0x88, $3  }
0x1: {  	(tag) =	ssettag $0x0;
	lr =	simm.s32 $0x1  }
0x2: {  	[smem:$0x3F9C] =	sst lr;
	_ =	strace $0xD0000000  }
0x3: {  	_ = 	snop  }
0x4: {  	_ = 	snop  }
0x5: {  	_ = 	snop  }
0x6: {  	_ = 	snop  }
0x7: {  	_ = 	snop  }
__scs_overlays_trampoline_lowered:
0x8: {  	[smem:$0x3FAB] =	sst s0  }
0x9: {  	[smem:$0x3FAC] =	sst s1  }
0xa: {  	[smem:$0x3FAD] =	sst s2  }
0xb: {  	[smem:$0x3FAE] =	sst s3  }
0xc: {  	[smem:$0x3FAF] =	sst s4  }
0xd: {  	[smem:$0x3FB0] =	sst s5  }
0xe: {  	[smem:$0x3FB1] =	sst s6  }
0xf: {  	[smem:$0x3FB2] =	sst s7  }
0x10: {  	[smem:$0x3FB3] =	sst s8  }
0x11: {  	[smem:$0x3FB4] =	sst s9;
	s0 =	simm.s32 @!p0 $0x0  }
0x12: {  	s1 =	sld [smem:$0x3F9A];
	s0 =	simm.s32 @p0 $0x1  }
0x13: {  	[smem:$0x3FB5] =	sst s0;
	s0 =	simm.s32 @!p1 $0x0  }
0x14: {  	s2 =	sld [smem:$0x3F99];
	s0 =	simm.s32 @p1 $0x1  }
0x15: {  	[smem:$0x3FB6] =	sst s0;
	s0 =	simm.s32 @!p2 $0x0  }
0x16: {  	s3 =	sld [smem:$0x3FDB];
	s0 =	simm.s32 @p2 $0x1  }
0x17: {  	s4 =	simm.s32 $0x1BF5;
	[smem:$0x3FB8] =	sst s0  }
0x18: {  	s0 =	sld [smem:$0x3F9B];
	_ =	swait.ge [sflag:s4], $0x0  }
0x19: {  	s7 =	sld [smem:$0x3F9C]  }
0x1a: {  	s8 =	sadd.s32 $0xFFFFE003, lr  }
0x1b: {  	s9 =	sadd.s32 $0xFFFFFEF7, lr;
	s5 =	simm.s32 $0xFFFFFFFF;
	p2 =	slt.u32 s8, $0xFFFFF086  }
0x1c: {  	p1 =	slt.u32 s9, $0xF7A;
	s5 =	simm.s32 @!p2 $0x0  }
0x1d: {  	s5 =	simm.s32 @p1 $0x1;
	p0 =	seq.s32 s7, s2  }
0x1e: {  	s7 =	smul.u32 @!p0 $0xF7A, s2;
	p2 =	seq.s32 @!p0 s5, $0x0  }
0x1f: {  	s9 =	smul.u32 $0xF7A, s1;
	s8 =	simm.s32 @!p0 $0x1BF5;
	p2 =	por !p2, p0  }
0x20: {  	[sflag:s8] =	ssyncset.s32 @!p0 $0xFFFFF086;
	s6 =	sadd.s32 @!p0 s3, s7;
	s7 =	simm.s32 @!p0 $0x108  }
0x21: {  	s3 =	sadd.s32 s3, s9;
	s6 =	sadd.s32 @!p0 $0x88, s6;
	s7 =	simm.s32 @p2 $0x1082  }
0x22: {  	[simem:s7], [sflag:s8] =	dma.local @!p0 [hbm:s6], $0xF7A  }
0x23: {  	s9 =	sor.u32 $0xD0000000, s2;
	s6 =	simm.s32 $0x108;
	_ =	swait.ge @!p0 [sflag:s8], $0x0  }
0x24: {  	s3 =	sadd.s32 $0x88, s3;
	s6 =	simm.s32 @!p1 $0x1082;
	[sflag:s4] =	ssyncset.s32 $0xFFFFF086  }
0x25: {  	[simem:s6], [sflag:s4] =	dma.local [hbm:s3], $0xF7A  }
0x26: {  	[smem:$0x3F9C] =	sst s1;
	(tag) =	ssettag s2;
	_ =	strace s9  }
0x27: {  	s1 =	sld [smem:$0x3FAC]  }
0x28: {  	s2 =	sld [smem:$0x3FAD]  }
0x29: {  	s4 =	sld [smem:$0x3FAF]  }
0x2a: {  	p0 =	seq.s32 s5, $0x0;
	s5 =	sld [smem:$0x3FB0]  }
0x2b: {  	s6 =	sld [smem:$0x3FB1]  }
0x2c: {  	s7 =	sld [smem:$0x3FB2]  }
0x2d: {  	s3 =	simm.s32 $0x108;
	s8 =	sld [smem:$0x3FB3]  }
0x2e: {  	s3 =	simm.s32 @!p0 $0x1082;
	s9 =	sld [smem:$0x3FB4]  }
0x2f: {  	lr =	sadd.s32 s0, s3;
	s0 =	sld [smem:$0x3FAB]  }
0x30: {  	s3 =	sld [smem:$0x3FAE]  }
0x31: {  	[smem:$0x3FB7] =	sst s10  }
0x32: {  	s10 =	sld [smem:$0x3FB5];
	_ =	sdelay $0x3  }
0x33: {  	p0 =	seq.s32 s10, $0x1;
	s10 =	sld [smem:$0x3FB7];
	_ =	sdelay $0x3  }
0x34: {  	[smem:$0x3FB7] =	sst s10  }
0x35: {  	s10 =	sld [smem:$0x3FB6];
	_ =	sdelay $0x3  }
0x36: {  	p1 =	seq.s32 s10, $0x1;
	s10 =	sld [smem:$0x3FB7];
	_ =	sdelay $0x3  }
0x37: {  	[smem:$0x3FB7] =	sst s10  }
0x38: {  	s10 =	sld [smem:$0x3FB8]  }
0x39: {  	_ = 	snop;
	(pc) =	sbr.ind lr, $3  }
0x3a: {  	_ = 	snop  }
0x3b: {  	_ = 	snop  }
0x3c: {  	p2 =	seq.s32 s10, $0x1;
	s10 =	sld [smem:$0x3FB7]  }
0x3d: {  	_ =	shalt  }
0x3e: {  	_ =	shalt  }
0x3f: {  	_ =	shalt  }
0x40: {  	_ =	shalt  }
0x41: {  	_ =	shalt  }
0x42: {  	_ =	shalt  }
0x43: {  	_ =	shalt  }
0x44: {  	_ =	shalt  }
0x45: {  	_ =	shalt  }
0x46: {  	_ =	shalt  }
0x47: {  	_ =	shalt  }
0x48: {  	_ =	shalt  }
0x49: {  	_ =	shalt  }
0x4a: {  	_ =	shalt  }
0x4b: {  	_ =	shalt  }
0x4c: {  	_ =	shalt  }
0x4d: {  	_ =	shalt  }
0x4e: {  	_ =	shalt  }
0x4f: {  	_ =	shalt  }
0x50: {  	_ =	shalt  }
0x51: {  	_ =	shalt  }
0x52: {  	_ =	shalt  }
0x53: {  	_ =	shalt  }
0x54: {  	_ =	shalt  }
0x55: {  	_ =	shalt  }
0x56: {  	_ =	shalt  }
0x57: {  	_ =	shalt  }
0x58: {  	_ =	shalt  }
0x59: {  	_ =	shalt  }
0x5a: {  	_ =	shalt  }
0x5b: {  	_ =	shalt  }
0x5c: {  	_ =	shalt  }
0x5d: {  	_ =	shalt  }
0x5e: {  	_ =	shalt  }
0x5f: {  	_ =	shalt  }
0x60: {  	_ =	shalt  }
0x61: {  	_ =	shalt  }
0x62: {  	_ =	shalt  }
0x63: {  	_ =	shalt  }
0x64: {  	_ =	shalt  }
0x65: {  	_ =	shalt  }
0x66: {  	_ =	shalt  }
0x67: {  	_ =	shalt  }
0x68: {  	_ =	shalt  }
0x69: {  	_ =	shalt  }
0x6a: {  	_ =	shalt  }
0x6b: {  	_ =	shalt  }
0x6c: {  	_ =	shalt  }
0x6d: {  	_ =	shalt  }
0x6e: {  	_ =	shalt  }
0x6f: {  	_ =	shalt  }
0x70: {  	_ =	shalt  }
0x71: {  	_ =	shalt  }
0x72: {  	_ =	shalt  }
0x73: {  	_ =	shalt  }
0x74: {  	_ =	shalt  }
0x75: {  	_ =	shalt  }
0x76: {  	_ =	shalt  }
0x77: {  	_ =	shalt  }
0x78: {  	_ =	shalt  }
0x79: {  	_ =	shalt  }
0x7a: {  	_ =	shalt  }
0x7b: {  	_ =	shalt  }
0x7c: {  	_ =	shalt  }
0x7d: {  	_ =	shalt  }
0x7e: {  	_ =	shalt  }
0x7f: {  	_ =	shalt  }
0x80: {  	_ =	shalt  }
0x81: {  	_ =	shalt  }
0x82: {  	_ =	shalt  }
0x83: {  	_ =	shalt  }
0x84: {  	_ =	shalt  }
0x85: {  	_ =	shalt  }
0x86: {  	_ =	shalt  }
0x87: {  	_ =	shalt  }
.Lfunc_end0:
.L_simem_size_0:
called_computation_lowered:
.L_overlay_start_0:
0x88: {  	s2 =	sld [smem:$0x3FD9]  }
0x89: {  	s3 =	sld [smem:$0x3FFE];
	_ =	sdelay $0x1  }
0x8a: {  	s1 =	srdreg.scid  }
0x8b: {  	s0 =	sand.u32 $0x1, s1  }
0x8c: {  	s17 =	sshll.u32 s0, $0xA;
	s2 =	sadd.s32 s3, s2  }
0x8d: {  	s2 =	sadd.s32 s2, s17  }
0x8e: {  	[smem:$0x3FC3] =	sst s2  }
0x8f: {  	_ = 	snop  }
0x90: {  	s2 =	sld [smem:$0x3FC9]  }
0x91: {  	s18 =	sld [smem:$0x3FC7]  }
0x92: {  	s4 =	sld [smem:$0x3FC6]  }
0x93: {  	s5 =	sld [smem:$0x3FD0];
	(tm) =	ssettm $0x1  }
0x94: {  	s6 =	sld [smem:$0x3FFB];
	_ =	sdelay $0x3  }
0x95: {  	_ =	strace s6  }
0x96: {  	s6 =	sld [smem:$0x3FFC];
	_ =	sdelay $0x3  }
0x97: {  	_ =	strace s6  }
0x98: {  	s6 =	sld [smem:$0x3FFD];
	_ =	sdelay $0x3  }
0x99: {  	_ =	strace s6  }
0x9a: {  	_ =	strace $0x8FFFFFFF  }
0x9b: {  	s19 =	sld [smem:$0x3FDB];
	_ =	sdelay $0x1  }
0x9c: {  	s7 =	simm.s32 $_scs_section_size  }
0x9d: {  	s8 =	simm.s32 $_size__tile_overlayer_lowered;
	s9 =	simm.s32 $_tile_overlayer_lowered  }
0x9e: {  	s22 =	simm.s32 $0x1BFF;
	s21 =	sshll.u32 s9, $0x1;
	s6 =	sadd.s32 s7, s19  }
0x9f: {  	s10 =	simm.s32 $0x0;
	s20 =	sshll.u32 s8, $0x1;
	s8 =	sadd.s32 s21, s6  }
0xa0: {  	[timem:s10], [sflag:s22] =	dma.local [hbm:s8], s20  }
0xa1: {  	_ =	swait.ge [sflag:s22], s20  }
0xa2: {  	s7 =	ssub.s32 $0x0, s20;
	[sflag:s22] =	ssyncset.done $0x0  }
0xa3: {  	[sflag:s22] =	ssyncadd.s32 s7;
	_ =	sdelay $0x1  }
0xa4: {  	s23 =	simm.s32 $0x1B8B  }
0xa5: {  	_ =	swait.ge [sflag:s23], $0x1  }
0xa6: {  	[sflag:s23] =	ssyncset.done $0x0  }
0xa7: {  	s25 =	simm.s32 $0x1B8E;
	s24 =	sld [smem:$0x3FFE];
	[sflag:s23] =	ssyncadd.s32 $0xFFFFFFFF  }
0xa8: {  	s26 =	simm.s32 $execute0_lowered;
	[smem:$0x3FD2] =	sst s25  }
0xa9: {  	s8 =	sshll.u32 s26, $0x1;
	_ =	strace $0x80000046;
	[dreg:$0x1] =	wrdreg $0xFFFFFFFF  }
0xaa: {  	s28 =	simm.s32 $_size_execute0_lowered;
	s6 =	sadd.s32 s6, s8;
	[dreg:$0x0] =	wrdreg $0x0  }
0xab: {  	s8 =	sshll.u32 s28, $0x1;
	[dreg:$0x2] =	wrdreg s6  }
0xac: {  	[dreg:$0x3] =	wrdreg s8  }
0xad: {  	[dreg:$0x4] =	wrdreg $0xC0  }
0xae: {  	_ =	task [dreg:s10], $0x5FFFF  }
0xaf: {  	[dreg:$0x1] =	wrdreg $0xFFFFFFFF  }
0xb0: {  	[dreg:$0x0] =	wrdreg $0x60  }
0xb1: {  	[dreg:$0x2] =	wrdreg s2  }
0xb2: {  	[dreg:$0x3] =	wrdreg s24  }
0xb3: {  	[dreg:$0x4] =	wrdreg s18  }
0xb4: {  	[dreg:$0x5] =	wrdreg s4  }
0xb5: {  	[dreg:$0x6] =	wrdreg s5  }
0xb6: {  	[dreg:$0x7] =	wrdreg $0x177000  }
0xb7: {  	[dreg:$0x8] =	wrdreg $0x9  }
0xb8: {  	_ =	task.clear_ibuf [dreg:s10], $0x9FFFF;
	_ =	strace $0x90000046  }
0xb9: {  	s29 =	simm.s32 $0x9;
	_ =	strace $0x80000048  }
0xba: {  	_ =	swait.ge [sflag:s29], $0x1  }
0xbb: {  	[sflag:s29] =	ssyncadd.s32 $0xFFFFFFFF  }
0xbc: {  	_ =	strace $0x90000048  }
0xbd: {  	_ =	sfence  }
0xbe: {  	s30 =	sld [smem:$0x0];
	_ =	sdelay $0x2  }
0xbf: {  	s31 =	sshll.u32 s1, $0xD;
	s1 =	sshrl.u32 s1, $0x2  }
0xc0: {  	s3 =	sand.u32 $0x4000, s31;
	s1 =	sadd.s32 s1, s30  }
0xc1: {  	s0 =	sor.u32 s3, s0;
	s1 =	sshll.u32 s1, $0x11  }
0xc2: {  	s0 =	sor.u32 s1, s0  }
0xc3: {  	s0 =	sadd.s32 $0x8F2B, s0  }
0xc4: {  	[sflag:s0] =	ssyncadd.remote.s32 $0x1  }
0xc5: {  	_ =	sfence.sel $0xFFFF  }
0xc6: {  	[dreg:$0x0] =	wrdreg $0xFFFFFFFF;
	(pc) =	sbr.abs _section_cstart, $3  }
0xc7: {  	[dreg:$0x1] =	wrdreg $0xFFFFFFFF  }
0xc8: {  	_ =	task.clear_ibuf [dreg:s10], $0x2FFFF;
	_ =	strace $0x9FFFFFFF  }
0xc9: {  	(tm) =	ssettm $0x7FFFFFFF  }
tec
execute0_lowered:
.L_overlay_start_1:
0x0: {  	(tag) =	ssettag $0x1  }
0x1: {  	s0 =	rddreg [dreg:$0x0]  }
0x2: {  	s1 =	rddreg [dreg:$0x1]  }
0x3: {  	s3 =	rddreg [dreg:$0x2]  }
0x4: {  	s2 =	srdreg.scid;
	s6 =	rddreg [dreg:$0x3]  }
0x5: {  	s7 =	stileid.u32;
	s13 =	rddreg [dreg:$0x5];
	s28 =	simm.s32 $0x4  }
0x6: {  	s29 =	simm.s32 $0x3;
	s30 =	simm.s32 $0x5;
	s31 =	simm.s32 $0x6  }
0x7: {  	s8 =	sand.u32 $0x1, s2;
	s2 =	rddreg [dreg:$0x4];
	s5 =	sshll.u32 s7, $0x5  }
0x8: {  	s1 =	sadd.s32 $0x400, s1;
	p0 =	sne.s32 s7, $0x0;
	s4 =	sshll.u32 s8, $0x9  }
0x9: {  	s8 =	ssub.s32 $0x2, s8;
	s4 =	sor.u32 s5, s4;
	s5 =	simm.s32 $0x0  }
0xa: {  	s17 =	sshrl.u32 s8, $0x1;
	s9 =	sshrl.u32 s4, $0x3;
	[smem:$0x7FF] =	sst s5  }
0xb: {  	_ =	strace $0x80000047;
	[dreg:$0x7] =	wrdreg s1;
	s3 =	sadd.s32 s3, s9  }
0xc: {  	s10 =	smul.u32 $0x1F400, s9;
	s20 =	sadd.s32 s6, s9;
	[dreg:$0xa] =	wrdreg s3  }
0xd: {  	s11 =	smul.u32 $0x3E80, s9;
	s1 =	ssub.s32 s8, s17;
	[dreg:$0xb] =	wrdreg s20  }
0xe: {  	s17 =	smax.u32 s1, $0x1;
	s20 =	sshrl.u32 @!p0 s13, $0x3;
	s1 =	simm.s32 $0x0  }
0xf: {  	s10 =	sshrl.u32 s10, $0x3;
	s18 =	sadd.s32 s0, s11;
	s22 =	sadd.s32 s2, s11  }
0x10: {  	s12 =	sadd.s32 $0x3E80, s10;
	[dreg:$0x8] =	wrdreg s18;
	s21 =	sadd.s32 s0, s10  }
0x11: {  	[dreg:$0xc] =	wrdreg s22;
	s23 =	sadd.s32 $0xF780, s10;
	s19 =	sadd.s32 s0, s12  }
0x12: {  	s26 =	sadd.s32 s2, s10;
	s3 =	sadd.s32 $0x7D00, s21;
	[dreg:$0x9] =	wrdreg s19  }
.Ltmp0:
0x13: {  	s24 =	sadd.s32 s2, s12;
	[dreg:$0xd] =	wrdreg s3;
	(pc) =	sbr.rel .LBB2_1-.Ltmp0, $4  }
0x14: {  	s18 =	simm.s32 $0x18F70;
	s25 =	sadd.s32 s0, s23;
	[dreg:$0xe] =	wrdreg s24  }
0x15: {  	s22 =	simm.s32 $0x7;
	s6 =	sadd.s32 $0xB900, s26;
	[dreg:$0xf] =	wrdreg s25  }
0x16: {  	s16 =	sadd.s32 s2, s23;
	s26 =	simm.s32 $0x2;
	[dreg:$0x10] =	wrdreg s6  }
0x17: {  	s19 =	simm.s32 $0x1A370;
	s24 =	simm.s32 $0x1;
	s25 =	simm.s32 $0x1B770  }
.LBB2_171:
0x18: {  	[hbm4b:s16+s5] =	stream.linear.scatter [tilespmem:s18], [sflag:$0x4], $0x1400, $0x38;
	[tilespmem:$0x1CB70] =	vst v63  }
0x19: {  	_ =	swait.ge [sflag:s30], $0x1400  }
0x1a: {  	[sflag:s30] =	ssyncset.done $0x0  }
0x1b: {  	s1 =	sadd.s32 $0x1, s1;
	[sflag:s30] =	ssyncadd.s32 $0xFFFFEC00  }
0x1c: {  	p1 =	sne.s32 s1, s17;
	_ =	swait.ge [sflag:s31], $0x1400  }
.Ltmp1:
0x1d: {  	[sflag:s31] =	ssyncset.done $0x0;
	(pc) =	sbr.rel @!p1 .LBB2_172-.Ltmp1, $4  }
0x1e: {  	[sflag:s31] =	ssyncadd.s32 $0xFFFFEC00  }
0x1f: {  	_ =	swait.ge [sflag:s28], $0x1400  }
0x20: {  	[sflag:s28] =	ssyncset.done $0x0  }
0x21: {  	[sflag:s28] =	ssyncadd.s32 $0xFFFFEC00  }
.LBB2_1:
0x22: {  	s3 =	rddreg [dreg:$0x8]  }
0x23: {  	s8 =	rddreg [dreg:$0x9]  }
0x24: {  	[tilespmem:s18], [sflag:$0x1] =	stream.linear.gather [hbm4b:s3+s5], $0x1400, $0x38;
	[tilespmem:$0x1CB70] =	vst v63  }
0x25: {  	s6 =	rddreg [dreg:$0x7];
	s3 =	simm.s32 @!p0 $0x1C03  }
0x26: {  	[tilespmem:s19], [sflag:$0x2] =	stream.linear.gather [hbm4b:s8+s5], $0x1400, $0x38;
	[tilespmem:$0x1CB70] =	vst v63  }
0x27: {  	[spmem:s20], [sflag:s3] =	dma.local @!p0 [hbm:s6], $0x2EE0  }
0x28: {  	s9 =	simm.s32 $0x18E70;
	s3 =	rddreg [dreg:$0xa]  }
0x29: {  	[tilespmem:s9], [sflag:$0x7] =	stream.linear.gather [hbm4b:s3+s5], $0x20, $0x38;
	[tilespmem:$0x1CB70] =	vst v63  }
0x2a: {  	_ =	swait.ge [sflag:s22], $0x20  }
0x2b: {  	[sflag:s22] =	ssyncset.done $0x0  }
0x2c: {  	s11 =	simm.s32 $0x18EF0;
	s10 =	rddreg [dreg:$0xb];
	[sflag:s22] =	ssyncadd.s32 $0xFFFFFFE0  }
0x2d: {  	[tilespmem:s11], [sflag:$0x7] =	stream.linear.gather [hbm4b:s10+s5], $0x20, $0x38;
	[tilespmem:$0x1CB70] =	vst v63  }
0x2e: {  	_ =	swait.ge [sflag:s22], $0x20  }
0x2f: {  	[sflag:s22] =	ssyncset.done $0x0  }
0x30: {  	[sflag:s22] =	ssyncadd.s32 $0xFFFFFFE0  }
0x31: {  	v0 =	vld [tilespmem:$0x18E70]  }
0x32: {  	v1 =	vld [tilespmem:$0x18EF0];
	_ =	sdelay $0x3  }
0x33: {  	(v2sf) =	vpush v0, $0x0  }
0x34: {  	(v2sf) =	vpush v1, $0x0  }
0x35: {  	(v2sf) =	vpush v0, $0x1  }
0x36: {  	(v2sf) =	vpush v1, $0x1  }
0x37: {  	(v2sf) =	vpush v0, $0x2  }
0x38: {  	(v2sf) =	vpush v1, $0x2  }
0x39: {  	(v2sf) =	vpush v0, $0x3  }
0x3a: {  	(v2sf) =	vpush v1, $0x3  }
0x3b: {  	(v2sf) =	vpush v0, $0x4  }
0x3c: {  	(v2sf) =	vpush v1, $0x4  }
0x3d: {  	(v2sf) =	vpush v0, $0x5  }
0x3e: {  	(v2sf) =	vpush v1, $0x5  }
0x3f: {  	(v2sf) =	vpush v0, $0x6  }
0x40: {  	(v2sf) =	vpush v1, $0x6  }
0x41: {  	(v2sf) =	vpush v0, $0x7  }
0x42: {  	s12 =	spop (v2sf);
	(v2sf) =	vpush v1, $0x7  }
0x43: {  	[smem:$0x0] =	sst s12;
	s13 =	spop (v2sf);
	(v2sf) =	vpush v0, $0x8  }
0x44: {  	[smem:$0x80] =	sst s13;
	s14 =	spop (v2sf);
	(v2sf) =	vpush v1, $0x8  }
0x45: {  	[smem:$0x1] =	sst s14;
	s15 =	spop (v2sf);
	(v2sf) =	vpush v0, $0x9  }
0x46: {  	[smem:$0x81] =	sst s15;
	s21 =	spop (v2sf);
	(v2sf) =	vpush v1, $0x9  }
0x47: {  	[smem:$0x2] =	sst s21;
	s23 =	spop (v2sf);
	(v2sf) =	vpush v0, $0xA  }
0x48: {  	[smem:$0x82] =	sst s23;
	s6 =	spop (v2sf);
	(v2sf) =	vpush v1, $0xA  }
0x49: {  	[smem:$0x3] =	sst s6;
	s7 =	spop (v2sf);
	(v2sf) =	vpush v0, $0xB  }
0x4a: {  	[smem:$0x83] =	sst s7;
	s8 =	spop (v2sf);
	(v2sf) =	vpush v1, $0xB  }
0x4b: {  	[smem:$0x4] =	sst s8;
	s9 =	spop (v2sf);
	(v2sf) =	vpush v0, $0xC  }
0x4c: {  	[smem:$0x84] =	sst s9;
	s10 =	spop (v2sf);
	(v2sf) =	vpush v1, $0xC  }
0x4d: {  	[smem:$0x5] =	sst s10;
	s11 =	spop (v2sf);
	(v2sf) =	vpush v0, $0xD  }
0x4e: {  	v2 =	vld [tilespmem:$0x18E80];
	[smem:$0x85] =	sst s11;
	s12 =	spop (v2sf);
	(v2sf) =	vpush v1, $0xD  }
0x4f: {  	v3 =	vld [tilespmem:$0x18F00];
	[smem:$0x6] =	sst s12;
	s13 =	spop (v2sf);
	(v2sf) =	vpush v0, $0xE  }
0x50: {  	[smem:$0x86] =	sst s13;
	s14 =	spop (v2sf);
	(v2sf) =	vpush v1, $0xE  }
0x51: {  	(v2sf) =	vpush v0, $0xF;
	[smem:$0x7] =	sst s14;
	s15 =	spop (v2sf)  }
0x52: {  	(v2sf) =	vpush v1, $0xF;
	[smem:$0x87] =	sst s15;
	s21 =	spop (v2sf)  }
0x53: {  	[smem:$0x8] =	sst s21;
	s23 =	spop (v2sf);
	(v2sf) =	vpush v2, $0x0  }
0x54: {  	[smem:$0x88] =	sst s23;
	s6 =	spop (v2sf);
	(v2sf) =	vpush v3, $0x0  }
0x55: {  	[smem:$0x9] =	sst s6;
	s7 =	spop (v2sf);
	(v2sf) =	vpush v2, $0x1  }
0x56: {  	[smem:$0x89] =	sst s7;
	s8 =	spop (v2sf);
	(v2sf) =	vpush v3, $0x1  }
0x57: {  	[smem:$0xA] =	sst s8;
	s9 =	spop (v2sf);
	(v2sf) =	vpush v2, $0x2  }
0x58: {  	[smem:$0x8A] =	sst s9;
	s10 =	spop (v2sf);
	(v2sf) =	vpush v3, $0x2  }
0x59: {  	[smem:$0xB] =	sst s10;
	s11 =	spop (v2sf);
	(v2sf) =	vpush v2, $0x3  }
0x5a: {  	[smem:$0x8B] =	sst s11;
	s12 =	spop (v2sf);
	(v2sf) =	vpush v3, $0x3  }
0x5b: {  	[smem:$0xC] =	sst s12;
	s13 =	spop (v2sf);
	(v2sf) =	vpush v2, $0x4  }
0x5c: {  	[smem:$0x8C] =	sst s13;
	s14 =	spop (v2sf);
	(v2sf) =	vpush v3, $0x4  }
0x5d: {  	[smem:$0xD] =	sst s14;
	s15 =	spop (v2sf);
	(v2sf) =	vpush v2, $0x5  }
0x5e: {  	[smem:$0x8D] =	sst s15;
	s21 =	spop (v2sf);
	(v2sf) =	vpush v3, $0x5  }
0x5f: {  	[smem:$0xE] =	sst s21;
	s23 =	spop (v2sf);
	(v2sf) =	vpush v2, $0x6  }
0x60: {  	[smem:$0x8E] =	sst s23;
	s6 =	spop (v2sf);
	(v2sf) =	vpush v3, $0x6  }
0x61: {  	[smem:$0xF] =	sst s6;
	s7 =	spop (v2sf);
	(v2sf) =	vpush v2, $0x7  }
0x62: {  	[smem:$0x8F] =	sst s7;
	s8 =	spop (v2sf);
	(v2sf) =	vpush v3, $0x7  }
0x63: {  	[smem:$0x10] =	sst s8;
	s9 =	spop (v2sf);
	(v2sf) =	vpush v2, $0x8  }
0x64: {  	[smem:$0x90] =	sst s9;
	s10 =	spop (v2sf);
	(v2sf) =	vpush v3, $0x8  }
0x65: {  	[smem:$0x11] =	sst s10;
	s11 =	spop (v2sf);
	(v2sf) =	vpush v2, $0x9  }
0x66: {  	[smem:$0x91] =	sst s11;
	s12 =	spop (v2sf);
	(v2sf) =	vpush v3, $0x9  }
0x67: {  	[smem:$0x12] =	sst s12;
	s13 =	spop (v2sf);
	(v2sf) =	vpush v2, $0xA  }
0x68: {  	[smem:$0x92] =	sst s13;
	s14 =	spop (v2sf);
	(v2sf) =	vpush v3, $0xA  }
0x69: {  	[smem:$0x13] =	sst s14;
	s15 =	spop (v2sf);
	(v2sf) =	vpush v2, $0xB  }
0x6a: {  	[smem:$0x93] =	sst s15;
	s21 =	spop (v2sf);
	(v2sf) =	vpush v3, $0xB  }
0x6b: {  	[smem:$0x14] =	sst s21;
	s23 =	spop (v2sf);
	(v2sf) =	vpush v2, $0xC  }
0x6c: {  	[smem:$0x94] =	sst s23;
	s6 =	spop (v2sf);
	(v2sf) =	vpush v3, $0xC  }
0x6d: {  	[smem:$0x15] =	sst s6;
	s7 =	spop (v2sf);
	(v2sf) =	vpush v2, $0xD  }
0x6e: {  	[smem:$0x95] =	sst s7;
	s8 =	spop (v2sf);
	(v2sf) =	vpush v3, $0xD  }
0x6f: {  	[smem:$0x16] =	sst s8;
	s9 =	spop (v2sf);
	(v2sf) =	vpush v2, $0xE  }
0x70: {  	[smem:$0x96] =	sst s9;
	s10 =	spop (v2sf);
	(v2sf) =	vpush v3, $0xE  }
0x71: {  	[smem:$0x17] =	sst s10;
	s11 =	spop (v2sf);
	(v2sf) =	vpush v2, $0xF  }
0x72: {  	[smem:$0x97] =	sst s11;
	s12 =	spop (v2sf);
	(v2sf) =	vpush v3, $0xF  }
0x73: {  	[smem:$0x18] =	sst s12;
	s13 =	spop (v2sf)  }
0x74: {  	[smem:$0x98] =	sst s13;
	s14 =	spop (v2sf)  }
0x75: {  	[smem:$0x19] =	sst s14;
	s15 =	spop (v2sf)  }
0x76: {  	[smem:$0x99] =	sst s15;
	s21 =	spop (v2sf)  }
0x77: {  	[smem:$0x1A] =	sst s21;
	s23 =	spop (v2sf)  }
0x78: {  	[smem:$0x9A] =	sst s23;
	s6 =	spop (v2sf)  }
0x79: {  	[smem:$0x1B] =	sst s6;
	s7 =	spop (v2sf)  }
0x7a: {  	[smem:$0x9B] =	sst s7;
	s8 =	spop (v2sf)  }
0x7b: {  	[smem:$0x1C] =	sst s8;
	s9 =	spop (v2sf)  }
0x7c: {  	[smem:$0x9C] =	sst s9;
	s10 =	spop (v2sf)  }
0x7d: {  	[smem:$0x1D] =	sst s10;
	s11 =	spop (v2sf)  }
0x7e: {  	[smem:$0x9D] =	sst s11;
	s12 =	spop (v2sf)  }
0x7f: {  	[smem:$0x1E] =	sst s12;
	s13 =	spop (v2sf)  }
0x80: {  	[smem:$0x9E] =	sst s13;
	s14 =	spop (v2sf)  }
0x81: {  	[smem:$0x1F] =	sst s14;
	s15 =	spop (v2sf)  }
0x82: {  	s3 =	simm.s32 @!p0 $0x3;
	[smem:$0x9F] =	sst s15  }
0x83: {  	_ =	swait.ge @!p0 [sflag:s3], $0x2EE0  }
0x84: {  	[sflag:s3] =	ssyncset.done @!p0 $0x0  }
0x85: {  	[sflag:s3] =	ssyncadd.s32 @!p0 $0xFFFFD120  }
0x86: {  	[bflag:$0x0] =	sbarrier.arrive $0xFFFF  }
0x87: {  	s21 =	rddreg [dreg:$0x5]  }
0x88: {  	[tilespmem:s5], [sflag:$0x7] =	stream.linear.gather [spmem:s21], $0x17700, $0x38;
	[tilespmem:$0x1CB70] =	vst v63  }
0x89: {  	_ =	swait.ge [sflag:s22], $0x17700  }
0x8a: {  	[sflag:s22] =	ssyncset.done $0x0  }
0x8b: {  	[sflag:s22] =	ssyncadd.s32 $0xFFFE8900  }
0x8c: {  	_ =	swait.ge [sflag:s24], $0x1400  }
0x8d: {  	[sflag:s24] =	ssyncset.done $0x0  }
0x8e: {  	[sflag:s24] =	ssyncadd.s32 $0xFFFFEC00  }
0x8f: {  	s23 =	sld [smem:$0x80];
	_ =	sdelay $0x2  }
0x90: {  	p1 =	slt.f32 s23, $8.000000110e-01  }
.Ltmp2:
0x91: {  	_ = 	snop;
	(pc) =	sbr.rel @!p1 .LBB2_4-.Ltmp2, $1  }
0x92: {  	_ =	sdelay $0x3  }
0x93: {  	s3 =	sld [smem:$0x0];
	_ =	sdelay $0x2  }
0x94: {  	s3 =	smul.u32 $0xFA00, s3;
	_ =	sdelay $0x1  }
0x95: {  	s3 =	sshra.s32 s3, $0x2  }
0x96: {  	s7 =	sor.u32 $0x40, s3  }
0x97: {  	v0 =	vld [tilespmem:s7+$0x30]  }
0x98: {  	v1 =	vld [tilespmem:s7+$0xFFFFFFD0]  }
0x99: {  	v2 =	vld [tilespmem:s7+$0xFFFFFFE0]  }
0x9a: {  	v3 =	vld [tilespmem:s7+$0xFFFFFFF0]  }
0x9b: {  	v4 =	vld [tilespmem:s7+$0x0]  }
0x9c: {  	v63 =	vld [tilespmem:s7+$0x10]  }
0x9d: {  	v5 =	vld [tilespmem:s7+$0x20]  }
0x9e: {  	s3 =	simm.s32 $0x18FE0;
	v6 =	vld [tilespmem:s7+$0xFFFFFFC0]  }
0x9f: {  	[tilespmem:s3+$0x0] =	vst.add.f32.msk $0xffff, v0  }
0xa0: {  	[tilespmem:s3+$0xFFFFFFA0] =	vst.add.f32.msk $0xffff, v1  }
0xa1: {  	[tilespmem:s3+$0xFFFFFFB0] =	vst.add.f32.msk $0xffff, v2  }
0xa2: {  	[tilespmem:s3+$0xFFFFFFC0] =	vst.add.f32.msk $0xffff, v3  }
0xa3: {  	[tilespmem:s3+$0xFFFFFFD0] =	vst.add.f32.msk $0xffff, v4  }
0xa4: {  	[tilespmem:s3+$0xFFFFFF90] =	vst.add.f32.msk $0xffff, v6  }
0xa5: {  	[tilespmem:s3+$0xFFFFFFE0] =	vst.add.f32.msk $0xffff, v63  }
0xa6: {  	s6 =	simm.s32 $0x0;
	s7 =	sadd.s32 $0x80, s7;
	[tilespmem:s3+$0xFFFFFFF0] =	vst.add.f32.msk $0xffff, v5  }
.LBB2_3:
0xa7: {  	v0 =	vld [tilespmem:s7+$0x30];
	s6 =	sadd.s32 $0x8, s6  }
0xa8: {  	v1 =	vld [tilespmem:s7+$0xFFFFFFD0];
	p1 =	slt.u32 s6, $0x20  }
0xa9: {  	v2 =	vld [tilespmem:s7+$0xFFFFFFE0]  }
0xaa: {  	v3 =	vld [tilespmem:s7+$0xFFFFFFF0]  }
0xab: {  	s3 =	sadd.s32 $0x400, s3;
	v4 =	vld [tilespmem:s7+$0x0]  }
0xac: {  	[tilespmem:s3+$0x0] =	vst.add.f32.msk $0xffff, v0  }
0xad: {  	v0 =	vld [tilespmem:s7+$0x10]  }
0xae: {  	v5 =	vld [tilespmem:s7+$0x20]  }
0xaf: {  	v6 =	vld [tilespmem:s7+$0xFFFFFFC0]  }
0xb0: {  	[tilespmem:s3+$0xFFFFFFA0] =	vst.add.f32.msk $0xffff, v1  }
0xb1: {  	[tilespmem:s3+$0xFFFFFFB0] =	vst.add.f32.msk $0xffff, v2  }
.Ltmp3:
0xb2: {  	[tilespmem:s3+$0xFFFFFFC0] =	vst.add.f32.msk $0xffff, v3;
	(pc) =	sbr.rel @p1 .LBB2_3-.Ltmp3, $4  }
0xb3: {  	[tilespmem:s3+$0xFFFFFFD0] =	vst.add.f32.msk $0xffff, v4  }
0xb4: {  	[tilespmem:s3+$0xFFFFFF90] =	vst.add.f32.msk $0xffff, v6  }
0xb5: {  	[tilespmem:s3+$0xFFFFFFE0] =	vst.add.f32.msk $0xffff, v0  }
0xb6: {  	s7 =	sadd.s32 $0x80, s7;
	[tilespmem:s3+$0xFFFFFFF0] =	vst.add.f32.msk $0xffff, v5  }
.LBB2_4:
0xb7: {  	s3 =	sld [smem:$0x81];
	_ =	sdelay $0x2  }
0xb8: {  	p1 =	slt.f32 s3, $8.000000110e-01  }
.Ltmp4:
0xb9: {  	_ = 	snop;
	(pc) =	sbr.rel @!p1 .LBB2_7-.Ltmp4, $1  }
0xba: {  	_ =	sdelay $0x3  }
0xbb: {  	s3 =	sld [smem:$0x1];
	_ =	sdelay $0x2  }
0xbc: {  	s3 =	smul.u32 $0xFA00, s3;
	_ =	sdelay $0x1  }
0xbd: {  	s3 =	sshra.s32 s3, $0x2  }
0xbe: {  	s7 =	sor.u32 $0x40, s3  }
0xbf: {  	v0 =	vld [tilespmem:s7+$0x30]  }
0xc0: {  	v1 =	vld [tilespmem:s7+$0xFFFFFFD0]  }
0xc1: {  	v2 =	vld [tilespmem:s7+$0xFFFFFFE0]  }
0xc2: {  	v3 =	vld [tilespmem:s7+$0xFFFFFFF0]  }
0xc3: {  	v4 =	vld [tilespmem:s7+$0x0]  }
0xc4: {  	v63 =	vld [tilespmem:s7+$0x10]  }
0xc5: {  	v5 =	vld [tilespmem:s7+$0x20]  }
0xc6: {  	s3 =	simm.s32 $0x19060;
	v6 =	vld [tilespmem:s7+$0xFFFFFFC0]  }
0xc7: {  	[tilespmem:s3+$0x0] =	vst.add.f32.msk $0xffff, v0  }
0xc8: {  	[tilespmem:s3+$0xFFFFFFA0] =	vst.add.f32.msk $0xffff, v1  }
0xc9: {  	[tilespmem:s3+$0xFFFFFFB0] =	vst.add.f32.msk $0xffff, v2  }
0xca: {  	[tilespmem:s3+$0xFFFFFFC0] =	vst.add.f32.msk $0xffff, v3  }
0xcb: {  	[tilespmem:s3+$0xFFFFFFD0] =	vst.add.f32.msk $0xffff, v4  }
0xcc: {  	[tilespmem:s3+$0xFFFFFF90] =	vst.add.f32.msk $0xffff, v6  }
0xcd: {  	[tilespmem:s3+$0xFFFFFFE0] =	vst.add.f32.msk $0xffff, v63  }
0xce: {  	s6 =	simm.s32 $0x0;
	s7 =	sadd.s32 $0x80, s7;
	[tilespmem:s3+$0xFFFFFFF0] =	vst.add.f32.msk $0xffff, v5  }
.LBB2_6:
0xcf: {  	v0 =	vld [tilespmem:s7+$0x30];
	s6 =	sadd.s32 $0x8, s6  }
0xd0: {  	v1 =	vld [tilespmem:s7+$0xFFFFFFD0];
	p1 =	slt.u32 s6, $0x20  }
0xd1: {  	v2 =	vld [tilespmem:s7+$0xFFFFFFE0]  }
0xd2: {  	v3 =	vld [tilespmem:s7+$0xFFFFFFF0]  }
0xd3: {  	s3 =	sadd.s32 $0x400, s3;
	v4 =	vld [tilespmem:s7+$0x0]  }
0xd4: {  	[tilespmem:s3+$0x0] =	vst.add.f32.msk $0xffff, v0  }
0xd5: {  	v0 =	vld [tilespmem:s7+$0x10]  }
0xd6: {  	v5 =	vld [tilespmem:s7+$0x20]  }
0xd7: {  	v6 =	vld [tilespmem:s7+$0xFFFFFFC0]  }
0xd8: {  	[tilespmem:s3+$0xFFFFFFA0] =	vst.add.f32.msk $0xffff, v1  }
0xd9: {  	[tilespmem:s3+$0xFFFFFFB0] =	vst.add.f32.msk $0xffff, v2  }
.Ltmp5:
0xda: {  	[tilespmem:s3+$0xFFFFFFC0] =	vst.add.f32.msk $0xffff, v3;
	(pc) =	sbr.rel @p1 .LBB2_6-.Ltmp5, $4  }
0xdb: {  	[tilespmem:s3+$0xFFFFFFD0] =	vst.add.f32.msk $0xffff, v4  }
0xdc: {  	[tilespmem:s3+$0xFFFFFF90] =	vst.add.f32.msk $0xffff, v6  }
0xdd: {  	[tilespmem:s3+$0xFFFFFFE0] =	vst.add.f32.msk $0xffff, v0  }
0xde: {  	s7 =	sadd.s32 $0x80, s7;
	[tilespmem:s3+$0xFFFFFFF0] =	vst.add.f32.msk $0xffff, v5  }
.LBB2_7:
0xdf: {  	s3 =	sld [smem:$0x82];
	_ =	sdelay $0x2  }
0xe0: {  	p1 =	slt.f32 s3, $8.000000110e-01  }
.Ltmp6:
0xe1: {  	_ = 	snop;
	(pc) =	sbr.rel @!p1 .LBB2_10-.Ltmp6, $1  }
0xe2: {  	_ =	sdelay $0x3  }
0xe3: {  	s3 =	sld [smem:$0x2];
	_ =	sdelay $0x2  }
0xe4: {  	s3 =	smul.u32 $0xFA00, s3;
	_ =	sdelay $0x1  }
0xe5: {  	s3 =	sshra.s32 s3, $0x2  }
0xe6: {  	s7 =	sor.u32 $0x40, s3  }
0xe7: {  	v0 =	vld [tilespmem:s7+$0x30]  }
0xe8: {  	v1 =	vld [tilespmem:s7+$0xFFFFFFD0]  }
0xe9: {  	v2 =	vld [tilespmem:s7+$0xFFFFFFE0]  }
0xea: {  	v3 =	vld [tilespmem:s7+$0xFFFFFFF0]  }
0xeb: {  	v4 =	vld [tilespmem:s7+$0x0]  }
0xec: {  	v63 =	vld [tilespmem:s7+$0x10]  }
0xed: {  	v5 =	vld [tilespmem:s7+$0x20]  }
0xee: {  	s3 =	simm.s32 $0x190E0;
	v6 =	vld [tilespmem:s7+$0xFFFFFFC0]  }
0xef: {  	[tilespmem:s3+$0x0] =	vst.add.f32.msk $0xffff, v0  }
0xf0: {  	[tilespmem:s3+$0xFFFFFFA0] =	vst.add.f32.msk $0xffff, v1  }
0xf1: {  	[tilespmem:s3+$0xFFFFFFB0] =	vst.add.f32.msk $0xffff, v2  }
0xf2: {  	[tilespmem:s3+$0xFFFFFFC0] =	vst.add.f32.msk $0xffff, v3  }
0xf3: {  	[tilespmem:s3+$0xFFFFFFD0] =	vst.add.f32.msk $0xffff, v4  }
0xf4: {  	[tilespmem:s3+$0xFFFFFF90] =	vst.add.f32.msk $0xffff, v6  }
0xf5: {  	[tilespmem:s3+$0xFFFFFFE0] =	vst.add.f32.msk $0xffff, v63  }
0xf6: {  	s6 =	simm.s32 $0x0;
	s7 =	sadd.s32 $0x80, s7;
	[tilespmem:s3+$0xFFFFFFF0] =	vst.add.f32.msk $0xffff, v5  }
.LBB2_9:
0xf7: {  	v0 =	vld [tilespmem:s7+$0x30];
	s6 =	sadd.s32 $0x8, s6  }
0xf8: {  	v1 =	vld [tilespmem:s7+$0xFFFFFFD0];
	p1 =	slt.u32 s6, $0x20  }
0xf9: {  	v2 =	vld [tilespmem:s7+$0xFFFFFFE0]  }
0xfa: {  	v3 =	vld [tilespmem:s7+$0xFFFFFFF0]  }
0xfb: {  	s3 =	sadd.s32 $0x400, s3;
	v4 =	vld [tilespmem:s7+$0x0]  }
0xfc: {  	[tilespmem:s3+$0x0] =	vst.add.f32.msk $0xffff, v0  }
0xfd: {  	v0 =	vld [tilespmem:s7+$0x10]  }
0xfe: {  	v5 =	vld [tilespmem:s7+$0x20]  }
0xff: {  	v6 =	vld [tilespmem:s7+$0xFFFFFFC0]  }
0x100: {  	[tilespmem:s3+$0xFFFFFFA0] =	vst.add.f32.msk $0xffff, v1  }
0x101: {  	[tilespmem:s3+$0xFFFFFFB0] =	vst.add.f32.msk $0xffff, v2  }
.Ltmp7:
0x102: {  	[tilespmem:s3+$0xFFFFFFC0] =	vst.add.f32.msk $0xffff, v3;
	(pc) =	sbr.rel @p1 .LBB2_9-.Ltmp7, $4  }
0x103: {  	[tilespmem:s3+$0xFFFFFFD0] =	vst.add.f32.msk $0xffff, v4  }
0x104: {  	[tilespmem:s3+$0xFFFFFF90] =	vst.add.f32.msk $0xffff, v6  }
0x105: {  	[tilespmem:s3+$0xFFFFFFE0] =	vst.add.f32.msk $0xffff, v0  }
0x106: {  	s7 =	sadd.s32 $0x80, s7;
	[tilespmem:s3+$0xFFFFFFF0] =	vst.add.f32.msk $0xffff, v5  }
.LBB2_10:
0x107: {  	s3 =	sld [smem:$0x83];
	_ =	sdelay $0x2  }
0x108: {  	p1 =	slt.f32 s3, $8.000000110e-01  }
.Ltmp8:
0x109: {  	_ = 	snop;
	(pc) =	sbr.rel @!p1 .LBB2_13-.Ltmp8, $1  }
0x10a: {  	_ =	sdelay $0x3  }
0x10b: {  	s3 =	sld [smem:$0x3];
	_ =	sdelay $0x2  }
0x10c: {  	s3 =	smul.u32 $0xFA00, s3;
	_ =	sdelay $0x1  }
0x10d: {  	s3 =	sshra.s32 s3, $0x2  }
0x10e: {  	s7 =	sor.u32 $0x40, s3  }
0x10f: {  	v0 =	vld [tilespmem:s7+$0x30]  }
0x110: {  	v1 =	vld [tilespmem:s7+$0xFFFFFFD0]  }
0x111: {  	v2 =	vld [tilespmem:s7+$0xFFFFFFE0]  }
0x112: {  	v3 =	vld [tilespmem:s7+$0xFFFFFFF0]  }
0x113: {  	v4 =	vld [tilespmem:s7+$0x0]  }
0x114: {  	v63 =	vld [tilespmem:s7+$0x10]  }
0x115: {  	v5 =	vld [tilespmem:s7+$0x20]  }
0x116: {  	s3 =	simm.s32 $0x19160;
	v6 =	vld [tilespmem:s7+$0xFFFFFFC0]  }
0x117: {  	[tilespmem:s3+$0x0] =	vst.add.f32.msk $0xffff, v0  }
0x118: {  	[tilespmem:s3+$0xFFFFFFA0] =	vst.add.f32.msk $0xffff, v1  }
0x119: {  	[tilespmem:s3+$0xFFFFFFB0] =	vst.add.f32.msk $0xffff, v2  }
0x11a: {  	[tilespmem:s3+$0xFFFFFFC0] =	vst.add.f32.msk $0xffff, v3  }
0x11b: {  	[tilespmem:s3+$0xFFFFFFD0] =	vst.add.f32.msk $0xffff, v4  }
0x11c: {  	[tilespmem:s3+$0xFFFFFF90] =	vst.add.f32.msk $0xffff, v6  }
0x11d: {  	[tilespmem:s3+$0xFFFFFFE0] =	vst.add.f32.msk $0xffff, v63  }
0x11e: {  	s6 =	simm.s32 $0x0;
	s7 =	sadd.s32 $0x80, s7;
	[tilespmem:s3+$0xFFFFFFF0] =	vst.add.f32.msk $0xffff, v5  }
.LBB2_12:
0x11f: {  	v0 =	vld [tilespmem:s7+$0x30];
	s6 =	sadd.s32 $0x8, s6  }
0x120: {  	v1 =	vld [tilespmem:s7+$0xFFFFFFD0];
	p1 =	slt.u32 s6, $0x20  }
0x121: {  	v2 =	vld [tilespmem:s7+$0xFFFFFFE0]  }
0x122: {  	v3 =	vld [tilespmem:s7+$0xFFFFFFF0]  }
0x123: {  	s3 =	sadd.s32 $0x400, s3;
	v4 =	vld [tilespmem:s7+$0x0]  }
0x124: {  	[tilespmem:s3+$0x0] =	vst.add.f32.msk $0xffff, v0  }
0x125: {  	v0 =	vld [tilespmem:s7+$0x10]  }
0x126: {  	v5 =	vld [tilespmem:s7+$0x20]  }
0x127: {  	v6 =	vld [tilespmem:s7+$0xFFFFFFC0]  }
0x128: {  	[tilespmem:s3+$0xFFFFFFA0] =	vst.add.f32.msk $0xffff, v1  }
0x129: {  	[tilespmem:s3+$0xFFFFFFB0] =	vst.add.f32.msk $0xffff, v2  }
.Ltmp9:
0x12a: {  	[tilespmem:s3+$0xFFFFFFC0] =	vst.add.f32.msk $0xffff, v3;
	(pc) =	sbr.rel @p1 .LBB2_12-.Ltmp9, $4  }
0x12b: {  	[tilespmem:s3+$0xFFFFFFD0] =	vst.add.f32.msk $0xffff, v4  }
0x12c: {  	[tilespmem:s3+$0xFFFFFF90] =	vst.add.f32.msk $0xffff, v6  }
0x12d: {  	[tilespmem:s3+$0xFFFFFFE0] =	vst.add.f32.msk $0xffff, v0  }
0x12e: {  	s7 =	sadd.s32 $0x80, s7;
	[tilespmem:s3+$0xFFFFFFF0] =	vst.add.f32.msk $0xffff, v5  }
.LBB2_13:
0x12f: {  	s3 =	sld [smem:$0x84];
	_ =	sdelay $0x2  }
0x130: {  	p1 =	slt.f32 s3, $8.000000110e-01  }
.Ltmp10:
0x131: {  	_ = 	snop;
	(pc) =	sbr.rel @!p1 .LBB2_16-.Ltmp10, $1  }
0x132: {  	_ =	sdelay $0x3  }
0x133: {  	s3 =	sld [smem:$0x4];
	_ =	sdelay $0x2  }
0x134: {  	s3 =	smul.u32 $0xFA00, s3;
	_ =	sdelay $0x1  }
0x135: {  	s3 =	sshra.s32 s3, $0x2  }
0x136: {  	s7 =	sor.u32 $0x40, s3  }
0x137: {  	v0 =	vld [tilespmem:s7+$0x30]  }
0x138: {  	v1 =	vld [tilespmem:s7+$0xFFFFFFD0]  }
0x139: {  	v2 =	vld [tilespmem:s7+$0xFFFFFFE0]  }
0x13a: {  	v3 =	vld [tilespmem:s7+$0xFFFFFFF0]  }
0x13b: {  	v4 =	vld [tilespmem:s7+$0x0]  }
0x13c: {  	v63 =	vld [tilespmem:s7+$0x10]  }
0x13d: {  	v5 =	vld [tilespmem:s7+$0x20]  }
0x13e: {  	s3 =	simm.s32 $0x191E0;
	v6 =	vld [tilespmem:s7+$0xFFFFFFC0]  }
0x13f: {  	[tilespmem:s3+$0x0] =	vst.add.f32.msk $0xffff, v0  }
0x140: {  	[tilespmem:s3+$0xFFFFFFA0] =	vst.add.f32.msk $0xffff, v1  }
0x141: {  	[tilespmem:s3+$0xFFFFFFB0] =	vst.add.f32.msk $0xffff, v2  }
0x142: {  	[tilespmem:s3+$0xFFFFFFC0] =	vst.add.f32.msk $0xffff, v3  }
0x143: {  	[tilespmem:s3+$0xFFFFFFD0] =	vst.add.f32.msk $0xffff, v4  }
0x144: {  	[tilespmem:s3+$0xFFFFFF90] =	vst.add.f32.msk $0xffff, v6  }
0x145: {  	[tilespmem:s3+$0xFFFFFFE0] =	vst.add.f32.msk $0xffff, v63  }
0x146: {  	s6 =	simm.s32 $0x0;
	s7 =	sadd.s32 $0x80, s7;
	[tilespmem:s3+$0xFFFFFFF0] =	vst.add.f32.msk $0xffff, v5  }
.LBB2_15:
0x147: {  	v0 =	vld [tilespmem:s7+$0x30];
	s6 =	sadd.s32 $0x8, s6  }
0x148: {  	v1 =	vld [tilespmem:s7+$0xFFFFFFD0];
	p1 =	slt.u32 s6, $0x20  }
0x149: {  	v2 =	vld [tilespmem:s7+$0xFFFFFFE0]  }
0x14a: {  	v3 =	vld [tilespmem:s7+$0xFFFFFFF0]  }
0x14b: {  	s3 =	sadd.s32 $0x400, s3;
	v4 =	vld [tilespmem:s7+$0x0]  }
0x14c: {  	[tilespmem:s3+$0x0] =	vst.add.f32.msk $0xffff, v0  }
0x14d: {  	v0 =	vld [tilespmem:s7+$0x10]  }
0x14e: {  	v5 =	vld [tilespmem:s7+$0x20]  }
0x14f: {  	v6 =	vld [tilespmem:s7+$0xFFFFFFC0]  }
0x150: {  	[tilespmem:s3+$0xFFFFFFA0] =	vst.add.f32.msk $0xffff, v1  }
0x151: {  	[tilespmem:s3+$0xFFFFFFB0] =	vst.add.f32.msk $0xffff, v2  }
.Ltmp11:
0x152: {  	[tilespmem:s3+$0xFFFFFFC0] =	vst.add.f32.msk $0xffff, v3;
	(pc) =	sbr.rel @p1 .LBB2_15-.Ltmp11, $4  }
0x153: {  	[tilespmem:s3+$0xFFFFFFD0] =	vst.add.f32.msk $0xffff, v4  }
0x154: {  	[tilespmem:s3+$0xFFFFFF90] =	vst.add.f32.msk $0xffff, v6  }
0x155: {  	[tilespmem:s3+$0xFFFFFFE0] =	vst.add.f32.msk $0xffff, v0  }
0x156: {  	s7 =	sadd.s32 $0x80, s7;
	[tilespmem:s3+$0xFFFFFFF0] =	vst.add.f32.msk $0xffff, v5  }
.LBB2_16:
0x157: {  	s3 =	sld [smem:$0x85];
	_ =	sdelay $0x2  }
0x158: {  	p1 =	slt.f32 s3, $8.000000110e-01  }
.Ltmp12:
0x159: {  	_ = 	snop;
	(pc) =	sbr.rel @!p1 .LBB2_19-.Ltmp12, $1  }
0x15a: {  	_ =	sdelay $0x3  }
0x15b: {  	s3 =	sld [smem:$0x5];
	_ =	sdelay $0x2  }
0x15c: {  	s3 =	smul.u32 $0xFA00, s3;
	_ =	sdelay $0x1  }
0x15d: {  	s3 =	sshra.s32 s3, $0x2  }
0x15e: {  	s7 =	sor.u32 $0x40, s3  }
0x15f: {  	v0 =	vld [tilespmem:s7+$0x30]  }
0x160: {  	v1 =	vld [tilespmem:s7+$0xFFFFFFD0]  }
0x161: {  	v2 =	vld [tilespmem:s7+$0xFFFFFFE0]  }
0x162: {  	v3 =	vld [tilespmem:s7+$0xFFFFFFF0]  }
0x163: {  	v4 =	vld [tilespmem:s7+$0x0]  }
0x164: {  	v63 =	vld [tilespmem:s7+$0x10]  }
0x165: {  	v5 =	vld [tilespmem:s7+$0x20]  }
0x166: {  	s3 =	simm.s32 $0x19260;
	v6 =	vld [tilespmem:s7+$0xFFFFFFC0]  }
0x167: {  	[tilespmem:s3+$0x0] =	vst.add.f32.msk $0xffff, v0  }
0x168: {  	[tilespmem:s3+$0xFFFFFFA0] =	vst.add.f32.msk $0xffff, v1  }
0x169: {  	[tilespmem:s3+$0xFFFFFFB0] =	vst.add.f32.msk $0xffff, v2  }
0x16a: {  	[tilespmem:s3+$0xFFFFFFC0] =	vst.add.f32.msk $0xffff, v3  }
0x16b: {  	[tilespmem:s3+$0xFFFFFFD0] =	vst.add.f32.msk $0xffff, v4  }
0x16c: {  	[tilespmem:s3+$0xFFFFFF90] =	vst.add.f32.msk $0xffff, v6  }
0x16d: {  	[tilespmem:s3+$0xFFFFFFE0] =	vst.add.f32.msk $0xffff, v63  }
0x16e: {  	s6 =	simm.s32 $0x0;
	s7 =	sadd.s32 $0x80, s7;
	[tilespmem:s3+$0xFFFFFFF0] =	vst.add.f32.msk $0xffff, v5  }
.LBB2_18:
0x16f: {  	v0 =	vld [tilespmem:s7+$0x30];
	s6 =	sadd.s32 $0x8, s6  }
0x170: {  	v1 =	vld [tilespmem:s7+$0xFFFFFFD0];
	p1 =	slt.u32 s6, $0x20  }
0x171: {  	v2 =	vld [tilespmem:s7+$0xFFFFFFE0]  }
0x172: {  	v3 =	vld [tilespmem:s7+$0xFFFFFFF0]  }
0x173: {  	s3 =	sadd.s32 $0x400, s3;
	v4 =	vld [tilespmem:s7+$0x0]  }
0x174: {  	[tilespmem:s3+$0x0] =	vst.add.f32.msk $0xffff, v0  }
0x175: {  	v0 =	vld [tilespmem:s7+$0x10]  }
0x176: {  	v5 =	vld [tilespmem:s7+$0x20]  }
0x177: {  	v6 =	vld [tilespmem:s7+$0xFFFFFFC0]  }
0x178: {  	[tilespmem:s3+$0xFFFFFFA0] =	vst.add.f32.msk $0xffff, v1  }
0x179: {  	[tilespmem:s3+$0xFFFFFFB0] =	vst.add.f32.msk $0xffff, v2  }
.Ltmp13:
0x17a: {  	[tilespmem:s3+$0xFFFFFFC0] =	vst.add.f32.msk $0xffff, v3;
	(pc) =	sbr.rel @p1 .LBB2_18-.Ltmp13, $4  }
0x17b: {  	[tilespmem:s3+$0xFFFFFFD0] =	vst.add.f32.msk $0xffff, v4  }
0x17c: {  	[tilespmem:s3+$0xFFFFFF90] =	vst.add.f32.msk $0xffff, v6  }
0x17d: {  	[tilespmem:s3+$0xFFFFFFE0] =	vst.add.f32.msk $0xffff, v0  }
0x17e: {  	s7 =	sadd.s32 $0x80, s7;
	[tilespmem:s3+$0xFFFFFFF0] =	vst.add.f32.msk $0xffff, v5  }
.LBB2_19:
0x17f: {  	s3 =	sld [smem:$0x86];
	_ =	sdelay $0x2  }
0x180: {  	p1 =	slt.f32 s3, $8.000000110e-01  }
.Ltmp14:
0x181: {  	_ = 	snop;
	(pc) =	sbr.rel @!p1 .LBB2_22-.Ltmp14, $1  }
0x182: {  	_ =	sdelay $0x3  }
0x183: {  	s3 =	sld [smem:$0x6];
	_ =	sdelay $0x2  }
0x184: {  	s3 =	smul.u32 $0xFA00, s3;
	_ =	sdelay $0x1  }
0x185: {  	s3 =	sshra.s32 s3, $0x2  }
0x186: {  	s7 =	sor.u32 $0x40, s3  }
0x187: {  	v0 =	vld [tilespmem:s7+$0x30]  }
0x188: {  	v1 =	vld [tilespmem:s7+$0xFFFFFFD0]  }
0x189: {  	v2 =	vld [tilespmem:s7+$0xFFFFFFE0]  }
0x18a: {  	v3 =	vld [tilespmem:s7+$0xFFFFFFF0]  }
0x18b: {  	v4 =	vld [tilespmem:s7+$0x0]  }
0x18c: {  	v63 =	vld [tilespmem:s7+$0x10]  }
0x18d: {  	v5 =	vld [tilespmem:s7+$0x20]  }
0x18e: {  	s3 =	simm.s32 $0x192E0;
	v6 =	vld [tilespmem:s7+$0xFFFFFFC0]  }
0x18f: {  	[tilespmem:s3+$0x0] =	vst.add.f32.msk $0xffff, v0  }
0x190: {  	[tilespmem:s3+$0xFFFFFFA0] =	vst.add.f32.msk $0xffff, v1  }
0x191: {  	[tilespmem:s3+$0xFFFFFFB0] =	vst.add.f32.msk $0xffff, v2  }
0x192: {  	[tilespmem:s3+$0xFFFFFFC0] =	vst.add.f32.msk $0xffff, v3  }
0x193: {  	[tilespmem:s3+$0xFFFFFFD0] =	vst.add.f32.msk $0xffff, v4  }
0x194: {  	[tilespmem:s3+$0xFFFFFF90] =	vst.add.f32.msk $0xffff, v6  }
0x195: {  	[tilespmem:s3+$0xFFFFFFE0] =	vst.add.f32.msk $0xffff, v63  }
0x196: {  	s6 =	simm.s32 $0x0;
	s7 =	sadd.s32 $0x80, s7;
	[tilespmem:s3+$0xFFFFFFF0] =	vst.add.f32.msk $0xffff, v5  }
.LBB2_21:
0x197: {  	v0 =	vld [tilespmem:s7+$0x30];
	s6 =	sadd.s32 $0x8, s6  }
0x198: {  	v1 =	vld [tilespmem:s7+$0xFFFFFFD0];
	p1 =	slt.u32 s6, $0x20  }
0x199: {  	v2 =	vld [tilespmem:s7+$0xFFFFFFE0]  }
0x19a: {  	v3 =	vld [tilespmem:s7+$0xFFFFFFF0]  }
0x19b: {  	s3 =	sadd.s32 $0x400, s3;
	v4 =	vld [tilespmem:s7+$0x0]  }
0x19c: {  	[tilespmem:s3+$0x0] =	vst.add.f32.msk $0xffff, v0  }
0x19d: {  	v0 =	vld [tilespmem:s7+$0x10]  }
0x19e: {  	v5 =	vld [tilespmem:s7+$0x20]  }
0x19f: {  	v6 =	vld [tilespmem:s7+$0xFFFFFFC0]  }
0x1a0: {  	[tilespmem:s3+$0xFFFFFFA0] =	vst.add.f32.msk $0xffff, v1  }
0x1a1: {  	[tilespmem:s3+$0xFFFFFFB0] =	vst.add.f32.msk $0xffff, v2  }
.Ltmp15:
0x1a2: {  	[tilespmem:s3+$0xFFFFFFC0] =	vst.add.f32.msk $0xffff, v3;
	(pc) =	sbr.rel @p1 .LBB2_21-.Ltmp15, $4  }
0x1a3: {  	[tilespmem:s3+$0xFFFFFFD0] =	vst.add.f32.msk $0xffff, v4  }
0x1a4: {  	[tilespmem:s3+$0xFFFFFF90] =	vst.add.f32.msk $0xffff, v6  }
0x1a5: {  	[tilespmem:s3+$0xFFFFFFE0] =	vst.add.f32.msk $0xffff, v0  }
0x1a6: {  	s7 =	sadd.s32 $0x80, s7;
	[tilespmem:s3+$0xFFFFFFF0] =	vst.add.f32.msk $0xffff, v5  }
.LBB2_22:
0x1a7: {  	s3 =	sld [smem:$0x87];
	_ =	sdelay $0x2  }
0x1a8: {  	p1 =	slt.f32 s3, $8.000000110e-01  }
.Ltmp16:
0x1a9: {  	_ = 	snop;
	(pc) =	sbr.rel @!p1 .LBB2_25-.Ltmp16, $1  }
0x1aa: {  	_ =	sdelay $0x3  }
0x1ab: {  	s3 =	sld [smem:$0x7];
	_ =	sdelay $0x2  }
0x1ac: {  	s3 =	smul.u32 $0xFA00, s3;
	_ =	sdelay $0x1  }
0x1ad: {  	s3 =	sshra.s32 s3, $0x2  }
0x1ae: {  	s7 =	sor.u32 $0x40, s3  }
0x1af: {  	v0 =	vld [tilespmem:s7+$0x30]  }
0x1b0: {  	v1 =	vld [tilespmem:s7+$0xFFFFFFD0]  }
0x1b1: {  	v2 =	vld [tilespmem:s7+$0xFFFFFFE0]  }
0x1b2: {  	v3 =	vld [tilespmem:s7+$0xFFFFFFF0]  }
0x1b3: {  	v4 =	vld [tilespmem:s7+$0x0]  }
0x1b4: {  	v63 =	vld [tilespmem:s7+$0x10]  }
0x1b5: {  	v5 =	vld [tilespmem:s7+$0x20]  }
0x1b6: {  	s3 =	simm.s32 $0x19360;
	v6 =	vld [tilespmem:s7+$0xFFFFFFC0]  }
0x1b7: {  	[tilespmem:s3+$0x0] =	vst.add.f32.msk $0xffff, v0  }
0x1b8: {  	[tilespmem:s3+$0xFFFFFFA0] =	vst.add.f32.msk $0xffff, v1  }
0x1b9: {  	[tilespmem:s3+$0xFFFFFFB0] =	vst.add.f32.msk $0xffff, v2  }
0x1ba: {  	[tilespmem:s3+$0xFFFFFFC0] =	vst.add.f32.msk $0xffff, v3  }
0x1bb: {  	[tilespmem:s3+$0xFFFFFFD0] =	vst.add.f32.msk $0xffff, v4  }
0x1bc: {  	[tilespmem:s3+$0xFFFFFF90] =	vst.add.f32.msk $0xffff, v6  }
0x1bd: {  	[tilespmem:s3+$0xFFFFFFE0] =	vst.add.f32.msk $0xffff, v63  }
0x1be: {  	s6 =	simm.s32 $0x0;
	s7 =	sadd.s32 $0x80, s7;
	[tilespmem:s3+$0xFFFFFFF0] =	vst.add.f32.msk $0xffff, v5  }
.LBB2_24:
0x1bf: {  	v0 =	vld [tilespmem:s7+$0x30];
	s6 =	sadd.s32 $0x8, s6  }
0x1c0: {  	v1 =	vld [tilespmem:s7+$0xFFFFFFD0];
	p1 =	slt.u32 s6, $0x20  }
0x1c1: {  	v2 =	vld [tilespmem:s7+$0xFFFFFFE0]  }
0x1c2: {  	v3 =	vld [tilespmem:s7+$0xFFFFFFF0]  }
0x1c3: {  	s3 =	sadd.s32 $0x400, s3;
	v4 =	vld [tilespmem:s7+$0x0]  }
0x1c4: {  	[tilespmem:s3+$0x0] =	vst.add.f32.msk $0xffff, v0  }
0x1c5: {  	v0 =	vld [tilespmem:s7+$0x10]  }
0x1c6: {  	v5 =	vld [tilespmem:s7+$0x20]  }
0x1c7: {  	v6 =	vld [tilespmem:s7+$0xFFFFFFC0]  }
0x1c8: {  	[tilespmem:s3+$0xFFFFFFA0] =	vst.add.f32.msk $0xffff, v1  }
0x1c9: {  	[tilespmem:s3+$0xFFFFFFB0] =	vst.add.f32.msk $0xffff, v2  }
.Ltmp17:
0x1ca: {  	[tilespmem:s3+$0xFFFFFFC0] =	vst.add.f32.msk $0xffff, v3;
	(pc) =	sbr.rel @p1 .LBB2_24-.Ltmp17, $4  }
0x1cb: {  	[tilespmem:s3+$0xFFFFFFD0] =	vst.add.f32.msk $0xffff, v4  }
0x1cc: {  	[tilespmem:s3+$0xFFFFFF90] =	vst.add.f32.msk $0xffff, v6  }
0x1cd: {  	[tilespmem:s3+$0xFFFFFFE0] =	vst.add.f32.msk $0xffff, v0  }
0x1ce: {  	s7 =	sadd.s32 $0x80, s7;
	[tilespmem:s3+$0xFFFFFFF0] =	vst.add.f32.msk $0xffff, v5  }
.LBB2_25:
0x1cf: {  	s3 =	rddreg [dreg:$0xc]  }
0x1d0: {  	[hbm4b:s3+s5] =	stream.linear.scatter [tilespmem:s18], [sflag:$0x4], $0x1400, $0x38;
	[tilespmem:$0x1CB70] =	vst v63  }
0x1d1: {  	s21 =	rddreg [dreg:$0xd]  }
0x1d2: {  	[tilespmem:s25], [sflag:$0x3] =	stream.linear.gather [hbm4b:s21+s5], $0x1400, $0x38;
	[tilespmem:$0x1CB70] =	vst v63  }
0x1d3: {  	_ =	swait.ge [sflag:s26], $0x1400  }
0x1d4: {  	[sflag:s26] =	ssyncset.done $0x0  }
0x1d5: {  	[sflag:s26] =	ssyncadd.s32 $0xFFFFEC00  }
0x1d6: {  	s23 =	sld [smem:$0x88];
	_ =	sdelay $0x2  }
0x1d7: {  	p1 =	slt.f32 s23, $8.000000110e-01  }
.Ltmp18:
0x1d8: {  	_ = 	snop;
	(pc) =	sbr.rel @!p1 .LBB2_28-.Ltmp18, $1  }
0x1d9: {  	_ =	sdelay $0x3  }
0x1da: {  	s3 =	sld [smem:$0x8];
	_ =	sdelay $0x2  }
0x1db: {  	s3 =	smul.u32 $0xFA00, s3;
	_ =	sdelay $0x1  }
0x1dc: {  	s3 =	sshra.s32 s3, $0x2  }
0x1dd: {  	s7 =	sor.u32 $0x40, s3  }
0x1de: {  	v0 =	vld [tilespmem:s7+$0x30]  }
0x1df: {  	v1 =	vld [tilespmem:s7+$0xFFFFFFD0]  }
0x1e0: {  	v2 =	vld [tilespmem:s7+$0xFFFFFFE0]  }
0x1e1: {  	v3 =	vld [tilespmem:s7+$0xFFFFFFF0]  }
0x1e2: {  	v4 =	vld [tilespmem:s7+$0x0]  }
0x1e3: {  	v63 =	vld [tilespmem:s7+$0x10]  }
0x1e4: {  	v5 =	vld [tilespmem:s7+$0x20]  }
0x1e5: {  	s3 =	simm.s32 $0x1A3E0;
	v6 =	vld [tilespmem:s7+$0xFFFFFFC0]  }
0x1e6: {  	[tilespmem:s3+$0x0] =	vst.add.f32.msk $0xffff, v0  }
0x1e7: {  	[tilespmem:s3+$0xFFFFFFA0] =	vst.add.f32.msk $0xffff, v1  }
0x1e8: {  	[tilespmem:s3+$0xFFFFFFB0] =	vst.add.f32.msk $0xffff, v2  }
0x1e9: {  	[tilespmem:s3+$0xFFFFFFC0] =	vst.add.f32.msk $0xffff, v3  }
0x1ea: {  	[tilespmem:s3+$0xFFFFFFD0] =	vst.add.f32.msk $0xffff, v4  }
0x1eb: {  	[tilespmem:s3+$0xFFFFFF90] =	vst.add.f32.msk $0xffff, v6  }
0x1ec: {  	[tilespmem:s3+$0xFFFFFFE0] =	vst.add.f32.msk $0xffff, v63  }
0x1ed: {  	s6 =	simm.s32 $0x0;
	s7 =	sadd.s32 $0x80, s7;
	[tilespmem:s3+$0xFFFFFFF0] =	vst.add.f32.msk $0xffff, v5  }
.LBB2_27:
0x1ee: {  	v0 =	vld [tilespmem:s7+$0x30];
	s6 =	sadd.s32 $0x8, s6  }
0x1ef: {  	v1 =	vld [tilespmem:s7+$0xFFFFFFD0];
	p1 =	slt.u32 s6, $0x20  }
0x1f0: {  	v2 =	vld [tilespmem:s7+$0xFFFFFFE0]  }
0x1f1: {  	v3 =	vld [tilespmem:s7+$0xFFFFFFF0]  }
0x1f2: {  	s3 =	sadd.s32 $0x400, s3;
	v4 =	vld [tilespmem:s7+$0x0]  }
0x1f3: {  	[tilespmem:s3+$0x0] =	vst.add.f32.msk $0xffff, v0  }
0x1f4: {  	v0 =	vld [tilespmem:s7+$0x10]  }
0x1f5: {  	v5 =	vld [tilespmem:s7+$0x20]  }
0x1f6: {  	v6 =	vld [tilespmem:s7+$0xFFFFFFC0]  }
0x1f7: {  	[tilespmem:s3+$0xFFFFFFA0] =	vst.add.f32.msk $0xffff, v1  }
0x1f8: {  	[tilespmem:s3+$0xFFFFFFB0] =	vst.add.f32.msk $0xffff, v2  }
.Ltmp19:
0x1f9: {  	[tilespmem:s3+$0xFFFFFFC0] =	vst.add.f32.msk $0xffff, v3;
	(pc) =	sbr.rel @p1 .LBB2_27-.Ltmp19, $4  }
0x1fa: {  	[tilespmem:s3+$0xFFFFFFD0] =	vst.add.f32.msk $0xffff, v4  }
0x1fb: {  	[tilespmem:s3+$0xFFFFFF90] =	vst.add.f32.msk $0xffff, v6  }
0x1fc: {  	[tilespmem:s3+$0xFFFFFFE0] =	vst.add.f32.msk $0xffff, v0  }
0x1fd: {  	s7 =	sadd.s32 $0x80, s7;
	[tilespmem:s3+$0xFFFFFFF0] =	vst.add.f32.msk $0xffff, v5  }
.LBB2_28:
0x1fe: {  	s3 =	sld [smem:$0x89];
	_ =	sdelay $0x2  }
0x1ff: {  	p1 =	slt.f32 s3, $8.000000110e-01  }
.Ltmp20:
0x200: {  	_ = 	snop;
	(pc) =	sbr.rel @!p1 .LBB2_31-.Ltmp20, $1  }
0x201: {  	_ =	sdelay $0x3  }
0x202: {  	s3 =	sld [smem:$0x9];
	_ =	sdelay $0x2  }
0x203: {  	s3 =	smul.u32 $0xFA00, s3;
	_ =	sdelay $0x1  }
0x204: {  	s3 =	sshra.s32 s3, $0x2  }
0x205: {  	s7 =	sor.u32 $0x40, s3  }
0x206: {  	v0 =	vld [tilespmem:s7+$0x30]  }
0x207: {  	v1 =	vld [tilespmem:s7+$0xFFFFFFD0]  }
0x208: {  	v2 =	vld [tilespmem:s7+$0xFFFFFFE0]  }
0x209: {  	v3 =	vld [tilespmem:s7+$0xFFFFFFF0]  }
0x20a: {  	v4 =	vld [tilespmem:s7+$0x0]  }
0x20b: {  	v63 =	vld [tilespmem:s7+$0x10]  }
0x20c: {  	v5 =	vld [tilespmem:s7+$0x20]  }
0x20d: {  	s3 =	simm.s32 $0x1A460;
	v6 =	vld [tilespmem:s7+$0xFFFFFFC0]  }
0x20e: {  	[tilespmem:s3+$0x0] =	vst.add.f32.msk $0xffff, v0  }
0x20f: {  	[tilespmem:s3+$0xFFFFFFA0] =	vst.add.f32.msk $0xffff, v1  }
0x210: {  	[tilespmem:s3+$0xFFFFFFB0] =	vst.add.f32.msk $0xffff, v2  }
0x211: {  	[tilespmem:s3+$0xFFFFFFC0] =	vst.add.f32.msk $0xffff, v3  }
0x212: {  	[tilespmem:s3+$0xFFFFFFD0] =	vst.add.f32.msk $0xffff, v4  }
0x213: {  	[tilespmem:s3+$0xFFFFFF90] =	vst.add.f32.msk $0xffff, v6  }
0x214: {  	[tilespmem:s3+$0xFFFFFFE0] =	vst.add.f32.msk $0xffff, v63  }
0x215: {  	s6 =	simm.s32 $0x0;
	s7 =	sadd.s32 $0x80, s7;
	[tilespmem:s3+$0xFFFFFFF0] =	vst.add.f32.msk $0xffff, v5  }
.LBB2_30:
0x216: {  	v0 =	vld [tilespmem:s7+$0x30];
	s6 =	sadd.s32 $0x8, s6  }
0x217: {  	v1 =	vld [tilespmem:s7+$0xFFFFFFD0];
	p1 =	slt.u32 s6, $0x20  }
0x218: {  	v2 =	vld [tilespmem:s7+$0xFFFFFFE0]  }
0x219: {  	v3 =	vld [tilespmem:s7+$0xFFFFFFF0]  }
0x21a: {  	s3 =	sadd.s32 $0x400, s3;
	v4 =	vld [tilespmem:s7+$0x0]  }
0x21b: {  	[tilespmem:s3+$0x0] =	vst.add.f32.msk $0xffff, v0  }
0x21c: {  	v0 =	vld [tilespmem:s7+$0x10]  }
0x21d: {  	v5 =	vld [tilespmem:s7+$0x20]  }
0x21e: {  	v6 =	vld [tilespmem:s7+$0xFFFFFFC0]  }
0x21f: {  	[tilespmem:s3+$0xFFFFFFA0] =	vst.add.f32.msk $0xffff, v1  }
0x220: {  	[tilespmem:s3+$0xFFFFFFB0] =	vst.add.f32.msk $0xffff, v2  }
.Ltmp21:
0x221: {  	[tilespmem:s3+$0xFFFFFFC0] =	vst.add.f32.msk $0xffff, v3;
	(pc) =	sbr.rel @p1 .LBB2_30-.Ltmp21, $4  }
0x222: {  	[tilespmem:s3+$0xFFFFFFD0] =	vst.add.f32.msk $0xffff, v4  }
0x223: {  	[tilespmem:s3+$0xFFFFFF90] =	vst.add.f32.msk $0xffff, v6  }
0x224: {  	[tilespmem:s3+$0xFFFFFFE0] =	vst.add.f32.msk $0xffff, v0  }
0x225: {  	s7 =	sadd.s32 $0x80, s7;
	[tilespmem:s3+$0xFFFFFFF0] =	vst.add.f32.msk $0xffff, v5  }
.LBB2_31:
0x226: {  	s3 =	sld [smem:$0x8A];
	_ =	sdelay $0x2  }
0x227: {  	p1 =	slt.f32 s3, $8.000000110e-01  }
.Ltmp22:
0x228: {  	_ = 	snop;
	(pc) =	sbr.rel @!p1 .LBB2_34-.Ltmp22, $1  }
0x229: {  	_ =	sdelay $0x3  }
0x22a: {  	s3 =	sld [smem:$0xA];
	_ =	sdelay $0x2  }
0x22b: {  	s3 =	smul.u32 $0xFA00, s3;
	_ =	sdelay $0x1  }
0x22c: {  	s3 =	sshra.s32 s3, $0x2  }
0x22d: {  	s7 =	sor.u32 $0x40, s3  }
0x22e: {  	v0 =	vld [tilespmem:s7+$0x30]  }
0x22f: {  	v1 =	vld [tilespmem:s7+$0xFFFFFFD0]  }
0x230: {  	v2 =	vld [tilespmem:s7+$0xFFFFFFE0]  }
0x231: {  	v3 =	vld [tilespmem:s7+$0xFFFFFFF0]  }
0x232: {  	v4 =	vld [tilespmem:s7+$0x0]  }
0x233: {  	v63 =	vld [tilespmem:s7+$0x10]  }
0x234: {  	v5 =	vld [tilespmem:s7+$0x20]  }
0x235: {  	s3 =	simm.s32 $0x1A4E0;
	v6 =	vld [tilespmem:s7+$0xFFFFFFC0]  }
0x236: {  	[tilespmem:s3+$0x0] =	vst.add.f32.msk $0xffff, v0  }
0x237: {  	[tilespmem:s3+$0xFFFFFFA0] =	vst.add.f32.msk $0xffff, v1  }
0x238: {  	[tilespmem:s3+$0xFFFFFFB0] =	vst.add.f32.msk $0xffff, v2  }
0x239: {  	[tilespmem:s3+$0xFFFFFFC0] =	vst.add.f32.msk $0xffff, v3  }
0x23a: {  	[tilespmem:s3+$0xFFFFFFD0] =	vst.add.f32.msk $0xffff, v4  }
0x23b: {  	[tilespmem:s3+$0xFFFFFF90] =	vst.add.f32.msk $0xffff, v6  }
0x23c: {  	[tilespmem:s3+$0xFFFFFFE0] =	vst.add.f32.msk $0xffff, v63  }
0x23d: {  	s6 =	simm.s32 $0x0;
	s7 =	sadd.s32 $0x80, s7;
	[tilespmem:s3+$0xFFFFFFF0] =	vst.add.f32.msk $0xffff, v5  }
.LBB2_33:
0x23e: {  	v0 =	vld [tilespmem:s7+$0x30];
	s6 =	sadd.s32 $0x8, s6  }
0x23f: {  	v1 =	vld [tilespmem:s7+$0xFFFFFFD0];
	p1 =	slt.u32 s6, $0x20  }
0x240: {  	v2 =	vld [tilespmem:s7+$0xFFFFFFE0]  }
0x241: {  	v3 =	vld [tilespmem:s7+$0xFFFFFFF0]  }
0x242: {  	s3 =	sadd.s32 $0x400, s3;
	v4 =	vld [tilespmem:s7+$0x0]  }
0x243: {  	[tilespmem:s3+$0x0] =	vst.add.f32.msk $0xffff, v0  }
0x244: {  	v0 =	vld [tilespmem:s7+$0x10]  }
0x245: {  	v5 =	vld [tilespmem:s7+$0x20]  }
0x246: {  	v6 =	vld [tilespmem:s7+$0xFFFFFFC0]  }
0x247: {  	[tilespmem:s3+$0xFFFFFFA0] =	vst.add.f32.msk $0xffff, v1  }
0x248: {  	[tilespmem:s3+$0xFFFFFFB0] =	vst.add.f32.msk $0xffff, v2  }
.Ltmp23:
0x249: {  	[tilespmem:s3+$0xFFFFFFC0] =	vst.add.f32.msk $0xffff, v3;
	(pc) =	sbr.rel @p1 .LBB2_33-.Ltmp23, $4  }
0x24a: {  	[tilespmem:s3+$0xFFFFFFD0] =	vst.add.f32.msk $0xffff, v4  }
0x24b: {  	[tilespmem:s3+$0xFFFFFF90] =	vst.add.f32.msk $0xffff, v6  }
0x24c: {  	[tilespmem:s3+$0xFFFFFFE0] =	vst.add.f32.msk $0xffff, v0  }
0x24d: {  	s7 =	sadd.s32 $0x80, s7;
	[tilespmem:s3+$0xFFFFFFF0] =	vst.add.f32.msk $0xffff, v5  }
.LBB2_34:
0x24e: {  	s3 =	sld [smem:$0x8B];
	_ =	sdelay $0x2  }
0x24f: {  	p1 =	slt.f32 s3, $8.000000110e-01  }
.Ltmp24:
0x250: {  	_ = 	snop;
	(pc) =	sbr.rel @!p1 .LBB2_37-.Ltmp24, $1  }
0x251: {  	_ =	sdelay $0x3  }
0x252: {  	s3 =	sld [smem:$0xB];
	_ =	sdelay $0x2  }
0x253: {  	s3 =	smul.u32 $0xFA00, s3;
	_ =	sdelay $0x1  }
0x254: {  	s3 =	sshra.s32 s3, $0x2  }
0x255: {  	s7 =	sor.u32 $0x40, s3  }
0x256: {  	v0 =	vld [tilespmem:s7+$0x30]  }
0x257: {  	v1 =	vld [tilespmem:s7+$0xFFFFFFD0]  }
0x258: {  	v2 =	vld [tilespmem:s7+$0xFFFFFFE0]  }
0x259: {  	v3 =	vld [tilespmem:s7+$0xFFFFFFF0]  }
0x25a: {  	v4 =	vld [tilespmem:s7+$0x0]  }
0x25b: {  	v63 =	vld [tilespmem:s7+$0x10]  }
0x25c: {  	v5 =	vld [tilespmem:s7+$0x20]  }
0x25d: {  	s3 =	simm.s32 $0x1A560;
	v6 =	vld [tilespmem:s7+$0xFFFFFFC0]  }
0x25e: {  	[tilespmem:s3+$0x0] =	vst.add.f32.msk $0xffff, v0  }
0x25f: {  	[tilespmem:s3+$0xFFFFFFA0] =	vst.add.f32.msk $0xffff, v1  }
0x260: {  	[tilespmem:s3+$0xFFFFFFB0] =	vst.add.f32.msk $0xffff, v2  }
0x261: {  	[tilespmem:s3+$0xFFFFFFC0] =	vst.add.f32.msk $0xffff, v3  }
0x262: {  	[tilespmem:s3+$0xFFFFFFD0] =	vst.add.f32.msk $0xffff, v4  }
0x263: {  	[tilespmem:s3+$0xFFFFFF90] =	vst.add.f32.msk $0xffff, v6  }
0x264: {  	[tilespmem:s3+$0xFFFFFFE0] =	vst.add.f32.msk $0xffff, v63  }
0x265: {  	s6 =	simm.s32 $0x0;
	s7 =	sadd.s32 $0x80, s7;
	[tilespmem:s3+$0xFFFFFFF0] =	vst.add.f32.msk $0xffff, v5  }
.LBB2_36:
0x266: {  	v0 =	vld [tilespmem:s7+$0x30];
	s6 =	sadd.s32 $0x8, s6  }
0x267: {  	v1 =	vld [tilespmem:s7+$0xFFFFFFD0];
	p1 =	slt.u32 s6, $0x20  }
0x268: {  	v2 =	vld [tilespmem:s7+$0xFFFFFFE0]  }
0x269: {  	v3 =	vld [tilespmem:s7+$0xFFFFFFF0]  }
0x26a: {  	s3 =	sadd.s32 $0x400, s3;
	v4 =	vld [tilespmem:s7+$0x0]  }
0x26b: {  	[tilespmem:s3+$0x0] =	vst.add.f32.msk $0xffff, v0  }
0x26c: {  	v0 =	vld [tilespmem:s7+$0x10]  }
0x26d: {  	v5 =	vld [tilespmem:s7+$0x20]  }
0x26e: {  	v6 =	vld [tilespmem:s7+$0xFFFFFFC0]  }
0x26f: {  	[tilespmem:s3+$0xFFFFFFA0] =	vst.add.f32.msk $0xffff, v1  }
0x270: {  	[tilespmem:s3+$0xFFFFFFB0] =	vst.add.f32.msk $0xffff, v2  }
.Ltmp25:
0x271: {  	[tilespmem:s3+$0xFFFFFFC0] =	vst.add.f32.msk $0xffff, v3;
	(pc) =	sbr.rel @p1 .LBB2_36-.Ltmp25, $4  }
0x272: {  	[tilespmem:s3+$0xFFFFFFD0] =	vst.add.f32.msk $0xffff, v4  }
0x273: {  	[tilespmem:s3+$0xFFFFFF90] =	vst.add.f32.msk $0xffff, v6  }
0x274: {  	[tilespmem:s3+$0xFFFFFFE0] =	vst.add.f32.msk $0xffff, v0  }
0x275: {  	s7 =	sadd.s32 $0x80, s7;
	[tilespmem:s3+$0xFFFFFFF0] =	vst.add.f32.msk $0xffff, v5  }
.LBB2_37:
0x276: {  	s3 =	sld [smem:$0x8C];
	_ =	sdelay $0x2  }
0x277: {  	p1 =	slt.f32 s3, $8.000000110e-01  }
.Ltmp26:
0x278: {  	_ = 	snop;
	(pc) =	sbr.rel @!p1 .LBB2_40-.Ltmp26, $1  }
0x279: {  	_ =	sdelay $0x3  }
0x27a: {  	s3 =	sld [smem:$0xC];
	_ =	sdelay $0x2  }
0x27b: {  	s3 =	smul.u32 $0xFA00, s3;
	_ =	sdelay $0x1  }
0x27c: {  	s3 =	sshra.s32 s3, $0x2  }
0x27d: {  	s7 =	sor.u32 $0x40, s3  }
0x27e: {  	v0 =	vld [tilespmem:s7+$0x30]  }
0x27f: {  	v1 =	vld [tilespmem:s7+$0xFFFFFFD0]  }
0x280: {  	v2 =	vld [tilespmem:s7+$0xFFFFFFE0]  }
0x281: {  	v3 =	vld [tilespmem:s7+$0xFFFFFFF0]  }
0x282: {  	v4 =	vld [tilespmem:s7+$0x0]  }
0x283: {  	v63 =	vld [tilespmem:s7+$0x10]  }
0x284: {  	v5 =	vld [tilespmem:s7+$0x20]  }
0x285: {  	s3 =	simm.s32 $0x1A5E0;
	v6 =	vld [tilespmem:s7+$0xFFFFFFC0]  }
0x286: {  	[tilespmem:s3+$0x0] =	vst.add.f32.msk $0xffff, v0  }
0x287: {  	[tilespmem:s3+$0xFFFFFFA0] =	vst.add.f32.msk $0xffff, v1  }
0x288: {  	[tilespmem:s3+$0xFFFFFFB0] =	vst.add.f32.msk $0xffff, v2  }
0x289: {  	[tilespmem:s3+$0xFFFFFFC0] =	vst.add.f32.msk $0xffff, v3  }
0x28a: {  	[tilespmem:s3+$0xFFFFFFD0] =	vst.add.f32.msk $0xffff, v4  }
0x28b: {  	[tilespmem:s3+$0xFFFFFF90] =	vst.add.f32.msk $0xffff, v6  }
0x28c: {  	[tilespmem:s3+$0xFFFFFFE0] =	vst.add.f32.msk $0xffff, v63  }
0x28d: {  	s6 =	simm.s32 $0x0;
	s7 =	sadd.s32 $0x80, s7;
	[tilespmem:s3+$0xFFFFFFF0] =	vst.add.f32.msk $0xffff, v5  }
.LBB2_39:
0x28e: {  	v0 =	vld [tilespmem:s7+$0x30];
	s6 =	sadd.s32 $0x8, s6  }
0x28f: {  	v1 =	vld [tilespmem:s7+$0xFFFFFFD0];
	p1 =	slt.u32 s6, $0x20  }
0x290: {  	v2 =	vld [tilespmem:s7+$0xFFFFFFE0]  }
0x291: {  	v3 =	vld [tilespmem:s7+$0xFFFFFFF0]  }
0x292: {  	s3 =	sadd.s32 $0x400, s3;
	v4 =	vld [tilespmem:s7+$0x0]  }
0x293: {  	[tilespmem:s3+$0x0] =	vst.add.f32.msk $0xffff, v0  }
0x294: {  	v0 =	vld [tilespmem:s7+$0x10]  }
0x295: {  	v5 =	vld [tilespmem:s7+$0x20]  }
0x296: {  	v6 =	vld [tilespmem:s7+$0xFFFFFFC0]  }
0x297: {  	[tilespmem:s3+$0xFFFFFFA0] =	vst.add.f32.msk $0xffff, v1  }
0x298: {  	[tilespmem:s3+$0xFFFFFFB0] =	vst.add.f32.msk $0xffff, v2  }
.Ltmp27:
0x299: {  	[tilespmem:s3+$0xFFFFFFC0] =	vst.add.f32.msk $0xffff, v3;
	(pc) =	sbr.rel @p1 .LBB2_39-.Ltmp27, $4  }
0x29a: {  	[tilespmem:s3+$0xFFFFFFD0] =	vst.add.f32.msk $0xffff, v4  }
0x29b: {  	[tilespmem:s3+$0xFFFFFF90] =	vst.add.f32.msk $0xffff, v6  }
0x29c: {  	[tilespmem:s3+$0xFFFFFFE0] =	vst.add.f32.msk $0xffff, v0  }
0x29d: {  	s7 =	sadd.s32 $0x80, s7;
	[tilespmem:s3+$0xFFFFFFF0] =	vst.add.f32.msk $0xffff, v5  }
.LBB2_40:
0x29e: {  	s3 =	sld [smem:$0x8D];
	_ =	sdelay $0x2  }
0x29f: {  	p1 =	slt.f32 s3, $8.000000110e-01  }
.Ltmp28:
0x2a0: {  	_ = 	snop;
	(pc) =	sbr.rel @!p1 .LBB2_43-.Ltmp28, $1  }
0x2a1: {  	_ =	sdelay $0x3  }
0x2a2: {  	s3 =	sld [smem:$0xD];
	_ =	sdelay $0x2  }
0x2a3: {  	s3 =	smul.u32 $0xFA00, s3;
	_ =	sdelay $0x1  }
0x2a4: {  	s3 =	sshra.s32 s3, $0x2  }
0x2a5: {  	s7 =	sor.u32 $0x40, s3  }
0x2a6: {  	v0 =	vld [tilespmem:s7+$0x30]  }
0x2a7: {  	v1 =	vld [tilespmem:s7+$0xFFFFFFD0]  }
0x2a8: {  	v2 =	vld [tilespmem:s7+$0xFFFFFFE0]  }
0x2a9: {  	v3 =	vld [tilespmem:s7+$0xFFFFFFF0]  }
0x2aa: {  	v4 =	vld [tilespmem:s7+$0x0]  }
0x2ab: {  	v63 =	vld [tilespmem:s7+$0x10]  }
0x2ac: {  	v5 =	vld [tilespmem:s7+$0x20]  }
0x2ad: {  	s3 =	simm.s32 $0x1A660;
	v6 =	vld [tilespmem:s7+$0xFFFFFFC0]  }
0x2ae: {  	[tilespmem:s3+$0x0] =	vst.add.f32.msk $0xffff, v0  }
0x2af: {  	[tilespmem:s3+$0xFFFFFFA0] =	vst.add.f32.msk $0xffff, v1  }
0x2b0: {  	[tilespmem:s3+$0xFFFFFFB0] =	vst.add.f32.msk $0xffff, v2  }
0x2b1: {  	[tilespmem:s3+$0xFFFFFFC0] =	vst.add.f32.msk $0xffff, v3  }
0x2b2: {  	[tilespmem:s3+$0xFFFFFFD0] =	vst.add.f32.msk $0xffff, v4  }
0x2b3: {  	[tilespmem:s3+$0xFFFFFF90] =	vst.add.f32.msk $0xffff, v6  }
0x2b4: {  	[tilespmem:s3+$0xFFFFFFE0] =	vst.add.f32.msk $0xffff, v63  }
0x2b5: {  	s6 =	simm.s32 $0x0;
	s7 =	sadd.s32 $0x80, s7;
	[tilespmem:s3+$0xFFFFFFF0] =	vst.add.f32.msk $0xffff, v5  }
.LBB2_42:
0x2b6: {  	v0 =	vld [tilespmem:s7+$0x30];
	s6 =	sadd.s32 $0x8, s6  }
0x2b7: {  	v1 =	vld [tilespmem:s7+$0xFFFFFFD0];
	p1 =	slt.u32 s6, $0x20  }
0x2b8: {  	v2 =	vld [tilespmem:s7+$0xFFFFFFE0]  }
0x2b9: {  	v3 =	vld [tilespmem:s7+$0xFFFFFFF0]  }
0x2ba: {  	s3 =	sadd.s32 $0x400, s3;
	v4 =	vld [tilespmem:s7+$0x0]  }
0x2bb: {  	[tilespmem:s3+$0x0] =	vst.add.f32.msk $0xffff, v0  }
0x2bc: {  	v0 =	vld [tilespmem:s7+$0x10]  }
0x2bd: {  	v5 =	vld [tilespmem:s7+$0x20]  }
0x2be: {  	v6 =	vld [tilespmem:s7+$0xFFFFFFC0]  }
0x2bf: {  	[tilespmem:s3+$0xFFFFFFA0] =	vst.add.f32.msk $0xffff, v1  }
0x2c0: {  	[tilespmem:s3+$0xFFFFFFB0] =	vst.add.f32.msk $0xffff, v2  }
.Ltmp29:
0x2c1: {  	[tilespmem:s3+$0xFFFFFFC0] =	vst.add.f32.msk $0xffff, v3;
	(pc) =	sbr.rel @p1 .LBB2_42-.Ltmp29, $4  }
0x2c2: {  	[tilespmem:s3+$0xFFFFFFD0] =	vst.add.f32.msk $0xffff, v4  }
0x2c3: {  	[tilespmem:s3+$0xFFFFFF90] =	vst.add.f32.msk $0xffff, v6  }
0x2c4: {  	[tilespmem:s3+$0xFFFFFFE0] =	vst.add.f32.msk $0xffff, v0  }
0x2c5: {  	s7 =	sadd.s32 $0x80, s7;
	[tilespmem:s3+$0xFFFFFFF0] =	vst.add.f32.msk $0xffff, v5  }
.LBB2_43:
0x2c6: {  	s3 =	sld [smem:$0x8E];
	_ =	sdelay $0x2  }
0x2c7: {  	p1 =	slt.f32 s3, $8.000000110e-01  }
.Ltmp30:
0x2c8: {  	_ = 	snop;
	(pc) =	sbr.rel @!p1 .LBB2_46-.Ltmp30, $1  }
0x2c9: {  	_ =	sdelay $0x3  }
0x2ca: {  	s3 =	sld [smem:$0xE];
	_ =	sdelay $0x2  }
0x2cb: {  	s3 =	smul.u32 $0xFA00, s3;
	_ =	sdelay $0x1  }
0x2cc: {  	s3 =	sshra.s32 s3, $0x2  }
0x2cd: {  	s7 =	sor.u32 $0x40, s3  }
0x2ce: {  	v0 =	vld [tilespmem:s7+$0x30]  }
0x2cf: {  	v1 =	vld [tilespmem:s7+$0xFFFFFFD0]  }
0x2d0: {  	v2 =	vld [tilespmem:s7+$0xFFFFFFE0]  }
0x2d1: {  	v3 =	vld [tilespmem:s7+$0xFFFFFFF0]  }
0x2d2: {  	v4 =	vld [tilespmem:s7+$0x0]  }
0x2d3: {  	v63 =	vld [tilespmem:s7+$0x10]  }
0x2d4: {  	v5 =	vld [tilespmem:s7+$0x20]  }
0x2d5: {  	s3 =	simm.s32 $0x1A6E0;
	v6 =	vld [tilespmem:s7+$0xFFFFFFC0]  }
0x2d6: {  	[tilespmem:s3+$0x0] =	vst.add.f32.msk $0xffff, v0  }
0x2d7: {  	[tilespmem:s3+$0xFFFFFFA0] =	vst.add.f32.msk $0xffff, v1  }
0x2d8: {  	[tilespmem:s3+$0xFFFFFFB0] =	vst.add.f32.msk $0xffff, v2  }
0x2d9: {  	[tilespmem:s3+$0xFFFFFFC0] =	vst.add.f32.msk $0xffff, v3  }
0x2da: {  	[tilespmem:s3+$0xFFFFFFD0] =	vst.add.f32.msk $0xffff, v4  }
0x2db: {  	[tilespmem:s3+$0xFFFFFF90] =	vst.add.f32.msk $0xffff, v6  }
0x2dc: {  	[tilespmem:s3+$0xFFFFFFE0] =	vst.add.f32.msk $0xffff, v63  }
0x2dd: {  	s6 =	simm.s32 $0x0;
	s7 =	sadd.s32 $0x80, s7;
	[tilespmem:s3+$0xFFFFFFF0] =	vst.add.f32.msk $0xffff, v5  }
.LBB2_45:
0x2de: {  	v0 =	vld [tilespmem:s7+$0x30];
	s6 =	sadd.s32 $0x8, s6  }
0x2df: {  	v1 =	vld [tilespmem:s7+$0xFFFFFFD0];
	p1 =	slt.u32 s6, $0x20  }
0x2e0: {  	v2 =	vld [tilespmem:s7+$0xFFFFFFE0]  }
0x2e1: {  	v3 =	vld [tilespmem:s7+$0xFFFFFFF0]  }
0x2e2: {  	s3 =	sadd.s32 $0x400, s3;
	v4 =	vld [tilespmem:s7+$0x0]  }
0x2e3: {  	[tilespmem:s3+$0x0] =	vst.add.f32.msk $0xffff, v0  }
0x2e4: {  	v0 =	vld [tilespmem:s7+$0x10]  }
0x2e5: {  	v5 =	vld [tilespmem:s7+$0x20]  }
0x2e6: {  	v6 =	vld [tilespmem:s7+$0xFFFFFFC0]  }
0x2e7: {  	[tilespmem:s3+$0xFFFFFFA0] =	vst.add.f32.msk $0xffff, v1  }
0x2e8: {  	[tilespmem:s3+$0xFFFFFFB0] =	vst.add.f32.msk $0xffff, v2  }
.Ltmp31:
0x2e9: {  	[tilespmem:s3+$0xFFFFFFC0] =	vst.add.f32.msk $0xffff, v3;
	(pc) =	sbr.rel @p1 .LBB2_45-.Ltmp31, $4  }
0x2ea: {  	[tilespmem:s3+$0xFFFFFFD0] =	vst.add.f32.msk $0xffff, v4  }
0x2eb: {  	[tilespmem:s3+$0xFFFFFF90] =	vst.add.f32.msk $0xffff, v6  }
0x2ec: {  	[tilespmem:s3+$0xFFFFFFE0] =	vst.add.f32.msk $0xffff, v0  }
0x2ed: {  	s7 =	sadd.s32 $0x80, s7;
	[tilespmem:s3+$0xFFFFFFF0] =	vst.add.f32.msk $0xffff, v5  }
.LBB2_46:
0x2ee: {  	s3 =	sld [smem:$0x8F];
	_ =	sdelay $0x2  }
0x2ef: {  	p1 =	slt.f32 s3, $8.000000110e-01  }
.Ltmp32:
0x2f0: {  	_ = 	snop;
	(pc) =	sbr.rel @!p1 .LBB2_49-.Ltmp32, $1  }
0x2f1: {  	_ =	sdelay $0x3  }
0x2f2: {  	s3 =	sld [smem:$0xF];
	_ =	sdelay $0x2  }
0x2f3: {  	s3 =	smul.u32 $0xFA00, s3;
	_ =	sdelay $0x1  }
0x2f4: {  	s3 =	sshra.s32 s3, $0x2  }
0x2f5: {  	s7 =	sor.u32 $0x40, s3  }
0x2f6: {  	v0 =	vld [tilespmem:s7+$0x30]  }
0x2f7: {  	v1 =	vld [tilespmem:s7+$0xFFFFFFD0]  }
0x2f8: {  	v2 =	vld [tilespmem:s7+$0xFFFFFFE0]  }
0x2f9: {  	v3 =	vld [tilespmem:s7+$0xFFFFFFF0]  }
0x2fa: {  	v4 =	vld [tilespmem:s7+$0x0]  }
0x2fb: {  	v63 =	vld [tilespmem:s7+$0x10]  }
0x2fc: {  	v5 =	vld [tilespmem:s7+$0x20]  }
0x2fd: {  	s3 =	simm.s32 $0x1A760;
	v6 =	vld [tilespmem:s7+$0xFFFFFFC0]  }
0x2fe: {  	[tilespmem:s3+$0x0] =	vst.add.f32.msk $0xffff, v0  }
0x2ff: {  	[tilespmem:s3+$0xFFFFFFA0] =	vst.add.f32.msk $0xffff, v1  }
0x300: {  	[tilespmem:s3+$0xFFFFFFB0] =	vst.add.f32.msk $0xffff, v2  }
0x301: {  	[tilespmem:s3+$0xFFFFFFC0] =	vst.add.f32.msk $0xffff, v3  }
0x302: {  	[tilespmem:s3+$0xFFFFFFD0] =	vst.add.f32.msk $0xffff, v4  }
0x303: {  	[tilespmem:s3+$0xFFFFFF90] =	vst.add.f32.msk $0xffff, v6  }
0x304: {  	[tilespmem:s3+$0xFFFFFFE0] =	vst.add.f32.msk $0xffff, v63  }
0x305: {  	s6 =	simm.s32 $0x0;
	s7 =	sadd.s32 $0x80, s7;
	[tilespmem:s3+$0xFFFFFFF0] =	vst.add.f32.msk $0xffff, v5  }
.LBB2_48:
0x306: {  	v0 =	vld [tilespmem:s7+$0x30];
	s6 =	sadd.s32 $0x8, s6  }
0x307: {  	v1 =	vld [tilespmem:s7+$0xFFFFFFD0];
	p1 =	slt.u32 s6, $0x20  }
0x308: {  	v2 =	vld [tilespmem:s7+$0xFFFFFFE0]  }
0x309: {  	v3 =	vld [tilespmem:s7+$0xFFFFFFF0]  }
0x30a: {  	s3 =	sadd.s32 $0x400, s3;
	v4 =	vld [tilespmem:s7+$0x0]  }
0x30b: {  	[tilespmem:s3+$0x0] =	vst.add.f32.msk $0xffff, v0  }
0x30c: {  	v0 =	vld [tilespmem:s7+$0x10]  }
0x30d: {  	v5 =	vld [tilespmem:s7+$0x20]  }
0x30e: {  	v6 =	vld [tilespmem:s7+$0xFFFFFFC0]  }
0x30f: {  	[tilespmem:s3+$0xFFFFFFA0] =	vst.add.f32.msk $0xffff, v1  }
0x310: {  	[tilespmem:s3+$0xFFFFFFB0] =	vst.add.f32.msk $0xffff, v2  }
.Ltmp33:
0x311: {  	[tilespmem:s3+$0xFFFFFFC0] =	vst.add.f32.msk $0xffff, v3;
	(pc) =	sbr.rel @p1 .LBB2_48-.Ltmp33, $4  }
0x312: {  	[tilespmem:s3+$0xFFFFFFD0] =	vst.add.f32.msk $0xffff, v4  }
0x313: {  	[tilespmem:s3+$0xFFFFFF90] =	vst.add.f32.msk $0xffff, v6  }
0x314: {  	[tilespmem:s3+$0xFFFFFFE0] =	vst.add.f32.msk $0xffff, v0  }
0x315: {  	s7 =	sadd.s32 $0x80, s7;
	[tilespmem:s3+$0xFFFFFFF0] =	vst.add.f32.msk $0xffff, v5  }
.LBB2_49:
.Ltmp34:
0x316: {  	(pc) =	sbr.rel .LBB2_50-.Ltmp34, $4  }
0x317: {  	_ = 	snop  }
0x318: {  	s21 =	simm.s32 $0x0;
	s3 =	rddreg [dreg:$0xe]  }
0x319: {  	[hbm4b:s3+s21] =	stream.linear.scatter [tilespmem:s19], [sflag:$0x5], $0x1400, $0x38;
	[tilespmem:$0x1CB70] =	vst v63  }
0x31a: {  	s23 =	simm.s32 $0x2;
	s6 =	simm.s32 $0x4;
	s3 =	simm.s32 $0x3  }
.LBB2_122:
0x31b: {  	s21 =	sadd.s32 $0x1, s21  }
0x31c: {  	p1 =	sne.s32 s21, $0x20  }
.Ltmp35:
0x31d: {  	_ = 	snop;
	(pc) =	sbr.rel @!p1 .LBB2_123-.Ltmp35, $4  }
0x31e: {  	_ = 	snop  }
0x31f: {  	s7 =	sadd.s32 s2, s9  }
0x320: {  	s23 =	sadd.s32 $0x3, s23;
	s3 =	sadd.s32 $0x3, s3;
	s6 =	sadd.s32 $0x3, s6  }
0x321: {  	[hbm4b:s7+s5] =	stream.linear.scatter [tilespmem:s19], [sflag:$0x5], $0x1400, $0x38;
	[tilespmem:$0x1CB70] =	vst v63  }
.LBB2_50:
0x322: {  	s7 =	smul.u32 $0x3, s21;
	_ =	sdelay $0x1  }
0x323: {  	s8 =	sadd.s32 $0x3, s7  }
0x324: {  	s9 =	sshll.u32 s8, $0x3  }
0x325: {  	s10 =	sand.u32 $0x18, s9  }
0x326: {  	s8 =	sshrl.u32 s8, $0x2;
	s9 =	sor.u32 s4, s10  }
0x327: {  	s8 =	smul.u32 $0x1400, s8;
	s9 =	sshrl.u32 s9, $0x3  }
0x328: {  	s9 =	smul.u32 $0x1F400, s9;
	_ =	sdelay $0x1  }
0x329: {  	_ =	swait.ge [sflag:s28], $0x1400;
	s8 =	sadd.s32 s8, s9  }
0x32a: {  	[sflag:s28] =	ssyncset.done $0x0;
	s8 =	sshrl.u32 s8, $0x3  }
0x32b: {  	[sflag:s28] =	ssyncadd.s32 $0xFFFFEC00;
	s14 =	sadd.s32 s0, s8  }
0x32c: {  	[tilespmem:s18], [sflag:$0x1] =	stream.linear.gather [hbm4b:s14+s5], $0x1400, $0x38;
	[tilespmem:$0x1CB70] =	vst v63  }
0x32d: {  	s9 =	sadd.s32 $0x2, s7;
	_ =	swait.ge [sflag:s29], $0x1400  }
0x32e: {  	s11 =	sshll.u32 s9, $0x3;
	[sflag:s29] =	ssyncset.done $0x0  }
0x32f: {  	s11 =	sand.u32 $0x18, s11;
	[sflag:s29] =	ssyncadd.s32 $0xFFFFEC00  }
0x330: {  	s12 =	sld [smem:s11+$0x80];
	_ =	sdelay $0x2  }
0x331: {  	p1 =	slt.f32 s12, $8.000000110e-01  }
.Ltmp36:
0x332: {  	_ = 	snop;
	(pc) =	sbr.rel @!p1 .LBB2_53-.Ltmp36, $3  }
0x333: {  	_ =	sdelay $0x1  }
0x334: {  	s15 =	sshrl.u32 s23, $0x2  }
0x335: {  	s12 =	smul.u32 $0xA00, s15  }
0x336: {  	s13 =	sld [smem:s11+$0x0];
	_ =	sdelay $0x2  }
0x337: {  	s13 =	smul.u32 $0xFA00, s13;
	_ =	sdelay $0x1  }
0x338: {  	s13 =	sadd.s32 s12, s13  }
0x339: {  	s13 =	sshra.s32 s13, $0x2  }
0x33a: {  	s15 =	sadd.s32 $0x40, s13  }
0x33b: {  	v0 =	vld [tilespmem:s15+$0x30]  }
0x33c: {  	v1 =	vld [tilespmem:s15+$0xFFFFFFD0]  }
0x33d: {  	v2 =	vld [tilespmem:s15+$0xFFFFFFE0]  }
0x33e: {  	v3 =	vld [tilespmem:s15+$0xFFFFFFF0]  }
0x33f: {  	v4 =	vld [tilespmem:s15+$0x0]  }
0x340: {  	v63 =	vld [tilespmem:s15+$0x10]  }
0x341: {  	v5 =	vld [tilespmem:s15+$0x20]  }
0x342: {  	s13 =	simm.s32 $0x1B7E0;
	v6 =	vld [tilespmem:s15+$0xFFFFFFC0]  }
0x343: {  	[tilespmem:s13+$0x0] =	vst.add.f32.msk $0xffff, v0  }
0x344: {  	[tilespmem:s13+$0xFFFFFFA0] =	vst.add.f32.msk $0xffff, v1  }
0x345: {  	[tilespmem:s13+$0xFFFFFFB0] =	vst.add.f32.msk $0xffff, v2  }
0x346: {  	[tilespmem:s13+$0xFFFFFFC0] =	vst.add.f32.msk $0xffff, v3  }
0x347: {  	[tilespmem:s13+$0xFFFFFFD0] =	vst.add.f32.msk $0xffff, v4  }
0x348: {  	[tilespmem:s13+$0xFFFFFF90] =	vst.add.f32.msk $0xffff, v6  }
0x349: {  	[tilespmem:s13+$0xFFFFFFE0] =	vst.add.f32.msk $0xffff, v63  }
0x34a: {  	s14 =	simm.s32 $0x0;
	s15 =	sadd.s32 $0x80, s15;
	[tilespmem:s13+$0xFFFFFFF0] =	vst.add.f32.msk $0xffff, v5  }
.LBB2_52:
0x34b: {  	v0 =	vld [tilespmem:s15+$0x30];
	s14 =	sadd.s32 $0x8, s14  }
0x34c: {  	v1 =	vld [tilespmem:s15+$0xFFFFFFD0];
	p1 =	slt.u32 s14, $0x20  }
0x34d: {  	v2 =	vld [tilespmem:s15+$0xFFFFFFE0]  }
0x34e: {  	v3 =	vld [tilespmem:s15+$0xFFFFFFF0]  }
0x34f: {  	s13 =	sadd.s32 $0x400, s13;
	v4 =	vld [tilespmem:s15+$0x0]  }
0x350: {  	[tilespmem:s13+$0x0] =	vst.add.f32.msk $0xffff, v0  }
0x351: {  	v0 =	vld [tilespmem:s15+$0x10]  }
0x352: {  	v5 =	vld [tilespmem:s15+$0x20]  }
0x353: {  	v6 =	vld [tilespmem:s15+$0xFFFFFFC0]  }
0x354: {  	[tilespmem:s13+$0xFFFFFFA0] =	vst.add.f32.msk $0xffff, v1  }
0x355: {  	[tilespmem:s13+$0xFFFFFFB0] =	vst.add.f32.msk $0xffff, v2  }
.Ltmp37:
0x356: {  	[tilespmem:s13+$0xFFFFFFC0] =	vst.add.f32.msk $0xffff, v3;
	(pc) =	sbr.rel @p1 .LBB2_52-.Ltmp37, $4  }
0x357: {  	[tilespmem:s13+$0xFFFFFFD0] =	vst.add.f32.msk $0xffff, v4  }
0x358: {  	[tilespmem:s13+$0xFFFFFF90] =	vst.add.f32.msk $0xffff, v6  }
0x359: {  	[tilespmem:s13+$0xFFFFFFE0] =	vst.add.f32.msk $0xffff, v0  }
0x35a: {  	s15 =	sadd.s32 $0x80, s15;
	[tilespmem:s13+$0xFFFFFFF0] =	vst.add.f32.msk $0xffff, v5  }
.LBB2_53:
0x35b: {  	s13 =	sor.u32 $0x81, s11  }
0x35c: {  	s13 =	sld [smem:s13+$0x0];
	_ =	sdelay $0x2  }
0x35d: {  	p1 =	slt.f32 s13, $8.000000110e-01  }
.Ltmp38:
0x35e: {  	_ = 	snop;
	(pc) =	sbr.rel @!p1 .LBB2_56-.Ltmp38, $1  }
0x35f: {  	_ =	sdelay $0x3  }
0x360: {  	s13 =	sor.u32 $0x1, s11  }
0x361: {  	s13 =	sld [smem:s13+$0x0];
	_ =	sdelay $0x2  }
0x362: {  	s13 =	smul.u32 $0xFA00, s13;
	_ =	sdelay $0x1  }
0x363: {  	s13 =	sadd.s32 s12, s13  }
0x364: {  	s13 =	sshra.s32 s13, $0x2  }
0x365: {  	s15 =	sadd.s32 $0x40, s13  }
0x366: {  	v0 =	vld [tilespmem:s15+$0x30]  }
0x367: {  	v1 =	vld [tilespmem:s15+$0xFFFFFFD0]  }
0x368: {  	v2 =	vld [tilespmem:s15+$0xFFFFFFE0]  }
0x369: {  	v3 =	vld [tilespmem:s15+$0xFFFFFFF0]  }
0x36a: {  	v4 =	vld [tilespmem:s15+$0x0]  }
0x36b: {  	v63 =	vld [tilespmem:s15+$0x10]  }
0x36c: {  	v5 =	vld [tilespmem:s15+$0x20]  }
0x36d: {  	s13 =	simm.s32 $0x1B860;
	v6 =	vld [tilespmem:s15+$0xFFFFFFC0]  }
0x36e: {  	[tilespmem:s13+$0x0] =	vst.add.f32.msk $0xffff, v0  }
0x36f: {  	[tilespmem:s13+$0xFFFFFFA0] =	vst.add.f32.msk $0xffff, v1  }
0x370: {  	[tilespmem:s13+$0xFFFFFFB0] =	vst.add.f32.msk $0xffff, v2  }
0x371: {  	[tilespmem:s13+$0xFFFFFFC0] =	vst.add.f32.msk $0xffff, v3  }
0x372: {  	[tilespmem:s13+$0xFFFFFFD0] =	vst.add.f32.msk $0xffff, v4  }
0x373: {  	[tilespmem:s13+$0xFFFFFF90] =	vst.add.f32.msk $0xffff, v6  }
0x374: {  	[tilespmem:s13+$0xFFFFFFE0] =	vst.add.f32.msk $0xffff, v63  }
0x375: {  	s14 =	simm.s32 $0x0;
	s15 =	sadd.s32 $0x80, s15;
	[tilespmem:s13+$0xFFFFFFF0] =	vst.add.f32.msk $0xffff, v5  }
.LBB2_55:
0x376: {  	v0 =	vld [tilespmem:s15+$0x30];
	s14 =	sadd.s32 $0x8, s14  }
0x377: {  	v1 =	vld [tilespmem:s15+$0xFFFFFFD0];
	p1 =	slt.u32 s14, $0x20  }
0x378: {  	v2 =	vld [tilespmem:s15+$0xFFFFFFE0]  }
0x379: {  	v3 =	vld [tilespmem:s15+$0xFFFFFFF0]  }
0x37a: {  	s13 =	sadd.s32 $0x400, s13;
	v4 =	vld [tilespmem:s15+$0x0]  }
0x37b: {  	[tilespmem:s13+$0x0] =	vst.add.f32.msk $0xffff, v0  }
0x37c: {  	v0 =	vld [tilespmem:s15+$0x10]  }
0x37d: {  	v5 =	vld [tilespmem:s15+$0x20]  }
0x37e: {  	v6 =	vld [tilespmem:s15+$0xFFFFFFC0]  }
0x37f: {  	[tilespmem:s13+$0xFFFFFFA0] =	vst.add.f32.msk $0xffff, v1  }
0x380: {  	[tilespmem:s13+$0xFFFFFFB0] =	vst.add.f32.msk $0xffff, v2  }
.Ltmp39:
0x381: {  	[tilespmem:s13+$0xFFFFFFC0] =	vst.add.f32.msk $0xffff, v3;
	(pc) =	sbr.rel @p1 .LBB2_55-.Ltmp39, $4  }
0x382: {  	[tilespmem:s13+$0xFFFFFFD0] =	vst.add.f32.msk $0xffff, v4  }
0x383: {  	[tilespmem:s13+$0xFFFFFF90] =	vst.add.f32.msk $0xffff, v6  }
0x384: {  	[tilespmem:s13+$0xFFFFFFE0] =	vst.add.f32.msk $0xffff, v0  }
0x385: {  	s15 =	sadd.s32 $0x80, s15;
	[tilespmem:s13+$0xFFFFFFF0] =	vst.add.f32.msk $0xffff, v5  }
.LBB2_56:
0x386: {  	s13 =	sor.u32 $0x82, s11  }
0x387: {  	s13 =	sld [smem:s13+$0x0];
	_ =	sdelay $0x2  }
0x388: {  	p1 =	slt.f32 s13, $8.000000110e-01  }
.Ltmp40:
0x389: {  	_ = 	snop;
	(pc) =	sbr.rel @!p1 .LBB2_59-.Ltmp40, $1  }
0x38a: {  	_ =	sdelay $0x3  }
0x38b: {  	s13 =	sor.u32 $0x2, s11  }
0x38c: {  	s13 =	sld [smem:s13+$0x0];
	_ =	sdelay $0x2  }
0x38d: {  	s13 =	smul.u32 $0xFA00, s13;
	_ =	sdelay $0x1  }
0x38e: {  	s13 =	sadd.s32 s12, s13  }
0x38f: {  	s13 =	sshra.s32 s13, $0x2  }
0x390: {  	s15 =	sadd.s32 $0x40, s13  }
0x391: {  	v0 =	vld [tilespmem:s15+$0x30]  }
0x392: {  	v1 =	vld [tilespmem:s15+$0xFFFFFFD0]  }
0x393: {  	v2 =	vld [tilespmem:s15+$0xFFFFFFE0]  }
0x394: {  	v3 =	vld [tilespmem:s15+$0xFFFFFFF0]  }
0x395: {  	v4 =	vld [tilespmem:s15+$0x0]  }
0x396: {  	v63 =	vld [tilespmem:s15+$0x10]  }
0x397: {  	v5 =	vld [tilespmem:s15+$0x20]  }
0x398: {  	s13 =	simm.s32 $0x1B8E0;
	v6 =	vld [tilespmem:s15+$0xFFFFFFC0]  }
0x399: {  	[tilespmem:s13+$0x0] =	vst.add.f32.msk $0xffff, v0  }
0x39a: {  	[tilespmem:s13+$0xFFFFFFA0] =	vst.add.f32.msk $0xffff, v1  }
0x39b: {  	[tilespmem:s13+$0xFFFFFFB0] =	vst.add.f32.msk $0xffff, v2  }
0x39c: {  	[tilespmem:s13+$0xFFFFFFC0] =	vst.add.f32.msk $0xffff, v3  }
0x39d: {  	[tilespmem:s13+$0xFFFFFFD0] =	vst.add.f32.msk $0xffff, v4  }
0x39e: {  	[tilespmem:s13+$0xFFFFFF90] =	vst.add.f32.msk $0xffff, v6  }
0x39f: {  	[tilespmem:s13+$0xFFFFFFE0] =	vst.add.f32.msk $0xffff, v63  }
0x3a0: {  	s14 =	simm.s32 $0x0;
	s15 =	sadd.s32 $0x80, s15;
	[tilespmem:s13+$0xFFFFFFF0] =	vst.add.f32.msk $0xffff, v5  }
.LBB2_58:
0x3a1: {  	v0 =	vld [tilespmem:s15+$0x30];
	s14 =	sadd.s32 $0x8, s14  }
0x3a2: {  	v1 =	vld [tilespmem:s15+$0xFFFFFFD0];
	p1 =	slt.u32 s14, $0x20  }
0x3a3: {  	v2 =	vld [tilespmem:s15+$0xFFFFFFE0]  }
0x3a4: {  	v3 =	vld [tilespmem:s15+$0xFFFFFFF0]  }
0x3a5: {  	s13 =	sadd.s32 $0x400, s13;
	v4 =	vld [tilespmem:s15+$0x0]  }
0x3a6: {  	[tilespmem:s13+$0x0] =	vst.add.f32.msk $0xffff, v0  }
0x3a7: {  	v0 =	vld [tilespmem:s15+$0x10]  }
0x3a8: {  	v5 =	vld [tilespmem:s15+$0x20]  }
0x3a9: {  	v6 =	vld [tilespmem:s15+$0xFFFFFFC0]  }
0x3aa: {  	[tilespmem:s13+$0xFFFFFFA0] =	vst.add.f32.msk $0xffff, v1  }
0x3ab: {  	[tilespmem:s13+$0xFFFFFFB0] =	vst.add.f32.msk $0xffff, v2  }
.Ltmp41:
0x3ac: {  	[tilespmem:s13+$0xFFFFFFC0] =	vst.add.f32.msk $0xffff, v3;
	(pc) =	sbr.rel @p1 .LBB2_58-.Ltmp41, $4  }
0x3ad: {  	[tilespmem:s13+$0xFFFFFFD0] =	vst.add.f32.msk $0xffff, v4  }
0x3ae: {  	[tilespmem:s13+$0xFFFFFF90] =	vst.add.f32.msk $0xffff, v6  }
0x3af: {  	[tilespmem:s13+$0xFFFFFFE0] =	vst.add.f32.msk $0xffff, v0  }
0x3b0: {  	s15 =	sadd.s32 $0x80, s15;
	[tilespmem:s13+$0xFFFFFFF0] =	vst.add.f32.msk $0xffff, v5  }
.LBB2_59:
0x3b1: {  	s13 =	sor.u32 $0x83, s11  }
0x3b2: {  	s13 =	sld [smem:s13+$0x0];
	_ =	sdelay $0x2  }
0x3b3: {  	p1 =	slt.f32 s13, $8.000000110e-01  }
.Ltmp42:
0x3b4: {  	_ = 	snop;
	(pc) =	sbr.rel @!p1 .LBB2_62-.Ltmp42, $1  }
0x3b5: {  	_ =	sdelay $0x3  }
0x3b6: {  	s13 =	sor.u32 $0x3, s11  }
0x3b7: {  	s13 =	sld [smem:s13+$0x0];
	_ =	sdelay $0x2  }
0x3b8: {  	s13 =	smul.u32 $0xFA00, s13;
	_ =	sdelay $0x1  }
0x3b9: {  	s13 =	sadd.s32 s12, s13  }
0x3ba: {  	s13 =	sshra.s32 s13, $0x2  }
0x3bb: {  	s15 =	sadd.s32 $0x40, s13  }
0x3bc: {  	v0 =	vld [tilespmem:s15+$0x30]  }
0x3bd: {  	v1 =	vld [tilespmem:s15+$0xFFFFFFD0]  }
0x3be: {  	v2 =	vld [tilespmem:s15+$0xFFFFFFE0]  }
0x3bf: {  	v3 =	vld [tilespmem:s15+$0xFFFFFFF0]  }
0x3c0: {  	v4 =	vld [tilespmem:s15+$0x0]  }
0x3c1: {  	v63 =	vld [tilespmem:s15+$0x10]  }
0x3c2: {  	v5 =	vld [tilespmem:s15+$0x20]  }
0x3c3: {  	s13 =	simm.s32 $0x1B960;
	v6 =	vld [tilespmem:s15+$0xFFFFFFC0]  }
0x3c4: {  	[tilespmem:s13+$0x0] =	vst.add.f32.msk $0xffff, v0  }
0x3c5: {  	[tilespmem:s13+$0xFFFFFFA0] =	vst.add.f32.msk $0xffff, v1  }
0x3c6: {  	[tilespmem:s13+$0xFFFFFFB0] =	vst.add.f32.msk $0xffff, v2  }
0x3c7: {  	[tilespmem:s13+$0xFFFFFFC0] =	vst.add.f32.msk $0xffff, v3  }
0x3c8: {  	[tilespmem:s13+$0xFFFFFFD0] =	vst.add.f32.msk $0xffff, v4  }
0x3c9: {  	[tilespmem:s13+$0xFFFFFF90] =	vst.add.f32.msk $0xffff, v6  }
0x3ca: {  	[tilespmem:s13+$0xFFFFFFE0] =	vst.add.f32.msk $0xffff, v63  }
0x3cb: {  	s14 =	simm.s32 $0x0;
	s15 =	sadd.s32 $0x80, s15;
	[tilespmem:s13+$0xFFFFFFF0] =	vst.add.f32.msk $0xffff, v5  }
.LBB2_61:
0x3cc: {  	v0 =	vld [tilespmem:s15+$0x30];
	s14 =	sadd.s32 $0x8, s14  }
0x3cd: {  	v1 =	vld [tilespmem:s15+$0xFFFFFFD0];
	p1 =	slt.u32 s14, $0x20  }
0x3ce: {  	v2 =	vld [tilespmem:s15+$0xFFFFFFE0]  }
0x3cf: {  	v3 =	vld [tilespmem:s15+$0xFFFFFFF0]  }
0x3d0: {  	s13 =	sadd.s32 $0x400, s13;
	v4 =	vld [tilespmem:s15+$0x0]  }
0x3d1: {  	[tilespmem:s13+$0x0] =	vst.add.f32.msk $0xffff, v0  }
0x3d2: {  	v0 =	vld [tilespmem:s15+$0x10]  }
0x3d3: {  	v5 =	vld [tilespmem:s15+$0x20]  }
0x3d4: {  	v6 =	vld [tilespmem:s15+$0xFFFFFFC0]  }
0x3d5: {  	[tilespmem:s13+$0xFFFFFFA0] =	vst.add.f32.msk $0xffff, v1  }
0x3d6: {  	[tilespmem:s13+$0xFFFFFFB0] =	vst.add.f32.msk $0xffff, v2  }
.Ltmp43:
0x3d7: {  	[tilespmem:s13+$0xFFFFFFC0] =	vst.add.f32.msk $0xffff, v3;
	(pc) =	sbr.rel @p1 .LBB2_61-.Ltmp43, $4  }
0x3d8: {  	[tilespmem:s13+$0xFFFFFFD0] =	vst.add.f32.msk $0xffff, v4  }
0x3d9: {  	[tilespmem:s13+$0xFFFFFF90] =	vst.add.f32.msk $0xffff, v6  }
0x3da: {  	[tilespmem:s13+$0xFFFFFFE0] =	vst.add.f32.msk $0xffff, v0  }
0x3db: {  	s15 =	sadd.s32 $0x80, s15;
	[tilespmem:s13+$0xFFFFFFF0] =	vst.add.f32.msk $0xffff, v5  }
.LBB2_62:
0x3dc: {  	s13 =	sor.u32 $0x84, s11  }
0x3dd: {  	s13 =	sld [smem:s13+$0x0];
	_ =	sdelay $0x2  }
0x3de: {  	p1 =	slt.f32 s13, $8.000000110e-01  }
.Ltmp44:
0x3df: {  	_ = 	snop;
	(pc) =	sbr.rel @!p1 .LBB2_65-.Ltmp44, $1  }
0x3e0: {  	_ =	sdelay $0x3  }
0x3e1: {  	s13 =	sor.u32 $0x4, s11  }
0x3e2: {  	s13 =	sld [smem:s13+$0x0];
	_ =	sdelay $0x2  }
0x3e3: {  	s13 =	smul.u32 $0xFA00, s13;
	_ =	sdelay $0x1  }
0x3e4: {  	s13 =	sadd.s32 s12, s13  }
0x3e5: {  	s13 =	sshra.s32 s13, $0x2  }
0x3e6: {  	s15 =	sadd.s32 $0x40, s13  }
0x3e7: {  	v0 =	vld [tilespmem:s15+$0x30]  }
0x3e8: {  	v1 =	vld [tilespmem:s15+$0xFFFFFFD0]  }
0x3e9: {  	v2 =	vld [tilespmem:s15+$0xFFFFFFE0]  }
0x3ea: {  	v3 =	vld [tilespmem:s15+$0xFFFFFFF0]  }
0x3eb: {  	v4 =	vld [tilespmem:s15+$0x0]  }
0x3ec: {  	v63 =	vld [tilespmem:s15+$0x10]  }
0x3ed: {  	v5 =	vld [tilespmem:s15+$0x20]  }
0x3ee: {  	s13 =	simm.s32 $0x1B9E0;
	v6 =	vld [tilespmem:s15+$0xFFFFFFC0]  }
0x3ef: {  	[tilespmem:s13+$0x0] =	vst.add.f32.msk $0xffff, v0  }
0x3f0: {  	[tilespmem:s13+$0xFFFFFFA0] =	vst.add.f32.msk $0xffff, v1  }
0x3f1: {  	[tilespmem:s13+$0xFFFFFFB0] =	vst.add.f32.msk $0xffff, v2  }
0x3f2: {  	[tilespmem:s13+$0xFFFFFFC0] =	vst.add.f32.msk $0xffff, v3  }
0x3f3: {  	[tilespmem:s13+$0xFFFFFFD0] =	vst.add.f32.msk $0xffff, v4  }
0x3f4: {  	[tilespmem:s13+$0xFFFFFF90] =	vst.add.f32.msk $0xffff, v6  }
0x3f5: {  	[tilespmem:s13+$0xFFFFFFE0] =	vst.add.f32.msk $0xffff, v63  }
0x3f6: {  	s14 =	simm.s32 $0x0;
	s15 =	sadd.s32 $0x80, s15;
	[tilespmem:s13+$0xFFFFFFF0] =	vst.add.f32.msk $0xffff, v5  }
.LBB2_64:
0x3f7: {  	v0 =	vld [tilespmem:s15+$0x30];
	s14 =	sadd.s32 $0x8, s14  }
0x3f8: {  	v1 =	vld [tilespmem:s15+$0xFFFFFFD0];
	p1 =	slt.u32 s14, $0x20  }
0x3f9: {  	v2 =	vld [tilespmem:s15+$0xFFFFFFE0]  }
0x3fa: {  	v3 =	vld [tilespmem:s15+$0xFFFFFFF0]  }
0x3fb: {  	s13 =	sadd.s32 $0x400, s13;
	v4 =	vld [tilespmem:s15+$0x0]  }
0x3fc: {  	[tilespmem:s13+$0x0] =	vst.add.f32.msk $0xffff, v0  }
0x3fd: {  	v0 =	vld [tilespmem:s15+$0x10]  }
0x3fe: {  	v5 =	vld [tilespmem:s15+$0x20]  }
0x3ff: {  	v6 =	vld [tilespmem:s15+$0xFFFFFFC0]  }
0x400: {  	[tilespmem:s13+$0xFFFFFFA0] =	vst.add.f32.msk $0xffff, v1  }
0x401: {  	[tilespmem:s13+$0xFFFFFFB0] =	vst.add.f32.msk $0xffff, v2  }
.Ltmp45:
0x402: {  	[tilespmem:s13+$0xFFFFFFC0] =	vst.add.f32.msk $0xffff, v3;
	(pc) =	sbr.rel @p1 .LBB2_64-.Ltmp45, $4  }
0x403: {  	[tilespmem:s13+$0xFFFFFFD0] =	vst.add.f32.msk $0xffff, v4  }
0x404: {  	[tilespmem:s13+$0xFFFFFF90] =	vst.add.f32.msk $0xffff, v6  }
0x405: {  	[tilespmem:s13+$0xFFFFFFE0] =	vst.add.f32.msk $0xffff, v0  }
0x406: {  	s15 =	sadd.s32 $0x80, s15;
	[tilespmem:s13+$0xFFFFFFF0] =	vst.add.f32.msk $0xffff, v5  }
.LBB2_65:
0x407: {  	s13 =	sor.u32 $0x85, s11  }
0x408: {  	s13 =	sld [smem:s13+$0x0];
	_ =	sdelay $0x2  }
0x409: {  	p1 =	slt.f32 s13, $8.000000110e-01  }
.Ltmp46:
0x40a: {  	_ = 	snop;
	(pc) =	sbr.rel @!p1 .LBB2_68-.Ltmp46, $1  }
0x40b: {  	_ =	sdelay $0x3  }
0x40c: {  	s13 =	sor.u32 $0x5, s11  }
0x40d: {  	s13 =	sld [smem:s13+$0x0];
	_ =	sdelay $0x2  }
0x40e: {  	s13 =	smul.u32 $0xFA00, s13;
	_ =	sdelay $0x1  }
0x40f: {  	s13 =	sadd.s32 s12, s13  }
0x410: {  	s13 =	sshra.s32 s13, $0x2  }
0x411: {  	s15 =	sadd.s32 $0x40, s13  }
0x412: {  	v0 =	vld [tilespmem:s15+$0x30]  }
0x413: {  	v1 =	vld [tilespmem:s15+$0xFFFFFFD0]  }
0x414: {  	v2 =	vld [tilespmem:s15+$0xFFFFFFE0]  }
0x415: {  	v3 =	vld [tilespmem:s15+$0xFFFFFFF0]  }
0x416: {  	v4 =	vld [tilespmem:s15+$0x0]  }
0x417: {  	v63 =	vld [tilespmem:s15+$0x10]  }
0x418: {  	v5 =	vld [tilespmem:s15+$0x20]  }
0x419: {  	s13 =	simm.s32 $0x1BA60;
	v6 =	vld [tilespmem:s15+$0xFFFFFFC0]  }
0x41a: {  	[tilespmem:s13+$0x0] =	vst.add.f32.msk $0xffff, v0  }
0x41b: {  	[tilespmem:s13+$0xFFFFFFA0] =	vst.add.f32.msk $0xffff, v1  }
0x41c: {  	[tilespmem:s13+$0xFFFFFFB0] =	vst.add.f32.msk $0xffff, v2  }
0x41d: {  	[tilespmem:s13+$0xFFFFFFC0] =	vst.add.f32.msk $0xffff, v3  }
0x41e: {  	[tilespmem:s13+$0xFFFFFFD0] =	vst.add.f32.msk $0xffff, v4  }
0x41f: {  	[tilespmem:s13+$0xFFFFFF90] =	vst.add.f32.msk $0xffff, v6  }
0x420: {  	[tilespmem:s13+$0xFFFFFFE0] =	vst.add.f32.msk $0xffff, v63  }
0x421: {  	s14 =	simm.s32 $0x0;
	s15 =	sadd.s32 $0x80, s15;
	[tilespmem:s13+$0xFFFFFFF0] =	vst.add.f32.msk $0xffff, v5  }
.LBB2_67:
0x422: {  	v0 =	vld [tilespmem:s15+$0x30];
	s14 =	sadd.s32 $0x8, s14  }
0x423: {  	v1 =	vld [tilespmem:s15+$0xFFFFFFD0];
	p1 =	slt.u32 s14, $0x20  }
0x424: {  	v2 =	vld [tilespmem:s15+$0xFFFFFFE0]  }
0x425: {  	v3 =	vld [tilespmem:s15+$0xFFFFFFF0]  }
0x426: {  	s13 =	sadd.s32 $0x400, s13;
	v4 =	vld [tilespmem:s15+$0x0]  }
0x427: {  	[tilespmem:s13+$0x0] =	vst.add.f32.msk $0xffff, v0  }
0x428: {  	v0 =	vld [tilespmem:s15+$0x10]  }
0x429: {  	v5 =	vld [tilespmem:s15+$0x20]  }
0x42a: {  	v6 =	vld [tilespmem:s15+$0xFFFFFFC0]  }
0x42b: {  	[tilespmem:s13+$0xFFFFFFA0] =	vst.add.f32.msk $0xffff, v1  }
0x42c: {  	[tilespmem:s13+$0xFFFFFFB0] =	vst.add.f32.msk $0xffff, v2  }
.Ltmp47:
0x42d: {  	[tilespmem:s13+$0xFFFFFFC0] =	vst.add.f32.msk $0xffff, v3;
	(pc) =	sbr.rel @p1 .LBB2_67-.Ltmp47, $4  }
0x42e: {  	[tilespmem:s13+$0xFFFFFFD0] =	vst.add.f32.msk $0xffff, v4  }
0x42f: {  	[tilespmem:s13+$0xFFFFFF90] =	vst.add.f32.msk $0xffff, v6  }
0x430: {  	[tilespmem:s13+$0xFFFFFFE0] =	vst.add.f32.msk $0xffff, v0  }
0x431: {  	s15 =	sadd.s32 $0x80, s15;
	[tilespmem:s13+$0xFFFFFFF0] =	vst.add.f32.msk $0xffff, v5  }
.LBB2_68:
0x432: {  	s13 =	sor.u32 $0x86, s11  }
0x433: {  	s13 =	sld [smem:s13+$0x0];
	_ =	sdelay $0x2  }
0x434: {  	p1 =	slt.f32 s13, $8.000000110e-01  }
.Ltmp48:
0x435: {  	_ = 	snop;
	(pc) =	sbr.rel @!p1 .LBB2_71-.Ltmp48, $1  }
0x436: {  	_ =	sdelay $0x3  }
0x437: {  	s13 =	sor.u32 $0x6, s11  }
0x438: {  	s13 =	sld [smem:s13+$0x0];
	_ =	sdelay $0x2  }
0x439: {  	s13 =	smul.u32 $0xFA00, s13;
	_ =	sdelay $0x1  }
0x43a: {  	s13 =	sadd.s32 s12, s13  }
0x43b: {  	s13 =	sshra.s32 s13, $0x2  }
0x43c: {  	s15 =	sadd.s32 $0x40, s13  }
0x43d: {  	v0 =	vld [tilespmem:s15+$0x30]  }
0x43e: {  	v1 =	vld [tilespmem:s15+$0xFFFFFFD0]  }
0x43f: {  	v2 =	vld [tilespmem:s15+$0xFFFFFFE0]  }
0x440: {  	v3 =	vld [tilespmem:s15+$0xFFFFFFF0]  }
0x441: {  	v4 =	vld [tilespmem:s15+$0x0]  }
0x442: {  	v63 =	vld [tilespmem:s15+$0x10]  }
0x443: {  	v5 =	vld [tilespmem:s15+$0x20]  }
0x444: {  	s13 =	simm.s32 $0x1BAE0;
	v6 =	vld [tilespmem:s15+$0xFFFFFFC0]  }
0x445: {  	[tilespmem:s13+$0x0] =	vst.add.f32.msk $0xffff, v0  }
0x446: {  	[tilespmem:s13+$0xFFFFFFA0] =	vst.add.f32.msk $0xffff, v1  }
0x447: {  	[tilespmem:s13+$0xFFFFFFB0] =	vst.add.f32.msk $0xffff, v2  }
0x448: {  	[tilespmem:s13+$0xFFFFFFC0] =	vst.add.f32.msk $0xffff, v3  }
0x449: {  	[tilespmem:s13+$0xFFFFFFD0] =	vst.add.f32.msk $0xffff, v4  }
0x44a: {  	[tilespmem:s13+$0xFFFFFF90] =	vst.add.f32.msk $0xffff, v6  }
0x44b: {  	[tilespmem:s13+$0xFFFFFFE0] =	vst.add.f32.msk $0xffff, v63  }
0x44c: {  	s14 =	simm.s32 $0x0;
	s15 =	sadd.s32 $0x80, s15;
	[tilespmem:s13+$0xFFFFFFF0] =	vst.add.f32.msk $0xffff, v5  }
.LBB2_70:
0x44d: {  	v0 =	vld [tilespmem:s15+$0x30];
	s14 =	sadd.s32 $0x8, s14  }
0x44e: {  	v1 =	vld [tilespmem:s15+$0xFFFFFFD0];
	p1 =	slt.u32 s14, $0x20  }
0x44f: {  	v2 =	vld [tilespmem:s15+$0xFFFFFFE0]  }
0x450: {  	v3 =	vld [tilespmem:s15+$0xFFFFFFF0]  }
0x451: {  	s13 =	sadd.s32 $0x400, s13;
	v4 =	vld [tilespmem:s15+$0x0]  }
0x452: {  	[tilespmem:s13+$0x0] =	vst.add.f32.msk $0xffff, v0  }
0x453: {  	v0 =	vld [tilespmem:s15+$0x10]  }
0x454: {  	v5 =	vld [tilespmem:s15+$0x20]  }
0x455: {  	v6 =	vld [tilespmem:s15+$0xFFFFFFC0]  }
0x456: {  	[tilespmem:s13+$0xFFFFFFA0] =	vst.add.f32.msk $0xffff, v1  }
0x457: {  	[tilespmem:s13+$0xFFFFFFB0] =	vst.add.f32.msk $0xffff, v2  }
.Ltmp49:
0x458: {  	[tilespmem:s13+$0xFFFFFFC0] =	vst.add.f32.msk $0xffff, v3;
	(pc) =	sbr.rel @p1 .LBB2_70-.Ltmp49, $4  }
0x459: {  	[tilespmem:s13+$0xFFFFFFD0] =	vst.add.f32.msk $0xffff, v4  }
0x45a: {  	[tilespmem:s13+$0xFFFFFF90] =	vst.add.f32.msk $0xffff, v6  }
0x45b: {  	[tilespmem:s13+$0xFFFFFFE0] =	vst.add.f32.msk $0xffff, v0  }
0x45c: {  	s15 =	sadd.s32 $0x80, s15;
	[tilespmem:s13+$0xFFFFFFF0] =	vst.add.f32.msk $0xffff, v5  }
.LBB2_71:
0x45d: {  	s13 =	sor.u32 $0x87, s11  }
0x45e: {  	s13 =	sld [smem:s13+$0x0];
	_ =	sdelay $0x2  }
0x45f: {  	p1 =	slt.f32 s13, $8.000000110e-01  }
.Ltmp50:
0x460: {  	_ = 	snop;
	(pc) =	sbr.rel @!p1 .LBB2_74-.Ltmp50, $1  }
0x461: {  	_ =	sdelay $0x3  }
0x462: {  	s13 =	sor.u32 $0x7, s11  }
0x463: {  	s13 =	sld [smem:s13+$0x0];
	_ =	sdelay $0x2  }
0x464: {  	s13 =	smul.u32 $0xFA00, s13;
	_ =	sdelay $0x1  }
0x465: {  	s12 =	sadd.s32 s12, s13  }
0x466: {  	s12 =	sshra.s32 s12, $0x2  }
0x467: {  	s14 =	sadd.s32 $0x40, s12  }
0x468: {  	v0 =	vld [tilespmem:s14+$0x30]  }
0x469: {  	v1 =	vld [tilespmem:s14+$0xFFFFFFD0]  }
0x46a: {  	v2 =	vld [tilespmem:s14+$0xFFFFFFE0]  }
0x46b: {  	v3 =	vld [tilespmem:s14+$0xFFFFFFF0]  }
0x46c: {  	v4 =	vld [tilespmem:s14+$0x0]  }
0x46d: {  	v63 =	vld [tilespmem:s14+$0x10]  }
0x46e: {  	v5 =	vld [tilespmem:s14+$0x20]  }
0x46f: {  	s12 =	simm.s32 $0x1BB60;
	v6 =	vld [tilespmem:s14+$0xFFFFFFC0]  }
0x470: {  	[tilespmem:s12+$0x0] =	vst.add.f32.msk $0xffff, v0  }
0x471: {  	[tilespmem:s12+$0xFFFFFFA0] =	vst.add.f32.msk $0xffff, v1  }
0x472: {  	[tilespmem:s12+$0xFFFFFFB0] =	vst.add.f32.msk $0xffff, v2  }
0x473: {  	[tilespmem:s12+$0xFFFFFFC0] =	vst.add.f32.msk $0xffff, v3  }
0x474: {  	[tilespmem:s12+$0xFFFFFFD0] =	vst.add.f32.msk $0xffff, v4  }
0x475: {  	[tilespmem:s12+$0xFFFFFF90] =	vst.add.f32.msk $0xffff, v6  }
0x476: {  	[tilespmem:s12+$0xFFFFFFE0] =	vst.add.f32.msk $0xffff, v63  }
0x477: {  	s13 =	simm.s32 $0x0;
	s14 =	sadd.s32 $0x80, s14;
	[tilespmem:s12+$0xFFFFFFF0] =	vst.add.f32.msk $0xffff, v5  }
.LBB2_73:
0x478: {  	v0 =	vld [tilespmem:s14+$0x30];
	s13 =	sadd.s32 $0x8, s13  }
0x479: {  	v1 =	vld [tilespmem:s14+$0xFFFFFFD0];
	p1 =	slt.u32 s13, $0x20  }
0x47a: {  	v2 =	vld [tilespmem:s14+$0xFFFFFFE0]  }
0x47b: {  	v3 =	vld [tilespmem:s14+$0xFFFFFFF0]  }
0x47c: {  	s12 =	sadd.s32 $0x400, s12;
	v4 =	vld [tilespmem:s14+$0x0]  }
0x47d: {  	[tilespmem:s12+$0x0] =	vst.add.f32.msk $0xffff, v0  }
0x47e: {  	v0 =	vld [tilespmem:s14+$0x10]  }
0x47f: {  	v5 =	vld [tilespmem:s14+$0x20]  }
0x480: {  	v6 =	vld [tilespmem:s14+$0xFFFFFFC0]  }
0x481: {  	[tilespmem:s12+$0xFFFFFFA0] =	vst.add.f32.msk $0xffff, v1  }
0x482: {  	[tilespmem:s12+$0xFFFFFFB0] =	vst.add.f32.msk $0xffff, v2  }
.Ltmp51:
0x483: {  	[tilespmem:s12+$0xFFFFFFC0] =	vst.add.f32.msk $0xffff, v3;
	(pc) =	sbr.rel @p1 .LBB2_73-.Ltmp51, $4  }
0x484: {  	[tilespmem:s12+$0xFFFFFFD0] =	vst.add.f32.msk $0xffff, v4  }
0x485: {  	[tilespmem:s12+$0xFFFFFF90] =	vst.add.f32.msk $0xffff, v6  }
0x486: {  	[tilespmem:s12+$0xFFFFFFE0] =	vst.add.f32.msk $0xffff, v0  }
0x487: {  	s14 =	sadd.s32 $0x80, s14;
	[tilespmem:s12+$0xFFFFFFF0] =	vst.add.f32.msk $0xffff, v5  }
.LBB2_74:
0x488: {  	s11 =	sor.u32 s4, s11;
	s12 =	smul.u32 $0x18, s21;
	s9 =	sshrl.u32 s9, $0x2  }
0x489: {  	s11 =	sshrl.u32 s11, $0x3;
	s9 =	smul.u32 $0x1400, s9  }
0x48a: {  	s13 =	smul.u32 $0x1F400, s11;
	s11 =	sand.u32 $0x18, s12  }
0x48b: {  	s12 =	sor.u32 s4, s11  }
0x48c: {  	s15 =	sadd.s32 $0x4, s7;
	s9 =	sadd.s32 s9, s13;
	s12 =	sshrl.u32 s12, $0x3  }
0x48d: {  	s13 =	sshrl.u32 s15, $0x2;
	s9 =	sshrl.u32 s9, $0x3;
	s12 =	smul.u32 $0x1F400, s12  }
0x48e: {  	s13 =	smul.u32 $0x1400, s13;
	s9 =	sadd.s32 s2, s9  }
0x48f: {  	[hbm4b:s9+s5] =	stream.linear.scatter [tilespmem:s25], [sflag:$0x6], $0x1400, $0x38;
	[tilespmem:$0x1CB70] =	vst v63  }
0x490: {  	s12 =	sadd.s32 s13, s12;
	_ =	swait.ge [sflag:s30], $0x1400  }
0x491: {  	s9 =	sshrl.u32 s12, $0x3;
	[sflag:s30] =	ssyncset.done $0x0  }
0x492: {  	s13 =	sadd.s32 s0, s9;
	[sflag:s30] =	ssyncadd.s32 $0xFFFFEC00  }
0x493: {  	[tilespmem:s19], [sflag:$0x2] =	stream.linear.gather [hbm4b:s13+s5], $0x1400, $0x38;
	[tilespmem:$0x1CB70] =	vst v63  }
0x494: {  	_ =	swait.ge [sflag:s24], $0x1400  }
0x495: {  	[sflag:s24] =	ssyncset.done $0x0  }
0x496: {  	[sflag:s24] =	ssyncadd.s32 $0xFFFFEC00  }
0x497: {  	s14 =	sld [smem:s10+$0x80];
	_ =	sdelay $0x2  }
0x498: {  	p1 =	slt.f32 s14, $8.000000110e-01  }
.Ltmp52:
0x499: {  	_ = 	snop;
	(pc) =	sbr.rel @!p1 .LBB2_77-.Ltmp52, $3  }
0x49a: {  	_ =	sdelay $0x1  }
0x49b: {  	s15 =	sshrl.u32 s3, $0x2  }
0x49c: {  	s12 =	smul.u32 $0xA00, s15  }
0x49d: {  	s13 =	sld [smem:s10+$0x0];
	_ =	sdelay $0x2  }
0x49e: {  	s13 =	smul.u32 $0xFA00, s13;
	_ =	sdelay $0x1  }
0x49f: {  	s13 =	sadd.s32 s12, s13  }
0x4a0: {  	s13 =	sshra.s32 s13, $0x2  }
0x4a1: {  	s15 =	sadd.s32 $0x40, s13  }
0x4a2: {  	v0 =	vld [tilespmem:s15+$0x30]  }
0x4a3: {  	v1 =	vld [tilespmem:s15+$0xFFFFFFD0]  }
0x4a4: {  	v2 =	vld [tilespmem:s15+$0xFFFFFFE0]  }
0x4a5: {  	v3 =	vld [tilespmem:s15+$0xFFFFFFF0]  }
0x4a6: {  	v4 =	vld [tilespmem:s15+$0x0]  }
0x4a7: {  	v63 =	vld [tilespmem:s15+$0x10]  }
0x4a8: {  	v5 =	vld [tilespmem:s15+$0x20]  }
0x4a9: {  	s13 =	simm.s32 $0x18FE0;
	v6 =	vld [tilespmem:s15+$0xFFFFFFC0]  }
0x4aa: {  	[tilespmem:s13+$0x0] =	vst.add.f32.msk $0xffff, v0  }
0x4ab: {  	[tilespmem:s13+$0xFFFFFFA0] =	vst.add.f32.msk $0xffff, v1  }
0x4ac: {  	[tilespmem:s13+$0xFFFFFFB0] =	vst.add.f32.msk $0xffff, v2  }
0x4ad: {  	[tilespmem:s13+$0xFFFFFFC0] =	vst.add.f32.msk $0xffff, v3  }
0x4ae: {  	[tilespmem:s13+$0xFFFFFFD0] =	vst.add.f32.msk $0xffff, v4  }
0x4af: {  	[tilespmem:s13+$0xFFFFFF90] =	vst.add.f32.msk $0xffff, v6  }
0x4b0: {  	[tilespmem:s13+$0xFFFFFFE0] =	vst.add.f32.msk $0xffff, v63  }
0x4b1: {  	s14 =	simm.s32 $0x0;
	s15 =	sadd.s32 $0x80, s15;
	[tilespmem:s13+$0xFFFFFFF0] =	vst.add.f32.msk $0xffff, v5  }
.LBB2_76:
0x4b2: {  	v0 =	vld [tilespmem:s15+$0x30];
	s14 =	sadd.s32 $0x8, s14  }
0x4b3: {  	v1 =	vld [tilespmem:s15+$0xFFFFFFD0];
	p1 =	slt.u32 s14, $0x20  }
0x4b4: {  	v2 =	vld [tilespmem:s15+$0xFFFFFFE0]  }
0x4b5: {  	v3 =	vld [tilespmem:s15+$0xFFFFFFF0]  }
0x4b6: {  	s13 =	sadd.s32 $0x400, s13;
	v4 =	vld [tilespmem:s15+$0x0]  }
0x4b7: {  	[tilespmem:s13+$0x0] =	vst.add.f32.msk $0xffff, v0  }
0x4b8: {  	v0 =	vld [tilespmem:s15+$0x10]  }
0x4b9: {  	v5 =	vld [tilespmem:s15+$0x20]  }
0x4ba: {  	v6 =	vld [tilespmem:s15+$0xFFFFFFC0]  }
0x4bb: {  	[tilespmem:s13+$0xFFFFFFA0] =	vst.add.f32.msk $0xffff, v1  }
0x4bc: {  	[tilespmem:s13+$0xFFFFFFB0] =	vst.add.f32.msk $0xffff, v2  }
.Ltmp53:
0x4bd: {  	[tilespmem:s13+$0xFFFFFFC0] =	vst.add.f32.msk $0xffff, v3;
	(pc) =	sbr.rel @p1 .LBB2_76-.Ltmp53, $4  }
0x4be: {  	[tilespmem:s13+$0xFFFFFFD0] =	vst.add.f32.msk $0xffff, v4  }
0x4bf: {  	[tilespmem:s13+$0xFFFFFF90] =	vst.add.f32.msk $0xffff, v6  }
0x4c0: {  	[tilespmem:s13+$0xFFFFFFE0] =	vst.add.f32.msk $0xffff, v0  }
0x4c1: {  	s15 =	sadd.s32 $0x80, s15;
	[tilespmem:s13+$0xFFFFFFF0] =	vst.add.f32.msk $0xffff, v5  }
.LBB2_77:
0x4c2: {  	s13 =	sor.u32 $0x81, s10  }
0x4c3: {  	s13 =	sld [smem:s13+$0x0];
	_ =	sdelay $0x2  }
0x4c4: {  	p1 =	slt.f32 s13, $8.000000110e-01  }
.Ltmp54:
0x4c5: {  	_ = 	snop;
	(pc) =	sbr.rel @!p1 .LBB2_80-.Ltmp54, $1  }
0x4c6: {  	_ =	sdelay $0x3  }
0x4c7: {  	s13 =	sor.u32 $0x1, s10  }
0x4c8: {  	s13 =	sld [smem:s13+$0x0];
	_ =	sdelay $0x2  }
0x4c9: {  	s13 =	smul.u32 $0xFA00, s13;
	_ =	sdelay $0x1  }
0x4ca: {  	s13 =	sadd.s32 s12, s13  }
0x4cb: {  	s13 =	sshra.s32 s13, $0x2  }
0x4cc: {  	s15 =	sadd.s32 $0x40, s13  }
0x4cd: {  	v0 =	vld [tilespmem:s15+$0x30]  }
0x4ce: {  	v1 =	vld [tilespmem:s15+$0xFFFFFFD0]  }
0x4cf: {  	v2 =	vld [tilespmem:s15+$0xFFFFFFE0]  }
0x4d0: {  	v3 =	vld [tilespmem:s15+$0xFFFFFFF0]  }
0x4d1: {  	v4 =	vld [tilespmem:s15+$0x0]  }
0x4d2: {  	v63 =	vld [tilespmem:s15+$0x10]  }
0x4d3: {  	v5 =	vld [tilespmem:s15+$0x20]  }
0x4d4: {  	s13 =	simm.s32 $0x19060;
	v6 =	vld [tilespmem:s15+$0xFFFFFFC0]  }
0x4d5: {  	[tilespmem:s13+$0x0] =	vst.add.f32.msk $0xffff, v0  }
0x4d6: {  	[tilespmem:s13+$0xFFFFFFA0] =	vst.add.f32.msk $0xffff, v1  }
0x4d7: {  	[tilespmem:s13+$0xFFFFFFB0] =	vst.add.f32.msk $0xffff, v2  }
0x4d8: {  	[tilespmem:s13+$0xFFFFFFC0] =	vst.add.f32.msk $0xffff, v3  }
0x4d9: {  	[tilespmem:s13+$0xFFFFFFD0] =	vst.add.f32.msk $0xffff, v4  }
0x4da: {  	[tilespmem:s13+$0xFFFFFF90] =	vst.add.f32.msk $0xffff, v6  }
0x4db: {  	[tilespmem:s13+$0xFFFFFFE0] =	vst.add.f32.msk $0xffff, v63  }
0x4dc: {  	s14 =	simm.s32 $0x0;
	s15 =	sadd.s32 $0x80, s15;
	[tilespmem:s13+$0xFFFFFFF0] =	vst.add.f32.msk $0xffff, v5  }
.LBB2_79:
0x4dd: {  	v0 =	vld [tilespmem:s15+$0x30];
	s14 =	sadd.s32 $0x8, s14  }
0x4de: {  	v1 =	vld [tilespmem:s15+$0xFFFFFFD0];
	p1 =	slt.u32 s14, $0x20  }
0x4df: {  	v2 =	vld [tilespmem:s15+$0xFFFFFFE0]  }
0x4e0: {  	v3 =	vld [tilespmem:s15+$0xFFFFFFF0]  }
0x4e1: {  	s13 =	sadd.s32 $0x400, s13;
	v4 =	vld [tilespmem:s15+$0x0]  }
0x4e2: {  	[tilespmem:s13+$0x0] =	vst.add.f32.msk $0xffff, v0  }
0x4e3: {  	v0 =	vld [tilespmem:s15+$0x10]  }
0x4e4: {  	v5 =	vld [tilespmem:s15+$0x20]  }
0x4e5: {  	v6 =	vld [tilespmem:s15+$0xFFFFFFC0]  }
0x4e6: {  	[tilespmem:s13+$0xFFFFFFA0] =	vst.add.f32.msk $0xffff, v1  }
0x4e7: {  	[tilespmem:s13+$0xFFFFFFB0] =	vst.add.f32.msk $0xffff, v2  }
.Ltmp55:
0x4e8: {  	[tilespmem:s13+$0xFFFFFFC0] =	vst.add.f32.msk $0xffff, v3;
	(pc) =	sbr.rel @p1 .LBB2_79-.Ltmp55, $4  }
0x4e9: {  	[tilespmem:s13+$0xFFFFFFD0] =	vst.add.f32.msk $0xffff, v4  }
0x4ea: {  	[tilespmem:s13+$0xFFFFFF90] =	vst.add.f32.msk $0xffff, v6  }
0x4eb: {  	[tilespmem:s13+$0xFFFFFFE0] =	vst.add.f32.msk $0xffff, v0  }
0x4ec: {  	s15 =	sadd.s32 $0x80, s15;
	[tilespmem:s13+$0xFFFFFFF0] =	vst.add.f32.msk $0xffff, v5  }
.LBB2_80:
0x4ed: {  	s13 =	sor.u32 $0x82, s10  }
0x4ee: {  	s13 =	sld [smem:s13+$0x0];
	_ =	sdelay $0x2  }
0x4ef: {  	p1 =	slt.f32 s13, $8.000000110e-01  }
.Ltmp56:
0x4f0: {  	_ = 	snop;
	(pc) =	sbr.rel @!p1 .LBB2_83-.Ltmp56, $1  }
0x4f1: {  	_ =	sdelay $0x3  }
0x4f2: {  	s13 =	sor.u32 $0x2, s10  }
0x4f3: {  	s13 =	sld [smem:s13+$0x0];
	_ =	sdelay $0x2  }
0x4f4: {  	s13 =	smul.u32 $0xFA00, s13;
	_ =	sdelay $0x1  }
0x4f5: {  	s13 =	sadd.s32 s12, s13  }
0x4f6: {  	s13 =	sshra.s32 s13, $0x2  }
0x4f7: {  	s15 =	sadd.s32 $0x40, s13  }
0x4f8: {  	v0 =	vld [tilespmem:s15+$0x30]  }
0x4f9: {  	v1 =	vld [tilespmem:s15+$0xFFFFFFD0]  }
0x4fa: {  	v2 =	vld [tilespmem:s15+$0xFFFFFFE0]  }
0x4fb: {  	v3 =	vld [tilespmem:s15+$0xFFFFFFF0]  }
0x4fc: {  	v4 =	vld [tilespmem:s15+$0x0]  }
0x4fd: {  	v63 =	vld [tilespmem:s15+$0x10]  }
0x4fe: {  	v5 =	vld [tilespmem:s15+$0x20]  }
0x4ff: {  	s13 =	simm.s32 $0x190E0;
	v6 =	vld [tilespmem:s15+$0xFFFFFFC0]  }
0x500: {  	[tilespmem:s13+$0x0] =	vst.add.f32.msk $0xffff, v0  }
0x501: {  	[tilespmem:s13+$0xFFFFFFA0] =	vst.add.f32.msk $0xffff, v1  }
0x502: {  	[tilespmem:s13+$0xFFFFFFB0] =	vst.add.f32.msk $0xffff, v2  }
0x503: {  	[tilespmem:s13+$0xFFFFFFC0] =	vst.add.f32.msk $0xffff, v3  }
0x504: {  	[tilespmem:s13+$0xFFFFFFD0] =	vst.add.f32.msk $0xffff, v4  }
0x505: {  	[tilespmem:s13+$0xFFFFFF90] =	vst.add.f32.msk $0xffff, v6  }
0x506: {  	[tilespmem:s13+$0xFFFFFFE0] =	vst.add.f32.msk $0xffff, v63  }
0x507: {  	s14 =	simm.s32 $0x0;
	s15 =	sadd.s32 $0x80, s15;
	[tilespmem:s13+$0xFFFFFFF0] =	vst.add.f32.msk $0xffff, v5  }
.LBB2_82:
0x508: {  	v0 =	vld [tilespmem:s15+$0x30];
	s14 =	sadd.s32 $0x8, s14  }
0x509: {  	v1 =	vld [tilespmem:s15+$0xFFFFFFD0];
	p1 =	slt.u32 s14, $0x20  }
0x50a: {  	v2 =	vld [tilespmem:s15+$0xFFFFFFE0]  }
0x50b: {  	v3 =	vld [tilespmem:s15+$0xFFFFFFF0]  }
0x50c: {  	s13 =	sadd.s32 $0x400, s13;
	v4 =	vld [tilespmem:s15+$0x0]  }
0x50d: {  	[tilespmem:s13+$0x0] =	vst.add.f32.msk $0xffff, v0  }
0x50e: {  	v0 =	vld [tilespmem:s15+$0x10]  }
0x50f: {  	v5 =	vld [tilespmem:s15+$0x20]  }
0x510: {  	v6 =	vld [tilespmem:s15+$0xFFFFFFC0]  }
0x511: {  	[tilespmem:s13+$0xFFFFFFA0] =	vst.add.f32.msk $0xffff, v1  }
0x512: {  	[tilespmem:s13+$0xFFFFFFB0] =	vst.add.f32.msk $0xffff, v2  }
.Ltmp57:
0x513: {  	[tilespmem:s13+$0xFFFFFFC0] =	vst.add.f32.msk $0xffff, v3;
	(pc) =	sbr.rel @p1 .LBB2_82-.Ltmp57, $4  }
0x514: {  	[tilespmem:s13+$0xFFFFFFD0] =	vst.add.f32.msk $0xffff, v4  }
0x515: {  	[tilespmem:s13+$0xFFFFFF90] =	vst.add.f32.msk $0xffff, v6  }
0x516: {  	[tilespmem:s13+$0xFFFFFFE0] =	vst.add.f32.msk $0xffff, v0  }
0x517: {  	s15 =	sadd.s32 $0x80, s15;
	[tilespmem:s13+$0xFFFFFFF0] =	vst.add.f32.msk $0xffff, v5  }
.LBB2_83:
0x518: {  	s13 =	sor.u32 $0x83, s10  }
0x519: {  	s13 =	sld [smem:s13+$0x0];
	_ =	sdelay $0x2  }
0x51a: {  	p1 =	slt.f32 s13, $8.000000110e-01  }
.Ltmp58:
0x51b: {  	_ = 	snop;
	(pc) =	sbr.rel @!p1 .LBB2_86-.Ltmp58, $1  }
0x51c: {  	_ =	sdelay $0x3  }
0x51d: {  	s13 =	sor.u32 $0x3, s10  }
0x51e: {  	s13 =	sld [smem:s13+$0x0];
	_ =	sdelay $0x2  }
0x51f: {  	s13 =	smul.u32 $0xFA00, s13;
	_ =	sdelay $0x1  }
0x520: {  	s13 =	sadd.s32 s12, s13  }
0x521: {  	s13 =	sshra.s32 s13, $0x2  }
0x522: {  	s15 =	sadd.s32 $0x40, s13  }
0x523: {  	v0 =	vld [tilespmem:s15+$0x30]  }
0x524: {  	v1 =	vld [tilespmem:s15+$0xFFFFFFD0]  }
0x525: {  	v2 =	vld [tilespmem:s15+$0xFFFFFFE0]  }
0x526: {  	v3 =	vld [tilespmem:s15+$0xFFFFFFF0]  }
0x527: {  	v4 =	vld [tilespmem:s15+$0x0]  }
0x528: {  	v63 =	vld [tilespmem:s15+$0x10]  }
0x529: {  	v5 =	vld [tilespmem:s15+$0x20]  }
0x52a: {  	s13 =	simm.s32 $0x19160;
	v6 =	vld [tilespmem:s15+$0xFFFFFFC0]  }
0x52b: {  	[tilespmem:s13+$0x0] =	vst.add.f32.msk $0xffff, v0  }
0x52c: {  	[tilespmem:s13+$0xFFFFFFA0] =	vst.add.f32.msk $0xffff, v1  }
0x52d: {  	[tilespmem:s13+$0xFFFFFFB0] =	vst.add.f32.msk $0xffff, v2  }
0x52e: {  	[tilespmem:s13+$0xFFFFFFC0] =	vst.add.f32.msk $0xffff, v3  }
0x52f: {  	[tilespmem:s13+$0xFFFFFFD0] =	vst.add.f32.msk $0xffff, v4  }
0x530: {  	[tilespmem:s13+$0xFFFFFF90] =	vst.add.f32.msk $0xffff, v6  }
0x531: {  	[tilespmem:s13+$0xFFFFFFE0] =	vst.add.f32.msk $0xffff, v63  }
0x532: {  	s14 =	simm.s32 $0x0;
	s15 =	sadd.s32 $0x80, s15;
	[tilespmem:s13+$0xFFFFFFF0] =	vst.add.f32.msk $0xffff, v5  }
.LBB2_85:
0x533: {  	v0 =	vld [tilespmem:s15+$0x30];
	s14 =	sadd.s32 $0x8, s14  }
0x534: {  	v1 =	vld [tilespmem:s15+$0xFFFFFFD0];
	p1 =	slt.u32 s14, $0x20  }
0x535: {  	v2 =	vld [tilespmem:s15+$0xFFFFFFE0]  }
0x536: {  	v3 =	vld [tilespmem:s15+$0xFFFFFFF0]  }
0x537: {  	s13 =	sadd.s32 $0x400, s13;
	v4 =	vld [tilespmem:s15+$0x0]  }
0x538: {  	[tilespmem:s13+$0x0] =	vst.add.f32.msk $0xffff, v0  }
0x539: {  	v0 =	vld [tilespmem:s15+$0x10]  }
0x53a: {  	v5 =	vld [tilespmem:s15+$0x20]  }
0x53b: {  	v6 =	vld [tilespmem:s15+$0xFFFFFFC0]  }
0x53c: {  	[tilespmem:s13+$0xFFFFFFA0] =	vst.add.f32.msk $0xffff, v1  }
0x53d: {  	[tilespmem:s13+$0xFFFFFFB0] =	vst.add.f32.msk $0xffff, v2  }
.Ltmp59:
0x53e: {  	[tilespmem:s13+$0xFFFFFFC0] =	vst.add.f32.msk $0xffff, v3;
	(pc) =	sbr.rel @p1 .LBB2_85-.Ltmp59, $4  }
0x53f: {  	[tilespmem:s13+$0xFFFFFFD0] =	vst.add.f32.msk $0xffff, v4  }
0x540: {  	[tilespmem:s13+$0xFFFFFF90] =	vst.add.f32.msk $0xffff, v6  }
0x541: {  	[tilespmem:s13+$0xFFFFFFE0] =	vst.add.f32.msk $0xffff, v0  }
0x542: {  	s15 =	sadd.s32 $0x80, s15;
	[tilespmem:s13+$0xFFFFFFF0] =	vst.add.f32.msk $0xffff, v5  }
.LBB2_86:
0x543: {  	s13 =	sor.u32 $0x84, s10  }
0x544: {  	s13 =	sld [smem:s13+$0x0];
	_ =	sdelay $0x2  }
0x545: {  	p1 =	slt.f32 s13, $8.000000110e-01  }
.Ltmp60:
0x546: {  	_ = 	snop;
	(pc) =	sbr.rel @!p1 .LBB2_89-.Ltmp60, $1  }
0x547: {  	_ =	sdelay $0x3  }
0x548: {  	s13 =	sor.u32 $0x4, s10  }
0x549: {  	s13 =	sld [smem:s13+$0x0];
	_ =	sdelay $0x2  }
0x54a: {  	s13 =	smul.u32 $0xFA00, s13;
	_ =	sdelay $0x1  }
0x54b: {  	s13 =	sadd.s32 s12, s13  }
0x54c: {  	s13 =	sshra.s32 s13, $0x2  }
0x54d: {  	s15 =	sadd.s32 $0x40, s13  }
0x54e: {  	v0 =	vld [tilespmem:s15+$0x30]  }
0x54f: {  	v1 =	vld [tilespmem:s15+$0xFFFFFFD0]  }
0x550: {  	v2 =	vld [tilespmem:s15+$0xFFFFFFE0]  }
0x551: {  	v3 =	vld [tilespmem:s15+$0xFFFFFFF0]  }
0x552: {  	v4 =	vld [tilespmem:s15+$0x0]  }
0x553: {  	v63 =	vld [tilespmem:s15+$0x10]  }
0x554: {  	v5 =	vld [tilespmem:s15+$0x20]  }
0x555: {  	s13 =	simm.s32 $0x191E0;
	v6 =	vld [tilespmem:s15+$0xFFFFFFC0]  }
0x556: {  	[tilespmem:s13+$0x0] =	vst.add.f32.msk $0xffff, v0  }
0x557: {  	[tilespmem:s13+$0xFFFFFFA0] =	vst.add.f32.msk $0xffff, v1  }
0x558: {  	[tilespmem:s13+$0xFFFFFFB0] =	vst.add.f32.msk $0xffff, v2  }
0x559: {  	[tilespmem:s13+$0xFFFFFFC0] =	vst.add.f32.msk $0xffff, v3  }
0x55a: {  	[tilespmem:s13+$0xFFFFFFD0] =	vst.add.f32.msk $0xffff, v4  }
0x55b: {  	[tilespmem:s13+$0xFFFFFF90] =	vst.add.f32.msk $0xffff, v6  }
0x55c: {  	[tilespmem:s13+$0xFFFFFFE0] =	vst.add.f32.msk $0xffff, v63  }
0x55d: {  	s14 =	simm.s32 $0x0;
	s15 =	sadd.s32 $0x80, s15;
	[tilespmem:s13+$0xFFFFFFF0] =	vst.add.f32.msk $0xffff, v5  }
.LBB2_88:
0x55e: {  	v0 =	vld [tilespmem:s15+$0x30];
	s14 =	sadd.s32 $0x8, s14  }
0x55f: {  	v1 =	vld [tilespmem:s15+$0xFFFFFFD0];
	p1 =	slt.u32 s14, $0x20  }
0x560: {  	v2 =	vld [tilespmem:s15+$0xFFFFFFE0]  }
0x561: {  	v3 =	vld [tilespmem:s15+$0xFFFFFFF0]  }
0x562: {  	s13 =	sadd.s32 $0x400, s13;
	v4 =	vld [tilespmem:s15+$0x0]  }
0x563: {  	[tilespmem:s13+$0x0] =	vst.add.f32.msk $0xffff, v0  }
0x564: {  	v0 =	vld [tilespmem:s15+$0x10]  }
0x565: {  	v5 =	vld [tilespmem:s15+$0x20]  }
0x566: {  	v6 =	vld [tilespmem:s15+$0xFFFFFFC0]  }
0x567: {  	[tilespmem:s13+$0xFFFFFFA0] =	vst.add.f32.msk $0xffff, v1  }
0x568: {  	[tilespmem:s13+$0xFFFFFFB0] =	vst.add.f32.msk $0xffff, v2  }
.Ltmp61:
0x569: {  	[tilespmem:s13+$0xFFFFFFC0] =	vst.add.f32.msk $0xffff, v3;
	(pc) =	sbr.rel @p1 .LBB2_88-.Ltmp61, $4  }
0x56a: {  	[tilespmem:s13+$0xFFFFFFD0] =	vst.add.f32.msk $0xffff, v4  }
0x56b: {  	[tilespmem:s13+$0xFFFFFF90] =	vst.add.f32.msk $0xffff, v6  }
0x56c: {  	[tilespmem:s13+$0xFFFFFFE0] =	vst.add.f32.msk $0xffff, v0  }
0x56d: {  	s15 =	sadd.s32 $0x80, s15;
	[tilespmem:s13+$0xFFFFFFF0] =	vst.add.f32.msk $0xffff, v5  }
.LBB2_89:
0x56e: {  	s13 =	sor.u32 $0x85, s10  }
0x56f: {  	s13 =	sld [smem:s13+$0x0];
	_ =	sdelay $0x2  }
0x570: {  	p1 =	slt.f32 s13, $8.000000110e-01  }
.Ltmp62:
0x571: {  	_ = 	snop;
	(pc) =	sbr.rel @!p1 .LBB2_92-.Ltmp62, $1  }
0x572: {  	_ =	sdelay $0x3  }
0x573: {  	s13 =	sor.u32 $0x5, s10  }
0x574: {  	s13 =	sld [smem:s13+$0x0];
	_ =	sdelay $0x2  }
0x575: {  	s13 =	smul.u32 $0xFA00, s13;
	_ =	sdelay $0x1  }
0x576: {  	s13 =	sadd.s32 s12, s13  }
0x577: {  	s13 =	sshra.s32 s13, $0x2  }
0x578: {  	s15 =	sadd.s32 $0x40, s13  }
0x579: {  	v0 =	vld [tilespmem:s15+$0x30]  }
0x57a: {  	v1 =	vld [tilespmem:s15+$0xFFFFFFD0]  }
0x57b: {  	v2 =	vld [tilespmem:s15+$0xFFFFFFE0]  }
0x57c: {  	v3 =	vld [tilespmem:s15+$0xFFFFFFF0]  }
0x57d: {  	v4 =	vld [tilespmem:s15+$0x0]  }
0x57e: {  	v63 =	vld [tilespmem:s15+$0x10]  }
0x57f: {  	v5 =	vld [tilespmem:s15+$0x20]  }
0x580: {  	s13 =	simm.s32 $0x19260;
	v6 =	vld [tilespmem:s15+$0xFFFFFFC0]  }
0x581: {  	[tilespmem:s13+$0x0] =	vst.add.f32.msk $0xffff, v0  }
0x582: {  	[tilespmem:s13+$0xFFFFFFA0] =	vst.add.f32.msk $0xffff, v1  }
0x583: {  	[tilespmem:s13+$0xFFFFFFB0] =	vst.add.f32.msk $0xffff, v2  }
0x584: {  	[tilespmem:s13+$0xFFFFFFC0] =	vst.add.f32.msk $0xffff, v3  }
0x585: {  	[tilespmem:s13+$0xFFFFFFD0] =	vst.add.f32.msk $0xffff, v4  }
0x586: {  	[tilespmem:s13+$0xFFFFFF90] =	vst.add.f32.msk $0xffff, v6  }
0x587: {  	[tilespmem:s13+$0xFFFFFFE0] =	vst.add.f32.msk $0xffff, v63  }
0x588: {  	s14 =	simm.s32 $0x0;
	s15 =	sadd.s32 $0x80, s15;
	[tilespmem:s13+$0xFFFFFFF0] =	vst.add.f32.msk $0xffff, v5  }
.LBB2_91:
0x589: {  	v0 =	vld [tilespmem:s15+$0x30];
	s14 =	sadd.s32 $0x8, s14  }
0x58a: {  	v1 =	vld [tilespmem:s15+$0xFFFFFFD0];
	p1 =	slt.u32 s14, $0x20  }
0x58b: {  	v2 =	vld [tilespmem:s15+$0xFFFFFFE0]  }
0x58c: {  	v3 =	vld [tilespmem:s15+$0xFFFFFFF0]  }
0x58d: {  	s13 =	sadd.s32 $0x400, s13;
	v4 =	vld [tilespmem:s15+$0x0]  }
0x58e: {  	[tilespmem:s13+$0x0] =	vst.add.f32.msk $0xffff, v0  }
0x58f: {  	v0 =	vld [tilespmem:s15+$0x10]  }
0x590: {  	v5 =	vld [tilespmem:s15+$0x20]  }
0x591: {  	v6 =	vld [tilespmem:s15+$0xFFFFFFC0]  }
0x592: {  	[tilespmem:s13+$0xFFFFFFA0] =	vst.add.f32.msk $0xffff, v1  }
0x593: {  	[tilespmem:s13+$0xFFFFFFB0] =	vst.add.f32.msk $0xffff, v2  }
.Ltmp63:
0x594: {  	[tilespmem:s13+$0xFFFFFFC0] =	vst.add.f32.msk $0xffff, v3;
	(pc) =	sbr.rel @p1 .LBB2_91-.Ltmp63, $4  }
0x595: {  	[tilespmem:s13+$0xFFFFFFD0] =	vst.add.f32.msk $0xffff, v4  }
0x596: {  	[tilespmem:s13+$0xFFFFFF90] =	vst.add.f32.msk $0xffff, v6  }
0x597: {  	[tilespmem:s13+$0xFFFFFFE0] =	vst.add.f32.msk $0xffff, v0  }
0x598: {  	s15 =	sadd.s32 $0x80, s15;
	[tilespmem:s13+$0xFFFFFFF0] =	vst.add.f32.msk $0xffff, v5  }
.LBB2_92:
0x599: {  	s13 =	sor.u32 $0x86, s10  }
0x59a: {  	s13 =	sld [smem:s13+$0x0];
	_ =	sdelay $0x2  }
0x59b: {  	p1 =	slt.f32 s13, $8.000000110e-01  }
.Ltmp64:
0x59c: {  	_ = 	snop;
	(pc) =	sbr.rel @!p1 .LBB2_95-.Ltmp64, $1  }
0x59d: {  	_ =	sdelay $0x3  }
0x59e: {  	s13 =	sor.u32 $0x6, s10  }
0x59f: {  	s13 =	sld [smem:s13+$0x0];
	_ =	sdelay $0x2  }
0x5a0: {  	s13 =	smul.u32 $0xFA00, s13;
	_ =	sdelay $0x1  }
0x5a1: {  	s13 =	sadd.s32 s12, s13  }
0x5a2: {  	s13 =	sshra.s32 s13, $0x2  }
0x5a3: {  	s15 =	sadd.s32 $0x40, s13  }
0x5a4: {  	v0 =	vld [tilespmem:s15+$0x30]  }
0x5a5: {  	v1 =	vld [tilespmem:s15+$0xFFFFFFD0]  }
0x5a6: {  	v2 =	vld [tilespmem:s15+$0xFFFFFFE0]  }
0x5a7: {  	v3 =	vld [tilespmem:s15+$0xFFFFFFF0]  }
0x5a8: {  	v4 =	vld [tilespmem:s15+$0x0]  }
0x5a9: {  	v63 =	vld [tilespmem:s15+$0x10]  }
0x5aa: {  	v5 =	vld [tilespmem:s15+$0x20]  }
0x5ab: {  	s13 =	simm.s32 $0x192E0;
	v6 =	vld [tilespmem:s15+$0xFFFFFFC0]  }
0x5ac: {  	[tilespmem:s13+$0x0] =	vst.add.f32.msk $0xffff, v0  }
0x5ad: {  	[tilespmem:s13+$0xFFFFFFA0] =	vst.add.f32.msk $0xffff, v1  }
0x5ae: {  	[tilespmem:s13+$0xFFFFFFB0] =	vst.add.f32.msk $0xffff, v2  }
0x5af: {  	[tilespmem:s13+$0xFFFFFFC0] =	vst.add.f32.msk $0xffff, v3  }
0x5b0: {  	[tilespmem:s13+$0xFFFFFFD0] =	vst.add.f32.msk $0xffff, v4  }
0x5b1: {  	[tilespmem:s13+$0xFFFFFF90] =	vst.add.f32.msk $0xffff, v6  }
0x5b2: {  	[tilespmem:s13+$0xFFFFFFE0] =	vst.add.f32.msk $0xffff, v63  }
0x5b3: {  	s14 =	simm.s32 $0x0;
	s15 =	sadd.s32 $0x80, s15;
	[tilespmem:s13+$0xFFFFFFF0] =	vst.add.f32.msk $0xffff, v5  }
.LBB2_94:
0x5b4: {  	v0 =	vld [tilespmem:s15+$0x30];
	s14 =	sadd.s32 $0x8, s14  }
0x5b5: {  	v1 =	vld [tilespmem:s15+$0xFFFFFFD0];
	p1 =	slt.u32 s14, $0x20  }
0x5b6: {  	v2 =	vld [tilespmem:s15+$0xFFFFFFE0]  }
0x5b7: {  	v3 =	vld [tilespmem:s15+$0xFFFFFFF0]  }
0x5b8: {  	s13 =	sadd.s32 $0x400, s13;
	v4 =	vld [tilespmem:s15+$0x0]  }
0x5b9: {  	[tilespmem:s13+$0x0] =	vst.add.f32.msk $0xffff, v0  }
0x5ba: {  	v0 =	vld [tilespmem:s15+$0x10]  }
0x5bb: {  	v5 =	vld [tilespmem:s15+$0x20]  }
0x5bc: {  	v6 =	vld [tilespmem:s15+$0xFFFFFFC0]  }
0x5bd: {  	[tilespmem:s13+$0xFFFFFFA0] =	vst.add.f32.msk $0xffff, v1  }
0x5be: {  	[tilespmem:s13+$0xFFFFFFB0] =	vst.add.f32.msk $0xffff, v2  }
.Ltmp65:
0x5bf: {  	[tilespmem:s13+$0xFFFFFFC0] =	vst.add.f32.msk $0xffff, v3;
	(pc) =	sbr.rel @p1 .LBB2_94-.Ltmp65, $4  }
0x5c0: {  	[tilespmem:s13+$0xFFFFFFD0] =	vst.add.f32.msk $0xffff, v4  }
0x5c1: {  	[tilespmem:s13+$0xFFFFFF90] =	vst.add.f32.msk $0xffff, v6  }
0x5c2: {  	[tilespmem:s13+$0xFFFFFFE0] =	vst.add.f32.msk $0xffff, v0  }
0x5c3: {  	s15 =	sadd.s32 $0x80, s15;
	[tilespmem:s13+$0xFFFFFFF0] =	vst.add.f32.msk $0xffff, v5  }
.LBB2_95:
0x5c4: {  	s13 =	sor.u32 $0x87, s10  }
0x5c5: {  	s13 =	sld [smem:s13+$0x0];
	_ =	sdelay $0x2  }
0x5c6: {  	p1 =	slt.f32 s13, $8.000000110e-01  }
.Ltmp66:
0x5c7: {  	_ = 	snop;
	(pc) =	sbr.rel @!p1 .LBB2_98-.Ltmp66, $1  }
0x5c8: {  	_ =	sdelay $0x3  }
0x5c9: {  	s10 =	sor.u32 $0x7, s10  }
0x5ca: {  	s10 =	sld [smem:s10+$0x0];
	_ =	sdelay $0x2  }
0x5cb: {  	s10 =	smul.u32 $0xFA00, s10;
	_ =	sdelay $0x1  }
0x5cc: {  	s10 =	sadd.s32 s12, s10  }
0x5cd: {  	s10 =	sshra.s32 s10, $0x2  }
0x5ce: {  	s13 =	sadd.s32 $0x40, s10  }
0x5cf: {  	v0 =	vld [tilespmem:s13+$0x30]  }
0x5d0: {  	v1 =	vld [tilespmem:s13+$0xFFFFFFD0]  }
0x5d1: {  	v2 =	vld [tilespmem:s13+$0xFFFFFFE0]  }
0x5d2: {  	v3 =	vld [tilespmem:s13+$0xFFFFFFF0]  }
0x5d3: {  	v4 =	vld [tilespmem:s13+$0x0]  }
0x5d4: {  	v63 =	vld [tilespmem:s13+$0x10]  }
0x5d5: {  	v5 =	vld [tilespmem:s13+$0x20]  }
0x5d6: {  	s10 =	simm.s32 $0x19360;
	v6 =	vld [tilespmem:s13+$0xFFFFFFC0]  }
0x5d7: {  	[tilespmem:s10+$0x0] =	vst.add.f32.msk $0xffff, v0  }
0x5d8: {  	[tilespmem:s10+$0xFFFFFFA0] =	vst.add.f32.msk $0xffff, v1  }
0x5d9: {  	[tilespmem:s10+$0xFFFFFFB0] =	vst.add.f32.msk $0xffff, v2  }
0x5da: {  	[tilespmem:s10+$0xFFFFFFC0] =	vst.add.f32.msk $0xffff, v3  }
0x5db: {  	[tilespmem:s10+$0xFFFFFFD0] =	vst.add.f32.msk $0xffff, v4  }
0x5dc: {  	[tilespmem:s10+$0xFFFFFF90] =	vst.add.f32.msk $0xffff, v6  }
0x5dd: {  	[tilespmem:s10+$0xFFFFFFE0] =	vst.add.f32.msk $0xffff, v63  }
0x5de: {  	s12 =	simm.s32 $0x0;
	s13 =	sadd.s32 $0x80, s13;
	[tilespmem:s10+$0xFFFFFFF0] =	vst.add.f32.msk $0xffff, v5  }
.LBB2_97:
0x5df: {  	v0 =	vld [tilespmem:s13+$0x30];
	s12 =	sadd.s32 $0x8, s12  }
0x5e0: {  	v1 =	vld [tilespmem:s13+$0xFFFFFFD0];
	p1 =	slt.u32 s12, $0x20  }
0x5e1: {  	v2 =	vld [tilespmem:s13+$0xFFFFFFE0]  }
0x5e2: {  	v3 =	vld [tilespmem:s13+$0xFFFFFFF0]  }
0x5e3: {  	s10 =	sadd.s32 $0x400, s10;
	v4 =	vld [tilespmem:s13+$0x0]  }
0x5e4: {  	[tilespmem:s10+$0x0] =	vst.add.f32.msk $0xffff, v0  }
0x5e5: {  	v0 =	vld [tilespmem:s13+$0x10]  }
0x5e6: {  	v5 =	vld [tilespmem:s13+$0x20]  }
0x5e7: {  	v6 =	vld [tilespmem:s13+$0xFFFFFFC0]  }
0x5e8: {  	[tilespmem:s10+$0xFFFFFFA0] =	vst.add.f32.msk $0xffff, v1  }
0x5e9: {  	[tilespmem:s10+$0xFFFFFFB0] =	vst.add.f32.msk $0xffff, v2  }
.Ltmp67:
0x5ea: {  	[tilespmem:s10+$0xFFFFFFC0] =	vst.add.f32.msk $0xffff, v3;
	(pc) =	sbr.rel @p1 .LBB2_97-.Ltmp67, $4  }
0x5eb: {  	[tilespmem:s10+$0xFFFFFFD0] =	vst.add.f32.msk $0xffff, v4  }
0x5ec: {  	[tilespmem:s10+$0xFFFFFF90] =	vst.add.f32.msk $0xffff, v6  }
0x5ed: {  	[tilespmem:s10+$0xFFFFFFE0] =	vst.add.f32.msk $0xffff, v0  }
0x5ee: {  	s13 =	sadd.s32 $0x80, s13;
	[tilespmem:s10+$0xFFFFFFF0] =	vst.add.f32.msk $0xffff, v5  }
.LBB2_98:
0x5ef: {  	s7 =	sadd.s32 $0x5, s7  }
0x5f0: {  	s10 =	sshll.u32 s7, $0x3  }
0x5f1: {  	s10 =	sand.u32 $0x18, s10  }
0x5f2: {  	s7 =	sshrl.u32 s7, $0x2;
	s10 =	sor.u32 s4, s10  }
0x5f3: {  	s7 =	smul.u32 $0x1400, s7;
	s10 =	sshrl.u32 s10, $0x3  }
0x5f4: {  	s8 =	sadd.s32 s2, s8;
	s10 =	smul.u32 $0x1F400, s10  }
0x5f5: {  	[hbm4b:s8+s5] =	stream.linear.scatter [tilespmem:s18], [sflag:$0x4], $0x1400, $0x38;
	[tilespmem:$0x1CB70] =	vst v63  }
0x5f6: {  	_ =	swait.ge [sflag:s31], $0x1400;
	s7 =	sadd.s32 s7, s10  }
0x5f7: {  	[sflag:s31] =	ssyncset.done $0x0;
	s7 =	sshrl.u32 s7, $0x3  }
0x5f8: {  	[sflag:s31] =	ssyncadd.s32 $0xFFFFEC00;
	s7 =	sadd.s32 s0, s7  }
0x5f9: {  	[tilespmem:s25], [sflag:$0x3] =	stream.linear.gather [hbm4b:s7+s5], $0x1400, $0x38;
	[tilespmem:$0x1CB70] =	vst v63  }
0x5fa: {  	_ =	swait.ge [sflag:s26], $0x1400  }
0x5fb: {  	[sflag:s26] =	ssyncset.done $0x0  }
0x5fc: {  	[sflag:s26] =	ssyncadd.s32 $0xFFFFEC00  }
0x5fd: {  	s14 =	sld [smem:s11+$0x80];
	_ =	sdelay $0x2  }
0x5fe: {  	p1 =	slt.f32 s14, $8.000000110e-01  }
.Ltmp68:
0x5ff: {  	_ = 	snop;
	(pc) =	sbr.rel @!p1 .LBB2_101-.Ltmp68, $3  }
0x600: {  	_ =	sdelay $0x1  }
0x601: {  	s15 =	sshrl.u32 s6, $0x2  }
0x602: {  	s7 =	smul.u32 $0xA00, s15  }
0x603: {  	s8 =	sld [smem:s11+$0x0];
	_ =	sdelay $0x2  }
0x604: {  	s8 =	smul.u32 $0xFA00, s8;
	_ =	sdelay $0x1  }
0x605: {  	s8 =	sadd.s32 s7, s8  }
0x606: {  	s8 =	sshra.s32 s8, $0x2  }
0x607: {  	s12 =	sadd.s32 $0x40, s8  }
0x608: {  	v0 =	vld [tilespmem:s12+$0x30]  }
0x609: {  	v1 =	vld [tilespmem:s12+$0xFFFFFFD0]  }
0x60a: {  	v2 =	vld [tilespmem:s12+$0xFFFFFFE0]  }
0x60b: {  	v3 =	vld [tilespmem:s12+$0xFFFFFFF0]  }
0x60c: {  	v4 =	vld [tilespmem:s12+$0x0]  }
0x60d: {  	v63 =	vld [tilespmem:s12+$0x10]  }
0x60e: {  	v5 =	vld [tilespmem:s12+$0x20]  }
0x60f: {  	s8 =	simm.s32 $0x1A3E0;
	v6 =	vld [tilespmem:s12+$0xFFFFFFC0]  }
0x610: {  	[tilespmem:s8+$0x0] =	vst.add.f32.msk $0xffff, v0  }
0x611: {  	[tilespmem:s8+$0xFFFFFFA0] =	vst.add.f32.msk $0xffff, v1  }
0x612: {  	[tilespmem:s8+$0xFFFFFFB0] =	vst.add.f32.msk $0xffff, v2  }
0x613: {  	[tilespmem:s8+$0xFFFFFFC0] =	vst.add.f32.msk $0xffff, v3  }
0x614: {  	[tilespmem:s8+$0xFFFFFFD0] =	vst.add.f32.msk $0xffff, v4  }
0x615: {  	[tilespmem:s8+$0xFFFFFF90] =	vst.add.f32.msk $0xffff, v6  }
0x616: {  	[tilespmem:s8+$0xFFFFFFE0] =	vst.add.f32.msk $0xffff, v63  }
0x617: {  	s10 =	simm.s32 $0x0;
	s12 =	sadd.s32 $0x80, s12;
	[tilespmem:s8+$0xFFFFFFF0] =	vst.add.f32.msk $0xffff, v5  }
.LBB2_100:
0x618: {  	v0 =	vld [tilespmem:s12+$0x30];
	s10 =	sadd.s32 $0x8, s10  }
0x619: {  	v1 =	vld [tilespmem:s12+$0xFFFFFFD0];
	p1 =	slt.u32 s10, $0x20  }
0x61a: {  	v2 =	vld [tilespmem:s12+$0xFFFFFFE0]  }
0x61b: {  	v3 =	vld [tilespmem:s12+$0xFFFFFFF0]  }
0x61c: {  	s8 =	sadd.s32 $0x400, s8;
	v4 =	vld [tilespmem:s12+$0x0]  }
0x61d: {  	[tilespmem:s8+$0x0] =	vst.add.f32.msk $0xffff, v0  }
0x61e: {  	v0 =	vld [tilespmem:s12+$0x10]  }
0x61f: {  	v5 =	vld [tilespmem:s12+$0x20]  }
0x620: {  	v6 =	vld [tilespmem:s12+$0xFFFFFFC0]  }
0x621: {  	[tilespmem:s8+$0xFFFFFFA0] =	vst.add.f32.msk $0xffff, v1  }
0x622: {  	[tilespmem:s8+$0xFFFFFFB0] =	vst.add.f32.msk $0xffff, v2  }
.Ltmp69:
0x623: {  	[tilespmem:s8+$0xFFFFFFC0] =	vst.add.f32.msk $0xffff, v3;
	(pc) =	sbr.rel @p1 .LBB2_100-.Ltmp69, $4  }
0x624: {  	[tilespmem:s8+$0xFFFFFFD0] =	vst.add.f32.msk $0xffff, v4  }
0x625: {  	[tilespmem:s8+$0xFFFFFF90] =	vst.add.f32.msk $0xffff, v6  }
0x626: {  	[tilespmem:s8+$0xFFFFFFE0] =	vst.add.f32.msk $0xffff, v0  }
0x627: {  	s12 =	sadd.s32 $0x80, s12;
	[tilespmem:s8+$0xFFFFFFF0] =	vst.add.f32.msk $0xffff, v5  }
.LBB2_101:
0x628: {  	s8 =	sor.u32 $0x81, s11  }
0x629: {  	s8 =	sld [smem:s8+$0x0];
	_ =	sdelay $0x2  }
0x62a: {  	p1 =	slt.f32 s8, $8.000000110e-01  }
.Ltmp70:
0x62b: {  	_ = 	snop;
	(pc) =	sbr.rel @!p1 .LBB2_104-.Ltmp70, $1  }
0x62c: {  	_ =	sdelay $0x3  }
0x62d: {  	s8 =	sor.u32 $0x1, s11  }
0x62e: {  	s8 =	sld [smem:s8+$0x0];
	_ =	sdelay $0x2  }
0x62f: {  	s8 =	smul.u32 $0xFA00, s8;
	_ =	sdelay $0x1  }
0x630: {  	s8 =	sadd.s32 s7, s8  }
0x631: {  	s8 =	sshra.s32 s8, $0x2  }
0x632: {  	s12 =	sadd.s32 $0x40, s8  }
0x633: {  	v0 =	vld [tilespmem:s12+$0x30]  }
0x634: {  	v1 =	vld [tilespmem:s12+$0xFFFFFFD0]  }
0x635: {  	v2 =	vld [tilespmem:s12+$0xFFFFFFE0]  }
0x636: {  	v3 =	vld [tilespmem:s12+$0xFFFFFFF0]  }
0x637: {  	v4 =	vld [tilespmem:s12+$0x0]  }
0x638: {  	v63 =	vld [tilespmem:s12+$0x10]  }
0x639: {  	v5 =	vld [tilespmem:s12+$0x20]  }
0x63a: {  	s8 =	simm.s32 $0x1A460;
	v6 =	vld [tilespmem:s12+$0xFFFFFFC0]  }
0x63b: {  	[tilespmem:s8+$0x0] =	vst.add.f32.msk $0xffff, v0  }
0x63c: {  	[tilespmem:s8+$0xFFFFFFA0] =	vst.add.f32.msk $0xffff, v1  }
0x63d: {  	[tilespmem:s8+$0xFFFFFFB0] =	vst.add.f32.msk $0xffff, v2  }
0x63e: {  	[tilespmem:s8+$0xFFFFFFC0] =	vst.add.f32.msk $0xffff, v3  }
0x63f: {  	[tilespmem:s8+$0xFFFFFFD0] =	vst.add.f32.msk $0xffff, v4  }
0x640: {  	[tilespmem:s8+$0xFFFFFF90] =	vst.add.f32.msk $0xffff, v6  }
0x641: {  	[tilespmem:s8+$0xFFFFFFE0] =	vst.add.f32.msk $0xffff, v63  }
0x642: {  	s10 =	simm.s32 $0x0;
	s12 =	sadd.s32 $0x80, s12;
	[tilespmem:s8+$0xFFFFFFF0] =	vst.add.f32.msk $0xffff, v5  }
.LBB2_103:
0x643: {  	v0 =	vld [tilespmem:s12+$0x30];
	s10 =	sadd.s32 $0x8, s10  }
0x644: {  	v1 =	vld [tilespmem:s12+$0xFFFFFFD0];
	p1 =	slt.u32 s10, $0x20  }
0x645: {  	v2 =	vld [tilespmem:s12+$0xFFFFFFE0]  }
0x646: {  	v3 =	vld [tilespmem:s12+$0xFFFFFFF0]  }
0x647: {  	s8 =	sadd.s32 $0x400, s8;
	v4 =	vld [tilespmem:s12+$0x0]  }
0x648: {  	[tilespmem:s8+$0x0] =	vst.add.f32.msk $0xffff, v0  }
0x649: {  	v0 =	vld [tilespmem:s12+$0x10]  }
0x64a: {  	v5 =	vld [tilespmem:s12+$0x20]  }
0x64b: {  	v6 =	vld [tilespmem:s12+$0xFFFFFFC0]  }
0x64c: {  	[tilespmem:s8+$0xFFFFFFA0] =	vst.add.f32.msk $0xffff, v1  }
0x64d: {  	[tilespmem:s8+$0xFFFFFFB0] =	vst.add.f32.msk $0xffff, v2  }
.Ltmp71:
0x64e: {  	[tilespmem:s8+$0xFFFFFFC0] =	vst.add.f32.msk $0xffff, v3;
	(pc) =	sbr.rel @p1 .LBB2_103-.Ltmp71, $4  }
0x64f: {  	[tilespmem:s8+$0xFFFFFFD0] =	vst.add.f32.msk $0xffff, v4  }
0x650: {  	[tilespmem:s8+$0xFFFFFF90] =	vst.add.f32.msk $0xffff, v6  }
0x651: {  	[tilespmem:s8+$0xFFFFFFE0] =	vst.add.f32.msk $0xffff, v0  }
0x652: {  	s12 =	sadd.s32 $0x80, s12;
	[tilespmem:s8+$0xFFFFFFF0] =	vst.add.f32.msk $0xffff, v5  }
.LBB2_104:
0x653: {  	s8 =	sor.u32 $0x82, s11  }
0x654: {  	s8 =	sld [smem:s8+$0x0];
	_ =	sdelay $0x2  }
0x655: {  	p1 =	slt.f32 s8, $8.000000110e-01  }
.Ltmp72:
0x656: {  	_ = 	snop;
	(pc) =	sbr.rel @!p1 .LBB2_107-.Ltmp72, $1  }
0x657: {  	_ =	sdelay $0x3  }
0x658: {  	s8 =	sor.u32 $0x2, s11  }
0x659: {  	s8 =	sld [smem:s8+$0x0];
	_ =	sdelay $0x2  }
0x65a: {  	s8 =	smul.u32 $0xFA00, s8;
	_ =	sdelay $0x1  }
0x65b: {  	s8 =	sadd.s32 s7, s8  }
0x65c: {  	s8 =	sshra.s32 s8, $0x2  }
0x65d: {  	s12 =	sadd.s32 $0x40, s8  }
0x65e: {  	v0 =	vld [tilespmem:s12+$0x30]  }
0x65f: {  	v1 =	vld [tilespmem:s12+$0xFFFFFFD0]  }
0x660: {  	v2 =	vld [tilespmem:s12+$0xFFFFFFE0]  }
0x661: {  	v3 =	vld [tilespmem:s12+$0xFFFFFFF0]  }
0x662: {  	v4 =	vld [tilespmem:s12+$0x0]  }
0x663: {  	v63 =	vld [tilespmem:s12+$0x10]  }
0x664: {  	v5 =	vld [tilespmem:s12+$0x20]  }
0x665: {  	s8 =	simm.s32 $0x1A4E0;
	v6 =	vld [tilespmem:s12+$0xFFFFFFC0]  }
0x666: {  	[tilespmem:s8+$0x0] =	vst.add.f32.msk $0xffff, v0  }
0x667: {  	[tilespmem:s8+$0xFFFFFFA0] =	vst.add.f32.msk $0xffff, v1  }
0x668: {  	[tilespmem:s8+$0xFFFFFFB0] =	vst.add.f32.msk $0xffff, v2  }
0x669: {  	[tilespmem:s8+$0xFFFFFFC0] =	vst.add.f32.msk $0xffff, v3  }
0x66a: {  	[tilespmem:s8+$0xFFFFFFD0] =	vst.add.f32.msk $0xffff, v4  }
0x66b: {  	[tilespmem:s8+$0xFFFFFF90] =	vst.add.f32.msk $0xffff, v6  }
0x66c: {  	[tilespmem:s8+$0xFFFFFFE0] =	vst.add.f32.msk $0xffff, v63  }
0x66d: {  	s10 =	simm.s32 $0x0;
	s12 =	sadd.s32 $0x80, s12;
	[tilespmem:s8+$0xFFFFFFF0] =	vst.add.f32.msk $0xffff, v5  }
.LBB2_106:
0x66e: {  	v0 =	vld [tilespmem:s12+$0x30];
	s10 =	sadd.s32 $0x8, s10  }
0x66f: {  	v1 =	vld [tilespmem:s12+$0xFFFFFFD0];
	p1 =	slt.u32 s10, $0x20  }
0x670: {  	v2 =	vld [tilespmem:s12+$0xFFFFFFE0]  }
0x671: {  	v3 =	vld [tilespmem:s12+$0xFFFFFFF0]  }
0x672: {  	s8 =	sadd.s32 $0x400, s8;
	v4 =	vld [tilespmem:s12+$0x0]  }
0x673: {  	[tilespmem:s8+$0x0] =	vst.add.f32.msk $0xffff, v0  }
0x674: {  	v0 =	vld [tilespmem:s12+$0x10]  }
0x675: {  	v5 =	vld [tilespmem:s12+$0x20]  }
0x676: {  	v6 =	vld [tilespmem:s12+$0xFFFFFFC0]  }
0x677: {  	[tilespmem:s8+$0xFFFFFFA0] =	vst.add.f32.msk $0xffff, v1  }
0x678: {  	[tilespmem:s8+$0xFFFFFFB0] =	vst.add.f32.msk $0xffff, v2  }
.Ltmp73:
0x679: {  	[tilespmem:s8+$0xFFFFFFC0] =	vst.add.f32.msk $0xffff, v3;
	(pc) =	sbr.rel @p1 .LBB2_106-.Ltmp73, $4  }
0x67a: {  	[tilespmem:s8+$0xFFFFFFD0] =	vst.add.f32.msk $0xffff, v4  }
0x67b: {  	[tilespmem:s8+$0xFFFFFF90] =	vst.add.f32.msk $0xffff, v6  }
0x67c: {  	[tilespmem:s8+$0xFFFFFFE0] =	vst.add.f32.msk $0xffff, v0  }
0x67d: {  	s12 =	sadd.s32 $0x80, s12;
	[tilespmem:s8+$0xFFFFFFF0] =	vst.add.f32.msk $0xffff, v5  }
.LBB2_107:
0x67e: {  	s8 =	sor.u32 $0x83, s11  }
0x67f: {  	s8 =	sld [smem:s8+$0x0];
	_ =	sdelay $0x2  }
0x680: {  	p1 =	slt.f32 s8, $8.000000110e-01  }
.Ltmp74:
0x681: {  	_ = 	snop;
	(pc) =	sbr.rel @!p1 .LBB2_110-.Ltmp74, $1  }
0x682: {  	_ =	sdelay $0x3  }
0x683: {  	s8 =	sor.u32 $0x3, s11  }
0x684: {  	s8 =	sld [smem:s8+$0x0];
	_ =	sdelay $0x2  }
0x685: {  	s8 =	smul.u32 $0xFA00, s8;
	_ =	sdelay $0x1  }
0x686: {  	s8 =	sadd.s32 s7, s8  }
0x687: {  	s8 =	sshra.s32 s8, $0x2  }
0x688: {  	s12 =	sadd.s32 $0x40, s8  }
0x689: {  	v0 =	vld [tilespmem:s12+$0x30]  }
0x68a: {  	v1 =	vld [tilespmem:s12+$0xFFFFFFD0]  }
0x68b: {  	v2 =	vld [tilespmem:s12+$0xFFFFFFE0]  }
0x68c: {  	v3 =	vld [tilespmem:s12+$0xFFFFFFF0]  }
0x68d: {  	v4 =	vld [tilespmem:s12+$0x0]  }
0x68e: {  	v63 =	vld [tilespmem:s12+$0x10]  }
0x68f: {  	v5 =	vld [tilespmem:s12+$0x20]  }
0x690: {  	s8 =	simm.s32 $0x1A560;
	v6 =	vld [tilespmem:s12+$0xFFFFFFC0]  }
0x691: {  	[tilespmem:s8+$0x0] =	vst.add.f32.msk $0xffff, v0  }
0x692: {  	[tilespmem:s8+$0xFFFFFFA0] =	vst.add.f32.msk $0xffff, v1  }
0x693: {  	[tilespmem:s8+$0xFFFFFFB0] =	vst.add.f32.msk $0xffff, v2  }
0x694: {  	[tilespmem:s8+$0xFFFFFFC0] =	vst.add.f32.msk $0xffff, v3  }
0x695: {  	[tilespmem:s8+$0xFFFFFFD0] =	vst.add.f32.msk $0xffff, v4  }
0x696: {  	[tilespmem:s8+$0xFFFFFF90] =	vst.add.f32.msk $0xffff, v6  }
0x697: {  	[tilespmem:s8+$0xFFFFFFE0] =	vst.add.f32.msk $0xffff, v63  }
0x698: {  	s10 =	simm.s32 $0x0;
	s12 =	sadd.s32 $0x80, s12;
	[tilespmem:s8+$0xFFFFFFF0] =	vst.add.f32.msk $0xffff, v5  }
.LBB2_109:
0x699: {  	v0 =	vld [tilespmem:s12+$0x30];
	s10 =	sadd.s32 $0x8, s10  }
0x69a: {  	v1 =	vld [tilespmem:s12+$0xFFFFFFD0];
	p1 =	slt.u32 s10, $0x20  }
0x69b: {  	v2 =	vld [tilespmem:s12+$0xFFFFFFE0]  }
0x69c: {  	v3 =	vld [tilespmem:s12+$0xFFFFFFF0]  }
0x69d: {  	s8 =	sadd.s32 $0x400, s8;
	v4 =	vld [tilespmem:s12+$0x0]  }
0x69e: {  	[tilespmem:s8+$0x0] =	vst.add.f32.msk $0xffff, v0  }
0x69f: {  	v0 =	vld [tilespmem:s12+$0x10]  }
0x6a0: {  	v5 =	vld [tilespmem:s12+$0x20]  }
0x6a1: {  	v6 =	vld [tilespmem:s12+$0xFFFFFFC0]  }
0x6a2: {  	[tilespmem:s8+$0xFFFFFFA0] =	vst.add.f32.msk $0xffff, v1  }
0x6a3: {  	[tilespmem:s8+$0xFFFFFFB0] =	vst.add.f32.msk $0xffff, v2  }
.Ltmp75:
0x6a4: {  	[tilespmem:s8+$0xFFFFFFC0] =	vst.add.f32.msk $0xffff, v3;
	(pc) =	sbr.rel @p1 .LBB2_109-.Ltmp75, $4  }
0x6a5: {  	[tilespmem:s8+$0xFFFFFFD0] =	vst.add.f32.msk $0xffff, v4  }
0x6a6: {  	[tilespmem:s8+$0xFFFFFF90] =	vst.add.f32.msk $0xffff, v6  }
0x6a7: {  	[tilespmem:s8+$0xFFFFFFE0] =	vst.add.f32.msk $0xffff, v0  }
0x6a8: {  	s12 =	sadd.s32 $0x80, s12;
	[tilespmem:s8+$0xFFFFFFF0] =	vst.add.f32.msk $0xffff, v5  }
.LBB2_110:
0x6a9: {  	s8 =	sor.u32 $0x84, s11  }
0x6aa: {  	s8 =	sld [smem:s8+$0x0];
	_ =	sdelay $0x2  }
0x6ab: {  	p1 =	slt.f32 s8, $8.000000110e-01  }
.Ltmp76:
0x6ac: {  	_ = 	snop;
	(pc) =	sbr.rel @!p1 .LBB2_113-.Ltmp76, $1  }
0x6ad: {  	_ =	sdelay $0x3  }
0x6ae: {  	s8 =	sor.u32 $0x4, s11  }
0x6af: {  	s8 =	sld [smem:s8+$0x0];
	_ =	sdelay $0x2  }
0x6b0: {  	s8 =	smul.u32 $0xFA00, s8;
	_ =	sdelay $0x1  }
0x6b1: {  	s8 =	sadd.s32 s7, s8  }
0x6b2: {  	s8 =	sshra.s32 s8, $0x2  }
0x6b3: {  	s12 =	sadd.s32 $0x40, s8  }
0x6b4: {  	v0 =	vld [tilespmem:s12+$0x30]  }
0x6b5: {  	v1 =	vld [tilespmem:s12+$0xFFFFFFD0]  }
0x6b6: {  	v2 =	vld [tilespmem:s12+$0xFFFFFFE0]  }
0x6b7: {  	v3 =	vld [tilespmem:s12+$0xFFFFFFF0]  }
0x6b8: {  	v4 =	vld [tilespmem:s12+$0x0]  }
0x6b9: {  	v63 =	vld [tilespmem:s12+$0x10]  }
0x6ba: {  	v5 =	vld [tilespmem:s12+$0x20]  }
0x6bb: {  	s8 =	simm.s32 $0x1A5E0;
	v6 =	vld [tilespmem:s12+$0xFFFFFFC0]  }
0x6bc: {  	[tilespmem:s8+$0x0] =	vst.add.f32.msk $0xffff, v0  }
0x6bd: {  	[tilespmem:s8+$0xFFFFFFA0] =	vst.add.f32.msk $0xffff, v1  }
0x6be: {  	[tilespmem:s8+$0xFFFFFFB0] =	vst.add.f32.msk $0xffff, v2  }
0x6bf: {  	[tilespmem:s8+$0xFFFFFFC0] =	vst.add.f32.msk $0xffff, v3  }
0x6c0: {  	[tilespmem:s8+$0xFFFFFFD0] =	vst.add.f32.msk $0xffff, v4  }
0x6c1: {  	[tilespmem:s8+$0xFFFFFF90] =	vst.add.f32.msk $0xffff, v6  }
0x6c2: {  	[tilespmem:s8+$0xFFFFFFE0] =	vst.add.f32.msk $0xffff, v63  }
0x6c3: {  	s10 =	simm.s32 $0x0;
	s12 =	sadd.s32 $0x80, s12;
	[tilespmem:s8+$0xFFFFFFF0] =	vst.add.f32.msk $0xffff, v5  }
.LBB2_112:
0x6c4: {  	v0 =	vld [tilespmem:s12+$0x30];
	s10 =	sadd.s32 $0x8, s10  }
0x6c5: {  	v1 =	vld [tilespmem:s12+$0xFFFFFFD0];
	p1 =	slt.u32 s10, $0x20  }
0x6c6: {  	v2 =	vld [tilespmem:s12+$0xFFFFFFE0]  }
0x6c7: {  	v3 =	vld [tilespmem:s12+$0xFFFFFFF0]  }
0x6c8: {  	s8 =	sadd.s32 $0x400, s8;
	v4 =	vld [tilespmem:s12+$0x0]  }
0x6c9: {  	[tilespmem:s8+$0x0] =	vst.add.f32.msk $0xffff, v0  }
0x6ca: {  	v0 =	vld [tilespmem:s12+$0x10]  }
0x6cb: {  	v5 =	vld [tilespmem:s12+$0x20]  }
0x6cc: {  	v6 =	vld [tilespmem:s12+$0xFFFFFFC0]  }
0x6cd: {  	[tilespmem:s8+$0xFFFFFFA0] =	vst.add.f32.msk $0xffff, v1  }
0x6ce: {  	[tilespmem:s8+$0xFFFFFFB0] =	vst.add.f32.msk $0xffff, v2  }
.Ltmp77:
0x6cf: {  	[tilespmem:s8+$0xFFFFFFC0] =	vst.add.f32.msk $0xffff, v3;
	(pc) =	sbr.rel @p1 .LBB2_112-.Ltmp77, $4  }
0x6d0: {  	[tilespmem:s8+$0xFFFFFFD0] =	vst.add.f32.msk $0xffff, v4  }
0x6d1: {  	[tilespmem:s8+$0xFFFFFF90] =	vst.add.f32.msk $0xffff, v6  }
0x6d2: {  	[tilespmem:s8+$0xFFFFFFE0] =	vst.add.f32.msk $0xffff, v0  }
0x6d3: {  	s12 =	sadd.s32 $0x80, s12;
	[tilespmem:s8+$0xFFFFFFF0] =	vst.add.f32.msk $0xffff, v5  }
.LBB2_113:
0x6d4: {  	s8 =	sor.u32 $0x85, s11  }
0x6d5: {  	s8 =	sld [smem:s8+$0x0];
	_ =	sdelay $0x2  }
0x6d6: {  	p1 =	slt.f32 s8, $8.000000110e-01  }
.Ltmp78:
0x6d7: {  	_ = 	snop;
	(pc) =	sbr.rel @!p1 .LBB2_116-.Ltmp78, $1  }
0x6d8: {  	_ =	sdelay $0x3  }
0x6d9: {  	s8 =	sor.u32 $0x5, s11  }
0x6da: {  	s8 =	sld [smem:s8+$0x0];
	_ =	sdelay $0x2  }
0x6db: {  	s8 =	smul.u32 $0xFA00, s8;
	_ =	sdelay $0x1  }
0x6dc: {  	s8 =	sadd.s32 s7, s8  }
0x6dd: {  	s8 =	sshra.s32 s8, $0x2  }
0x6de: {  	s12 =	sadd.s32 $0x40, s8  }
0x6df: {  	v0 =	vld [tilespmem:s12+$0x30]  }
0x6e0: {  	v1 =	vld [tilespmem:s12+$0xFFFFFFD0]  }
0x6e1: {  	v2 =	vld [tilespmem:s12+$0xFFFFFFE0]  }
0x6e2: {  	v3 =	vld [tilespmem:s12+$0xFFFFFFF0]  }
0x6e3: {  	v4 =	vld [tilespmem:s12+$0x0]  }
0x6e4: {  	v63 =	vld [tilespmem:s12+$0x10]  }
0x6e5: {  	v5 =	vld [tilespmem:s12+$0x20]  }
0x6e6: {  	s8 =	simm.s32 $0x1A660;
	v6 =	vld [tilespmem:s12+$0xFFFFFFC0]  }
0x6e7: {  	[tilespmem:s8+$0x0] =	vst.add.f32.msk $0xffff, v0  }
0x6e8: {  	[tilespmem:s8+$0xFFFFFFA0] =	vst.add.f32.msk $0xffff, v1  }
0x6e9: {  	[tilespmem:s8+$0xFFFFFFB0] =	vst.add.f32.msk $0xffff, v2  }
0x6ea: {  	[tilespmem:s8+$0xFFFFFFC0] =	vst.add.f32.msk $0xffff, v3  }
0x6eb: {  	[tilespmem:s8+$0xFFFFFFD0] =	vst.add.f32.msk $0xffff, v4  }
0x6ec: {  	[tilespmem:s8+$0xFFFFFF90] =	vst.add.f32.msk $0xffff, v6  }
0x6ed: {  	[tilespmem:s8+$0xFFFFFFE0] =	vst.add.f32.msk $0xffff, v63  }
0x6ee: {  	s10 =	simm.s32 $0x0;
	s12 =	sadd.s32 $0x80, s12;
	[tilespmem:s8+$0xFFFFFFF0] =	vst.add.f32.msk $0xffff, v5  }
.LBB2_115:
0x6ef: {  	v0 =	vld [tilespmem:s12+$0x30];
	s10 =	sadd.s32 $0x8, s10  }
0x6f0: {  	v1 =	vld [tilespmem:s12+$0xFFFFFFD0];
	p1 =	slt.u32 s10, $0x20  }
0x6f1: {  	v2 =	vld [tilespmem:s12+$0xFFFFFFE0]  }
0x6f2: {  	v3 =	vld [tilespmem:s12+$0xFFFFFFF0]  }
0x6f3: {  	s8 =	sadd.s32 $0x400, s8;
	v4 =	vld [tilespmem:s12+$0x0]  }
0x6f4: {  	[tilespmem:s8+$0x0] =	vst.add.f32.msk $0xffff, v0  }
0x6f5: {  	v0 =	vld [tilespmem:s12+$0x10]  }
0x6f6: {  	v5 =	vld [tilespmem:s12+$0x20]  }
0x6f7: {  	v6 =	vld [tilespmem:s12+$0xFFFFFFC0]  }
0x6f8: {  	[tilespmem:s8+$0xFFFFFFA0] =	vst.add.f32.msk $0xffff, v1  }
0x6f9: {  	[tilespmem:s8+$0xFFFFFFB0] =	vst.add.f32.msk $0xffff, v2  }
.Ltmp79:
0x6fa: {  	[tilespmem:s8+$0xFFFFFFC0] =	vst.add.f32.msk $0xffff, v3;
	(pc) =	sbr.rel @p1 .LBB2_115-.Ltmp79, $4  }
0x6fb: {  	[tilespmem:s8+$0xFFFFFFD0] =	vst.add.f32.msk $0xffff, v4  }
0x6fc: {  	[tilespmem:s8+$0xFFFFFF90] =	vst.add.f32.msk $0xffff, v6  }
0x6fd: {  	[tilespmem:s8+$0xFFFFFFE0] =	vst.add.f32.msk $0xffff, v0  }
0x6fe: {  	s12 =	sadd.s32 $0x80, s12;
	[tilespmem:s8+$0xFFFFFFF0] =	vst.add.f32.msk $0xffff, v5  }
.LBB2_116:
0x6ff: {  	s8 =	sor.u32 $0x86, s11  }
0x700: {  	s8 =	sld [smem:s8+$0x0];
	_ =	sdelay $0x2  }
0x701: {  	p1 =	slt.f32 s8, $8.000000110e-01  }
.Ltmp80:
0x702: {  	_ = 	snop;
	(pc) =	sbr.rel @!p1 .LBB2_119-.Ltmp80, $1  }
0x703: {  	_ =	sdelay $0x3  }
0x704: {  	s8 =	sor.u32 $0x6, s11  }
0x705: {  	s8 =	sld [smem:s8+$0x0];
	_ =	sdelay $0x2  }
0x706: {  	s8 =	smul.u32 $0xFA00, s8;
	_ =	sdelay $0x1  }
0x707: {  	s8 =	sadd.s32 s7, s8  }
0x708: {  	s8 =	sshra.s32 s8, $0x2  }
0x709: {  	s12 =	sadd.s32 $0x40, s8  }
0x70a: {  	v0 =	vld [tilespmem:s12+$0x30]  }
0x70b: {  	v1 =	vld [tilespmem:s12+$0xFFFFFFD0]  }
0x70c: {  	v2 =	vld [tilespmem:s12+$0xFFFFFFE0]  }
0x70d: {  	v3 =	vld [tilespmem:s12+$0xFFFFFFF0]  }
0x70e: {  	v4 =	vld [tilespmem:s12+$0x0]  }
0x70f: {  	v63 =	vld [tilespmem:s12+$0x10]  }
0x710: {  	v5 =	vld [tilespmem:s12+$0x20]  }
0x711: {  	s8 =	simm.s32 $0x1A6E0;
	v6 =	vld [tilespmem:s12+$0xFFFFFFC0]  }
0x712: {  	[tilespmem:s8+$0x0] =	vst.add.f32.msk $0xffff, v0  }
0x713: {  	[tilespmem:s8+$0xFFFFFFA0] =	vst.add.f32.msk $0xffff, v1  }
0x714: {  	[tilespmem:s8+$0xFFFFFFB0] =	vst.add.f32.msk $0xffff, v2  }
0x715: {  	[tilespmem:s8+$0xFFFFFFC0] =	vst.add.f32.msk $0xffff, v3  }
0x716: {  	[tilespmem:s8+$0xFFFFFFD0] =	vst.add.f32.msk $0xffff, v4  }
0x717: {  	[tilespmem:s8+$0xFFFFFF90] =	vst.add.f32.msk $0xffff, v6  }
0x718: {  	[tilespmem:s8+$0xFFFFFFE0] =	vst.add.f32.msk $0xffff, v63  }
0x719: {  	s10 =	simm.s32 $0x0;
	s12 =	sadd.s32 $0x80, s12;
	[tilespmem:s8+$0xFFFFFFF0] =	vst.add.f32.msk $0xffff, v5  }
.LBB2_118:
0x71a: {  	v0 =	vld [tilespmem:s12+$0x30];
	s10 =	sadd.s32 $0x8, s10  }
0x71b: {  	v1 =	vld [tilespmem:s12+$0xFFFFFFD0];
	p1 =	slt.u32 s10, $0x20  }
0x71c: {  	v2 =	vld [tilespmem:s12+$0xFFFFFFE0]  }
0x71d: {  	v3 =	vld [tilespmem:s12+$0xFFFFFFF0]  }
0x71e: {  	s8 =	sadd.s32 $0x400, s8;
	v4 =	vld [tilespmem:s12+$0x0]  }
0x71f: {  	[tilespmem:s8+$0x0] =	vst.add.f32.msk $0xffff, v0  }
0x720: {  	v0 =	vld [tilespmem:s12+$0x10]  }
0x721: {  	v5 =	vld [tilespmem:s12+$0x20]  }
0x722: {  	v6 =	vld [tilespmem:s12+$0xFFFFFFC0]  }
0x723: {  	[tilespmem:s8+$0xFFFFFFA0] =	vst.add.f32.msk $0xffff, v1  }
0x724: {  	[tilespmem:s8+$0xFFFFFFB0] =	vst.add.f32.msk $0xffff, v2  }
.Ltmp81:
0x725: {  	[tilespmem:s8+$0xFFFFFFC0] =	vst.add.f32.msk $0xffff, v3;
	(pc) =	sbr.rel @p1 .LBB2_118-.Ltmp81, $4  }
0x726: {  	[tilespmem:s8+$0xFFFFFFD0] =	vst.add.f32.msk $0xffff, v4  }
0x727: {  	[tilespmem:s8+$0xFFFFFF90] =	vst.add.f32.msk $0xffff, v6  }
0x728: {  	[tilespmem:s8+$0xFFFFFFE0] =	vst.add.f32.msk $0xffff, v0  }
0x729: {  	s12 =	sadd.s32 $0x80, s12;
	[tilespmem:s8+$0xFFFFFFF0] =	vst.add.f32.msk $0xffff, v5  }
.LBB2_119:
0x72a: {  	s8 =	sor.u32 $0x87, s11  }
0x72b: {  	s8 =	sld [smem:s8+$0x0];
	_ =	sdelay $0x2  }
0x72c: {  	p1 =	slt.f32 s8, $8.000000110e-01  }
.Ltmp82:
0x72d: {  	_ = 	snop;
	(pc) =	sbr.rel @!p1 .LBB2_122-.Ltmp82, $1  }
0x72e: {  	_ =	sdelay $0x3  }
0x72f: {  	s8 =	sor.u32 $0x7, s11  }
0x730: {  	s8 =	sld [smem:s8+$0x0];
	_ =	sdelay $0x2  }
0x731: {  	s8 =	smul.u32 $0xFA00, s8;
	_ =	sdelay $0x1  }
0x732: {  	s7 =	sadd.s32 s7, s8  }
0x733: {  	s7 =	sshra.s32 s7, $0x2  }
0x734: {  	s10 =	sadd.s32 $0x40, s7  }
0x735: {  	v0 =	vld [tilespmem:s10+$0x30]  }
0x736: {  	v1 =	vld [tilespmem:s10+$0xFFFFFFD0]  }
0x737: {  	v2 =	vld [tilespmem:s10+$0xFFFFFFE0]  }
0x738: {  	v3 =	vld [tilespmem:s10+$0xFFFFFFF0]  }
0x739: {  	v4 =	vld [tilespmem:s10+$0x0]  }
0x73a: {  	v63 =	vld [tilespmem:s10+$0x10]  }
0x73b: {  	v5 =	vld [tilespmem:s10+$0x20]  }
0x73c: {  	s7 =	simm.s32 $0x1A760;
	v6 =	vld [tilespmem:s10+$0xFFFFFFC0]  }
0x73d: {  	[tilespmem:s7+$0x0] =	vst.add.f32.msk $0xffff, v0  }
0x73e: {  	[tilespmem:s7+$0xFFFFFFA0] =	vst.add.f32.msk $0xffff, v1  }
0x73f: {  	[tilespmem:s7+$0xFFFFFFB0] =	vst.add.f32.msk $0xffff, v2  }
0x740: {  	[tilespmem:s7+$0xFFFFFFC0] =	vst.add.f32.msk $0xffff, v3  }
0x741: {  	[tilespmem:s7+$0xFFFFFFD0] =	vst.add.f32.msk $0xffff, v4  }
0x742: {  	[tilespmem:s7+$0xFFFFFF90] =	vst.add.f32.msk $0xffff, v6  }
0x743: {  	[tilespmem:s7+$0xFFFFFFE0] =	vst.add.f32.msk $0xffff, v63  }
0x744: {  	s8 =	simm.s32 $0x0;
	s10 =	sadd.s32 $0x80, s10;
	[tilespmem:s7+$0xFFFFFFF0] =	vst.add.f32.msk $0xffff, v5  }
.LBB2_121:
0x745: {  	v0 =	vld [tilespmem:s10+$0x30];
	s8 =	sadd.s32 $0x8, s8  }
0x746: {  	v1 =	vld [tilespmem:s10+$0xFFFFFFD0];
	p1 =	slt.u32 s8, $0x20  }
0x747: {  	v2 =	vld [tilespmem:s10+$0xFFFFFFE0]  }
0x748: {  	v3 =	vld [tilespmem:s10+$0xFFFFFFF0]  }
0x749: {  	s7 =	sadd.s32 $0x400, s7;
	v4 =	vld [tilespmem:s10+$0x0]  }
0x74a: {  	[tilespmem:s7+$0x0] =	vst.add.f32.msk $0xffff, v0  }
0x74b: {  	v0 =	vld [tilespmem:s10+$0x10]  }
0x74c: {  	v5 =	vld [tilespmem:s10+$0x20]  }
0x74d: {  	v6 =	vld [tilespmem:s10+$0xFFFFFFC0]  }
0x74e: {  	[tilespmem:s7+$0xFFFFFFA0] =	vst.add.f32.msk $0xffff, v1  }
0x74f: {  	[tilespmem:s7+$0xFFFFFFB0] =	vst.add.f32.msk $0xffff, v2  }
.Ltmp83:
0x750: {  	[tilespmem:s7+$0xFFFFFFC0] =	vst.add.f32.msk $0xffff, v3;
	(pc) =	sbr.rel @p1 .LBB2_121-.Ltmp83, $4  }
0x751: {  	[tilespmem:s7+$0xFFFFFFD0] =	vst.add.f32.msk $0xffff, v4  }
0x752: {  	[tilespmem:s7+$0xFFFFFF90] =	vst.add.f32.msk $0xffff, v6  }
0x753: {  	[tilespmem:s7+$0xFFFFFFE0] =	vst.add.f32.msk $0xffff, v0  }
0x754: {  	s10 =	sadd.s32 $0x80, s10;
	[tilespmem:s7+$0xFFFFFFF0] =	vst.add.f32.msk $0xffff, v5  }
.Ltmp84:
0x755: {  	_ = 	snop;
	(pc) =	sbr.rel .LBB2_122-.Ltmp84, $1  }
0x756: {  	_ =	sdelay $0x3  }
.LBB2_123:
0x757: {  	_ =	swait.ge [sflag:s28], $0x1400  }
0x758: {  	[sflag:s28] =	ssyncset.done $0x0  }
0x759: {  	s3 =	rddreg [dreg:$0xf];
	[sflag:s28] =	ssyncadd.s32 $0xFFFFEC00  }
0x75a: {  	[tilespmem:s18], [sflag:$0x1] =	stream.linear.gather [hbm4b:s3+s5], $0x1400, $0x38;
	[tilespmem:$0x1CB70] =	vst v63  }
0x75b: {  	_ =	swait.ge [sflag:s29], $0x1400  }
0x75c: {  	[sflag:s29] =	ssyncset.done $0x0  }
0x75d: {  	[sflag:s29] =	ssyncadd.s32 $0xFFFFEC00  }
0x75e: {  	s23 =	sld [smem:$0x90];
	_ =	sdelay $0x2  }
0x75f: {  	p1 =	slt.f32 s23, $8.000000110e-01  }
.Ltmp85:
0x760: {  	_ = 	snop;
	(pc) =	sbr.rel @!p1 .LBB2_126-.Ltmp85, $1  }
0x761: {  	_ =	sdelay $0x3  }
0x762: {  	s3 =	sld [smem:$0x10];
	_ =	sdelay $0x2  }
0x763: {  	s3 =	smul.u32 $0xFA00, s3;
	_ =	sdelay $0x1  }
0x764: {  	s3 =	sshra.s32 s3, $0x2  }
0x765: {  	s7 =	sadd.s32 $0x3C70, s3  }
0x766: {  	v0 =	vld [tilespmem:s7+$0x0]  }
0x767: {  	v1 =	vld [tilespmem:s7+$0xFFFFFFA0]  }
0x768: {  	v2 =	vld [tilespmem:s7+$0xFFFFFFB0]  }
0x769: {  	v3 =	vld [tilespmem:s7+$0xFFFFFFC0]  }
0x76a: {  	v4 =	vld [tilespmem:s7+$0xFFFFFFD0]  }
0x76b: {  	v63 =	vld [tilespmem:s7+$0xFFFFFFE0]  }
0x76c: {  	v5 =	vld [tilespmem:s7+$0xFFFFFFF0]  }
0x76d: {  	s3 =	simm.s32 $0x1B7E0;
	v6 =	vld [tilespmem:s7+$0xFFFFFF90]  }
0x76e: {  	[tilespmem:s3+$0x0] =	vst.add.f32.msk $0xffff, v0  }
0x76f: {  	[tilespmem:s3+$0xFFFFFFA0] =	vst.add.f32.msk $0xffff, v1  }
0x770: {  	[tilespmem:s3+$0xFFFFFFB0] =	vst.add.f32.msk $0xffff, v2  }
0x771: {  	[tilespmem:s3+$0xFFFFFFC0] =	vst.add.f32.msk $0xffff, v3  }
0x772: {  	[tilespmem:s3+$0xFFFFFFD0] =	vst.add.f32.msk $0xffff, v4  }
0x773: {  	[tilespmem:s3+$0xFFFFFF90] =	vst.add.f32.msk $0xffff, v6  }
0x774: {  	[tilespmem:s3+$0xFFFFFFE0] =	vst.add.f32.msk $0xffff, v63  }
0x775: {  	s6 =	simm.s32 $0x0;
	s7 =	sadd.s32 $0x80, s7;
	[tilespmem:s3+$0xFFFFFFF0] =	vst.add.f32.msk $0xffff, v5  }
.LBB2_125:
0x776: {  	v0 =	vld [tilespmem:s7+$0x0];
	s6 =	sadd.s32 $0x8, s6  }
0x777: {  	v1 =	vld [tilespmem:s7+$0xFFFFFFA0];
	p1 =	slt.u32 s6, $0x20  }
0x778: {  	v2 =	vld [tilespmem:s7+$0xFFFFFFB0]  }
0x779: {  	v3 =	vld [tilespmem:s7+$0xFFFFFFC0]  }
0x77a: {  	s3 =	sadd.s32 $0x400, s3;
	v4 =	vld [tilespmem:s7+$0xFFFFFFD0]  }
0x77b: {  	[tilespmem:s3+$0x0] =	vst.add.f32.msk $0xffff, v0  }
0x77c: {  	v0 =	vld [tilespmem:s7+$0xFFFFFFE0]  }
0x77d: {  	v5 =	vld [tilespmem:s7+$0xFFFFFFF0]  }
0x77e: {  	v6 =	vld [tilespmem:s7+$0xFFFFFF90]  }
0x77f: {  	[tilespmem:s3+$0xFFFFFFA0] =	vst.add.f32.msk $0xffff, v1  }
0x780: {  	[tilespmem:s3+$0xFFFFFFB0] =	vst.add.f32.msk $0xffff, v2  }
.Ltmp86:
0x781: {  	[tilespmem:s3+$0xFFFFFFC0] =	vst.add.f32.msk $0xffff, v3;
	(pc) =	sbr.rel @p1 .LBB2_125-.Ltmp86, $4  }
0x782: {  	[tilespmem:s3+$0xFFFFFFD0] =	vst.add.f32.msk $0xffff, v4  }
0x783: {  	[tilespmem:s3+$0xFFFFFF90] =	vst.add.f32.msk $0xffff, v6  }
0x784: {  	[tilespmem:s3+$0xFFFFFFE0] =	vst.add.f32.msk $0xffff, v0  }
0x785: {  	s7 =	sadd.s32 $0x80, s7;
	[tilespmem:s3+$0xFFFFFFF0] =	vst.add.f32.msk $0xffff, v5  }
.LBB2_126:
0x786: {  	s3 =	sld [smem:$0x91];
	_ =	sdelay $0x2  }
0x787: {  	p1 =	slt.f32 s3, $8.000000110e-01  }
.Ltmp87:
0x788: {  	_ = 	snop;
	(pc) =	sbr.rel @!p1 .LBB2_129-.Ltmp87, $1  }
0x789: {  	_ =	sdelay $0x3  }
0x78a: {  	s3 =	sld [smem:$0x11];
	_ =	sdelay $0x2  }
0x78b: {  	s3 =	smul.u32 $0xFA00, s3;
	_ =	sdelay $0x1  }
0x78c: {  	s3 =	sshra.s32 s3, $0x2  }
0x78d: {  	s7 =	sadd.s32 $0x3C70, s3  }
0x78e: {  	v0 =	vld [tilespmem:s7+$0x0]  }
0x78f: {  	v1 =	vld [tilespmem:s7+$0xFFFFFFA0]  }
0x790: {  	v2 =	vld [tilespmem:s7+$0xFFFFFFB0]  }
0x791: {  	v3 =	vld [tilespmem:s7+$0xFFFFFFC0]  }
0x792: {  	v4 =	vld [tilespmem:s7+$0xFFFFFFD0]  }
0x793: {  	v63 =	vld [tilespmem:s7+$0xFFFFFFE0]  }
0x794: {  	v5 =	vld [tilespmem:s7+$0xFFFFFFF0]  }
0x795: {  	s3 =	simm.s32 $0x1B860;
	v6 =	vld [tilespmem:s7+$0xFFFFFF90]  }
0x796: {  	[tilespmem:s3+$0x0] =	vst.add.f32.msk $0xffff, v0  }
0x797: {  	[tilespmem:s3+$0xFFFFFFA0] =	vst.add.f32.msk $0xffff, v1  }
0x798: {  	[tilespmem:s3+$0xFFFFFFB0] =	vst.add.f32.msk $0xffff, v2  }
0x799: {  	[tilespmem:s3+$0xFFFFFFC0] =	vst.add.f32.msk $0xffff, v3  }
0x79a: {  	[tilespmem:s3+$0xFFFFFFD0] =	vst.add.f32.msk $0xffff, v4  }
0x79b: {  	[tilespmem:s3+$0xFFFFFF90] =	vst.add.f32.msk $0xffff, v6  }
0x79c: {  	[tilespmem:s3+$0xFFFFFFE0] =	vst.add.f32.msk $0xffff, v63  }
0x79d: {  	s6 =	simm.s32 $0x0;
	s7 =	sadd.s32 $0x80, s7;
	[tilespmem:s3+$0xFFFFFFF0] =	vst.add.f32.msk $0xffff, v5  }
.LBB2_128:
0x79e: {  	v0 =	vld [tilespmem:s7+$0x0];
	s6 =	sadd.s32 $0x8, s6  }
0x79f: {  	v1 =	vld [tilespmem:s7+$0xFFFFFFA0];
	p1 =	slt.u32 s6, $0x20  }
0x7a0: {  	v2 =	vld [tilespmem:s7+$0xFFFFFFB0]  }
0x7a1: {  	v3 =	vld [tilespmem:s7+$0xFFFFFFC0]  }
0x7a2: {  	s3 =	sadd.s32 $0x400, s3;
	v4 =	vld [tilespmem:s7+$0xFFFFFFD0]  }
0x7a3: {  	[tilespmem:s3+$0x0] =	vst.add.f32.msk $0xffff, v0  }
0x7a4: {  	v0 =	vld [tilespmem:s7+$0xFFFFFFE0]  }
0x7a5: {  	v5 =	vld [tilespmem:s7+$0xFFFFFFF0]  }
0x7a6: {  	v6 =	vld [tilespmem:s7+$0xFFFFFF90]  }
0x7a7: {  	[tilespmem:s3+$0xFFFFFFA0] =	vst.add.f32.msk $0xffff, v1  }
0x7a8: {  	[tilespmem:s3+$0xFFFFFFB0] =	vst.add.f32.msk $0xffff, v2  }
.Ltmp88:
0x7a9: {  	[tilespmem:s3+$0xFFFFFFC0] =	vst.add.f32.msk $0xffff, v3;
	(pc) =	sbr.rel @p1 .LBB2_128-.Ltmp88, $4  }
0x7aa: {  	[tilespmem:s3+$0xFFFFFFD0] =	vst.add.f32.msk $0xffff, v4  }
0x7ab: {  	[tilespmem:s3+$0xFFFFFF90] =	vst.add.f32.msk $0xffff, v6  }
0x7ac: {  	[tilespmem:s3+$0xFFFFFFE0] =	vst.add.f32.msk $0xffff, v0  }
0x7ad: {  	s7 =	sadd.s32 $0x80, s7;
	[tilespmem:s3+$0xFFFFFFF0] =	vst.add.f32.msk $0xffff, v5  }
.LBB2_129:
0x7ae: {  	s3 =	sld [smem:$0x92];
	_ =	sdelay $0x2  }
0x7af: {  	p1 =	slt.f32 s3, $8.000000110e-01  }
.Ltmp89:
0x7b0: {  	_ = 	snop;
	(pc) =	sbr.rel @!p1 .LBB2_132-.Ltmp89, $1  }
0x7b1: {  	_ =	sdelay $0x3  }
0x7b2: {  	s3 =	sld [smem:$0x12];
	_ =	sdelay $0x2  }
0x7b3: {  	s3 =	smul.u32 $0xFA00, s3;
	_ =	sdelay $0x1  }
0x7b4: {  	s3 =	sshra.s32 s3, $0x2  }
0x7b5: {  	s7 =	sadd.s32 $0x3C70, s3  }
0x7b6: {  	v0 =	vld [tilespmem:s7+$0x0]  }
0x7b7: {  	v1 =	vld [tilespmem:s7+$0xFFFFFFA0]  }
0x7b8: {  	v2 =	vld [tilespmem:s7+$0xFFFFFFB0]  }
0x7b9: {  	v3 =	vld [tilespmem:s7+$0xFFFFFFC0]  }
0x7ba: {  	v4 =	vld [tilespmem:s7+$0xFFFFFFD0]  }
0x7bb: {  	v63 =	vld [tilespmem:s7+$0xFFFFFFE0]  }
0x7bc: {  	v5 =	vld [tilespmem:s7+$0xFFFFFFF0]  }
0x7bd: {  	s3 =	simm.s32 $0x1B8E0;
	v6 =	vld [tilespmem:s7+$0xFFFFFF90]  }
0x7be: {  	[tilespmem:s3+$0x0] =	vst.add.f32.msk $0xffff, v0  }
0x7bf: {  	[tilespmem:s3+$0xFFFFFFA0] =	vst.add.f32.msk $0xffff, v1  }
0x7c0: {  	[tilespmem:s3+$0xFFFFFFB0] =	vst.add.f32.msk $0xffff, v2  }
0x7c1: {  	[tilespmem:s3+$0xFFFFFFC0] =	vst.add.f32.msk $0xffff, v3  }
0x7c2: {  	[tilespmem:s3+$0xFFFFFFD0] =	vst.add.f32.msk $0xffff, v4  }
0x7c3: {  	[tilespmem:s3+$0xFFFFFF90] =	vst.add.f32.msk $0xffff, v6  }
0x7c4: {  	[tilespmem:s3+$0xFFFFFFE0] =	vst.add.f32.msk $0xffff, v63  }
0x7c5: {  	s6 =	simm.s32 $0x0;
	s7 =	sadd.s32 $0x80, s7;
	[tilespmem:s3+$0xFFFFFFF0] =	vst.add.f32.msk $0xffff, v5  }
.LBB2_131:
0x7c6: {  	v0 =	vld [tilespmem:s7+$0x0];
	s6 =	sadd.s32 $0x8, s6  }
0x7c7: {  	v1 =	vld [tilespmem:s7+$0xFFFFFFA0];
	p1 =	slt.u32 s6, $0x20  }
0x7c8: {  	v2 =	vld [tilespmem:s7+$0xFFFFFFB0]  }
0x7c9: {  	v3 =	vld [tilespmem:s7+$0xFFFFFFC0]  }
0x7ca: {  	s3 =	sadd.s32 $0x400, s3;
	v4 =	vld [tilespmem:s7+$0xFFFFFFD0]  }
0x7cb: {  	[tilespmem:s3+$0x0] =	vst.add.f32.msk $0xffff, v0  }
0x7cc: {  	v0 =	vld [tilespmem:s7+$0xFFFFFFE0]  }
0x7cd: {  	v5 =	vld [tilespmem:s7+$0xFFFFFFF0]  }
0x7ce: {  	v6 =	vld [tilespmem:s7+$0xFFFFFF90]  }
0x7cf: {  	[tilespmem:s3+$0xFFFFFFA0] =	vst.add.f32.msk $0xffff, v1  }
0x7d0: {  	[tilespmem:s3+$0xFFFFFFB0] =	vst.add.f32.msk $0xffff, v2  }
.Ltmp90:
0x7d1: {  	[tilespmem:s3+$0xFFFFFFC0] =	vst.add.f32.msk $0xffff, v3;
	(pc) =	sbr.rel @p1 .LBB2_131-.Ltmp90, $4  }
0x7d2: {  	[tilespmem:s3+$0xFFFFFFD0] =	vst.add.f32.msk $0xffff, v4  }
0x7d3: {  	[tilespmem:s3+$0xFFFFFF90] =	vst.add.f32.msk $0xffff, v6  }
0x7d4: {  	[tilespmem:s3+$0xFFFFFFE0] =	vst.add.f32.msk $0xffff, v0  }
0x7d5: {  	s7 =	sadd.s32 $0x80, s7;
	[tilespmem:s3+$0xFFFFFFF0] =	vst.add.f32.msk $0xffff, v5  }
.LBB2_132:
0x7d6: {  	s3 =	sld [smem:$0x93];
	_ =	sdelay $0x2  }
0x7d7: {  	p1 =	slt.f32 s3, $8.000000110e-01  }
.Ltmp91:
0x7d8: {  	_ = 	snop;
	(pc) =	sbr.rel @!p1 .LBB2_135-.Ltmp91, $1  }
0x7d9: {  	_ =	sdelay $0x3  }
0x7da: {  	s3 =	sld [smem:$0x13];
	_ =	sdelay $0x2  }
0x7db: {  	s3 =	smul.u32 $0xFA00, s3;
	_ =	sdelay $0x1  }
0x7dc: {  	s3 =	sshra.s32 s3, $0x2  }
0x7dd: {  	s7 =	sadd.s32 $0x3C70, s3  }
0x7de: {  	v0 =	vld [tilespmem:s7+$0x0]  }
0x7df: {  	v1 =	vld [tilespmem:s7+$0xFFFFFFA0]  }
0x7e0: {  	v2 =	vld [tilespmem:s7+$0xFFFFFFB0]  }
0x7e1: {  	v3 =	vld [tilespmem:s7+$0xFFFFFFC0]  }
0x7e2: {  	v4 =	vld [tilespmem:s7+$0xFFFFFFD0]  }
0x7e3: {  	v63 =	vld [tilespmem:s7+$0xFFFFFFE0]  }
0x7e4: {  	v5 =	vld [tilespmem:s7+$0xFFFFFFF0]  }
0x7e5: {  	s3 =	simm.s32 $0x1B960;
	v6 =	vld [tilespmem:s7+$0xFFFFFF90]  }
0x7e6: {  	[tilespmem:s3+$0x0] =	vst.add.f32.msk $0xffff, v0  }
0x7e7: {  	[tilespmem:s3+$0xFFFFFFA0] =	vst.add.f32.msk $0xffff, v1  }
0x7e8: {  	[tilespmem:s3+$0xFFFFFFB0] =	vst.add.f32.msk $0xffff, v2  }
0x7e9: {  	[tilespmem:s3+$0xFFFFFFC0] =	vst.add.f32.msk $0xffff, v3  }
0x7ea: {  	[tilespmem:s3+$0xFFFFFFD0] =	vst.add.f32.msk $0xffff, v4  }
0x7eb: {  	[tilespmem:s3+$0xFFFFFF90] =	vst.add.f32.msk $0xffff, v6  }
0x7ec: {  	[tilespmem:s3+$0xFFFFFFE0] =	vst.add.f32.msk $0xffff, v63  }
0x7ed: {  	s6 =	simm.s32 $0x0;
	s7 =	sadd.s32 $0x80, s7;
	[tilespmem:s3+$0xFFFFFFF0] =	vst.add.f32.msk $0xffff, v5  }
.LBB2_134:
0x7ee: {  	v0 =	vld [tilespmem:s7+$0x0];
	s6 =	sadd.s32 $0x8, s6  }
0x7ef: {  	v1 =	vld [tilespmem:s7+$0xFFFFFFA0];
	p1 =	slt.u32 s6, $0x20  }
0x7f0: {  	v2 =	vld [tilespmem:s7+$0xFFFFFFB0]  }
0x7f1: {  	v3 =	vld [tilespmem:s7+$0xFFFFFFC0]  }
0x7f2: {  	s3 =	sadd.s32 $0x400, s3;
	v4 =	vld [tilespmem:s7+$0xFFFFFFD0]  }
0x7f3: {  	[tilespmem:s3+$0x0] =	vst.add.f32.msk $0xffff, v0  }
0x7f4: {  	v0 =	vld [tilespmem:s7+$0xFFFFFFE0]  }
0x7f5: {  	v5 =	vld [tilespmem:s7+$0xFFFFFFF0]  }
0x7f6: {  	v6 =	vld [tilespmem:s7+$0xFFFFFF90]  }
0x7f7: {  	[tilespmem:s3+$0xFFFFFFA0] =	vst.add.f32.msk $0xffff, v1  }
0x7f8: {  	[tilespmem:s3+$0xFFFFFFB0] =	vst.add.f32.msk $0xffff, v2  }
.Ltmp92:
0x7f9: {  	[tilespmem:s3+$0xFFFFFFC0] =	vst.add.f32.msk $0xffff, v3;
	(pc) =	sbr.rel @p1 .LBB2_134-.Ltmp92, $4  }
0x7fa: {  	[tilespmem:s3+$0xFFFFFFD0] =	vst.add.f32.msk $0xffff, v4  }
0x7fb: {  	[tilespmem:s3+$0xFFFFFF90] =	vst.add.f32.msk $0xffff, v6  }
0x7fc: {  	[tilespmem:s3+$0xFFFFFFE0] =	vst.add.f32.msk $0xffff, v0  }
0x7fd: {  	s7 =	sadd.s32 $0x80, s7;
	[tilespmem:s3+$0xFFFFFFF0] =	vst.add.f32.msk $0xffff, v5  }
.LBB2_135:
0x7fe: {  	s3 =	sld [smem:$0x94];
	_ =	sdelay $0x2  }
0x7ff: {  	p1 =	slt.f32 s3, $8.000000110e-01  }
.Ltmp93:
0x800: {  	_ = 	snop;
	(pc) =	sbr.rel @!p1 .LBB2_138-.Ltmp93, $1  }
0x801: {  	_ =	sdelay $0x3  }
0x802: {  	s3 =	sld [smem:$0x14];
	_ =	sdelay $0x2  }
0x803: {  	s3 =	smul.u32 $0xFA00, s3;
	_ =	sdelay $0x1  }
0x804: {  	s3 =	sshra.s32 s3, $0x2  }
0x805: {  	s7 =	sadd.s32 $0x3C70, s3  }
0x806: {  	v0 =	vld [tilespmem:s7+$0x0]  }
0x807: {  	v1 =	vld [tilespmem:s7+$0xFFFFFFA0]  }
0x808: {  	v2 =	vld [tilespmem:s7+$0xFFFFFFB0]  }
0x809: {  	v3 =	vld [tilespmem:s7+$0xFFFFFFC0]  }
0x80a: {  	v4 =	vld [tilespmem:s7+$0xFFFFFFD0]  }
0x80b: {  	v63 =	vld [tilespmem:s7+$0xFFFFFFE0]  }
0x80c: {  	v5 =	vld [tilespmem:s7+$0xFFFFFFF0]  }
0x80d: {  	s3 =	simm.s32 $0x1B9E0;
	v6 =	vld [tilespmem:s7+$0xFFFFFF90]  }
0x80e: {  	[tilespmem:s3+$0x0] =	vst.add.f32.msk $0xffff, v0  }
0x80f: {  	[tilespmem:s3+$0xFFFFFFA0] =	vst.add.f32.msk $0xffff, v1  }
0x810: {  	[tilespmem:s3+$0xFFFFFFB0] =	vst.add.f32.msk $0xffff, v2  }
0x811: {  	[tilespmem:s3+$0xFFFFFFC0] =	vst.add.f32.msk $0xffff, v3  }
0x812: {  	[tilespmem:s3+$0xFFFFFFD0] =	vst.add.f32.msk $0xffff, v4  }
0x813: {  	[tilespmem:s3+$0xFFFFFF90] =	vst.add.f32.msk $0xffff, v6  }
0x814: {  	[tilespmem:s3+$0xFFFFFFE0] =	vst.add.f32.msk $0xffff, v63  }
0x815: {  	s6 =	simm.s32 $0x0;
	s7 =	sadd.s32 $0x80, s7;
	[tilespmem:s3+$0xFFFFFFF0] =	vst.add.f32.msk $0xffff, v5  }
.LBB2_137:
0x816: {  	v0 =	vld [tilespmem:s7+$0x0];
	s6 =	sadd.s32 $0x8, s6  }
0x817: {  	v1 =	vld [tilespmem:s7+$0xFFFFFFA0];
	p1 =	slt.u32 s6, $0x20  }
0x818: {  	v2 =	vld [tilespmem:s7+$0xFFFFFFB0]  }
0x819: {  	v3 =	vld [tilespmem:s7+$0xFFFFFFC0]  }
0x81a: {  	s3 =	sadd.s32 $0x400, s3;
	v4 =	vld [tilespmem:s7+$0xFFFFFFD0]  }
0x81b: {  	[tilespmem:s3+$0x0] =	vst.add.f32.msk $0xffff, v0  }
0x81c: {  	v0 =	vld [tilespmem:s7+$0xFFFFFFE0]  }
0x81d: {  	v5 =	vld [tilespmem:s7+$0xFFFFFFF0]  }
0x81e: {  	v6 =	vld [tilespmem:s7+$0xFFFFFF90]  }
0x81f: {  	[tilespmem:s3+$0xFFFFFFA0] =	vst.add.f32.msk $0xffff, v1  }
0x820: {  	[tilespmem:s3+$0xFFFFFFB0] =	vst.add.f32.msk $0xffff, v2  }
.Ltmp94:
0x821: {  	[tilespmem:s3+$0xFFFFFFC0] =	vst.add.f32.msk $0xffff, v3;
	(pc) =	sbr.rel @p1 .LBB2_137-.Ltmp94, $4  }
0x822: {  	[tilespmem:s3+$0xFFFFFFD0] =	vst.add.f32.msk $0xffff, v4  }
0x823: {  	[tilespmem:s3+$0xFFFFFF90] =	vst.add.f32.msk $0xffff, v6  }
0x824: {  	[tilespmem:s3+$0xFFFFFFE0] =	vst.add.f32.msk $0xffff, v0  }
0x825: {  	s7 =	sadd.s32 $0x80, s7;
	[tilespmem:s3+$0xFFFFFFF0] =	vst.add.f32.msk $0xffff, v5  }
.LBB2_138:
0x826: {  	s3 =	sld [smem:$0x95];
	_ =	sdelay $0x2  }
0x827: {  	p1 =	slt.f32 s3, $8.000000110e-01  }
.Ltmp95:
0x828: {  	_ = 	snop;
	(pc) =	sbr.rel @!p1 .LBB2_141-.Ltmp95, $1  }
0x829: {  	_ =	sdelay $0x3  }
0x82a: {  	s3 =	sld [smem:$0x15];
	_ =	sdelay $0x2  }
0x82b: {  	s3 =	smul.u32 $0xFA00, s3;
	_ =	sdelay $0x1  }
0x82c: {  	s3 =	sshra.s32 s3, $0x2  }
0x82d: {  	s7 =	sadd.s32 $0x3C70, s3  }
0x82e: {  	v0 =	vld [tilespmem:s7+$0x0]  }
0x82f: {  	v1 =	vld [tilespmem:s7+$0xFFFFFFA0]  }
0x830: {  	v2 =	vld [tilespmem:s7+$0xFFFFFFB0]  }
0x831: {  	v3 =	vld [tilespmem:s7+$0xFFFFFFC0]  }
0x832: {  	v4 =	vld [tilespmem:s7+$0xFFFFFFD0]  }
0x833: {  	v63 =	vld [tilespmem:s7+$0xFFFFFFE0]  }
0x834: {  	v5 =	vld [tilespmem:s7+$0xFFFFFFF0]  }
0x835: {  	s3 =	simm.s32 $0x1BA60;
	v6 =	vld [tilespmem:s7+$0xFFFFFF90]  }
0x836: {  	[tilespmem:s3+$0x0] =	vst.add.f32.msk $0xffff, v0  }
0x837: {  	[tilespmem:s3+$0xFFFFFFA0] =	vst.add.f32.msk $0xffff, v1  }
0x838: {  	[tilespmem:s3+$0xFFFFFFB0] =	vst.add.f32.msk $0xffff, v2  }
0x839: {  	[tilespmem:s3+$0xFFFFFFC0] =	vst.add.f32.msk $0xffff, v3  }
0x83a: {  	[tilespmem:s3+$0xFFFFFFD0] =	vst.add.f32.msk $0xffff, v4  }
0x83b: {  	[tilespmem:s3+$0xFFFFFF90] =	vst.add.f32.msk $0xffff, v6  }
0x83c: {  	[tilespmem:s3+$0xFFFFFFE0] =	vst.add.f32.msk $0xffff, v63  }
0x83d: {  	s6 =	simm.s32 $0x0;
	s7 =	sadd.s32 $0x80, s7;
	[tilespmem:s3+$0xFFFFFFF0] =	vst.add.f32.msk $0xffff, v5  }
.LBB2_140:
0x83e: {  	v0 =	vld [tilespmem:s7+$0x0];
	s6 =	sadd.s32 $0x8, s6  }
0x83f: {  	v1 =	vld [tilespmem:s7+$0xFFFFFFA0];
	p1 =	slt.u32 s6, $0x20  }
0x840: {  	v2 =	vld [tilespmem:s7+$0xFFFFFFB0]  }
0x841: {  	v3 =	vld [tilespmem:s7+$0xFFFFFFC0]  }
0x842: {  	s3 =	sadd.s32 $0x400, s3;
	v4 =	vld [tilespmem:s7+$0xFFFFFFD0]  }
0x843: {  	[tilespmem:s3+$0x0] =	vst.add.f32.msk $0xffff, v0  }
0x844: {  	v0 =	vld [tilespmem:s7+$0xFFFFFFE0]  }
0x845: {  	v5 =	vld [tilespmem:s7+$0xFFFFFFF0]  }
0x846: {  	v6 =	vld [tilespmem:s7+$0xFFFFFF90]  }
0x847: {  	[tilespmem:s3+$0xFFFFFFA0] =	vst.add.f32.msk $0xffff, v1  }
0x848: {  	[tilespmem:s3+$0xFFFFFFB0] =	vst.add.f32.msk $0xffff, v2  }
.Ltmp96:
0x849: {  	[tilespmem:s3+$0xFFFFFFC0] =	vst.add.f32.msk $0xffff, v3;
	(pc) =	sbr.rel @p1 .LBB2_140-.Ltmp96, $4  }
0x84a: {  	[tilespmem:s3+$0xFFFFFFD0] =	vst.add.f32.msk $0xffff, v4  }
0x84b: {  	[tilespmem:s3+$0xFFFFFF90] =	vst.add.f32.msk $0xffff, v6  }
0x84c: {  	[tilespmem:s3+$0xFFFFFFE0] =	vst.add.f32.msk $0xffff, v0  }
0x84d: {  	s7 =	sadd.s32 $0x80, s7;
	[tilespmem:s3+$0xFFFFFFF0] =	vst.add.f32.msk $0xffff, v5  }
.LBB2_141:
0x84e: {  	s3 =	sld [smem:$0x96];
	_ =	sdelay $0x2  }
0x84f: {  	p1 =	slt.f32 s3, $8.000000110e-01  }
.Ltmp97:
0x850: {  	_ = 	snop;
	(pc) =	sbr.rel @!p1 .LBB2_144-.Ltmp97, $1  }
0x851: {  	_ =	sdelay $0x3  }
0x852: {  	s3 =	sld [smem:$0x16];
	_ =	sdelay $0x2  }
0x853: {  	s3 =	smul.u32 $0xFA00, s3;
	_ =	sdelay $0x1  }
0x854: {  	s3 =	sshra.s32 s3, $0x2  }
0x855: {  	s7 =	sadd.s32 $0x3C70, s3  }
0x856: {  	v0 =	vld [tilespmem:s7+$0x0]  }
0x857: {  	v1 =	vld [tilespmem:s7+$0xFFFFFFA0]  }
0x858: {  	v2 =	vld [tilespmem:s7+$0xFFFFFFB0]  }
0x859: {  	v3 =	vld [tilespmem:s7+$0xFFFFFFC0]  }
0x85a: {  	v4 =	vld [tilespmem:s7+$0xFFFFFFD0]  }
0x85b: {  	v63 =	vld [tilespmem:s7+$0xFFFFFFE0]  }
0x85c: {  	v5 =	vld [tilespmem:s7+$0xFFFFFFF0]  }
0x85d: {  	s3 =	simm.s32 $0x1BAE0;
	v6 =	vld [tilespmem:s7+$0xFFFFFF90]  }
0x85e: {  	[tilespmem:s3+$0x0] =	vst.add.f32.msk $0xffff, v0  }
0x85f: {  	[tilespmem:s3+$0xFFFFFFA0] =	vst.add.f32.msk $0xffff, v1  }
0x860: {  	[tilespmem:s3+$0xFFFFFFB0] =	vst.add.f32.msk $0xffff, v2  }
0x861: {  	[tilespmem:s3+$0xFFFFFFC0] =	vst.add.f32.msk $0xffff, v3  }
0x862: {  	[tilespmem:s3+$0xFFFFFFD0] =	vst.add.f32.msk $0xffff, v4  }
0x863: {  	[tilespmem:s3+$0xFFFFFF90] =	vst.add.f32.msk $0xffff, v6  }
0x864: {  	[tilespmem:s3+$0xFFFFFFE0] =	vst.add.f32.msk $0xffff, v63  }
0x865: {  	s6 =	simm.s32 $0x0;
	s7 =	sadd.s32 $0x80, s7;
	[tilespmem:s3+$0xFFFFFFF0] =	vst.add.f32.msk $0xffff, v5  }
.LBB2_143:
0x866: {  	v0 =	vld [tilespmem:s7+$0x0];
	s6 =	sadd.s32 $0x8, s6  }
0x867: {  	v1 =	vld [tilespmem:s7+$0xFFFFFFA0];
	p1 =	slt.u32 s6, $0x20  }
0x868: {  	v2 =	vld [tilespmem:s7+$0xFFFFFFB0]  }
0x869: {  	v3 =	vld [tilespmem:s7+$0xFFFFFFC0]  }
0x86a: {  	s3 =	sadd.s32 $0x400, s3;
	v4 =	vld [tilespmem:s7+$0xFFFFFFD0]  }
0x86b: {  	[tilespmem:s3+$0x0] =	vst.add.f32.msk $0xffff, v0  }
0x86c: {  	v0 =	vld [tilespmem:s7+$0xFFFFFFE0]  }
0x86d: {  	v5 =	vld [tilespmem:s7+$0xFFFFFFF0]  }
0x86e: {  	v6 =	vld [tilespmem:s7+$0xFFFFFF90]  }
0x86f: {  	[tilespmem:s3+$0xFFFFFFA0] =	vst.add.f32.msk $0xffff, v1  }
0x870: {  	[tilespmem:s3+$0xFFFFFFB0] =	vst.add.f32.msk $0xffff, v2  }
.Ltmp98:
0x871: {  	[tilespmem:s3+$0xFFFFFFC0] =	vst.add.f32.msk $0xffff, v3;
	(pc) =	sbr.rel @p1 .LBB2_143-.Ltmp98, $4  }
0x872: {  	[tilespmem:s3+$0xFFFFFFD0] =	vst.add.f32.msk $0xffff, v4  }
0x873: {  	[tilespmem:s3+$0xFFFFFF90] =	vst.add.f32.msk $0xffff, v6  }
0x874: {  	[tilespmem:s3+$0xFFFFFFE0] =	vst.add.f32.msk $0xffff, v0  }
0x875: {  	s7 =	sadd.s32 $0x80, s7;
	[tilespmem:s3+$0xFFFFFFF0] =	vst.add.f32.msk $0xffff, v5  }
.LBB2_144:
0x876: {  	s3 =	sld [smem:$0x97];
	_ =	sdelay $0x2  }
0x877: {  	p1 =	slt.f32 s3, $8.000000110e-01  }
.Ltmp99:
0x878: {  	_ = 	snop;
	(pc) =	sbr.rel @!p1 .LBB2_147-.Ltmp99, $1  }
0x879: {  	_ =	sdelay $0x3  }
0x87a: {  	s3 =	sld [smem:$0x17];
	_ =	sdelay $0x2  }
0x87b: {  	s3 =	smul.u32 $0xFA00, s3;
	_ =	sdelay $0x1  }
0x87c: {  	s3 =	sshra.s32 s3, $0x2  }
0x87d: {  	s7 =	sadd.s32 $0x3C70, s3  }
0x87e: {  	v0 =	vld [tilespmem:s7+$0x0]  }
0x87f: {  	v1 =	vld [tilespmem:s7+$0xFFFFFFA0]  }
0x880: {  	v2 =	vld [tilespmem:s7+$0xFFFFFFB0]  }
0x881: {  	v3 =	vld [tilespmem:s7+$0xFFFFFFC0]  }
0x882: {  	v4 =	vld [tilespmem:s7+$0xFFFFFFD0]  }
0x883: {  	v63 =	vld [tilespmem:s7+$0xFFFFFFE0]  }
0x884: {  	v5 =	vld [tilespmem:s7+$0xFFFFFFF0]  }
0x885: {  	s3 =	simm.s32 $0x1BB60;
	v6 =	vld [tilespmem:s7+$0xFFFFFF90]  }
0x886: {  	[tilespmem:s3+$0x0] =	vst.add.f32.msk $0xffff, v0  }
0x887: {  	[tilespmem:s3+$0xFFFFFFA0] =	vst.add.f32.msk $0xffff, v1  }
0x888: {  	[tilespmem:s3+$0xFFFFFFB0] =	vst.add.f32.msk $0xffff, v2  }
0x889: {  	[tilespmem:s3+$0xFFFFFFC0] =	vst.add.f32.msk $0xffff, v3  }
0x88a: {  	[tilespmem:s3+$0xFFFFFFD0] =	vst.add.f32.msk $0xffff, v4  }
0x88b: {  	[tilespmem:s3+$0xFFFFFF90] =	vst.add.f32.msk $0xffff, v6  }
0x88c: {  	[tilespmem:s3+$0xFFFFFFE0] =	vst.add.f32.msk $0xffff, v63  }
0x88d: {  	s6 =	simm.s32 $0x0;
	s7 =	sadd.s32 $0x80, s7;
	[tilespmem:s3+$0xFFFFFFF0] =	vst.add.f32.msk $0xffff, v5  }
.LBB2_146:
0x88e: {  	v0 =	vld [tilespmem:s7+$0x0];
	s6 =	sadd.s32 $0x8, s6  }
0x88f: {  	v1 =	vld [tilespmem:s7+$0xFFFFFFA0];
	p1 =	slt.u32 s6, $0x20  }
0x890: {  	v2 =	vld [tilespmem:s7+$0xFFFFFFB0]  }
0x891: {  	v3 =	vld [tilespmem:s7+$0xFFFFFFC0]  }
0x892: {  	s3 =	sadd.s32 $0x400, s3;
	v4 =	vld [tilespmem:s7+$0xFFFFFFD0]  }
0x893: {  	[tilespmem:s3+$0x0] =	vst.add.f32.msk $0xffff, v0  }
0x894: {  	v0 =	vld [tilespmem:s7+$0xFFFFFFE0]  }
0x895: {  	v5 =	vld [tilespmem:s7+$0xFFFFFFF0]  }
0x896: {  	v6 =	vld [tilespmem:s7+$0xFFFFFF90]  }
0x897: {  	[tilespmem:s3+$0xFFFFFFA0] =	vst.add.f32.msk $0xffff, v1  }
0x898: {  	[tilespmem:s3+$0xFFFFFFB0] =	vst.add.f32.msk $0xffff, v2  }
.Ltmp100:
0x899: {  	[tilespmem:s3+$0xFFFFFFC0] =	vst.add.f32.msk $0xffff, v3;
	(pc) =	sbr.rel @p1 .LBB2_146-.Ltmp100, $4  }
0x89a: {  	[tilespmem:s3+$0xFFFFFFD0] =	vst.add.f32.msk $0xffff, v4  }
0x89b: {  	[tilespmem:s3+$0xFFFFFF90] =	vst.add.f32.msk $0xffff, v6  }
0x89c: {  	[tilespmem:s3+$0xFFFFFFE0] =	vst.add.f32.msk $0xffff, v0  }
0x89d: {  	s7 =	sadd.s32 $0x80, s7;
	[tilespmem:s3+$0xFFFFFFF0] =	vst.add.f32.msk $0xffff, v5  }
.LBB2_147:
0x89e: {  	s3 =	rddreg [dreg:$0x10]  }
0x89f: {  	[hbm4b:s3+s5] =	stream.linear.scatter [tilespmem:s25], [sflag:$0x6], $0x1400, $0x38;
	[tilespmem:$0x1CB70] =	vst v63  }
0x8a0: {  	_ =	swait.ge [sflag:s24], $0x1400  }
0x8a1: {  	[sflag:s24] =	ssyncset.done $0x0  }
0x8a2: {  	[sflag:s24] =	ssyncadd.s32 $0xFFFFEC00  }
0x8a3: {  	s23 =	sld [smem:$0x98];
	_ =	sdelay $0x2  }
0x8a4: {  	p1 =	slt.f32 s23, $8.000000110e-01  }
.Ltmp101:
0x8a5: {  	_ = 	snop;
	(pc) =	sbr.rel @!p1 .LBB2_150-.Ltmp101, $1  }
0x8a6: {  	_ =	sdelay $0x3  }
0x8a7: {  	s3 =	sld [smem:$0x18];
	_ =	sdelay $0x2  }
0x8a8: {  	s3 =	smul.u32 $0xFA00, s3;
	_ =	sdelay $0x1  }
0x8a9: {  	s3 =	sshra.s32 s3, $0x2  }
0x8aa: {  	s7 =	sadd.s32 $0x3C70, s3  }
0x8ab: {  	v0 =	vld [tilespmem:s7+$0x0]  }
0x8ac: {  	v1 =	vld [tilespmem:s7+$0xFFFFFFA0]  }
0x8ad: {  	v2 =	vld [tilespmem:s7+$0xFFFFFFB0]  }
0x8ae: {  	v3 =	vld [tilespmem:s7+$0xFFFFFFC0]  }
0x8af: {  	v4 =	vld [tilespmem:s7+$0xFFFFFFD0]  }
0x8b0: {  	v63 =	vld [tilespmem:s7+$0xFFFFFFE0]  }
0x8b1: {  	v5 =	vld [tilespmem:s7+$0xFFFFFFF0]  }
0x8b2: {  	s3 =	simm.s32 $0x18FE0;
	v6 =	vld [tilespmem:s7+$0xFFFFFF90]  }
0x8b3: {  	[tilespmem:s3+$0x0] =	vst.add.f32.msk $0xffff, v0  }
0x8b4: {  	[tilespmem:s3+$0xFFFFFFA0] =	vst.add.f32.msk $0xffff, v1  }
0x8b5: {  	[tilespmem:s3+$0xFFFFFFB0] =	vst.add.f32.msk $0xffff, v2  }
0x8b6: {  	[tilespmem:s3+$0xFFFFFFC0] =	vst.add.f32.msk $0xffff, v3  }
0x8b7: {  	[tilespmem:s3+$0xFFFFFFD0] =	vst.add.f32.msk $0xffff, v4  }
0x8b8: {  	[tilespmem:s3+$0xFFFFFF90] =	vst.add.f32.msk $0xffff, v6  }
0x8b9: {  	[tilespmem:s3+$0xFFFFFFE0] =	vst.add.f32.msk $0xffff, v63  }
0x8ba: {  	s6 =	simm.s32 $0x0;
	s7 =	sadd.s32 $0x80, s7;
	[tilespmem:s3+$0xFFFFFFF0] =	vst.add.f32.msk $0xffff, v5  }
.LBB2_149:
0x8bb: {  	v0 =	vld [tilespmem:s7+$0x0];
	s6 =	sadd.s32 $0x8, s6  }
0x8bc: {  	v1 =	vld [tilespmem:s7+$0xFFFFFFA0];
	p1 =	slt.u32 s6, $0x20  }
0x8bd: {  	v2 =	vld [tilespmem:s7+$0xFFFFFFB0]  }
0x8be: {  	v3 =	vld [tilespmem:s7+$0xFFFFFFC0]  }
0x8bf: {  	s3 =	sadd.s32 $0x400, s3;
	v4 =	vld [tilespmem:s7+$0xFFFFFFD0]  }
0x8c0: {  	[tilespmem:s3+$0x0] =	vst.add.f32.msk $0xffff, v0  }
0x8c1: {  	v0 =	vld [tilespmem:s7+$0xFFFFFFE0]  }
0x8c2: {  	v5 =	vld [tilespmem:s7+$0xFFFFFFF0]  }
0x8c3: {  	v6 =	vld [tilespmem:s7+$0xFFFFFF90]  }
0x8c4: {  	[tilespmem:s3+$0xFFFFFFA0] =	vst.add.f32.msk $0xffff, v1  }
0x8c5: {  	[tilespmem:s3+$0xFFFFFFB0] =	vst.add.f32.msk $0xffff, v2  }
.Ltmp102:
0x8c6: {  	[tilespmem:s3+$0xFFFFFFC0] =	vst.add.f32.msk $0xffff, v3;
	(pc) =	sbr.rel @p1 .LBB2_149-.Ltmp102, $4  }
0x8c7: {  	[tilespmem:s3+$0xFFFFFFD0] =	vst.add.f32.msk $0xffff, v4  }
0x8c8: {  	[tilespmem:s3+$0xFFFFFF90] =	vst.add.f32.msk $0xffff, v6  }
0x8c9: {  	[tilespmem:s3+$0xFFFFFFE0] =	vst.add.f32.msk $0xffff, v0  }
0x8ca: {  	s7 =	sadd.s32 $0x80, s7;
	[tilespmem:s3+$0xFFFFFFF0] =	vst.add.f32.msk $0xffff, v5  }
.LBB2_150:
0x8cb: {  	s3 =	sld [smem:$0x99];
	_ =	sdelay $0x2  }
0x8cc: {  	p1 =	slt.f32 s3, $8.000000110e-01  }
.Ltmp103:
0x8cd: {  	_ = 	snop;
	(pc) =	sbr.rel @!p1 .LBB2_153-.Ltmp103, $1  }
0x8ce: {  	_ =	sdelay $0x3  }
0x8cf: {  	s3 =	sld [smem:$0x19];
	_ =	sdelay $0x2  }
0x8d0: {  	s3 =	smul.u32 $0xFA00, s3;
	_ =	sdelay $0x1  }
0x8d1: {  	s3 =	sshra.s32 s3, $0x2  }
0x8d2: {  	s7 =	sadd.s32 $0x3C70, s3  }
0x8d3: {  	v0 =	vld [tilespmem:s7+$0x0]  }
0x8d4: {  	v1 =	vld [tilespmem:s7+$0xFFFFFFA0]  }
0x8d5: {  	v2 =	vld [tilespmem:s7+$0xFFFFFFB0]  }
0x8d6: {  	v3 =	vld [tilespmem:s7+$0xFFFFFFC0]  }
0x8d7: {  	v4 =	vld [tilespmem:s7+$0xFFFFFFD0]  }
0x8d8: {  	v63 =	vld [tilespmem:s7+$0xFFFFFFE0]  }
0x8d9: {  	v5 =	vld [tilespmem:s7+$0xFFFFFFF0]  }
0x8da: {  	s3 =	simm.s32 $0x19060;
	v6 =	vld [tilespmem:s7+$0xFFFFFF90]  }
0x8db: {  	[tilespmem:s3+$0x0] =	vst.add.f32.msk $0xffff, v0  }
0x8dc: {  	[tilespmem:s3+$0xFFFFFFA0] =	vst.add.f32.msk $0xffff, v1  }
0x8dd: {  	[tilespmem:s3+$0xFFFFFFB0] =	vst.add.f32.msk $0xffff, v2  }
0x8de: {  	[tilespmem:s3+$0xFFFFFFC0] =	vst.add.f32.msk $0xffff, v3  }
0x8df: {  	[tilespmem:s3+$0xFFFFFFD0] =	vst.add.f32.msk $0xffff, v4  }
0x8e0: {  	[tilespmem:s3+$0xFFFFFF90] =	vst.add.f32.msk $0xffff, v6  }
0x8e1: {  	[tilespmem:s3+$0xFFFFFFE0] =	vst.add.f32.msk $0xffff, v63  }
0x8e2: {  	s6 =	simm.s32 $0x0;
	s7 =	sadd.s32 $0x80, s7;
	[tilespmem:s3+$0xFFFFFFF0] =	vst.add.f32.msk $0xffff, v5  }
.LBB2_152:
0x8e3: {  	v0 =	vld [tilespmem:s7+$0x0];
	s6 =	sadd.s32 $0x8, s6  }
0x8e4: {  	v1 =	vld [tilespmem:s7+$0xFFFFFFA0];
	p1 =	slt.u32 s6, $0x20  }
0x8e5: {  	v2 =	vld [tilespmem:s7+$0xFFFFFFB0]  }
0x8e6: {  	v3 =	vld [tilespmem:s7+$0xFFFFFFC0]  }
0x8e7: {  	s3 =	sadd.s32 $0x400, s3;
	v4 =	vld [tilespmem:s7+$0xFFFFFFD0]  }
0x8e8: {  	[tilespmem:s3+$0x0] =	vst.add.f32.msk $0xffff, v0  }
0x8e9: {  	v0 =	vld [tilespmem:s7+$0xFFFFFFE0]  }
0x8ea: {  	v5 =	vld [tilespmem:s7+$0xFFFFFFF0]  }
0x8eb: {  	v6 =	vld [tilespmem:s7+$0xFFFFFF90]  }
0x8ec: {  	[tilespmem:s3+$0xFFFFFFA0] =	vst.add.f32.msk $0xffff, v1  }
0x8ed: {  	[tilespmem:s3+$0xFFFFFFB0] =	vst.add.f32.msk $0xffff, v2  }
.Ltmp104:
0x8ee: {  	[tilespmem:s3+$0xFFFFFFC0] =	vst.add.f32.msk $0xffff, v3;
	(pc) =	sbr.rel @p1 .LBB2_152-.Ltmp104, $4  }
0x8ef: {  	[tilespmem:s3+$0xFFFFFFD0] =	vst.add.f32.msk $0xffff, v4  }
0x8f0: {  	[tilespmem:s3+$0xFFFFFF90] =	vst.add.f32.msk $0xffff, v6  }
0x8f1: {  	[tilespmem:s3+$0xFFFFFFE0] =	vst.add.f32.msk $0xffff, v0  }
0x8f2: {  	s7 =	sadd.s32 $0x80, s7;
	[tilespmem:s3+$0xFFFFFFF0] =	vst.add.f32.msk $0xffff, v5  }
.LBB2_153:
0x8f3: {  	s3 =	sld [smem:$0x9A];
	_ =	sdelay $0x2  }
0x8f4: {  	p1 =	slt.f32 s3, $8.000000110e-01  }
.Ltmp105:
0x8f5: {  	_ = 	snop;
	(pc) =	sbr.rel @!p1 .LBB2_156-.Ltmp105, $1  }
0x8f6: {  	_ =	sdelay $0x3  }
0x8f7: {  	s3 =	sld [smem:$0x1A];
	_ =	sdelay $0x2  }
0x8f8: {  	s3 =	smul.u32 $0xFA00, s3;
	_ =	sdelay $0x1  }
0x8f9: {  	s3 =	sshra.s32 s3, $0x2  }
0x8fa: {  	s7 =	sadd.s32 $0x3C70, s3  }
0x8fb: {  	v0 =	vld [tilespmem:s7+$0x0]  }
0x8fc: {  	v1 =	vld [tilespmem:s7+$0xFFFFFFA0]  }
0x8fd: {  	v2 =	vld [tilespmem:s7+$0xFFFFFFB0]  }
0x8fe: {  	v3 =	vld [tilespmem:s7+$0xFFFFFFC0]  }
0x8ff: {  	v4 =	vld [tilespmem:s7+$0xFFFFFFD0]  }
0x900: {  	v63 =	vld [tilespmem:s7+$0xFFFFFFE0]  }
0x901: {  	v5 =	vld [tilespmem:s7+$0xFFFFFFF0]  }
0x902: {  	s3 =	simm.s32 $0x190E0;
	v6 =	vld [tilespmem:s7+$0xFFFFFF90]  }
0x903: {  	[tilespmem:s3+$0x0] =	vst.add.f32.msk $0xffff, v0  }
0x904: {  	[tilespmem:s3+$0xFFFFFFA0] =	vst.add.f32.msk $0xffff, v1  }
0x905: {  	[tilespmem:s3+$0xFFFFFFB0] =	vst.add.f32.msk $0xffff, v2  }
0x906: {  	[tilespmem:s3+$0xFFFFFFC0] =	vst.add.f32.msk $0xffff, v3  }
0x907: {  	[tilespmem:s3+$0xFFFFFFD0] =	vst.add.f32.msk $0xffff, v4  }
0x908: {  	[tilespmem:s3+$0xFFFFFF90] =	vst.add.f32.msk $0xffff, v6  }
0x909: {  	[tilespmem:s3+$0xFFFFFFE0] =	vst.add.f32.msk $0xffff, v63  }
0x90a: {  	s6 =	simm.s32 $0x0;
	s7 =	sadd.s32 $0x80, s7;
	[tilespmem:s3+$0xFFFFFFF0] =	vst.add.f32.msk $0xffff, v5  }
.LBB2_155:
0x90b: {  	v0 =	vld [tilespmem:s7+$0x0];
	s6 =	sadd.s32 $0x8, s6  }
0x90c: {  	v1 =	vld [tilespmem:s7+$0xFFFFFFA0];
	p1 =	slt.u32 s6, $0x20  }
0x90d: {  	v2 =	vld [tilespmem:s7+$0xFFFFFFB0]  }
0x90e: {  	v3 =	vld [tilespmem:s7+$0xFFFFFFC0]  }
0x90f: {  	s3 =	sadd.s32 $0x400, s3;
	v4 =	vld [tilespmem:s7+$0xFFFFFFD0]  }
0x910: {  	[tilespmem:s3+$0x0] =	vst.add.f32.msk $0xffff, v0  }
0x911: {  	v0 =	vld [tilespmem:s7+$0xFFFFFFE0]  }
0x912: {  	v5 =	vld [tilespmem:s7+$0xFFFFFFF0]  }
0x913: {  	v6 =	vld [tilespmem:s7+$0xFFFFFF90]  }
0x914: {  	[tilespmem:s3+$0xFFFFFFA0] =	vst.add.f32.msk $0xffff, v1  }
0x915: {  	[tilespmem:s3+$0xFFFFFFB0] =	vst.add.f32.msk $0xffff, v2  }
.Ltmp106:
0x916: {  	[tilespmem:s3+$0xFFFFFFC0] =	vst.add.f32.msk $0xffff, v3;
	(pc) =	sbr.rel @p1 .LBB2_155-.Ltmp106, $4  }
0x917: {  	[tilespmem:s3+$0xFFFFFFD0] =	vst.add.f32.msk $0xffff, v4  }
0x918: {  	[tilespmem:s3+$0xFFFFFF90] =	vst.add.f32.msk $0xffff, v6  }
0x919: {  	[tilespmem:s3+$0xFFFFFFE0] =	vst.add.f32.msk $0xffff, v0  }
0x91a: {  	s7 =	sadd.s32 $0x80, s7;
	[tilespmem:s3+$0xFFFFFFF0] =	vst.add.f32.msk $0xffff, v5  }
.LBB2_156:
0x91b: {  	s3 =	sld [smem:$0x9B];
	_ =	sdelay $0x2  }
0x91c: {  	p1 =	slt.f32 s3, $8.000000110e-01  }
.Ltmp107:
0x91d: {  	_ = 	snop;
	(pc) =	sbr.rel @!p1 .LBB2_159-.Ltmp107, $1  }
0x91e: {  	_ =	sdelay $0x3  }
0x91f: {  	s3 =	sld [smem:$0x1B];
	_ =	sdelay $0x2  }
0x920: {  	s3 =	smul.u32 $0xFA00, s3;
	_ =	sdelay $0x1  }
0x921: {  	s3 =	sshra.s32 s3, $0x2  }
0x922: {  	s7 =	sadd.s32 $0x3C70, s3  }
0x923: {  	v0 =	vld [tilespmem:s7+$0x0]  }
0x924: {  	v1 =	vld [tilespmem:s7+$0xFFFFFFA0]  }
0x925: {  	v2 =	vld [tilespmem:s7+$0xFFFFFFB0]  }
0x926: {  	v3 =	vld [tilespmem:s7+$0xFFFFFFC0]  }
0x927: {  	v4 =	vld [tilespmem:s7+$0xFFFFFFD0]  }
0x928: {  	v63 =	vld [tilespmem:s7+$0xFFFFFFE0]  }
0x929: {  	v5 =	vld [tilespmem:s7+$0xFFFFFFF0]  }
0x92a: {  	s3 =	simm.s32 $0x19160;
	v6 =	vld [tilespmem:s7+$0xFFFFFF90]  }
0x92b: {  	[tilespmem:s3+$0x0] =	vst.add.f32.msk $0xffff, v0  }
0x92c: {  	[tilespmem:s3+$0xFFFFFFA0] =	vst.add.f32.msk $0xffff, v1  }
0x92d: {  	[tilespmem:s3+$0xFFFFFFB0] =	vst.add.f32.msk $0xffff, v2  }
0x92e: {  	[tilespmem:s3+$0xFFFFFFC0] =	vst.add.f32.msk $0xffff, v3  }
0x92f: {  	[tilespmem:s3+$0xFFFFFFD0] =	vst.add.f32.msk $0xffff, v4  }
0x930: {  	[tilespmem:s3+$0xFFFFFF90] =	vst.add.f32.msk $0xffff, v6  }
0x931: {  	[tilespmem:s3+$0xFFFFFFE0] =	vst.add.f32.msk $0xffff, v63  }
0x932: {  	s6 =	simm.s32 $0x0;
	s7 =	sadd.s32 $0x80, s7;
	[tilespmem:s3+$0xFFFFFFF0] =	vst.add.f32.msk $0xffff, v5  }
.LBB2_158:
0x933: {  	v0 =	vld [tilespmem:s7+$0x0];
	s6 =	sadd.s32 $0x8, s6  }
0x934: {  	v1 =	vld [tilespmem:s7+$0xFFFFFFA0];
	p1 =	slt.u32 s6, $0x20  }
0x935: {  	v2 =	vld [tilespmem:s7+$0xFFFFFFB0]  }
0x936: {  	v3 =	vld [tilespmem:s7+$0xFFFFFFC0]  }
0x937: {  	s3 =	sadd.s32 $0x400, s3;
	v4 =	vld [tilespmem:s7+$0xFFFFFFD0]  }
0x938: {  	[tilespmem:s3+$0x0] =	vst.add.f32.msk $0xffff, v0  }
0x939: {  	v0 =	vld [tilespmem:s7+$0xFFFFFFE0]  }
0x93a: {  	v5 =	vld [tilespmem:s7+$0xFFFFFFF0]  }
0x93b: {  	v6 =	vld [tilespmem:s7+$0xFFFFFF90]  }
0x93c: {  	[tilespmem:s3+$0xFFFFFFA0] =	vst.add.f32.msk $0xffff, v1  }
0x93d: {  	[tilespmem:s3+$0xFFFFFFB0] =	vst.add.f32.msk $0xffff, v2  }
.Ltmp108:
0x93e: {  	[tilespmem:s3+$0xFFFFFFC0] =	vst.add.f32.msk $0xffff, v3;
	(pc) =	sbr.rel @p1 .LBB2_158-.Ltmp108, $4  }
0x93f: {  	[tilespmem:s3+$0xFFFFFFD0] =	vst.add.f32.msk $0xffff, v4  }
0x940: {  	[tilespmem:s3+$0xFFFFFF90] =	vst.add.f32.msk $0xffff, v6  }
0x941: {  	[tilespmem:s3+$0xFFFFFFE0] =	vst.add.f32.msk $0xffff, v0  }
0x942: {  	s7 =	sadd.s32 $0x80, s7;
	[tilespmem:s3+$0xFFFFFFF0] =	vst.add.f32.msk $0xffff, v5  }
.LBB2_159:
0x943: {  	s3 =	sld [smem:$0x9C];
	_ =	sdelay $0x2  }
0x944: {  	p1 =	slt.f32 s3, $8.000000110e-01  }
.Ltmp109:
0x945: {  	_ = 	snop;
	(pc) =	sbr.rel @!p1 .LBB2_162-.Ltmp109, $1  }
0x946: {  	_ =	sdelay $0x3  }
0x947: {  	s3 =	sld [smem:$0x1C];
	_ =	sdelay $0x2  }
0x948: {  	s3 =	smul.u32 $0xFA00, s3;
	_ =	sdelay $0x1  }
0x949: {  	s3 =	sshra.s32 s3, $0x2  }
0x94a: {  	s7 =	sadd.s32 $0x3C70, s3  }
0x94b: {  	v0 =	vld [tilespmem:s7+$0x0]  }
0x94c: {  	v1 =	vld [tilespmem:s7+$0xFFFFFFA0]  }
0x94d: {  	v2 =	vld [tilespmem:s7+$0xFFFFFFB0]  }
0x94e: {  	v3 =	vld [tilespmem:s7+$0xFFFFFFC0]  }
0x94f: {  	v4 =	vld [tilespmem:s7+$0xFFFFFFD0]  }
0x950: {  	v63 =	vld [tilespmem:s7+$0xFFFFFFE0]  }
0x951: {  	v5 =	vld [tilespmem:s7+$0xFFFFFFF0]  }
0x952: {  	s3 =	simm.s32 $0x191E0;
	v6 =	vld [tilespmem:s7+$0xFFFFFF90]  }
0x953: {  	[tilespmem:s3+$0x0] =	vst.add.f32.msk $0xffff, v0  }
0x954: {  	[tilespmem:s3+$0xFFFFFFA0] =	vst.add.f32.msk $0xffff, v1  }
0x955: {  	[tilespmem:s3+$0xFFFFFFB0] =	vst.add.f32.msk $0xffff, v2  }
0x956: {  	[tilespmem:s3+$0xFFFFFFC0] =	vst.add.f32.msk $0xffff, v3  }
0x957: {  	[tilespmem:s3+$0xFFFFFFD0] =	vst.add.f32.msk $0xffff, v4  }
0x958: {  	[tilespmem:s3+$0xFFFFFF90] =	vst.add.f32.msk $0xffff, v6  }
0x959: {  	[tilespmem:s3+$0xFFFFFFE0] =	vst.add.f32.msk $0xffff, v63  }
0x95a: {  	s6 =	simm.s32 $0x0;
	s7 =	sadd.s32 $0x80, s7;
	[tilespmem:s3+$0xFFFFFFF0] =	vst.add.f32.msk $0xffff, v5  }
.LBB2_161:
0x95b: {  	v0 =	vld [tilespmem:s7+$0x0];
	s6 =	sadd.s32 $0x8, s6  }
0x95c: {  	v1 =	vld [tilespmem:s7+$0xFFFFFFA0];
	p1 =	slt.u32 s6, $0x20  }
0x95d: {  	v2 =	vld [tilespmem:s7+$0xFFFFFFB0]  }
0x95e: {  	v3 =	vld [tilespmem:s7+$0xFFFFFFC0]  }
0x95f: {  	s3 =	sadd.s32 $0x400, s3;
	v4 =	vld [tilespmem:s7+$0xFFFFFFD0]  }
0x960: {  	[tilespmem:s3+$0x0] =	vst.add.f32.msk $0xffff, v0  }
0x961: {  	v0 =	vld [tilespmem:s7+$0xFFFFFFE0]  }
0x962: {  	v5 =	vld [tilespmem:s7+$0xFFFFFFF0]  }
0x963: {  	v6 =	vld [tilespmem:s7+$0xFFFFFF90]  }
0x964: {  	[tilespmem:s3+$0xFFFFFFA0] =	vst.add.f32.msk $0xffff, v1  }
0x965: {  	[tilespmem:s3+$0xFFFFFFB0] =	vst.add.f32.msk $0xffff, v2  }
.Ltmp110:
0x966: {  	[tilespmem:s3+$0xFFFFFFC0] =	vst.add.f32.msk $0xffff, v3;
	(pc) =	sbr.rel @p1 .LBB2_161-.Ltmp110, $4  }
0x967: {  	[tilespmem:s3+$0xFFFFFFD0] =	vst.add.f32.msk $0xffff, v4  }
0x968: {  	[tilespmem:s3+$0xFFFFFF90] =	vst.add.f32.msk $0xffff, v6  }
0x969: {  	[tilespmem:s3+$0xFFFFFFE0] =	vst.add.f32.msk $0xffff, v0  }
0x96a: {  	s7 =	sadd.s32 $0x80, s7;
	[tilespmem:s3+$0xFFFFFFF0] =	vst.add.f32.msk $0xffff, v5  }
.LBB2_162:
0x96b: {  	s3 =	sld [smem:$0x9D];
	_ =	sdelay $0x2  }
0x96c: {  	p1 =	slt.f32 s3, $8.000000110e-01  }
.Ltmp111:
0x96d: {  	_ = 	snop;
	(pc) =	sbr.rel @!p1 .LBB2_165-.Ltmp111, $1  }
0x96e: {  	_ =	sdelay $0x3  }
0x96f: {  	s3 =	sld [smem:$0x1D];
	_ =	sdelay $0x2  }
0x970: {  	s3 =	smul.u32 $0xFA00, s3;
	_ =	sdelay $0x1  }
0x971: {  	s3 =	sshra.s32 s3, $0x2  }
0x972: {  	s7 =	sadd.s32 $0x3C70, s3  }
0x973: {  	v0 =	vld [tilespmem:s7+$0x0]  }
0x974: {  	v1 =	vld [tilespmem:s7+$0xFFFFFFA0]  }
0x975: {  	v2 =	vld [tilespmem:s7+$0xFFFFFFB0]  }
0x976: {  	v3 =	vld [tilespmem:s7+$0xFFFFFFC0]  }
0x977: {  	v4 =	vld [tilespmem:s7+$0xFFFFFFD0]  }
0x978: {  	v63 =	vld [tilespmem:s7+$0xFFFFFFE0]  }
0x979: {  	v5 =	vld [tilespmem:s7+$0xFFFFFFF0]  }
0x97a: {  	s3 =	simm.s32 $0x19260;
	v6 =	vld [tilespmem:s7+$0xFFFFFF90]  }
0x97b: {  	[tilespmem:s3+$0x0] =	vst.add.f32.msk $0xffff, v0  }
0x97c: {  	[tilespmem:s3+$0xFFFFFFA0] =	vst.add.f32.msk $0xffff, v1  }
0x97d: {  	[tilespmem:s3+$0xFFFFFFB0] =	vst.add.f32.msk $0xffff, v2  }
0x97e: {  	[tilespmem:s3+$0xFFFFFFC0] =	vst.add.f32.msk $0xffff, v3  }
0x97f: {  	[tilespmem:s3+$0xFFFFFFD0] =	vst.add.f32.msk $0xffff, v4  }
0x980: {  	[tilespmem:s3+$0xFFFFFF90] =	vst.add.f32.msk $0xffff, v6  }
0x981: {  	[tilespmem:s3+$0xFFFFFFE0] =	vst.add.f32.msk $0xffff, v63  }
0x982: {  	s6 =	simm.s32 $0x0;
	s7 =	sadd.s32 $0x80, s7;
	[tilespmem:s3+$0xFFFFFFF0] =	vst.add.f32.msk $0xffff, v5  }
.LBB2_164:
0x983: {  	v0 =	vld [tilespmem:s7+$0x0];
	s6 =	sadd.s32 $0x8, s6  }
0x984: {  	v1 =	vld [tilespmem:s7+$0xFFFFFFA0];
	p1 =	slt.u32 s6, $0x20  }
0x985: {  	v2 =	vld [tilespmem:s7+$0xFFFFFFB0]  }
0x986: {  	v3 =	vld [tilespmem:s7+$0xFFFFFFC0]  }
0x987: {  	s3 =	sadd.s32 $0x400, s3;
	v4 =	vld [tilespmem:s7+$0xFFFFFFD0]  }
0x988: {  	[tilespmem:s3+$0x0] =	vst.add.f32.msk $0xffff, v0  }
0x989: {  	v0 =	vld [tilespmem:s7+$0xFFFFFFE0]  }
0x98a: {  	v5 =	vld [tilespmem:s7+$0xFFFFFFF0]  }
0x98b: {  	v6 =	vld [tilespmem:s7+$0xFFFFFF90]  }
0x98c: {  	[tilespmem:s3+$0xFFFFFFA0] =	vst.add.f32.msk $0xffff, v1  }
0x98d: {  	[tilespmem:s3+$0xFFFFFFB0] =	vst.add.f32.msk $0xffff, v2  }
.Ltmp112:
0x98e: {  	[tilespmem:s3+$0xFFFFFFC0] =	vst.add.f32.msk $0xffff, v3;
	(pc) =	sbr.rel @p1 .LBB2_164-.Ltmp112, $4  }
0x98f: {  	[tilespmem:s3+$0xFFFFFFD0] =	vst.add.f32.msk $0xffff, v4  }
0x990: {  	[tilespmem:s3+$0xFFFFFF90] =	vst.add.f32.msk $0xffff, v6  }
0x991: {  	[tilespmem:s3+$0xFFFFFFE0] =	vst.add.f32.msk $0xffff, v0  }
0x992: {  	s7 =	sadd.s32 $0x80, s7;
	[tilespmem:s3+$0xFFFFFFF0] =	vst.add.f32.msk $0xffff, v5  }
.LBB2_165:
0x993: {  	s3 =	sld [smem:$0x9E];
	_ =	sdelay $0x2  }
0x994: {  	p1 =	slt.f32 s3, $8.000000110e-01  }
.Ltmp113:
0x995: {  	_ = 	snop;
	(pc) =	sbr.rel @!p1 .LBB2_168-.Ltmp113, $1  }
0x996: {  	_ =	sdelay $0x3  }
0x997: {  	s3 =	sld [smem:$0x1E];
	_ =	sdelay $0x2  }
0x998: {  	s3 =	smul.u32 $0xFA00, s3;
	_ =	sdelay $0x1  }
0x999: {  	s3 =	sshra.s32 s3, $0x2  }
0x99a: {  	s7 =	sadd.s32 $0x3C70, s3  }
0x99b: {  	v0 =	vld [tilespmem:s7+$0x0]  }
0x99c: {  	v1 =	vld [tilespmem:s7+$0xFFFFFFA0]  }
0x99d: {  	v2 =	vld [tilespmem:s7+$0xFFFFFFB0]  }
0x99e: {  	v3 =	vld [tilespmem:s7+$0xFFFFFFC0]  }
0x99f: {  	v4 =	vld [tilespmem:s7+$0xFFFFFFD0]  }
0x9a0: {  	v63 =	vld [tilespmem:s7+$0xFFFFFFE0]  }
0x9a1: {  	v5 =	vld [tilespmem:s7+$0xFFFFFFF0]  }
0x9a2: {  	s3 =	simm.s32 $0x192E0;
	v6 =	vld [tilespmem:s7+$0xFFFFFF90]  }
0x9a3: {  	[tilespmem:s3+$0x0] =	vst.add.f32.msk $0xffff, v0  }
0x9a4: {  	[tilespmem:s3+$0xFFFFFFA0] =	vst.add.f32.msk $0xffff, v1  }
0x9a5: {  	[tilespmem:s3+$0xFFFFFFB0] =	vst.add.f32.msk $0xffff, v2  }
0x9a6: {  	[tilespmem:s3+$0xFFFFFFC0] =	vst.add.f32.msk $0xffff, v3  }
0x9a7: {  	[tilespmem:s3+$0xFFFFFFD0] =	vst.add.f32.msk $0xffff, v4  }
0x9a8: {  	[tilespmem:s3+$0xFFFFFF90] =	vst.add.f32.msk $0xffff, v6  }
0x9a9: {  	[tilespmem:s3+$0xFFFFFFE0] =	vst.add.f32.msk $0xffff, v63  }
0x9aa: {  	s6 =	simm.s32 $0x0;
	s7 =	sadd.s32 $0x80, s7;
	[tilespmem:s3+$0xFFFFFFF0] =	vst.add.f32.msk $0xffff, v5  }
.LBB2_167:
0x9ab: {  	v0 =	vld [tilespmem:s7+$0x0];
	s6 =	sadd.s32 $0x8, s6  }
0x9ac: {  	v1 =	vld [tilespmem:s7+$0xFFFFFFA0];
	p1 =	slt.u32 s6, $0x20  }
0x9ad: {  	v2 =	vld [tilespmem:s7+$0xFFFFFFB0]  }
0x9ae: {  	v3 =	vld [tilespmem:s7+$0xFFFFFFC0]  }
0x9af: {  	s3 =	sadd.s32 $0x400, s3;
	v4 =	vld [tilespmem:s7+$0xFFFFFFD0]  }
0x9b0: {  	[tilespmem:s3+$0x0] =	vst.add.f32.msk $0xffff, v0  }
0x9b1: {  	v0 =	vld [tilespmem:s7+$0xFFFFFFE0]  }
0x9b2: {  	v5 =	vld [tilespmem:s7+$0xFFFFFFF0]  }
0x9b3: {  	v6 =	vld [tilespmem:s7+$0xFFFFFF90]  }
0x9b4: {  	[tilespmem:s3+$0xFFFFFFA0] =	vst.add.f32.msk $0xffff, v1  }
0x9b5: {  	[tilespmem:s3+$0xFFFFFFB0] =	vst.add.f32.msk $0xffff, v2  }
.Ltmp114:
0x9b6: {  	[tilespmem:s3+$0xFFFFFFC0] =	vst.add.f32.msk $0xffff, v3;
	(pc) =	sbr.rel @p1 .LBB2_167-.Ltmp114, $4  }
0x9b7: {  	[tilespmem:s3+$0xFFFFFFD0] =	vst.add.f32.msk $0xffff, v4  }
0x9b8: {  	[tilespmem:s3+$0xFFFFFF90] =	vst.add.f32.msk $0xffff, v6  }
0x9b9: {  	[tilespmem:s3+$0xFFFFFFE0] =	vst.add.f32.msk $0xffff, v0  }
0x9ba: {  	s7 =	sadd.s32 $0x80, s7;
	[tilespmem:s3+$0xFFFFFFF0] =	vst.add.f32.msk $0xffff, v5  }
.LBB2_168:
0x9bb: {  	s3 =	sld [smem:$0x9F];
	_ =	sdelay $0x2  }
0x9bc: {  	p1 =	slt.f32 s3, $8.000000110e-01  }
.Ltmp115:
0x9bd: {  	_ = 	snop;
	(pc) =	sbr.rel @!p1 .LBB2_171-.Ltmp115, $1  }
0x9be: {  	_ =	sdelay $0x3  }
0x9bf: {  	s3 =	sld [smem:$0x1F];
	_ =	sdelay $0x2  }
0x9c0: {  	s3 =	smul.u32 $0xFA00, s3;
	_ =	sdelay $0x1  }
0x9c1: {  	s3 =	sshra.s32 s3, $0x2  }
0x9c2: {  	s7 =	sadd.s32 $0x3C70, s3  }
0x9c3: {  	v0 =	vld [tilespmem:s7+$0x0]  }
0x9c4: {  	v1 =	vld [tilespmem:s7+$0xFFFFFFA0]  }
0x9c5: {  	v2 =	vld [tilespmem:s7+$0xFFFFFFB0]  }
0x9c6: {  	v3 =	vld [tilespmem:s7+$0xFFFFFFC0]  }
0x9c7: {  	v4 =	vld [tilespmem:s7+$0xFFFFFFD0]  }
0x9c8: {  	v63 =	vld [tilespmem:s7+$0xFFFFFFE0]  }
0x9c9: {  	v5 =	vld [tilespmem:s7+$0xFFFFFFF0]  }
0x9ca: {  	s3 =	simm.s32 $0x19360;
	v6 =	vld [tilespmem:s7+$0xFFFFFF90]  }
0x9cb: {  	[tilespmem:s3+$0x0] =	vst.add.f32.msk $0xffff, v0  }
0x9cc: {  	[tilespmem:s3+$0xFFFFFFA0] =	vst.add.f32.msk $0xffff, v1  }
0x9cd: {  	[tilespmem:s3+$0xFFFFFFB0] =	vst.add.f32.msk $0xffff, v2  }
0x9ce: {  	[tilespmem:s3+$0xFFFFFFC0] =	vst.add.f32.msk $0xffff, v3  }
0x9cf: {  	[tilespmem:s3+$0xFFFFFFD0] =	vst.add.f32.msk $0xffff, v4  }
0x9d0: {  	[tilespmem:s3+$0xFFFFFF90] =	vst.add.f32.msk $0xffff, v6  }
0x9d1: {  	[tilespmem:s3+$0xFFFFFFE0] =	vst.add.f32.msk $0xffff, v63  }
0x9d2: {  	s6 =	simm.s32 $0x0;
	s7 =	sadd.s32 $0x80, s7;
	[tilespmem:s3+$0xFFFFFFF0] =	vst.add.f32.msk $0xffff, v5  }
.LBB2_170:
0x9d3: {  	v0 =	vld [tilespmem:s7+$0x0];
	s6 =	sadd.s32 $0x8, s6  }
0x9d4: {  	v1 =	vld [tilespmem:s7+$0xFFFFFFA0];
	p1 =	slt.u32 s6, $0x20  }
0x9d5: {  	v2 =	vld [tilespmem:s7+$0xFFFFFFB0]  }
0x9d6: {  	v3 =	vld [tilespmem:s7+$0xFFFFFFC0]  }
0x9d7: {  	s3 =	sadd.s32 $0x400, s3;
	v4 =	vld [tilespmem:s7+$0xFFFFFFD0]  }
0x9d8: {  	[tilespmem:s3+$0x0] =	vst.add.f32.msk $0xffff, v0  }
0x9d9: {  	v0 =	vld [tilespmem:s7+$0xFFFFFFE0]  }
0x9da: {  	v5 =	vld [tilespmem:s7+$0xFFFFFFF0]  }
0x9db: {  	v6 =	vld [tilespmem:s7+$0xFFFFFF90]  }
0x9dc: {  	[tilespmem:s3+$0xFFFFFFA0] =	vst.add.f32.msk $0xffff, v1  }
0x9dd: {  	[tilespmem:s3+$0xFFFFFFB0] =	vst.add.f32.msk $0xffff, v2  }
.Ltmp116:
0x9de: {  	[tilespmem:s3+$0xFFFFFFC0] =	vst.add.f32.msk $0xffff, v3;
	(pc) =	sbr.rel @p1 .LBB2_170-.Ltmp116, $4  }
0x9df: {  	[tilespmem:s3+$0xFFFFFFD0] =	vst.add.f32.msk $0xffff, v4  }
0x9e0: {  	[tilespmem:s3+$0xFFFFFF90] =	vst.add.f32.msk $0xffff, v6  }
0x9e1: {  	[tilespmem:s3+$0xFFFFFFE0] =	vst.add.f32.msk $0xffff, v0  }
0x9e2: {  	s7 =	sadd.s32 $0x80, s7;
	[tilespmem:s3+$0xFFFFFFF0] =	vst.add.f32.msk $0xffff, v5  }
.Ltmp117:
0x9e3: {  	_ = 	snop;
	(pc) =	sbr.rel .LBB2_171-.Ltmp117, $1  }
0x9e4: {  	_ =	sdelay $0x3  }
.LBB2_172:
0x9e5: {  	_ =	sfence.sel $0x180000  }
0x9e6: {  	[bflag:$0x0] =	sbarrier.arrive $0xFFFF  }
0x9e7: {  	_ =	strace $0x90000047  }
0x9e8: {  	[bflag:$0x2] =	sbarrier.arrive $0xFFFF  }
0x9e9: {  	s0 =	rddreg [dreg:$0x6]  }
0x9ea: {  	s0 =	sadd.s32 @!p0 $0x100000, s0  }
0x9eb: {  	[sflag:s0] =	ssyncadd.tile.s32 @!p0 $0x1;
	_ =	shalt  }
.Lfunc_end2:
_tile_overlayer_lowered:
.L_overlay_start_2:
0x9ec: {  	(tag) =	ssettag $0x2  }
0x9ed: {  	s0 =	rddreg [dreg:$0x0];
	s2 =	stileid.u32  }
0x9ee: {  	s1 =	rddreg [dreg:$0x1];
	p0 =	sne.s32 s2, $0x0  }
0x9ef: {  	s3 =	rddreg [dreg:$0x2];
	[bflag:$0x3] =	sbarrier.arrive $0xFFFF;
	s2 =	simm.s32 @!p0 $0x1C07  }
0x9f0: {  	[timem:s3], [sflag:s2] =	dma.local @!p0 [hbm:s0], s1  }
0x9f1: {  	s0 =	simm.s32 @!p0 $0x7  }
0x9f2: {  	_ =	swait.ge @!p0 [sflag:s0], s1  }
0x9f3: {  	s1 =	ssub.s32 @!p0 $0x0, s1;
	[sflag:s0] =	ssyncset.done @!p0 $0x0  }
0x9f4: {  	[sflag:s0] =	ssyncadd.s32 @!p0 s1  }
0x9f5: {  	[bflag:$0x3] =	sbarrier.arrive $0xFFFF  }
0x9f6: {  	_ =	shalt  }

</sc_bundles>
